<compile_context>
chip_gen: v7x
topology: tpu7x:2x2x1
jax: 0.10.2.dev20260603
libtpu: 0.0.44.dev20260713+nightly
codegen_flags: <defaults>
</compile_context>

<pallas_src>
import functools

import jax
import jax.numpy as jnp
from jax import lax
from jax.experimental import pallas as pl
from jax.experimental.pallas import tpu as pltpu
from jax.experimental.pallas import tpu_sc as plsc

N = 10000
E = 320000
F_IN = 128
H = 64
OUT = 128
G = 16

NC, NS, L = 2, 16, 16
NW = NC * NS
PT = 640
NPAD = NS * PT
CH = 128
EC = 80
PE = NW * EC * CH
NBUF = 8

_f32 = jnp.float32
_mesh = plsc.VectorSubcoreMesh(core_axis_name="c", subcore_axis_name="s")
_sc_params = pltpu.CompilerParams(use_tc_tiling_on_sc=False)


@functools.partial(
    pl.kernel,
    out_type=jax.ShapeDtypeStruct((NC, NPAD), _f32),
    mesh=_mesh,
    compiler_params=_sc_params,
    scratch_types=[
        pltpu.VMEM((EC, CH), jnp.int32),
        pltpu.VMEM((CH,), _f32),
        pltpu.VMEM((PT,), _f32),
        pltpu.VMEM_SHARED((NPAD,), _f32),
    ],
)
def _deg_kernel(dst_hbm, out_hbm, idx_d, ones_v, zbuf, acc):
    c = lax.axis_index("c")
    s = lax.axis_index("s")
    wid = c * NS + s
    pltpu.sync_copy(dst_hbm.at[:, wid], idx_d)
    for i in range(CH // L):
        ones_v[pl.ds(i * L, L)] = jnp.ones((L,), _f32)

    @pl.loop(0, PT // L)
    def _(i):
        zbuf[pl.ds(i * L, L)] = jnp.zeros((L,), _f32)

    pltpu.sync_copy(zbuf, acc.at[pl.ds(s * PT, PT)])
    plsc.subcore_barrier()

    @pl.loop(0, EC)
    def _(j):
        pltpu.sync_copy(ones_v, acc.at[idx_d.at[j]], add=True)

    plsc.subcore_barrier()
    pltpu.sync_copy(acc.at[pl.ds(s * PT, PT)], out_hbm.at[c, pl.ds(s * PT, PT)])


@functools.partial(
    pl.kernel,
    out_type=jax.ShapeDtypeStruct((NC, NPAD, H), _f32),
    mesh=_mesh,
    compiler_params=_sc_params,
    scratch_types=(
        [pltpu.VMEM((EC, CH), jnp.int32),
         pltpu.VMEM((EC, CH), jnp.int32)]
        + [pltpu.VMEM((CH, H), _f32) for _ in range(NBUF)]
        + [pltpu.VMEM_SHARED((NPAD, H), _f32)]
        + [pltpu.SemaphoreType.DMA for _ in range(2 * NBUF)]
    ),
)
def _mp_kernel(y_hbm, src_hbm, dst_hbm, out_hbm, idx_s, idx_d, *rest):
    bufs = rest[:NBUF]
    acc = rest[NBUF]
    gsems = rest[NBUF + 1:2 * NBUF + 1]
    ssems = rest[2 * NBUF + 1:]
    c = lax.axis_index("c")
    s = lax.axis_index("s")
    wid = c * NS + s
    pltpu.sync_copy(src_hbm.at[:, wid], idx_s)
    pltpu.sync_copy(dst_hbm.at[:, wid], idx_d)

    @pl.when(c == 0)
    def _():
        pltpu.sync_copy(y_hbm.at[pl.ds(s * PT, PT)], acc.at[pl.ds(s * PT, PT)])

    @pl.when(c == 1)
    def _():
        @pl.loop(0, CH)
        def _(i):
            for jj in range(H // L):
                bufs[0][i, pl.ds(jj * L, L)] = jnp.zeros((L,), _f32)

        @pl.loop(0, PT // CH)
        def _(k):
            pltpu.sync_copy(bufs[0], acc.at[pl.ds(s * PT + k * CH, CH)])

    plsc.subcore_barrier()

    def _gather(ch, b):
        return pltpu.make_async_copy(y_hbm.at[idx_s.at[ch]], bufs[b], gsems[b])

    def _scatter_start(ch, b):
        pltpu.async_copy(bufs[b], acc.at[idx_d.at[ch]], ssems[b], add=True)

    def _scatter_wait(b):
        pltpu.make_async_copy(bufs[b], acc.at[idx_d.at[0]], ssems[b]).wait()

    for b in range(NBUF):
        _gather(b, b).start()

    @pl.loop(0, EC - NBUF, step=NBUF)
    def _(j):
        for b in range(NBUF):
            _gather(j + b, b).wait()
            _scatter_start(j + b, b)
        for b in range(NBUF):
            _scatter_wait(b)
            _gather(j + NBUF + b, b).start()

    for b in range(NBUF):
        _gather(EC - NBUF + b, b).wait()
        _scatter_start(EC - NBUF + b, b)
    for b in range(NBUF):
        _scatter_wait(b)

    plsc.subcore_barrier()
    pltpu.sync_copy(acc.at[pl.ds(s * PT, PT)], out_hbm.at[c, pl.ds(s * PT, PT)])


NP2 = NPAD // 2
_BT = 1024
LW = 2 * H


def _tc1_body(d0e, d1e, d0o, d1o, xe, xo, w1l, w1r, dis_ref, y_ref):
    i = pl.program_id(0)
    rows = lax.broadcasted_iota(jnp.int32, (_BT, 1), 0) + i * _BT
    dis_e = jnp.where(2 * rows < N,
                      lax.rsqrt(d0e[...] + d1e[...] + 1.0), 0.0)
    dis_o = jnp.where(2 * rows + 1 < N,
                      lax.rsqrt(d0o[...] + d1o[...] + 1.0), 0.0)
    dis = jnp.concatenate([jnp.broadcast_to(dis_e, (_BT, H)),
                           jnp.broadcast_to(dis_o, (_BT, H))], axis=1)
    dis_ref[...] = dis
    xw = (jnp.dot(xe[...], w1l[...], preferred_element_type=_f32)
          + jnp.dot(xo[...], w1r[...], preferred_element_type=_f32))
    y_ref[...] = xw * dis


def _tc1_call(d0e, d1e, d0o, d1o, xe, xo, w1l, w1r):
    col = pl.BlockSpec((_BT, 1), lambda i: (i, 0))
    full = pl.BlockSpec((_BT, LW), lambda i: (i, 0))
    wspec = pl.BlockSpec((LW, LW), lambda i: (0, 0))
    return pl.pallas_call(
        _tc1_body,
        grid=(NP2 // _BT,),
        in_specs=[col, col, col, col, full, full, wspec, wspec],
        out_specs=[full, full],
        out_shape=[
            jax.ShapeDtypeStruct((NP2, LW), _f32),
            jax.ShapeDtypeStruct((NP2, LW), _f32),
        ],
    )(d0e, d1e, d0o, d1o, xe, xo, w1l, w1r)


def _tc2_body(a0_ref, a1_ref, dis_ref, b_ref, w_ref, y_ref):
    dis = dis_ref[...]
    a0 = a0_ref[...].reshape(_BT, LW)
    a1 = a1_ref[...].reshape(_BT, LW)
    h = jax.nn.relu(dis * (a0 + a1) + b_ref[...])
    y_ref[...] = jnp.dot(h, w_ref[...], preferred_element_type=_f32) * dis


def _tc2_call(a128, dis, b128, wd):
    full = pl.BlockSpec((_BT, LW), lambda i: (i, 0))
    return pl.pallas_call(
        _tc2_body,
        grid=(NP2 // _BT,),
        in_specs=[
            pl.BlockSpec((1, _BT, LW), lambda i: (0, i, 0)),
            pl.BlockSpec((1, _BT, LW), lambda i: (1, i, 0)),
            full,
            pl.BlockSpec((1, LW), lambda i: (0, 0)),
            pl.BlockSpec((LW, LW), lambda i: (0, 0)),
        ],
        out_specs=full,
        out_shape=jax.ShapeDtypeStruct((NP2, LW), _f32),
    )(a128, a128, dis, b128, wd)


def _tcf_body(a0_ref, a1_ref, dis_ref, b3_ref, bte_ref, bto_ref,
              wl_ref, bl_ref, out_ref, sums, cnts):
    i = pl.program_id(0)

    @pl.when(i == 0)
    def _():
        sums[...] = jnp.zeros_like(sums)
        cnts[...] = jnp.zeros_like(cnts)

    a0 = a0_ref[...].reshape(_BT, LW)
    a1 = a1_ref[...].reshape(_BT, LW)
    h = dis_ref[...] * (a0 + a1) + b3_ref[...]
    giota = lax.broadcasted_iota(jnp.int32, (G, _BT), 0)
    oh_e = (giota == bte_ref[...]).astype(_f32)
    oh_o = (giota == bto_ref[...]).astype(_f32)
    sums[...] += (jnp.dot(oh_e, h[:, :H], preferred_element_type=_f32)
                  + jnp.dot(oh_o, h[:, H:], preferred_element_type=_f32))
    cnts[...] += (jnp.sum(oh_e, axis=1, keepdims=True)
                  + jnp.sum(oh_o, axis=1, keepdims=True))

    @pl.when(i == pl.num_programs(0) - 1)
    def _():
        pooled = sums[...] / jnp.maximum(cnts[...], 1.0)
        out_ref[...] = jnp.dot(pooled, wl_ref[...],
                               preferred_element_type=_f32) + bl_ref[...]


def _tcf_call(a128, dis, b3_128, bte, bto, wl, bl):
    full = pl.BlockSpec((_BT, LW), lambda i: (i, 0))
    return pl.pallas_call(
        _tcf_body,
        grid=(NP2 // _BT,),
        in_specs=[
            pl.BlockSpec((1, _BT, LW), lambda i: (0, i, 0)),
            pl.BlockSpec((1, _BT, LW), lambda i: (1, i, 0)),
            full,
            pl.BlockSpec((1, LW), lambda i: (0, 0)),
            pl.BlockSpec((1, _BT), lambda i: (0, i)),
            pl.BlockSpec((1, _BT), lambda i: (0, i)),
            pl.BlockSpec((H, OUT), lambda i: (0, 0)),
            pl.BlockSpec((1, OUT), lambda i: (0, 0)),
        ],
        out_specs=pl.BlockSpec((G, OUT), lambda i: (0, 0)),
        out_shape=jax.ShapeDtypeStruct((G, OUT), _f32),
        scratch_shapes=[
            pltpu.VMEM((G, H), _f32),
            pltpu.VMEM((G, 1), _f32),
        ],
    )(a128, a128, dis, b3_128, bte, bto, wl, bl)


def _blockdiag(w):
    z = jnp.zeros((H, H), _f32)
    return jnp.concatenate(
        [jnp.concatenate([w, z], axis=1),
         jnp.concatenate([z, w], axis=1)], axis=0)


def kernel(x, edge_index, batch, W1, b1, W2, b2, W3, b3, Wl, bl):
    pad_e = PE - E
    pad_src = jnp.arange(pad_e, dtype=jnp.int32) % N
    pad_dst = N + (jnp.arange(pad_e, dtype=jnp.int32) % (NPAD - N))
    src_p = jnp.concatenate([edge_index[0], pad_src]).reshape(EC, NW, CH)
    dst_p = jnp.concatenate([edge_index[1], pad_dst]).reshape(EC, NW, CH)
    x_p = jnp.pad(x, ((0, NPAD - N), (0, 0)))
    xe = x_p[0::2]
    xo = x_p[1::2]
    batch_p = jnp.concatenate(
        [batch, jnp.full((NPAD - N,), G, jnp.int32)])
    bte = batch_p[0::2].reshape(1, NP2)
    bto = batch_p[1::2].reshape(1, NP2)

    degs = _deg_kernel(dst_p)
    d0e = degs[0, 0::2].reshape(NP2, 1)
    d0o = degs[0, 1::2].reshape(NP2, 1)
    d1e = degs[1, 0::2].reshape(NP2, 1)
    d1o = degs[1, 1::2].reshape(NP2, 1)
    zh = jnp.zeros((F_IN, H), _f32)
    w1l = jnp.concatenate([W1, zh], axis=1)
    w1r = jnp.concatenate([zh, W1], axis=1)
    dis, y1 = _tc1_call(d0e, d1e, d0o, d1o, xe, xo, w1l, w1r)

    w2d = _blockdiag(W2)
    w3d = _blockdiag(W3)
    b1_128 = jnp.tile(b1, 2).reshape(1, LW)
    b2_128 = jnp.tile(b2, 2).reshape(1, LW)
    b3_128 = jnp.tile(b3, 2).reshape(1, LW)

    a = _mp_kernel(y1.reshape(NPAD, H), src_p, dst_p)
    y2 = _tc2_call(a.reshape(NC, NP2, LW), dis, b1_128, w2d)
    a = _mp_kernel(y2.reshape(NPAD, H), src_p, dst_p)
    y3 = _tc2_call(a.reshape(NC, NP2, LW), dis, b2_128, w3d)
    a = _mp_kernel(y3.reshape(NPAD, H), src_p, dst_p)
    return _tcf_call(a.reshape(NC, NP2, LW), dis, b3_128, bte, bto,
                     Wl, bl.reshape(1, OUT))

# --- scband reference (transcript-rebuilt; emitter-appended) ---
"""Pipeline reference for scband-simple-gcnmodel-6468220747863 (READ-ONLY COPY).

The authoritative reference and input builder live on the scoring server;
editing this copy changes nothing except your own understanding.
"""

import jax, jax.numpy as jnp
import numpy as np

N = 10000
E = 320000
F_IN = 128
H = 64
OUT = 128
G = 16


def setup_inputs(seed: int = 0) -> dict:
    key = jax.random.key(seed)
    ks = jax.random.split(key, 12)
    x = jax.random.normal(ks[0], (N, F_IN), dtype=jnp.float32)
    edge_index = jax.random.randint(ks[1], (2, E), 0, N, dtype=jnp.int32)
    batch = jnp.sort(jax.random.randint(ks[2], (N,), 0, G, dtype=jnp.int32))
    def glorot(k, fan_in, fan_out):
        lim = (6.0 / (fan_in + fan_out)) ** 0.5
        return jax.random.uniform(k, (fan_in, fan_out), jnp.float32, -lim, lim)
    W1 = glorot(ks[3], F_IN, H)
    b1 = jnp.zeros((H,), jnp.float32)
    W2 = glorot(ks[4], H, H)
    b2 = jnp.zeros((H,), jnp.float32)
    W3 = glorot(ks[5], H, H)
    b3 = jnp.zeros((H,), jnp.float32)
    Wl = glorot(ks[6], H, OUT)
    bl = jnp.zeros((OUT,), jnp.float32)
    return {"x": x, "edge_index": edge_index, "batch": batch,
            "W1": W1, "b1": b1, "W2": W2, "b2": b2, "W3": W3, "b3": b3,
            "Wl": Wl, "bl": bl}


def _gcn_conv(x, src, dst, deg_inv_sqrt, W, b):
    # PyG GCNConv: x W (no bias) -> normalized scatter-add -> + bias
    xw = x @ W
    norm = deg_inv_sqrt[src] * deg_inv_sqrt[dst]
    msgs = xw[src] * norm[:, None]
    out = jax.ops.segment_sum(msgs, dst, num_segments=N)
    return out + b


def reference(x, edge_index, batch, W1, b1, W2, b2, W3, b3, Wl, bl):
    loop = jnp.arange(N, dtype=edge_index.dtype)
    src = jnp.concatenate([edge_index[0], loop])
    dst = jnp.concatenate([edge_index[1], loop])
    deg = jax.ops.segment_sum(jnp.ones(src.shape[0], jnp.float32), dst, num_segments=N)
    deg_inv_sqrt = jnp.where(deg > 0, jax.lax.rsqrt(jnp.maximum(deg, 1e-12)), 0.0)
    h = jax.nn.relu(_gcn_conv(x, src, dst, deg_inv_sqrt, W1, b1))
    h = jax.nn.relu(_gcn_conv(h, src, dst, deg_inv_sqrt, W2, b2))
    h = _gcn_conv(h, src, dst, deg_inv_sqrt, W3, b3)
    # global_mean_pool over batch ids
    sums = jax.ops.segment_sum(h, batch, num_segments=G)
    counts = jax.ops.segment_sum(jnp.ones(N, jnp.float32), batch, num_segments=G)
    pooled = sums / jnp.maximum(counts, 1.0)[:, None]
    return pooled @ Wl + bl

if __name__ == "__main__":
    import jax
    _d = setup_inputs()
    print(jax.jit(kernel)(*tuple(_d.values())))

</pallas_src>

<mosaic_0001>
#map = affine_map<(d0, d1) -> (0, 0, 0)>
#map1 = affine_map<(d0, d1) -> (0, 0)>
module attributes {stable_mosaic.version = 14 : i64} {
  func.func @_deg_kernel(%arg0: i32, %arg1: i32, %arg2: memref<80x32x128xi32, #tpu.memory_space<hbm>>, %arg3: memref<2x10240xf32, #tpu.memory_space<hbm>>, %arg4: memref<80x128xi32, #tpu.memory_space<vmem>>, %arg5: memref<128xf32, #tpu.memory_space<vmem>>, %arg6: memref<640xf32, #tpu.memory_space<vmem>>, %arg7: memref<10240xf32, #tpu.memory_space<vmem_shared>>) attributes {dimension_semantics = [#tpu.dimension_semantics<core_parallel>, #tpu.dimension_semantics<subcore_parallel>], iteration_bounds = array<i64: 2, 16>, scalar_prefetch = 0 : i64, scratch_operands = 4 : i64, tpu.core_type = #tpu.core_type<sc_vector_subcore>, window_params = [{transform_indices = #map}, {transform_indices = #map1}]} {
    %mul3A = arith.constant 16 : i32
    %mul3A_0 = arith.muli %arg0, %mul3A : i32
    %add3A = arith.addi %mul3A_0, %arg1 : i32
    "tpu.region"() ({
      %run_scoped3A = tpu.sem_alloc : memref<!tpu.dma_semaphore, #tpu.memory_space<semaphore_mem>>
      %dma_start3A = arith.constant 0 : i32
      %dma_start3A_63 = arith.constant 0 : i32
      %dma_start3A_64 = tpu.memref_slice %arg2[%dma_start3A, %add3A, %dma_start3A_63] : memref<80x32x128xi32, #tpu.memory_space<hbm>> -> memref<80x1x128xi32, #tpu.memory_space<hbm>>
      %dma_start3A_65 = tpu.memref_squeeze %dma_start3A_64 : memref<80x1x128xi32, #tpu.memory_space<hbm>> -> memref<80x128xi32, #tpu.memory_space<hbm>>
      %dma_start3A_66 = arith.constant 0 : i32
      %dma_start3A_67 = arith.constant 0 : i32
      %dma_start3A_68 = tpu.memref_slice %arg2[%dma_start3A_66, %add3A, %dma_start3A_67] : memref<80x32x128xi32, #tpu.memory_space<hbm>> -> memref<80x1x128xi32, #tpu.memory_space<hbm>>
      %dma_start3A_69 = tpu.memref_squeeze %dma_start3A_68 : memref<80x1x128xi32, #tpu.memory_space<hbm>> -> memref<80x128xi32, #tpu.memory_space<hbm>>
      tpu.enqueue_dma source(%dma_start3A_69 : memref<80x128xi32, #tpu.memory_space<hbm>>) target(%arg4 : memref<80x128xi32, #tpu.memory_space<vmem>>) target_semaphore(%run_scoped3A : memref<!tpu.dma_semaphore, #tpu.memory_space<semaphore_mem>>)
      %dma_wait3A = arith.constant 0 : i32
      %dma_wait3A_70 = arith.constant 0 : i32
      %dma_wait3A_71 = tpu.memref_slice %arg2[%dma_wait3A, %add3A, %dma_wait3A_70] : memref<80x32x128xi32, #tpu.memory_space<hbm>> -> memref<80x1x128xi32, #tpu.memory_space<hbm>>
      %dma_wait3A_72 = tpu.memref_squeeze %dma_wait3A_71 : memref<80x1x128xi32, #tpu.memory_space<hbm>> -> memref<80x128xi32, #tpu.memory_space<hbm>>
      %dma_wait3A_73 = arith.constant 0 : i32
      %dma_wait3A_74 = arith.constant 0 : i32
      %dma_wait3A_75 = tpu.memref_slice %arg2[%dma_wait3A_73, %add3A, %dma_wait3A_74] : memref<80x32x128xi32, #tpu.memory_space<hbm>> -> memref<80x1x128xi32, #tpu.memory_space<hbm>>
      %dma_wait3A_76 = tpu.memref_squeeze %dma_wait3A_75 : memref<80x1x128xi32, #tpu.memory_space<hbm>> -> memref<80x128xi32, #tpu.memory_space<hbm>>
      tpu.wait_dma2 semaphore(%run_scoped3A : memref<!tpu.dma_semaphore, #tpu.memory_space<semaphore_mem>>) src(%dma_wait3A_76 : memref<80x128xi32, #tpu.memory_space<hbm>>) dst(%arg4 : memref<80x128xi32, #tpu.memory_space<vmem>>)
      tpu.yield
    }) : () -> ()
    %broadcast_in_dim3A = arith.constant 1.000000e+00 : f32
    %broadcast_in_dim3A_1 = vector.broadcast %broadcast_in_dim3A : f32 to vector<16xf32>
    %swap3A = arith.constant 0 : index
    %swap3A_2 = tpu.vector_load %arg5[%swap3A] {strides = array<i32>} : memref<128xf32, #tpu.memory_space<vmem>>, vector<16xf32>,
    %swap3A_3 = vector.shape_cast %swap3A_2 : vector<16xf32> to vector<16xf32>
    %swap3A_4 = vector.shape_cast %broadcast_in_dim3A_1 : vector<16xf32> to vector<16xf32>
    tpu.vector_store %arg5[%swap3A], %swap3A_4 {strides = array<i32>} : memref<128xf32, #tpu.memory_space<vmem>>, vector<16xf32>,
    %broadcast_in_dim3A_5 = arith.constant 1.000000e+00 : f32
    %broadcast_in_dim3A_6 = vector.broadcast %broadcast_in_dim3A_5 : f32 to vector<16xf32>
    %swap3A_7 = arith.constant 16 : index
    %swap3A_8 = tpu.vector_load %arg5[%swap3A_7] {strides = array<i32>} : memref<128xf32, #tpu.memory_space<vmem>>, vector<16xf32>,
    %swap3A_9 = vector.shape_cast %swap3A_8 : vector<16xf32> to vector<16xf32>
    %swap3A_10 = vector.shape_cast %broadcast_in_dim3A_6 : vector<16xf32> to vector<16xf32>
    tpu.vector_store %arg5[%swap3A_7], %swap3A_10 {strides = array<i32>} : memref<128xf32, #tpu.memory_space<vmem>>, vector<16xf32>,
    %broadcast_in_dim3A_11 = arith.constant 1.000000e+00 : f32
    %broadcast_in_dim3A_12 = vector.broadcast %broadcast_in_dim3A_11 : f32 to vector<16xf32>
    %swap3A_13 = arith.constant 32 : index
    %swap3A_14 = tpu.vector_load %arg5[%swap3A_13] {strides = array<i32>} : memref<128xf32, #tpu.memory_space<vmem>>, vector<16xf32>,
    %swap3A_15 = vector.shape_cast %swap3A_14 : vector<16xf32> to vector<16xf32>
    %swap3A_16 = vector.shape_cast %broadcast_in_dim3A_12 : vector<16xf32> to vector<16xf32>
    tpu.vector_store %arg5[%swap3A_13], %swap3A_16 {strides = array<i32>} : memref<128xf32, #tpu.memory_space<vmem>>, vector<16xf32>,
    %broadcast_in_dim3A_17 = arith.constant 1.000000e+00 : f32
    %broadcast_in_dim3A_18 = vector.broadcast %broadcast_in_dim3A_17 : f32 to vector<16xf32>
    %swap3A_19 = arith.constant 48 : index
    %swap3A_20 = tpu.vector_load %arg5[%swap3A_19] {strides = array<i32>} : memref<128xf32, #tpu.memory_space<vmem>>, vector<16xf32>,
    %swap3A_21 = vector.shape_cast %swap3A_20 : vector<16xf32> to vector<16xf32>
    %swap3A_22 = vector.shape_cast %broadcast_in_dim3A_18 : vector<16xf32> to vector<16xf32>
    tpu.vector_store %arg5[%swap3A_19], %swap3A_22 {strides = array<i32>} : memref<128xf32, #tpu.memory_space<vmem>>, vector<16xf32>,
    %broadcast_in_dim3A_23 = arith.constant 1.000000e+00 : f32
    %broadcast_in_dim3A_24 = vector.broadcast %broadcast_in_dim3A_23 : f32 to vector<16xf32>
    %swap3A_25 = arith.constant 64 : index
    %swap3A_26 = tpu.vector_load %arg5[%swap3A_25] {strides = array<i32>} : memref<128xf32, #tpu.memory_space<vmem>>, vector<16xf32>,
    %swap3A_27 = vector.shape_cast %swap3A_26 : vector<16xf32> to vector<16xf32>
    %swap3A_28 = vector.shape_cast %broadcast_in_dim3A_24 : vector<16xf32> to vector<16xf32>
    tpu.vector_store %arg5[%swap3A_25], %swap3A_28 {strides = array<i32>} : memref<128xf32, #tpu.memory_space<vmem>>, vector<16xf32>,
    %broadcast_in_dim3A_29 = arith.constant 1.000000e+00 : f32
    %broadcast_in_dim3A_30 = vector.broadcast %broadcast_in_dim3A_29 : f32 to vector<16xf32>
    %swap3A_31 = arith.constant 80 : index
    %swap3A_32 = tpu.vector_load %arg5[%swap3A_31] {strides = array<i32>} : memref<128xf32, #tpu.memory_space<vmem>>, vector<16xf32>,
    %swap3A_33 = vector.shape_cast %swap3A_32 : vector<16xf32> to vector<16xf32>
    %swap3A_34 = vector.shape_cast %broadcast_in_dim3A_30 : vector<16xf32> to vector<16xf32>
    tpu.vector_store %arg5[%swap3A_31], %swap3A_34 {strides = array<i32>} : memref<128xf32, #tpu.memory_space<vmem>>, vector<16xf32>,
    %broadcast_in_dim3A_35 = arith.constant 1.000000e+00 : f32
    %broadcast_in_dim3A_36 = vector.broadcast %broadcast_in_dim3A_35 : f32 to vector<16xf32>
    %swap3A_37 = arith.constant 96 : index
    %swap3A_38 = tpu.vector_load %arg5[%swap3A_37] {strides = array<i32>} : memref<128xf32, #tpu.memory_space<vmem>>, vector<16xf32>,
    %swap3A_39 = vector.shape_cast %swap3A_38 : vector<16xf32> to vector<16xf32>
    %swap3A_40 = vector.shape_cast %broadcast_in_dim3A_36 : vector<16xf32> to vector<16xf32>
    tpu.vector_store %arg5[%swap3A_37], %swap3A_40 {strides = array<i32>} : memref<128xf32, #tpu.memory_space<vmem>>, vector<16xf32>,
    %broadcast_in_dim3A_41 = arith.constant 1.000000e+00 : f32
    %broadcast_in_dim3A_42 = vector.broadcast %broadcast_in_dim3A_41 : f32 to vector<16xf32>
    %swap3A_43 = arith.constant 112 : index
    %swap3A_44 = tpu.vector_load %arg5[%swap3A_43] {strides = array<i32>} : memref<128xf32, #tpu.memory_space<vmem>>, vector<16xf32>,
    %swap3A_45 = vector.shape_cast %swap3A_44 : vector<16xf32> to vector<16xf32>
    %swap3A_46 = vector.shape_cast %broadcast_in_dim3A_42 : vector<16xf32> to vector<16xf32>
    tpu.vector_store %arg5[%swap3A_43], %swap3A_46 {strides = array<i32>} : memref<128xf32, #tpu.memory_space<vmem>>, vector<16xf32>,
    %scan3A = arith.constant 0 : i32
    %scan3A_47 = arith.constant 40 : i32
    %scan3A_48 = arith.addi %scan3A, %scan3A_47 : i32
    %scan3A_49 = arith.constant 1 : i32
    scf.for %scan3A_63 = %scan3A to %scan3A_48 step %scan3A_49  : i32 {
      %mul3A_64 = arith.constant 1 : i32
      %mul3A_65 = arith.muli %scan3A_63, %mul3A_64 : i32
      %add3A_66 = arith.constant 0 : i32
      %add3A_67 = arith.addi %add3A_66, %mul3A_65 : i32
      %broadcast_in_dim3A_68 = arith.constant 0.000000e+00 : f32
      %broadcast_in_dim3A_69 = vector.broadcast %broadcast_in_dim3A_68 : f32 to vector<16xf32>
      %mul3A_70 = arith.constant 16 : i32
      %mul3A_71 = arith.muli %add3A_67, %mul3A_70 : i32
      %swap3A_72 = arith.index_cast %mul3A_71 : i32 to index
      %swap3A_73 = tpu.vector_load %arg6[%swap3A_72] {strides = array<i32>} : memref<640xf32, #tpu.memory_space<vmem>>, vector<16xf32>,
      %swap3A_74 = vector.shape_cast %swap3A_73 : vector<16xf32> to vector<16xf32>
      %swap3A_75 = vector.shape_cast %broadcast_in_dim3A_69 : vector<16xf32> to vector<16xf32>
      tpu.vector_store %arg6[%swap3A_72], %swap3A_75 {strides = array<i32>} : memref<640xf32, #tpu.memory_space<vmem>>, vector<16xf32>,
    }
    %scan3A_50 = arith.constant 40 : i32
    %mul3A_51 = arith.constant 640 : i32
    %mul3A_52 = arith.muli %arg1, %mul3A_51 : i32
    "tpu.region"() ({
      %run_scoped3A = tpu.sem_alloc : memref<!tpu.dma_semaphore, #tpu.memory_space<semaphore_mem>>
      %dma_start3A = tpu.memref_slice %arg7[%mul3A_52] : memref<10240xf32, #tpu.memory_space<vmem_shared>> -> memref<640xf32, #tpu.memory_space<vmem_shared>>
      %dma_start3A_63 = tpu.memref_slice %arg7[%mul3A_52] : memref<10240xf32, #tpu.memory_space<vmem_shared>> -> memref<640xf32, #tpu.memory_space<vmem_shared>>
      tpu.enqueue_dma source(%arg6 : memref<640xf32, #tpu.memory_space<vmem>>) target(%dma_start3A_63 : memref<640xf32, #tpu.memory_space<vmem_shared>>) target_semaphore(%run_scoped3A : memref<!tpu.dma_semaphore, #tpu.memory_space<semaphore_mem>>)
      %dma_wait3A = tpu.memref_slice %arg7[%mul3A_52] : memref<10240xf32, #tpu.memory_space<vmem_shared>> -> memref<640xf32, #tpu.memory_space<vmem_shared>>
      %dma_wait3A_64 = tpu.memref_slice %arg7[%mul3A_52] : memref<10240xf32, #tpu.memory_space<vmem_shared>> -> memref<640xf32, #tpu.memory_space<vmem_shared>>
      tpu.wait_dma2 semaphore(%run_scoped3A : memref<!tpu.dma_semaphore, #tpu.memory_space<semaphore_mem>>) src(%arg6 : memref<640xf32, #tpu.memory_space<vmem>>) dst(%dma_wait3A_64 : memref<640xf32, #tpu.memory_space<vmem_shared>>)
      tpu.yield
    }) : () -> ()
    %barrier3A = arith.constant 0 : index
    tpu.barrier barrier_id(%barrier3A)
    %scan3A_53 = arith.constant 0 : i32
    %scan3A_54 = arith.constant 80 : i32
    %scan3A_55 = arith.addi %scan3A_53, %scan3A_54 : i32
    %scan3A_56 = arith.constant 1 : i32
    scf.for %scan3A_63 = %scan3A_53 to %scan3A_55 step %scan3A_56  : i32 {
      %mul3A_64 = arith.constant 1 : i32
      %mul3A_65 = arith.muli %scan3A_63, %mul3A_64 : i32
      %add3A_66 = arith.constant 0 : i32
      %add3A_67 = arith.addi %add3A_66, %mul3A_65 : i32
      "tpu.region"() ({
        %run_scoped3A = tpu.sem_alloc : memref<!tpu.dma_semaphore, #tpu.memory_space<semaphore_mem>>
        %dma_start3A = arith.constant 0 : i32
        %dma_start3A_68 = tpu.memref_slice %arg4[%add3A_67, %dma_start3A] : memref<80x128xi32, #tpu.memory_space<vmem>> -> memref<1x128xi32, #tpu.memory_space<vmem>>
        %dma_start3A_69 = tpu.memref_squeeze %dma_start3A_68 : memref<1x128xi32, #tpu.memory_space<vmem>> -> memref<128xi32, #tpu.memory_space<vmem>>
        %dma_start3A_70 = arith.constant 0 : i32
        %dma_start3A_71 = tpu.memref_slice %arg7[%dma_start3A_70] : memref<10240xf32, #tpu.memory_space<vmem_shared>> -> memref<10240xf32, #tpu.memory_space<vmem_shared>>
        tpu.enqueue_indirect_dma source(%arg5 : memref<128xf32, #tpu.memory_space<vmem>>) target(%dma_start3A_71 : memref<10240xf32, #tpu.memory_space<vmem_shared>>) offsets(%dma_start3A_69 : memref<128xi32, #tpu.memory_space<vmem>>) semaphore(%run_scoped3A : memref<!tpu.dma_semaphore, #tpu.memory_space<semaphore_mem>>) {add = true}
        %dma_wait3A = arith.constant 0 : i32
        %dma_wait3A_72 = tpu.memref_slice %arg4[%add3A_67, %dma_wait3A] : memref<80x128xi32, #tpu.memory_space<vmem>> -> memref<1x128xi32, #tpu.memory_space<vmem>>
        %dma_wait3A_73 = tpu.memref_squeeze %dma_wait3A_72 : memref<1x128xi32, #tpu.memory_space<vmem>> -> memref<128xi32, #tpu.memory_space<vmem>>
        %dma_wait3A_74 = arith.constant 0 : i32
        %dma_wait3A_75 = tpu.memref_slice %arg7[%dma_wait3A_74] : memref<10240xf32, #tpu.memory_space<vmem_shared>> -> memref<10240xf32, #tpu.memory_space<vmem_shared>>
        tpu.wait_indirect_dma semaphore(%run_scoped3A : memref<!tpu.dma_semaphore, #tpu.memory_space<semaphore_mem>>) src(%arg5 : memref<128xf32, #tpu.memory_space<vmem>>) dst(%dma_wait3A_75 : memref<10240xf32, #tpu.memory_space<vmem_shared>>)
        tpu.yield
      }) : () -> ()
    }
    %scan3A_57 = arith.constant 80 : i32
    %barrier3A_58 = arith.constant 0 : index
    tpu.barrier barrier_id(%barrier3A_58)
    %mul3A_59 = arith.constant 640 : i32
    %mul3A_60 = arith.muli %arg1, %mul3A_59 : i32
    %mul3A_61 = arith.constant 640 : i32
    %mul3A_62 = arith.muli %arg1, %mul3A_61 : i32
    "tpu.region"() ({
      %run_scoped3A = tpu.sem_alloc : memref<!tpu.dma_semaphore, #tpu.memory_space<semaphore_mem>>
      %dma_start3A = tpu.memref_slice %arg3[%arg0, %mul3A_62] : memref<2x10240xf32, #tpu.memory_space<hbm>> -> memref<1x640xf32, #tpu.memory_space<hbm>>
      %dma_start3A_63 = tpu.memref_squeeze %dma_start3A : memref<1x640xf32, #tpu.memory_space<hbm>> -> memref<640xf32, #tpu.memory_space<hbm>>
      %dma_start3A_64 = tpu.memref_slice %arg7[%mul3A_60] : memref<10240xf32, #tpu.memory_space<vmem_shared>> -> memref<640xf32, #tpu.memory_space<vmem_shared>>
      tpu.enqueue_dma source(%dma_start3A_64 : memref<640xf32, #tpu.memory_space<vmem_shared>>) target(%dma_start3A_63 : memref<640xf32, #tpu.memory_space<hbm>>) target_semaphore(%run_scoped3A : memref<!tpu.dma_semaphore, #tpu.memory_space<semaphore_mem>>)
      %dma_wait3A = tpu.memref_slice %arg3[%arg0, %mul3A_62] : memref<2x10240xf32, #tpu.memory_space<hbm>> -> memref<1x640xf32, #tpu.memory_space<hbm>>
      %dma_wait3A_65 = tpu.memref_squeeze %dma_wait3A : memref<1x640xf32, #tpu.memory_space<hbm>> -> memref<640xf32, #tpu.memory_space<hbm>>
      %dma_wait3A_66 = tpu.memref_slice %arg7[%mul3A_60] : memref<10240xf32, #tpu.memory_space<vmem_shared>> -> memref<640xf32, #tpu.memory_space<vmem_shared>>
      tpu.wait_dma2 semaphore(%run_scoped3A : memref<!tpu.dma_semaphore, #tpu.memory_space<semaphore_mem>>) src(%dma_wait3A_66 : memref<640xf32, #tpu.memory_space<vmem_shared>>) dst(%dma_wait3A_65 : memref<640xf32, #tpu.memory_space<hbm>>)
      tpu.yield
    }) : () -> ()
    return
  }
}

#map = affine_map<(d0, d1) -> (0, 0)>
#map1 = affine_map<(d0, d1) -> (0, 0, 0)>
module attributes {stable_mosaic.version = 14 : i64} {
  func.func @_mp_kernel(%arg0: i32, %arg1: i32, %arg2: memref<10240x64xf32, #tpu.memory_space<hbm>>, %arg3: memref<80x32x128xi32, #tpu.memory_space<hbm>>, %arg4: memref<80x32x128xi32, #tpu.memory_space<hbm>>, %arg5: memref<2x10240x64xf32, #tpu.memory_space<hbm>>, %arg6: memref<80x128xi32, #tpu.memory_space<vmem>>, %arg7: memref<80x128xi32, #tpu.memory_space<vmem>>, %arg8: memref<128x64xf32, #tpu.memory_space<vmem>>, %arg9: memref<128x64xf32, #tpu.memory_space<vmem>>, %arg10: memref<128x64xf32, #tpu.memory_space<vmem>>, %arg11: memref<128x64xf32, #tpu.memory_space<vmem>>, %arg12: memref<128x64xf32, #tpu.memory_space<vmem>>, %arg13: memref<128x64xf32, #tpu.memory_space<vmem>>, %arg14: memref<128x64xf32, #tpu.memory_space<vmem>>, %arg15: memref<128x64xf32, #tpu.memory_space<vmem>>, %arg16: memref<10240x64xf32, #tpu.memory_space<vmem_shared>>, %arg17: memref<!tpu.dma_semaphore, #tpu.memory_space<semaphore_mem>>, %arg18: memref<!tpu.dma_semaphore, #tpu.memory_space<semaphore_mem>>, %arg19: memref<!tpu.dma_semaphore, #tpu.memory_space<semaphore_mem>>, %arg20: memref<!tpu.dma_semaphore, #tpu.memory_space<semaphore_mem>>, %arg21: memref<!tpu.dma_semaphore, #tpu.memory_space<semaphore_mem>>, %arg22: memref<!tpu.dma_semaphore, #tpu.memory_space<semaphore_mem>>, %arg23: memref<!tpu.dma_semaphore, #tpu.memory_space<semaphore_mem>>, %arg24: memref<!tpu.dma_semaphore, #tpu.memory_space<semaphore_mem>>, %arg25: memref<!tpu.dma_semaphore, #tpu.memory_space<semaphore_mem>>, %arg26: memref<!tpu.dma_semaphore, #tpu.memory_space<semaphore_mem>>, %arg27: memref<!tpu.dma_semaphore, #tpu.memory_space<semaphore_mem>>, %arg28: memref<!tpu.dma_semaphore, #tpu.memory_space<semaphore_mem>>, %arg29: memref<!tpu.dma_semaphore, #tpu.memory_space<semaphore_mem>>, %arg30: memref<!tpu.dma_semaphore, #tpu.memory_space<semaphore_mem>>, %arg31: memref<!tpu.dma_semaphore, #tpu.memory_space<semaphore_mem>>, %arg32: memref<!tpu.dma_semaphore, #tpu.memory_space<semaphore_mem>>) attributes {dimension_semantics = [#tpu.dimension_semantics<core_parallel>, #tpu.dimension_semantics<subcore_parallel>], iteration_bounds = array<i64: 2, 16>, scalar_prefetch = 0 : i64, scratch_operands = 27 : i64, tpu.core_type = #tpu.core_type<sc_vector_subcore>, window_params = [{transform_indices = #map}, {transform_indices = #map1}, {transform_indices = #map1}, {transform_indices = #map1}]} {
    %mul3A = arith.constant 16 : i32
    %mul3A_0 = arith.muli %arg0, %mul3A : i32
    %add3A = arith.addi %mul3A_0, %arg1 : i32
    "tpu.region"() ({
      %run_scoped3A = tpu.sem_alloc : memref<!tpu.dma_semaphore, #tpu.memory_space<semaphore_mem>>
      %dma_start3A_239 = arith.constant 0 : i32
      %dma_start3A_240 = arith.constant 0 : i32
      %dma_start3A_241 = tpu.memref_slice %arg3[%dma_start3A_239, %add3A, %dma_start3A_240] : memref<80x32x128xi32, #tpu.memory_space<hbm>> -> memref<80x1x128xi32, #tpu.memory_space<hbm>>
      %dma_start3A_242 = tpu.memref_squeeze %dma_start3A_241 : memref<80x1x128xi32, #tpu.memory_space<hbm>> -> memref<80x128xi32, #tpu.memory_space<hbm>>
      %dma_start3A_243 = arith.constant 0 : i32
      %dma_start3A_244 = arith.constant 0 : i32
      %dma_start3A_245 = tpu.memref_slice %arg3[%dma_start3A_243, %add3A, %dma_start3A_244] : memref<80x32x128xi32, #tpu.memory_space<hbm>> -> memref<80x1x128xi32, #tpu.memory_space<hbm>>
      %dma_start3A_246 = tpu.memref_squeeze %dma_start3A_245 : memref<80x1x128xi32, #tpu.memory_space<hbm>> -> memref<80x128xi32, #tpu.memory_space<hbm>>
      tpu.enqueue_dma source(%dma_start3A_246 : memref<80x128xi32, #tpu.memory_space<hbm>>) target(%arg6 : memref<80x128xi32, #tpu.memory_space<vmem>>) target_semaphore(%run_scoped3A : memref<!tpu.dma_semaphore, #tpu.memory_space<semaphore_mem>>)
      %dma_wait3A_247 = arith.constant 0 : i32
      %dma_wait3A_248 = arith.constant 0 : i32
      %dma_wait3A_249 = tpu.memref_slice %arg3[%dma_wait3A_247, %add3A, %dma_wait3A_248] : memref<80x32x128xi32, #tpu.memory_space<hbm>> -> memref<80x1x128xi32, #tpu.memory_space<hbm>>
      %dma_wait3A_250 = tpu.memref_squeeze %dma_wait3A_249 : memref<80x1x128xi32, #tpu.memory_space<hbm>> -> memref<80x128xi32, #tpu.memory_space<hbm>>
      %dma_wait3A_251 = arith.constant 0 : i32
      %dma_wait3A_252 = arith.constant 0 : i32
      %dma_wait3A_253 = tpu.memref_slice %arg3[%dma_wait3A_251, %add3A, %dma_wait3A_252] : memref<80x32x128xi32, #tpu.memory_space<hbm>> -> memref<80x1x128xi32, #tpu.memory_space<hbm>>
      %dma_wait3A_254 = tpu.memref_squeeze %dma_wait3A_253 : memref<80x1x128xi32, #tpu.memory_space<hbm>> -> memref<80x128xi32, #tpu.memory_space<hbm>>
      tpu.wait_dma2 semaphore(%run_scoped3A : memref<!tpu.dma_semaphore, #tpu.memory_space<semaphore_mem>>) src(%dma_wait3A_254 : memref<80x128xi32, #tpu.memory_space<hbm>>) dst(%arg6 : memref<80x128xi32, #tpu.memory_space<vmem>>)
      tpu.yield
    }) : () -> ()
    "tpu.region"() ({
      %run_scoped3A = tpu.sem_alloc : memref<!tpu.dma_semaphore, #tpu.memory_space<semaphore_mem>>
      %dma_start3A_239 = arith.constant 0 : i32
      %dma_start3A_240 = arith.constant 0 : i32
      %dma_start3A_241 = tpu.memref_slice %arg4[%dma_start3A_239, %add3A, %dma_start3A_240] : memref<80x32x128xi32, #tpu.memory_space<hbm>> -> memref<80x1x128xi32, #tpu.memory_space<hbm>>
      %dma_start3A_242 = tpu.memref_squeeze %dma_start3A_241 : memref<80x1x128xi32, #tpu.memory_space<hbm>> -> memref<80x128xi32, #tpu.memory_space<hbm>>
      %dma_start3A_243 = arith.constant 0 : i32
      %dma_start3A_244 = arith.constant 0 : i32
      %dma_start3A_245 = tpu.memref_slice %arg4[%dma_start3A_243, %add3A, %dma_start3A_244] : memref<80x32x128xi32, #tpu.memory_space<hbm>> -> memref<80x1x128xi32, #tpu.memory_space<hbm>>
      %dma_start3A_246 = tpu.memref_squeeze %dma_start3A_245 : memref<80x1x128xi32, #tpu.memory_space<hbm>> -> memref<80x128xi32, #tpu.memory_space<hbm>>
      tpu.enqueue_dma source(%dma_start3A_246 : memref<80x128xi32, #tpu.memory_space<hbm>>) target(%arg7 : memref<80x128xi32, #tpu.memory_space<vmem>>) target_semaphore(%run_scoped3A : memref<!tpu.dma_semaphore, #tpu.memory_space<semaphore_mem>>)
      %dma_wait3A_247 = arith.constant 0 : i32
      %dma_wait3A_248 = arith.constant 0 : i32
      %dma_wait3A_249 = tpu.memref_slice %arg4[%dma_wait3A_247, %add3A, %dma_wait3A_248] : memref<80x32x128xi32, #tpu.memory_space<hbm>> -> memref<80x1x128xi32, #tpu.memory_space<hbm>>
      %dma_wait3A_250 = tpu.memref_squeeze %dma_wait3A_249 : memref<80x1x128xi32, #tpu.memory_space<hbm>> -> memref<80x128xi32, #tpu.memory_space<hbm>>
      %dma_wait3A_251 = arith.constant 0 : i32
      %dma_wait3A_252 = arith.constant 0 : i32
      %dma_wait3A_253 = tpu.memref_slice %arg4[%dma_wait3A_251, %add3A, %dma_wait3A_252] : memref<80x32x128xi32, #tpu.memory_space<hbm>> -> memref<80x1x128xi32, #tpu.memory_space<hbm>>
      %dma_wait3A_254 = tpu.memref_squeeze %dma_wait3A_253 : memref<80x1x128xi32, #tpu.memory_space<hbm>> -> memref<80x128xi32, #tpu.memory_space<hbm>>
      tpu.wait_dma2 semaphore(%run_scoped3A : memref<!tpu.dma_semaphore, #tpu.memory_space<semaphore_mem>>) src(%dma_wait3A_254 : memref<80x128xi32, #tpu.memory_space<hbm>>) dst(%arg7 : memref<80x128xi32, #tpu.memory_space<vmem>>)
      tpu.yield
    }) : () -> ()
    %eq3A = arith.constant 0 : i32
    %eq3A_1 = arith.cmpi eq, %arg0, %eq3A : i32
    %convert_element_type3A = arith.extui %eq3A_1 : i1 to i32
    %cond3A = arith.constant 0 : i32
    %cond3A_2 = arith.cmpi ne, %convert_element_type3A, %cond3A : i32
    scf.if %cond3A_2 {
      %mul3A_239 = arith.constant 640 : i32
      %mul3A_240 = arith.muli %arg1, %mul3A_239 : i32
      %mul3A_241 = arith.constant 640 : i32
      %mul3A_242 = arith.muli %arg1, %mul3A_241 : i32
      "tpu.region"() ({
        %run_scoped3A = tpu.sem_alloc : memref<!tpu.dma_semaphore, #tpu.memory_space<semaphore_mem>>
        %dma_start3A_243 = arith.constant 0 : i32
        %dma_start3A_244 = tpu.memref_slice %arg16[%mul3A_242, %dma_start3A_243] : memref<10240x64xf32, #tpu.memory_space<vmem_shared>> -> memref<640x64xf32, #tpu.memory_space<vmem_shared>>
        %dma_start3A_245 = arith.constant 0 : i32
        %dma_start3A_246 = tpu.memref_slice %arg2[%mul3A_240, %dma_start3A_245] : memref<10240x64xf32, #tpu.memory_space<hbm>> -> memref<640x64xf32, #tpu.memory_space<hbm>>
        tpu.enqueue_dma source(%dma_start3A_246 : memref<640x64xf32, #tpu.memory_space<hbm>>) target(%dma_start3A_244 : memref<640x64xf32, #tpu.memory_space<vmem_shared>>) target_semaphore(%run_scoped3A : memref<!tpu.dma_semaphore, #tpu.memory_space<semaphore_mem>>)
        %dma_wait3A_247 = arith.constant 0 : i32
        %dma_wait3A_248 = tpu.memref_slice %arg16[%mul3A_242, %dma_wait3A_247] : memref<10240x64xf32, #tpu.memory_space<vmem_shared>> -> memref<640x64xf32, #tpu.memory_space<vmem_shared>>
        %dma_wait3A_249 = arith.constant 0 : i32
        %dma_wait3A_250 = tpu.memref_slice %arg2[%mul3A_240, %dma_wait3A_249] : memref<10240x64xf32, #tpu.memory_space<hbm>> -> memref<640x64xf32, #tpu.memory_space<hbm>>
        tpu.wait_dma2 semaphore(%run_scoped3A : memref<!tpu.dma_semaphore, #tpu.memory_space<semaphore_mem>>) src(%dma_wait3A_250 : memref<640x64xf32, #tpu.memory_space<hbm>>) dst(%dma_wait3A_248 : memref<640x64xf32, #tpu.memory_space<vmem_shared>>)
        tpu.yield
      }) : () -> ()
    } else {
    }
    %eq3A_3 = arith.constant 1 : i32
    %eq3A_4 = arith.cmpi eq, %arg0, %eq3A_3 : i32
    %convert_element_type3A_5 = arith.extui %eq3A_4 : i1 to i32
    %cond3A_6 = arith.constant 0 : i32
    %cond3A_7 = arith.cmpi ne, %convert_element_type3A_5, %cond3A_6 : i32
    scf.if %cond3A_7 {
      %scan3A_239 = arith.constant 0 : i32
      %scan3A_240 = arith.constant 128 : i32
      %scan3A_241 = arith.addi %scan3A_239, %scan3A_240 : i32
      %scan3A_242 = arith.constant 1 : i32
      scf.for %scan3A_249 = %scan3A_239 to %scan3A_241 step %scan3A_242  : i32 {
        %mul3A_250 = arith.constant 1 : i32
        %mul3A_251 = arith.muli %scan3A_249, %mul3A_250 : i32
        %add3A_252 = arith.constant 0 : i32
        %add3A_253 = arith.addi %add3A_252, %mul3A_251 : i32
        %broadcast_in_dim3A = arith.constant 0.000000e+00 : f32
        %broadcast_in_dim3A_254 = vector.broadcast %broadcast_in_dim3A : f32 to vector<16xf32>
        %swap3A = arith.index_cast %add3A_253 : i32 to index
        %swap3A_255 = arith.constant 0 : index
        %swap3A_256 = tpu.vector_load %arg8[%swap3A, %swap3A_255] {strides = array<i32>} : memref<128x64xf32, #tpu.memory_space<vmem>>, vector<1x16xf32>,
        %swap3A_257 = vector.shape_cast %swap3A_256 : vector<1x16xf32> to vector<16xf32>
        %swap3A_258 = vector.shape_cast %broadcast_in_dim3A_254 : vector<16xf32> to vector<1x16xf32>
        tpu.vector_store %arg8[%swap3A, %swap3A_255], %swap3A_258 {strides = array<i32>} : memref<128x64xf32, #tpu.memory_space<vmem>>, vector<1x16xf32>,
        %broadcast_in_dim3A_259 = arith.constant 0.000000e+00 : f32
        %broadcast_in_dim3A_260 = vector.broadcast %broadcast_in_dim3A_259 : f32 to vector<16xf32>
        %swap3A_261 = arith.index_cast %add3A_253 : i32 to index
        %swap3A_262 = arith.constant 16 : index
        %swap3A_263 = tpu.vector_load %arg8[%swap3A_261, %swap3A_262] {strides = array<i32>} : memref<128x64xf32, #tpu.memory_space<vmem>>, vector<1x16xf32>,
        %swap3A_264 = vector.shape_cast %swap3A_263 : vector<1x16xf32> to vector<16xf32>
        %swap3A_265 = vector.shape_cast %broadcast_in_dim3A_260 : vector<16xf32> to vector<1x16xf32>
        tpu.vector_store %arg8[%swap3A_261, %swap3A_262], %swap3A_265 {strides = array<i32>} : memref<128x64xf32, #tpu.memory_space<vmem>>, vector<1x16xf32>,
        %broadcast_in_dim3A_266 = arith.constant 0.000000e+00 : f32
        %broadcast_in_dim3A_267 = vector.broadcast %broadcast_in_dim3A_266 : f32 to vector<16xf32>
        %swap3A_268 = arith.index_cast %add3A_253 : i32 to index
        %swap3A_269 = arith.constant 32 : index
        %swap3A_270 = tpu.vector_load %arg8[%swap3A_268, %swap3A_269] {strides = array<i32>} : memref<128x64xf32, #tpu.memory_space<vmem>>, vector<1x16xf32>,
        %swap3A_271 = vector.shape_cast %swap3A_270 : vector<1x16xf32> to vector<16xf32>
        %swap3A_272 = vector.shape_cast %broadcast_in_dim3A_267 : vector<16xf32> to vector<1x16xf32>
        tpu.vector_store %arg8[%swap3A_268, %swap3A_269], %swap3A_272 {strides = array<i32>} : memref<128x64xf32, #tpu.memory_space<vmem>>, vector<1x16xf32>,
        %broadcast_in_dim3A_273 = arith.constant 0.000000e+00 : f32
        %broadcast_in_dim3A_274 = vector.broadcast %broadcast_in_dim3A_273 : f32 to vector<16xf32>
        %swap3A_275 = arith.index_cast %add3A_253 : i32 to index
        %swap3A_276 = arith.constant 48 : index
        %swap3A_277 = tpu.vector_load %arg8[%swap3A_275, %swap3A_276] {strides = array<i32>} : memref<128x64xf32, #tpu.memory_space<vmem>>, vector<1x16xf32>,
        %swap3A_278 = vector.shape_cast %swap3A_277 : vector<1x16xf32> to vector<16xf32>
        %swap3A_279 = vector.shape_cast %broadcast_in_dim3A_274 : vector<16xf32> to vector<1x16xf32>
        tpu.vector_store %arg8[%swap3A_275, %swap3A_276], %swap3A_279 {strides = array<i32>} : memref<128x64xf32, #tpu.memory_space<vmem>>, vector<1x16xf32>,
      }
      %scan3A_243 = arith.constant 128 : i32
      %scan3A_244 = arith.constant 0 : i32
      %scan3A_245 = arith.constant 5 : i32
      %scan3A_246 = arith.addi %scan3A_244, %scan3A_245 : i32
      %scan3A_247 = arith.constant 1 : i32
      scf.for %scan3A_249 = %scan3A_244 to %scan3A_246 step %scan3A_247  : i32 {
        %mul3A_250 = arith.constant 1 : i32
        %mul3A_251 = arith.muli %scan3A_249, %mul3A_250 : i32
        %add3A_252 = arith.constant 0 : i32
        %add3A_253 = arith.addi %add3A_252, %mul3A_251 : i32
        %mul3A_254 = arith.constant 640 : i32
        %mul3A_255 = arith.muli %arg1, %mul3A_254 : i32
        %mul3A_256 = arith.constant 128 : i32
        %mul3A_257 = arith.muli %add3A_253, %mul3A_256 : i32
        %add3A_258 = arith.addi %mul3A_255, %mul3A_257 : i32
        "tpu.region"() ({
          %run_scoped3A = tpu.sem_alloc : memref<!tpu.dma_semaphore, #tpu.memory_space<semaphore_mem>>
          %dma_start3A_259 = arith.constant 0 : i32
          %dma_start3A_260 = tpu.memref_slice %arg16[%add3A_258, %dma_start3A_259] : memref<10240x64xf32, #tpu.memory_space<vmem_shared>> -> memref<128x64xf32, #tpu.memory_space<vmem_shared>>
          %dma_start3A_261 = arith.constant 0 : i32
          %dma_start3A_262 = tpu.memref_slice %arg16[%add3A_258, %dma_start3A_261] : memref<10240x64xf32, #tpu.memory_space<vmem_shared>> -> memref<128x64xf32, #tpu.memory_space<vmem_shared>>
          tpu.enqueue_dma source(%arg8 : memref<128x64xf32, #tpu.memory_space<vmem>>) target(%dma_start3A_262 : memref<128x64xf32, #tpu.memory_space<vmem_shared>>) target_semaphore(%run_scoped3A : memref<!tpu.dma_semaphore, #tpu.memory_space<semaphore_mem>>)
          %dma_wait3A_263 = arith.constant 0 : i32
          %dma_wait3A_264 = tpu.memref_slice %arg16[%add3A_258, %dma_wait3A_263] : memref<10240x64xf32, #tpu.memory_space<vmem_shared>> -> memref<128x64xf32, #tpu.memory_space<vmem_shared>>
          %dma_wait3A_265 = arith.constant 0 : i32
          %dma_wait3A_266 = tpu.memref_slice %arg16[%add3A_258, %dma_wait3A_265] : memref<10240x64xf32, #tpu.memory_space<vmem_shared>> -> memref<128x64xf32, #tpu.memory_space<vmem_shared>>
          tpu.wait_dma2 semaphore(%run_scoped3A : memref<!tpu.dma_semaphore, #tpu.memory_space<semaphore_mem>>) src(%arg8 : memref<128x64xf32, #tpu.memory_space<vmem>>) dst(%dma_wait3A_266 : memref<128x64xf32, #tpu.memory_space<vmem_shared>>)
          tpu.yield
        }) : () -> ()
      }
      %scan3A_248 = arith.constant 5 : i32
    } else {
    }
    %barrier3A = arith.constant 0 : index
    tpu.barrier barrier_id(%barrier3A)
    %dma_start3A = arith.constant 0 : i32
    %dma_start3A_8 = arith.constant 0 : i32
    %dma_start3A_9 = tpu.memref_slice %arg6[%dma_start3A, %dma_start3A_8] : memref<80x128xi32, #tpu.memory_space<vmem>> -> memref<1x128xi32, #tpu.memory_space<vmem>>
    %dma_start3A_10 = tpu.memref_squeeze %dma_start3A_9 : memref<1x128xi32, #tpu.memory_space<vmem>> -> memref<128xi32, #tpu.memory_space<vmem>>
    %dma_start3A_11 = arith.constant 0 : i32
    %dma_start3A_12 = arith.constant 0 : i32
    %dma_start3A_13 = tpu.memref_slice %arg2[%dma_start3A_11, %dma_start3A_12] : memref<10240x64xf32, #tpu.memory_space<hbm>> -> memref<10240x64xf32, #tpu.memory_space<hbm>>
    tpu.enqueue_indirect_dma source(%dma_start3A_13 : memref<10240x64xf32, #tpu.memory_space<hbm>>) target(%arg8 : memref<128x64xf32, #tpu.memory_space<vmem>>) offsets(%dma_start3A_10 : memref<128xi32, #tpu.memory_space<vmem>>) semaphore(%arg17 : memref<!tpu.dma_semaphore, #tpu.memory_space<semaphore_mem>>)
    %dma_start3A_14 = arith.constant 1 : i32
    %dma_start3A_15 = arith.constant 0 : i32
    %dma_start3A_16 = tpu.memref_slice %arg6[%dma_start3A_14, %dma_start3A_15] : memref<80x128xi32, #tpu.memory_space<vmem>> -> memref<1x128xi32, #tpu.memory_space<vmem>>
    %dma_start3A_17 = tpu.memref_squeeze %dma_start3A_16 : memref<1x128xi32, #tpu.memory_space<vmem>> -> memref<128xi32, #tpu.memory_space<vmem>>
    %dma_start3A_18 = arith.constant 0 : i32
    %dma_start3A_19 = arith.constant 0 : i32
    %dma_start3A_20 = tpu.memref_slice %arg2[%dma_start3A_18, %dma_start3A_19] : memref<10240x64xf32, #tpu.memory_space<hbm>> -> memref<10240x64xf32, #tpu.memory_space<hbm>>
    tpu.enqueue_indirect_dma source(%dma_start3A_20 : memref<10240x64xf32, #tpu.memory_space<hbm>>) target(%arg9 : memref<128x64xf32, #tpu.memory_space<vmem>>) offsets(%dma_start3A_17 : memref<128xi32, #tpu.memory_space<vmem>>) semaphore(%arg18 : memref<!tpu.dma_semaphore, #tpu.memory_space<semaphore_mem>>)
    %dma_start3A_21 = arith.constant 2 : i32
    %dma_start3A_22 = arith.constant 0 : i32
    %dma_start3A_23 = tpu.memref_slice %arg6[%dma_start3A_21, %dma_start3A_22] : memref<80x128xi32, #tpu.memory_space<vmem>> -> memref<1x128xi32, #tpu.memory_space<vmem>>
    %dma_start3A_24 = tpu.memref_squeeze %dma_start3A_23 : memref<1x128xi32, #tpu.memory_space<vmem>> -> memref<128xi32, #tpu.memory_space<vmem>>
    %dma_start3A_25 = arith.constant 0 : i32
    %dma_start3A_26 = arith.constant 0 : i32
    %dma_start3A_27 = tpu.memref_slice %arg2[%dma_start3A_25, %dma_start3A_26] : memref<10240x64xf32, #tpu.memory_space<hbm>> -> memref<10240x64xf32, #tpu.memory_space<hbm>>
    tpu.enqueue_indirect_dma source(%dma_start3A_27 : memref<10240x64xf32, #tpu.memory_space<hbm>>) target(%arg10 : memref<128x64xf32, #tpu.memory_space<vmem>>) offsets(%dma_start3A_24 : memref<128xi32, #tpu.memory_space<vmem>>) semaphore(%arg19 : memref<!tpu.dma_semaphore, #tpu.memory_space<semaphore_mem>>)
    %dma_start3A_28 = arith.constant 3 : i32
    %dma_start3A_29 = arith.constant 0 : i32
    %dma_start3A_30 = tpu.memref_slice %arg6[%dma_start3A_28, %dma_start3A_29] : memref<80x128xi32, #tpu.memory_space<vmem>> -> memref<1x128xi32, #tpu.memory_space<vmem>>
    %dma_start3A_31 = tpu.memref_squeeze %dma_start3A_30 : memref<1x128xi32, #tpu.memory_space<vmem>> -> memref<128xi32, #tpu.memory_space<vmem>>
    %dma_start3A_32 = arith.constant 0 : i32
    %dma_start3A_33 = arith.constant 0 : i32
    %dma_start3A_34 = tpu.memref_slice %arg2[%dma_start3A_32, %dma_start3A_33] : memref<10240x64xf32, #tpu.memory_space<hbm>> -> memref<10240x64xf32, #tpu.memory_space<hbm>>
    tpu.enqueue_indirect_dma source(%dma_start3A_34 : memref<10240x64xf32, #tpu.memory_space<hbm>>) target(%arg11 : memref<128x64xf32, #tpu.memory_space<vmem>>) offsets(%dma_start3A_31 : memref<128xi32, #tpu.memory_space<vmem>>) semaphore(%arg20 : memref<!tpu.dma_semaphore, #tpu.memory_space<semaphore_mem>>)
    %dma_start3A_35 = arith.constant 4 : i32
    %dma_start3A_36 = arith.constant 0 : i32
    %dma_start3A_37 = tpu.memref_slice %arg6[%dma_start3A_35, %dma_start3A_36] : memref<80x128xi32, #tpu.memory_space<vmem>> -> memref<1x128xi32, #tpu.memory_space<vmem>>
    %dma_start3A_38 = tpu.memref_squeeze %dma_start3A_37 : memref<1x128xi32, #tpu.memory_space<vmem>> -> memref<128xi32, #tpu.memory_space<vmem>>
    %dma_start3A_39 = arith.constant 0 : i32
    %dma_start3A_40 = arith.constant 0 : i32
    %dma_start3A_41 = tpu.memref_slice %arg2[%dma_start3A_39, %dma_start3A_40] : memref<10240x64xf32, #tpu.memory_space<hbm>> -> memref<10240x64xf32, #tpu.memory_space<hbm>>
    tpu.enqueue_indirect_dma source(%dma_start3A_41 : memref<10240x64xf32, #tpu.memory_space<hbm>>) target(%arg12 : memref<128x64xf32, #tpu.memory_space<vmem>>) offsets(%dma_start3A_38 : memref<128xi32, #tpu.memory_space<vmem>>) semaphore(%arg21 : memref<!tpu.dma_semaphore, #tpu.memory_space<semaphore_mem>>)
    %dma_start3A_42 = arith.constant 5 : i32
    %dma_start3A_43 = arith.constant 0 : i32
    %dma_start3A_44 = tpu.memref_slice %arg6[%dma_start3A_42, %dma_start3A_43] : memref<80x128xi32, #tpu.memory_space<vmem>> -> memref<1x128xi32, #tpu.memory_space<vmem>>
    %dma_start3A_45 = tpu.memref_squeeze %dma_start3A_44 : memref<1x128xi32, #tpu.memory_space<vmem>> -> memref<128xi32, #tpu.memory_space<vmem>>
    %dma_start3A_46 = arith.constant 0 : i32
    %dma_start3A_47 = arith.constant 0 : i32
    %dma_start3A_48 = tpu.memref_slice %arg2[%dma_start3A_46, %dma_start3A_47] : memref<10240x64xf32, #tpu.memory_space<hbm>> -> memref<10240x64xf32, #tpu.memory_space<hbm>>
    tpu.enqueue_indirect_dma source(%dma_start3A_48 : memref<10240x64xf32, #tpu.memory_space<hbm>>) target(%arg13 : memref<128x64xf32, #tpu.memory_space<vmem>>) offsets(%dma_start3A_45 : memref<128xi32, #tpu.memory_space<vmem>>) semaphore(%arg22 : memref<!tpu.dma_semaphore, #tpu.memory_space<semaphore_mem>>)
    %dma_start3A_49 = arith.constant 6 : i32
    %dma_start3A_50 = arith.constant 0 : i32
    %dma_start3A_51 = tpu.memref_slice %arg6[%dma_start3A_49, %dma_start3A_50] : memref<80x128xi32, #tpu.memory_space<vmem>> -> memref<1x128xi32, #tpu.memory_space<vmem>>
    %dma_start3A_52 = tpu.memref_squeeze %dma_start3A_51 : memref<1x128xi32, #tpu.memory_space<vmem>> -> memref<128xi32, #tpu.memory_space<vmem>>
    %dma_start3A_53 = arith.constant 0 : i32
    %dma_start3A_54 = arith.constant 0 : i32
    %dma_start3A_55 = tpu.memref_slice %arg2[%dma_start3A_53, %dma_start3A_54] : memref<10240x64xf32, #tpu.memory_space<hbm>> -> memref<10240x64xf32, #tpu.memory_space<hbm>>
    tpu.enqueue_indirect_dma source(%dma_start3A_55 : memref<10240x64xf32, #tpu.memory_space<hbm>>) target(%arg14 : memref<128x64xf32, #tpu.memory_space<vmem>>) offsets(%dma_start3A_52 : memref<128xi32, #tpu.memory_space<vmem>>) semaphore(%arg23 : memref<!tpu.dma_semaphore, #tpu.memory_space<semaphore_mem>>)
    %dma_start3A_56 = arith.constant 7 : i32
    %dma_start3A_57 = arith.constant 0 : i32
    %dma_start3A_58 = tpu.memref_slice %arg6[%dma_start3A_56, %dma_start3A_57] : memref<80x128xi32, #tpu.memory_space<vmem>> -> memref<1x128xi32, #tpu.memory_space<vmem>>
    %dma_start3A_59 = tpu.memref_squeeze %dma_start3A_58 : memref<1x128xi32, #tpu.memory_space<vmem>> -> memref<128xi32, #tpu.memory_space<vmem>>
    %dma_start3A_60 = arith.constant 0 : i32
    %dma_start3A_61 = arith.constant 0 : i32
    %dma_start3A_62 = tpu.memref_slice %arg2[%dma_start3A_60, %dma_start3A_61] : memref<10240x64xf32, #tpu.memory_space<hbm>> -> memref<10240x64xf32, #tpu.memory_space<hbm>>
    tpu.enqueue_indirect_dma source(%dma_start3A_62 : memref<10240x64xf32, #tpu.memory_space<hbm>>) target(%arg15 : memref<128x64xf32, #tpu.memory_space<vmem>>) offsets(%dma_start3A_59 : memref<128xi32, #tpu.memory_space<vmem>>) semaphore(%arg24 : memref<!tpu.dma_semaphore, #tpu.memory_space<semaphore_mem>>)
    %scan3A = arith.constant 0 : i32
    %scan3A_63 = arith.constant 9 : i32
    %scan3A_64 = arith.addi %scan3A, %scan3A_63 : i32
    %scan3A_65 = arith.constant 1 : i32
    scf.for %scan3A_239 = %scan3A to %scan3A_64 step %scan3A_65  : i32 {
      %mul3A_240 = arith.constant 8 : i32
      %mul3A_241 = arith.muli %scan3A_239, %mul3A_240 : i32
      %add3A_242 = arith.constant 0 : i32
      %add3A_243 = arith.addi %add3A_242, %mul3A_241 : i32
      %add3A_244 = arith.constant 0 : i32
      %add3A_245 = arith.addi %add3A_243, %add3A_244 : i32
      %dma_wait3A_246 = arith.constant 0 : i32
      %dma_wait3A_247 = tpu.memref_slice %arg6[%add3A_245, %dma_wait3A_246] : memref<80x128xi32, #tpu.memory_space<vmem>> -> memref<1x128xi32, #tpu.memory_space<vmem>>
      %dma_wait3A_248 = tpu.memref_squeeze %dma_wait3A_247 : memref<1x128xi32, #tpu.memory_space<vmem>> -> memref<128xi32, #tpu.memory_space<vmem>>
      %dma_wait3A_249 = arith.constant 0 : i32
      %dma_wait3A_250 = arith.constant 0 : i32
      %dma_wait3A_251 = tpu.memref_slice %arg2[%dma_wait3A_249, %dma_wait3A_250] : memref<10240x64xf32, #tpu.memory_space<hbm>> -> memref<10240x64xf32, #tpu.memory_space<hbm>>
      tpu.wait_indirect_dma semaphore(%arg17 : memref<!tpu.dma_semaphore, #tpu.memory_space<semaphore_mem>>) src(%dma_wait3A_251 : memref<10240x64xf32, #tpu.memory_space<hbm>>) dst(%arg8 : memref<128x64xf32, #tpu.memory_space<vmem>>)
      %add3A_252 = arith.constant 0 : i32
      %add3A_253 = arith.addi %add3A_243, %add3A_252 : i32
      %dma_start3A_254 = arith.constant 0 : i32
      %dma_start3A_255 = tpu.memref_slice %arg7[%add3A_253, %dma_start3A_254] : memref<80x128xi32, #tpu.memory_space<vmem>> -> memref<1x128xi32, #tpu.memory_space<vmem>>
      %dma_start3A_256 = tpu.memref_squeeze %dma_start3A_255 : memref<1x128xi32, #tpu.memory_space<vmem>> -> memref<128xi32, #tpu.memory_space<vmem>>
      %dma_start3A_257 = arith.constant 0 : i32
      %dma_start3A_258 = arith.constant 0 : i32
      %dma_start3A_259 = tpu.memref_slice %arg16[%dma_start3A_257, %dma_start3A_258] : memref<10240x64xf32, #tpu.memory_space<vmem_shared>> -> memref<10240x64xf32, #tpu.memory_space<vmem_shared>>
      tpu.enqueue_indirect_dma source(%arg8 : memref<128x64xf32, #tpu.memory_space<vmem>>) target(%dma_start3A_259 : memref<10240x64xf32, #tpu.memory_space<vmem_shared>>) offsets(%dma_start3A_256 : memref<128xi32, #tpu.memory_space<vmem>>) semaphore(%arg25 : memref<!tpu.dma_semaphore, #tpu.memory_space<semaphore_mem>>) {add = true}
      %add3A_260 = arith.constant 1 : i32
      %add3A_261 = arith.addi %add3A_243, %add3A_260 : i32
      %dma_wait3A_262 = arith.constant 0 : i32
      %dma_wait3A_263 = tpu.memref_slice %arg6[%add3A_261, %dma_wait3A_262] : memref<80x128xi32, #tpu.memory_space<vmem>> -> memref<1x128xi32, #tpu.memory_space<vmem>>
      %dma_wait3A_264 = tpu.memref_squeeze %dma_wait3A_263 : memref<1x128xi32, #tpu.memory_space<vmem>> -> memref<128xi32, #tpu.memory_space<vmem>>
      %dma_wait3A_265 = arith.constant 0 : i32
      %dma_wait3A_266 = arith.constant 0 : i32
      %dma_wait3A_267 = tpu.memref_slice %arg2[%dma_wait3A_265, %dma_wait3A_266] : memref<10240x64xf32, #tpu.memory_space<hbm>> -> memref<10240x64xf32, #tpu.memory_space<hbm>>
      tpu.wait_indirect_dma semaphore(%arg18 : memref<!tpu.dma_semaphore, #tpu.memory_space<semaphore_mem>>) src(%dma_wait3A_267 : memref<10240x64xf32, #tpu.memory_space<hbm>>) dst(%arg9 : memref<128x64xf32, #tpu.memory_space<vmem>>)
      %add3A_268 = arith.constant 1 : i32
      %add3A_269 = arith.addi %add3A_243, %add3A_268 : i32
      %dma_start3A_270 = arith.constant 0 : i32
      %dma_start3A_271 = tpu.memref_slice %arg7[%add3A_269, %dma_start3A_270] : memref<80x128xi32, #tpu.memory_space<vmem>> -> memref<1x128xi32, #tpu.memory_space<vmem>>
      %dma_start3A_272 = tpu.memref_squeeze %dma_start3A_271 : memref<1x128xi32, #tpu.memory_space<vmem>> -> memref<128xi32, #tpu.memory_space<vmem>>
      %dma_start3A_273 = arith.constant 0 : i32
      %dma_start3A_274 = arith.constant 0 : i32
      %dma_start3A_275 = tpu.memref_slice %arg16[%dma_start3A_273, %dma_start3A_274] : memref<10240x64xf32, #tpu.memory_space<vmem_shared>> -> memref<10240x64xf32, #tpu.memory_space<vmem_shared>>
      tpu.enqueue_indirect_dma source(%arg9 : memref<128x64xf32, #tpu.memory_space<vmem>>) target(%dma_start3A_275 : memref<10240x64xf32, #tpu.memory_space<vmem_shared>>) offsets(%dma_start3A_272 : memref<128xi32, #tpu.memory_space<vmem>>) semaphore(%arg26 : memref<!tpu.dma_semaphore, #tpu.memory_space<semaphore_mem>>) {add = true}
      %add3A_276 = arith.constant 2 : i32
      %add3A_277 = arith.addi %add3A_243, %add3A_276 : i32
      %dma_wait3A_278 = arith.constant 0 : i32
      %dma_wait3A_279 = tpu.memref_slice %arg6[%add3A_277, %dma_wait3A_278] : memref<80x128xi32, #tpu.memory_space<vmem>> -> memref<1x128xi32, #tpu.memory_space<vmem>>
      %dma_wait3A_280 = tpu.memref_squeeze %dma_wait3A_279 : memref<1x128xi32, #tpu.memory_space<vmem>> -> memref<128xi32, #tpu.memory_space<vmem>>
      %dma_wait3A_281 = arith.constant 0 : i32
      %dma_wait3A_282 = arith.constant 0 : i32
      %dma_wait3A_283 = tpu.memref_slice %arg2[%dma_wait3A_281, %dma_wait3A_282] : memref<10240x64xf32, #tpu.memory_space<hbm>> -> memref<10240x64xf32, #tpu.memory_space<hbm>>
      tpu.wait_indirect_dma semaphore(%arg19 : memref<!tpu.dma_semaphore, #tpu.memory_space<semaphore_mem>>) src(%dma_wait3A_283 : memref<10240x64xf32, #tpu.memory_space<hbm>>) dst(%arg10 : memref<128x64xf32, #tpu.memory_space<vmem>>)
      %add3A_284 = arith.constant 2 : i32
      %add3A_285 = arith.addi %add3A_243, %add3A_284 : i32
      %dma_start3A_286 = arith.constant 0 : i32
      %dma_start3A_287 = tpu.memref_slice %arg7[%add3A_285, %dma_start3A_286] : memref<80x128xi32, #tpu.memory_space<vmem>> -> memref<1x128xi32, #tpu.memory_space<vmem>>
      %dma_start3A_288 = tpu.memref_squeeze %dma_start3A_287 : memref<1x128xi32, #tpu.memory_space<vmem>> -> memref<128xi32, #tpu.memory_space<vmem>>
      %dma_start3A_289 = arith.constant 0 : i32
      %dma_start3A_290 = arith.constant 0 : i32
      %dma_start3A_291 = tpu.memref_slice %arg16[%dma_start3A_289, %dma_start3A_290] : memref<10240x64xf32, #tpu.memory_space<vmem_shared>> -> memref<10240x64xf32, #tpu.memory_space<vmem_shared>>
      tpu.enqueue_indirect_dma source(%arg10 : memref<128x64xf32, #tpu.memory_space<vmem>>) target(%dma_start3A_291 : memref<10240x64xf32, #tpu.memory_space<vmem_shared>>) offsets(%dma_start3A_288 : memref<128xi32, #tpu.memory_space<vmem>>) semaphore(%arg27 : memref<!tpu.dma_semaphore, #tpu.memory_space<semaphore_mem>>) {add = true}
      %add3A_292 = arith.constant 3 : i32
      %add3A_293 = arith.addi %add3A_243, %add3A_292 : i32
      %dma_wait3A_294 = arith.constant 0 : i32
      %dma_wait3A_295 = tpu.memref_slice %arg6[%add3A_293, %dma_wait3A_294] : memref<80x128xi32, #tpu.memory_space<vmem>> -> memref<1x128xi32, #tpu.memory_space<vmem>>
      %dma_wait3A_296 = tpu.memref_squeeze %dma_wait3A_295 : memref<1x128xi32, #tpu.memory_space<vmem>> -> memref<128xi32, #tpu.memory_space<vmem>>
      %dma_wait3A_297 = arith.constant 0 : i32
      %dma_wait3A_298 = arith.constant 0 : i32
      %dma_wait3A_299 = tpu.memref_slice %arg2[%dma_wait3A_297, %dma_wait3A_298] : memref<10240x64xf32, #tpu.memory_space<hbm>> -> memref<10240x64xf32, #tpu.memory_space<hbm>>
      tpu.wait_indirect_dma semaphore(%arg20 : memref<!tpu.dma_semaphore, #tpu.memory_space<semaphore_mem>>) src(%dma_wait3A_299 : memref<10240x64xf32, #tpu.memory_space<hbm>>) dst(%arg11 : memref<128x64xf32, #tpu.memory_space<vmem>>)
      %add3A_300 = arith.constant 3 : i32
      %add3A_301 = arith.addi %add3A_243, %add3A_300 : i32
      %dma_start3A_302 = arith.constant 0 : i32
      %dma_start3A_303 = tpu.memref_slice %arg7[%add3A_301, %dma_start3A_302] : memref<80x128xi32, #tpu.memory_space<vmem>> -> memref<1x128xi32, #tpu.memory_space<vmem>>
      %dma_start3A_304 = tpu.memref_squeeze %dma_start3A_303 : memref<1x128xi32, #tpu.memory_space<vmem>> -> memref<128xi32, #tpu.memory_space<vmem>>
      %dma_start3A_305 = arith.constant 0 : i32
      %dma_start3A_306 = arith.constant 0 : i32
      %dma_start3A_307 = tpu.memref_slice %arg16[%dma_start3A_305, %dma_start3A_306] : memref<10240x64xf32, #tpu.memory_space<vmem_shared>> -> memref<10240x64xf32, #tpu.memory_space<vmem_shared>>
      tpu.enqueue_indirect_dma source(%arg11 : memref<128x64xf32, #tpu.memory_space<vmem>>) target(%dma_start3A_307 : memref<10240x64xf32, #tpu.memory_space<vmem_shared>>) offsets(%dma_start3A_304 : memref<128xi32, #tpu.memory_space<vmem>>) semaphore(%arg28 : memref<!tpu.dma_semaphore, #tpu.memory_space<semaphore_mem>>) {add = true}
      %add3A_308 = arith.constant 4 : i32
      %add3A_309 = arith.addi %add3A_243, %add3A_308 : i32
      %dma_wait3A_310 = arith.constant 0 : i32
      %dma_wait3A_311 = tpu.memref_slice %arg6[%add3A_309, %dma_wait3A_310] : memref<80x128xi32, #tpu.memory_space<vmem>> -> memref<1x128xi32, #tpu.memory_space<vmem>>
      %dma_wait3A_312 = tpu.memref_squeeze %dma_wait3A_311 : memref<1x128xi32, #tpu.memory_space<vmem>> -> memref<128xi32, #tpu.memory_space<vmem>>
      %dma_wait3A_313 = arith.constant 0 : i32
      %dma_wait3A_314 = arith.constant 0 : i32
      %dma_wait3A_315 = tpu.memref_slice %arg2[%dma_wait3A_313, %dma_wait3A_314] : memref<10240x64xf32, #tpu.memory_space<hbm>> -> memref<10240x64xf32, #tpu.memory_space<hbm>>
      tpu.wait_indirect_dma semaphore(%arg21 : memref<!tpu.dma_semaphore, #tpu.memory_space<semaphore_mem>>) src(%dma_wait3A_315 : memref<10240x64xf32, #tpu.memory_space<hbm>>) dst(%arg12 : memref<128x64xf32, #tpu.memory_space<vmem>>)
      %add3A_316 = arith.constant 4 : i32
      %add3A_317 = arith.addi %add3A_243, %add3A_316 : i32
      %dma_start3A_318 = arith.constant 0 : i32
      %dma_start3A_319 = tpu.memref_slice %arg7[%add3A_317, %dma_start3A_318] : memref<80x128xi32, #tpu.memory_space<vmem>> -> memref<1x128xi32, #tpu.memory_space<vmem>>
      %dma_start3A_320 = tpu.memref_squeeze %dma_start3A_319 : memref<1x128xi32, #tpu.memory_space<vmem>> -> memref<128xi32, #tpu.memory_space<vmem>>
      %dma_start3A_321 = arith.constant 0 : i32
      %dma_start3A_322 = arith.constant 0 : i32
      %dma_start3A_323 = tpu.memref_slice %arg16[%dma_start3A_321, %dma_start3A_322] : memref<10240x64xf32, #tpu.memory_space<vmem_shared>> -> memref<10240x64xf32, #tpu.memory_space<vmem_shared>>
      tpu.enqueue_indirect_dma source(%arg12 : memref<128x64xf32, #tpu.memory_space<vmem>>) target(%dma_start3A_323 : memref<10240x64xf32, #tpu.memory_space<vmem_shared>>) offsets(%dma_start3A_320 : memref<128xi32, #tpu.memory_space<vmem>>) semaphore(%arg29 : memref<!tpu.dma_semaphore, #tpu.memory_space<semaphore_mem>>) {add = true}
      %add3A_324 = arith.constant 5 : i32
      %add3A_325 = arith.addi %add3A_243, %add3A_324 : i32
      %dma_wait3A_326 = arith.constant 0 : i32
      %dma_wait3A_327 = tpu.memref_slice %arg6[%add3A_325, %dma_wait3A_326] : memref<80x128xi32, #tpu.memory_space<vmem>> -> memref<1x128xi32, #tpu.memory_space<vmem>>
      %dma_wait3A_328 = tpu.memref_squeeze %dma_wait3A_327 : memref<1x128xi32, #tpu.memory_space<vmem>> -> memref<128xi32, #tpu.memory_space<vmem>>
      %dma_wait3A_329 = arith.constant 0 : i32
      %dma_wait3A_330 = arith.constant 0 : i32
      %dma_wait3A_331 = tpu.memref_slice %arg2[%dma_wait3A_329, %dma_wait3A_330] : memref<10240x64xf32, #tpu.memory_space<hbm>> -> memref<10240x64xf32, #tpu.memory_space<hbm>>
      tpu.wait_indirect_dma semaphore(%arg22 : memref<!tpu.dma_semaphore, #tpu.memory_space<semaphore_mem>>) src(%dma_wait3A_331 : memref<10240x64xf32, #tpu.memory_space<hbm>>) dst(%arg13 : memref<128x64xf32, #tpu.memory_space<vmem>>)
      %add3A_332 = arith.constant 5 : i32
      %add3A_333 = arith.addi %add3A_243, %add3A_332 : i32
      %dma_start3A_334 = arith.constant 0 : i32
      %dma_start3A_335 = tpu.memref_slice %arg7[%add3A_333, %dma_start3A_334] : memref<80x128xi32, #tpu.memory_space<vmem>> -> memref<1x128xi32, #tpu.memory_space<vmem>>
      %dma_start3A_336 = tpu.memref_squeeze %dma_start3A_335 : memref<1x128xi32, #tpu.memory_space<vmem>> -> memref<128xi32, #tpu.memory_space<vmem>>
      %dma_start3A_337 = arith.constant 0 : i32
      %dma_start3A_338 = arith.constant 0 : i32
      %dma_start3A_339 = tpu.memref_slice %arg16[%dma_start3A_337, %dma_start3A_338] : memref<10240x64xf32, #tpu.memory_space<vmem_shared>> -> memref<10240x64xf32, #tpu.memory_space<vmem_shared>>
      tpu.enqueue_indirect_dma source(%arg13 : memref<128x64xf32, #tpu.memory_space<vmem>>) target(%dma_start3A_339 : memref<10240x64xf32, #tpu.memory_space<vmem_shared>>) offsets(%dma_start3A_336 : memref<128xi32, #tpu.memory_space<vmem>>) semaphore(%arg30 : memref<!tpu.dma_semaphore, #tpu.memory_space<semaphore_mem>>) {add = true}
      %add3A_340 = arith.constant 6 : i32
      %add3A_341 = arith.addi %add3A_243, %add3A_340 : i32
      %dma_wait3A_342 = arith.constant 0 : i32
      %dma_wait3A_343 = tpu.memref_slice %arg6[%add3A_341, %dma_wait3A_342] : memref<80x128xi32, #tpu.memory_space<vmem>> -> memref<1x128xi32, #tpu.memory_space<vmem>>
      %dma_wait3A_344 = tpu.memref_squeeze %dma_wait3A_343 : memref<1x128xi32, #tpu.memory_space<vmem>> -> memref<128xi32, #tpu.memory_space<vmem>>
      %dma_wait3A_345 = arith.constant 0 : i32
      %dma_wait3A_346 = arith.constant 0 : i32
      %dma_wait3A_347 = tpu.memref_slice %arg2[%dma_wait3A_345, %dma_wait3A_346] : memref<10240x64xf32, #tpu.memory_space<hbm>> -> memref<10240x64xf32, #tpu.memory_space<hbm>>
      tpu.wait_indirect_dma semaphore(%arg23 : memref<!tpu.dma_semaphore, #tpu.memory_space<semaphore_mem>>) src(%dma_wait3A_347 : memref<10240x64xf32, #tpu.memory_space<hbm>>) dst(%arg14 : memref<128x64xf32, #tpu.memory_space<vmem>>)
      %add3A_348 = arith.constant 6 : i32
      %add3A_349 = arith.addi %add3A_243, %add3A_348 : i32
      %dma_start3A_350 = arith.constant 0 : i32
      %dma_start3A_351 = tpu.memref_slice %arg7[%add3A_349, %dma_start3A_350] : memref<80x128xi32, #tpu.memory_space<vmem>> -> memref<1x128xi32, #tpu.memory_space<vmem>>
      %dma_start3A_352 = tpu.memref_squeeze %dma_start3A_351 : memref<1x128xi32, #tpu.memory_space<vmem>> -> memref<128xi32, #tpu.memory_space<vmem>>
      %dma_start3A_353 = arith.constant 0 : i32
      %dma_start3A_354 = arith.constant 0 : i32
      %dma_start3A_355 = tpu.memref_slice %arg16[%dma_start3A_353, %dma_start3A_354] : memref<10240x64xf32, #tpu.memory_space<vmem_shared>> -> memref<10240x64xf32, #tpu.memory_space<vmem_shared>>
      tpu.enqueue_indirect_dma source(%arg14 : memref<128x64xf32, #tpu.memory_space<vmem>>) target(%dma_start3A_355 : memref<10240x64xf32, #tpu.memory_space<vmem_shared>>) offsets(%dma_start3A_352 : memref<128xi32, #tpu.memory_space<vmem>>) semaphore(%arg31 : memref<!tpu.dma_semaphore, #tpu.memory_space<semaphore_mem>>) {add = true}
      %add3A_356 = arith.constant 7 : i32
      %add3A_357 = arith.addi %add3A_243, %add3A_356 : i32
      %dma_wait3A_358 = arith.constant 0 : i32
      %dma_wait3A_359 = tpu.memref_slice %arg6[%add3A_357, %dma_wait3A_358] : memref<80x128xi32, #tpu.memory_space<vmem>> -> memref<1x128xi32, #tpu.memory_space<vmem>>
      %dma_wait3A_360 = tpu.memref_squeeze %dma_wait3A_359 : memref<1x128xi32, #tpu.memory_space<vmem>> -> memref<128xi32, #tpu.memory_space<vmem>>
      %dma_wait3A_361 = arith.constant 0 : i32
      %dma_wait3A_362 = arith.constant 0 : i32
      %dma_wait3A_363 = tpu.memref_slice %arg2[%dma_wait3A_361, %dma_wait3A_362] : memref<10240x64xf32, #tpu.memory_space<hbm>> -> memref<10240x64xf32, #tpu.memory_space<hbm>>
      tpu.wait_indirect_dma semaphore(%arg24 : memref<!tpu.dma_semaphore, #tpu.memory_space<semaphore_mem>>) src(%dma_wait3A_363 : memref<10240x64xf32, #tpu.memory_space<hbm>>) dst(%arg15 : memref<128x64xf32, #tpu.memory_space<vmem>>)
      %add3A_364 = arith.constant 7 : i32
      %add3A_365 = arith.addi %add3A_243, %add3A_364 : i32
      %dma_start3A_366 = arith.constant 0 : i32
      %dma_start3A_367 = tpu.memref_slice %arg7[%add3A_365, %dma_start3A_366] : memref<80x128xi32, #tpu.memory_space<vmem>> -> memref<1x128xi32, #tpu.memory_space<vmem>>
      %dma_start3A_368 = tpu.memref_squeeze %dma_start3A_367 : memref<1x128xi32, #tpu.memory_space<vmem>> -> memref<128xi32, #tpu.memory_space<vmem>>
      %dma_start3A_369 = arith.constant 0 : i32
      %dma_start3A_370 = arith.constant 0 : i32
      %dma_start3A_371 = tpu.memref_slice %arg16[%dma_start3A_369, %dma_start3A_370] : memref<10240x64xf32, #tpu.memory_space<vmem_shared>> -> memref<10240x64xf32, #tpu.memory_space<vmem_shared>>
      tpu.enqueue_indirect_dma source(%arg15 : memref<128x64xf32, #tpu.memory_space<vmem>>) target(%dma_start3A_371 : memref<10240x64xf32, #tpu.memory_space<vmem_shared>>) offsets(%dma_start3A_368 : memref<128xi32, #tpu.memory_space<vmem>>) semaphore(%arg32 : memref<!tpu.dma_semaphore, #tpu.memory_space<semaphore_mem>>) {add = true}
      %dma_wait3A_372 = arith.constant 0 : i32
      %dma_wait3A_373 = arith.constant 0 : i32
      %dma_wait3A_374 = tpu.memref_slice %arg7[%dma_wait3A_372, %dma_wait3A_373] : memref<80x128xi32, #tpu.memory_space<vmem>> -> memref<1x128xi32, #tpu.memory_space<vmem>>
      %dma_wait3A_375 = tpu.memref_squeeze %dma_wait3A_374 : memref<1x128xi32, #tpu.memory_space<vmem>> -> memref<128xi32, #tpu.memory_space<vmem>>
      %dma_wait3A_376 = arith.constant 0 : i32
      %dma_wait3A_377 = arith.constant 0 : i32
      %dma_wait3A_378 = tpu.memref_slice %arg16[%dma_wait3A_376, %dma_wait3A_377] : memref<10240x64xf32, #tpu.memory_space<vmem_shared>> -> memref<10240x64xf32, #tpu.memory_space<vmem_shared>>
      tpu.wait_indirect_dma semaphore(%arg25 : memref<!tpu.dma_semaphore, #tpu.memory_space<semaphore_mem>>) src(%arg8 : memref<128x64xf32, #tpu.memory_space<vmem>>) dst(%dma_wait3A_378 : memref<10240x64xf32, #tpu.memory_space<vmem_shared>>)
      %add3A_379 = arith.constant 8 : i32
      %add3A_380 = arith.addi %add3A_243, %add3A_379 : i32
      %add3A_381 = arith.constant 0 : i32
      %add3A_382 = arith.addi %add3A_380, %add3A_381 : i32
      %dma_start3A_383 = arith.constant 0 : i32
      %dma_start3A_384 = tpu.memref_slice %arg6[%add3A_382, %dma_start3A_383] : memref<80x128xi32, #tpu.memory_space<vmem>> -> memref<1x128xi32, #tpu.memory_space<vmem>>
      %dma_start3A_385 = tpu.memref_squeeze %dma_start3A_384 : memref<1x128xi32, #tpu.memory_space<vmem>> -> memref<128xi32, #tpu.memory_space<vmem>>
      %dma_start3A_386 = arith.constant 0 : i32
      %dma_start3A_387 = arith.constant 0 : i32
      %dma_start3A_388 = tpu.memref_slice %arg2[%dma_start3A_386, %dma_start3A_387] : memref<10240x64xf32, #tpu.memory_space<hbm>> -> memref<10240x64xf32, #tpu.memory_space<hbm>>
      tpu.enqueue_indirect_dma source(%dma_start3A_388 : memref<10240x64xf32, #tpu.memory_space<hbm>>) target(%arg8 : memref<128x64xf32, #tpu.memory_space<vmem>>) offsets(%dma_start3A_385 : memref<128xi32, #tpu.memory_space<vmem>>) semaphore(%arg17 : memref<!tpu.dma_semaphore, #tpu.memory_space<semaphore_mem>>)
      %dma_wait3A_389 = arith.constant 0 : i32
      %dma_wait3A_390 = arith.constant 0 : i32
      %dma_wait3A_391 = tpu.memref_slice %arg7[%dma_wait3A_389, %dma_wait3A_390] : memref<80x128xi32, #tpu.memory_space<vmem>> -> memref<1x128xi32, #tpu.memory_space<vmem>>
      %dma_wait3A_392 = tpu.memref_squeeze %dma_wait3A_391 : memref<1x128xi32, #tpu.memory_space<vmem>> -> memref<128xi32, #tpu.memory_space<vmem>>
      %dma_wait3A_393 = arith.constant 0 : i32
      %dma_wait3A_394 = arith.constant 0 : i32
      %dma_wait3A_395 = tpu.memref_slice %arg16[%dma_wait3A_393, %dma_wait3A_394] : memref<10240x64xf32, #tpu.memory_space<vmem_shared>> -> memref<10240x64xf32, #tpu.memory_space<vmem_shared>>
      tpu.wait_indirect_dma semaphore(%arg26 : memref<!tpu.dma_semaphore, #tpu.memory_space<semaphore_mem>>) src(%arg9 : memref<128x64xf32, #tpu.memory_space<vmem>>) dst(%dma_wait3A_395 : memref<10240x64xf32, #tpu.memory_space<vmem_shared>>)
      %add3A_396 = arith.constant 8 : i32
      %add3A_397 = arith.addi %add3A_243, %add3A_396 : i32
      %add3A_398 = arith.constant 1 : i32
      %add3A_399 = arith.addi %add3A_397, %add3A_398 : i32
      %dma_start3A_400 = arith.constant 0 : i32
      %dma_start3A_401 = tpu.memref_slice %arg6[%add3A_399, %dma_start3A_400] : memref<80x128xi32, #tpu.memory_space<vmem>> -> memref<1x128xi32, #tpu.memory_space<vmem>>
      %dma_start3A_402 = tpu.memref_squeeze %dma_start3A_401 : memref<1x128xi32, #tpu.memory_space<vmem>> -> memref<128xi32, #tpu.memory_space<vmem>>
      %dma_start3A_403 = arith.constant 0 : i32
      %dma_start3A_404 = arith.constant 0 : i32
      %dma_start3A_405 = tpu.memref_slice %arg2[%dma_start3A_403, %dma_start3A_404] : memref<10240x64xf32, #tpu.memory_space<hbm>> -> memref<10240x64xf32, #tpu.memory_space<hbm>>
      tpu.enqueue_indirect_dma source(%dma_start3A_405 : memref<10240x64xf32, #tpu.memory_space<hbm>>) target(%arg9 : memref<128x64xf32, #tpu.memory_space<vmem>>) offsets(%dma_start3A_402 : memref<128xi32, #tpu.memory_space<vmem>>) semaphore(%arg18 : memref<!tpu.dma_semaphore, #tpu.memory_space<semaphore_mem>>)
      %dma_wait3A_406 = arith.constant 0 : i32
      %dma_wait3A_407 = arith.constant 0 : i32
      %dma_wait3A_408 = tpu.memref_slice %arg7[%dma_wait3A_406, %dma_wait3A_407] : memref<80x128xi32, #tpu.memory_space<vmem>> -> memref<1x128xi32, #tpu.memory_space<vmem>>
      %dma_wait3A_409 = tpu.memref_squeeze %dma_wait3A_408 : memref<1x128xi32, #tpu.memory_space<vmem>> -> memref<128xi32, #tpu.memory_space<vmem>>
      %dma_wait3A_410 = arith.constant 0 : i32
      %dma_wait3A_411 = arith.constant 0 : i32
      %dma_wait3A_412 = tpu.memref_slice %arg16[%dma_wait3A_410, %dma_wait3A_411] : memref<10240x64xf32, #tpu.memory_space<vmem_shared>> -> memref<10240x64xf32, #tpu.memory_space<vmem_shared>>
      tpu.wait_indirect_dma semaphore(%arg27 : memref<!tpu.dma_semaphore, #tpu.memory_space<semaphore_mem>>) src(%arg10 : memref<128x64xf32, #tpu.memory_space<vmem>>) dst(%dma_wait3A_412 : memref<10240x64xf32, #tpu.memory_space<vmem_shared>>)
      %add3A_413 = arith.constant 8 : i32
      %add3A_414 = arith.addi %add3A_243, %add3A_413 : i32
      %add3A_415 = arith.constant 2 : i32
      %add3A_416 = arith.addi %add3A_414, %add3A_415 : i32
      %dma_start3A_417 = arith.constant 0 : i32
      %dma_start3A_418 = tpu.memref_slice %arg6[%add3A_416, %dma_start3A_417] : memref<80x128xi32, #tpu.memory_space<vmem>> -> memref<1x128xi32, #tpu.memory_space<vmem>>
      %dma_start3A_419 = tpu.memref_squeeze %dma_start3A_418 : memref<1x128xi32, #tpu.memory_space<vmem>> -> memref<128xi32, #tpu.memory_space<vmem>>
      %dma_start3A_420 = arith.constant 0 : i32
      %dma_start3A_421 = arith.constant 0 : i32
      %dma_start3A_422 = tpu.memref_slice %arg2[%dma_start3A_420, %dma_start3A_421] : memref<10240x64xf32, #tpu.memory_space<hbm>> -> memref<10240x64xf32, #tpu.memory_space<hbm>>
      tpu.enqueue_indirect_dma source(%dma_start3A_422 : memref<10240x64xf32, #tpu.memory_space<hbm>>) target(%arg10 : memref<128x64xf32, #tpu.memory_space<vmem>>) offsets(%dma_start3A_419 : memref<128xi32, #tpu.memory_space<vmem>>) semaphore(%arg19 : memref<!tpu.dma_semaphore, #tpu.memory_space<semaphore_mem>>)
      %dma_wait3A_423 = arith.constant 0 : i32
      %dma_wait3A_424 = arith.constant 0 : i32
      %dma_wait3A_425 = tpu.memref_slice %arg7[%dma_wait3A_423, %dma_wait3A_424] : memref<80x128xi32, #tpu.memory_space<vmem>> -> memref<1x128xi32, #tpu.memory_space<vmem>>
      %dma_wait3A_426 = tpu.memref_squeeze %dma_wait3A_425 : memref<1x128xi32, #tpu.memory_space<vmem>> -> memref<128xi32, #tpu.memory_space<vmem>>
      %dma_wait3A_427 = arith.constant 0 : i32
      %dma_wait3A_428 = arith.constant 0 : i32
      %dma_wait3A_429 = tpu.memref_slice %arg16[%dma_wait3A_427, %dma_wait3A_428] : memref<10240x64xf32, #tpu.memory_space<vmem_shared>> -> memref<10240x64xf32, #tpu.memory_space<vmem_shared>>
      tpu.wait_indirect_dma semaphore(%arg28 : memref<!tpu.dma_semaphore, #tpu.memory_space<semaphore_mem>>) src(%arg11 : memref<128x64xf32, #tpu.memory_space<vmem>>) dst(%dma_wait3A_429 : memref<10240x64xf32, #tpu.memory_space<vmem_shared>>)
      %add3A_430 = arith.constant 8 : i32
      %add3A_431 = arith.addi %add3A_243, %add3A_430 : i32
      %add3A_432 = arith.constant 3 : i32
      %add3A_433 = arith.addi %add3A_431, %add3A_432 : i32
      %dma_start3A_434 = arith.constant 0 : i32
      %dma_start3A_435 = tpu.memref_slice %arg6[%add3A_433, %dma_start3A_434] : memref<80x128xi32, #tpu.memory_space<vmem>> -> memref<1x128xi32, #tpu.memory_space<vmem>>
      %dma_start3A_436 = tpu.memref_squeeze %dma_start3A_435 : memref<1x128xi32, #tpu.memory_space<vmem>> -> memref<128xi32, #tpu.memory_space<vmem>>
      %dma_start3A_437 = arith.constant 0 : i32
      %dma_start3A_438 = arith.constant 0 : i32
      %dma_start3A_439 = tpu.memref_slice %arg2[%dma_start3A_437, %dma_start3A_438] : memref<10240x64xf32, #tpu.memory_space<hbm>> -> memref<10240x64xf32, #tpu.memory_space<hbm>>
      tpu.enqueue_indirect_dma source(%dma_start3A_439 : memref<10240x64xf32, #tpu.memory_space<hbm>>) target(%arg11 : memref<128x64xf32, #tpu.memory_space<vmem>>) offsets(%dma_start3A_436 : memref<128xi32, #tpu.memory_space<vmem>>) semaphore(%arg20 : memref<!tpu.dma_semaphore, #tpu.memory_space<semaphore_mem>>)
      %dma_wait3A_440 = arith.constant 0 : i32
      %dma_wait3A_441 = arith.constant 0 : i32
      %dma_wait3A_442 = tpu.memref_slice %arg7[%dma_wait3A_440, %dma_wait3A_441] : memref<80x128xi32, #tpu.memory_space<vmem>> -> memref<1x128xi32, #tpu.memory_space<vmem>>
      %dma_wait3A_443 = tpu.memref_squeeze %dma_wait3A_442 : memref<1x128xi32, #tpu.memory_space<vmem>> -> memref<128xi32, #tpu.memory_space<vmem>>
      %dma_wait3A_444 = arith.constant 0 : i32
      %dma_wait3A_445 = arith.constant 0 : i32
      %dma_wait3A_446 = tpu.memref_slice %arg16[%dma_wait3A_444, %dma_wait3A_445] : memref<10240x64xf32, #tpu.memory_space<vmem_shared>> -> memref<10240x64xf32, #tpu.memory_space<vmem_shared>>
      tpu.wait_indirect_dma semaphore(%arg29 : memref<!tpu.dma_semaphore, #tpu.memory_space<semaphore_mem>>) src(%arg12 : memref<128x64xf32, #tpu.memory_space<vmem>>) dst(%dma_wait3A_446 : memref<10240x64xf32, #tpu.memory_space<vmem_shared>>)
      %add3A_447 = arith.constant 8 : i32
      %add3A_448 = arith.addi %add3A_243, %add3A_447 : i32
      %add3A_449 = arith.constant 4 : i32
      %add3A_450 = arith.addi %add3A_448, %add3A_449 : i32
      %dma_start3A_451 = arith.constant 0 : i32
      %dma_start3A_452 = tpu.memref_slice %arg6[%add3A_450, %dma_start3A_451] : memref<80x128xi32, #tpu.memory_space<vmem>> -> memref<1x128xi32, #tpu.memory_space<vmem>>
      %dma_start3A_453 = tpu.memref_squeeze %dma_start3A_452 : memref<1x128xi32, #tpu.memory_space<vmem>> -> memref<128xi32, #tpu.memory_space<vmem>>
      %dma_start3A_454 = arith.constant 0 : i32
      %dma_start3A_455 = arith.constant 0 : i32
      %dma_start3A_456 = tpu.memref_slice %arg2[%dma_start3A_454, %dma_start3A_455] : memref<10240x64xf32, #tpu.memory_space<hbm>> -> memref<10240x64xf32, #tpu.memory_space<hbm>>
      tpu.enqueue_indirect_dma source(%dma_start3A_456 : memref<10240x64xf32, #tpu.memory_space<hbm>>) target(%arg12 : memref<128x64xf32, #tpu.memory_space<vmem>>) offsets(%dma_start3A_453 : memref<128xi32, #tpu.memory_space<vmem>>) semaphore(%arg21 : memref<!tpu.dma_semaphore, #tpu.memory_space<semaphore_mem>>)
      %dma_wait3A_457 = arith.constant 0 : i32
      %dma_wait3A_458 = arith.constant 0 : i32
      %dma_wait3A_459 = tpu.memref_slice %arg7[%dma_wait3A_457, %dma_wait3A_458] : memref<80x128xi32, #tpu.memory_space<vmem>> -> memref<1x128xi32, #tpu.memory_space<vmem>>
      %dma_wait3A_460 = tpu.memref_squeeze %dma_wait3A_459 : memref<1x128xi32, #tpu.memory_space<vmem>> -> memref<128xi32, #tpu.memory_space<vmem>>
      %dma_wait3A_461 = arith.constant 0 : i32
      %dma_wait3A_462 = arith.constant 0 : i32
      %dma_wait3A_463 = tpu.memref_slice %arg16[%dma_wait3A_461, %dma_wait3A_462] : memref<10240x64xf32, #tpu.memory_space<vmem_shared>> -> memref<10240x64xf32, #tpu.memory_space<vmem_shared>>
      tpu.wait_indirect_dma semaphore(%arg30 : memref<!tpu.dma_semaphore, #tpu.memory_space<semaphore_mem>>) src(%arg13 : memref<128x64xf32, #tpu.memory_space<vmem>>) dst(%dma_wait3A_463 : memref<10240x64xf32, #tpu.memory_space<vmem_shared>>)
      %add3A_464 = arith.constant 8 : i32
      %add3A_465 = arith.addi %add3A_243, %add3A_464 : i32
      %add3A_466 = arith.constant 5 : i32
      %add3A_467 = arith.addi %add3A_465, %add3A_466 : i32
      %dma_start3A_468 = arith.constant 0 : i32
      %dma_start3A_469 = tpu.memref_slice %arg6[%add3A_467, %dma_start3A_468] : memref<80x128xi32, #tpu.memory_space<vmem>> -> memref<1x128xi32, #tpu.memory_space<vmem>>
      %dma_start3A_470 = tpu.memref_squeeze %dma_start3A_469 : memref<1x128xi32, #tpu.memory_space<vmem>> -> memref<128xi32, #tpu.memory_space<vmem>>
      %dma_start3A_471 = arith.constant 0 : i32
      %dma_start3A_472 = arith.constant 0 : i32
      %dma_start3A_473 = tpu.memref_slice %arg2[%dma_start3A_471, %dma_start3A_472] : memref<10240x64xf32, #tpu.memory_space<hbm>> -> memref<10240x64xf32, #tpu.memory_space<hbm>>
      tpu.enqueue_indirect_dma source(%dma_start3A_473 : memref<10240x64xf32, #tpu.memory_space<hbm>>) target(%arg13 : memref<128x64xf32, #tpu.memory_space<vmem>>) offsets(%dma_start3A_470 : memref<128xi32, #tpu.memory_space<vmem>>) semaphore(%arg22 : memref<!tpu.dma_semaphore, #tpu.memory_space<semaphore_mem>>)
      %dma_wait3A_474 = arith.constant 0 : i32
      %dma_wait3A_475 = arith.constant 0 : i32
      %dma_wait3A_476 = tpu.memref_slice %arg7[%dma_wait3A_474, %dma_wait3A_475] : memref<80x128xi32, #tpu.memory_space<vmem>> -> memref<1x128xi32, #tpu.memory_space<vmem>>
      %dma_wait3A_477 = tpu.memref_squeeze %dma_wait3A_476 : memref<1x128xi32, #tpu.memory_space<vmem>> -> memref<128xi32, #tpu.memory_space<vmem>>
      %dma_wait3A_478 = arith.constant 0 : i32
      %dma_wait3A_479 = arith.constant 0 : i32
      %dma_wait3A_480 = tpu.memref_slice %arg16[%dma_wait3A_478, %dma_wait3A_479] : memref<10240x64xf32, #tpu.memory_space<vmem_shared>> -> memref<10240x64xf32, #tpu.memory_space<vmem_shared>>
      tpu.wait_indirect_dma semaphore(%arg31 : memref<!tpu.dma_semaphore, #tpu.memory_space<semaphore_mem>>) src(%arg14 : memref<128x64xf32, #tpu.memory_space<vmem>>) dst(%dma_wait3A_480 : memref<10240x64xf32, #tpu.memory_space<vmem_shared>>)
      %add3A_481 = arith.constant 8 : i32
      %add3A_482 = arith.addi %add3A_243, %add3A_481 : i32
      %add3A_483 = arith.constant 6 : i32
      %add3A_484 = arith.addi %add3A_482, %add3A_483 : i32
      %dma_start3A_485 = arith.constant 0 : i32
      %dma_start3A_486 = tpu.memref_slice %arg6[%add3A_484, %dma_start3A_485] : memref<80x128xi32, #tpu.memory_space<vmem>> -> memref<1x128xi32, #tpu.memory_space<vmem>>
      %dma_start3A_487 = tpu.memref_squeeze %dma_start3A_486 : memref<1x128xi32, #tpu.memory_space<vmem>> -> memref<128xi32, #tpu.memory_space<vmem>>
      %dma_start3A_488 = arith.constant 0 : i32
      %dma_start3A_489 = arith.constant 0 : i32
      %dma_start3A_490 = tpu.memref_slice %arg2[%dma_start3A_488, %dma_start3A_489] : memref<10240x64xf32, #tpu.memory_space<hbm>> -> memref<10240x64xf32, #tpu.memory_space<hbm>>
      tpu.enqueue_indirect_dma source(%dma_start3A_490 : memref<10240x64xf32, #tpu.memory_space<hbm>>) target(%arg14 : memref<128x64xf32, #tpu.memory_space<vmem>>) offsets(%dma_start3A_487 : memref<128xi32, #tpu.memory_space<vmem>>) semaphore(%arg23 : memref<!tpu.dma_semaphore, #tpu.memory_space<semaphore_mem>>)
      %dma_wait3A_491 = arith.constant 0 : i32
      %dma_wait3A_492 = arith.constant 0 : i32
      %dma_wait3A_493 = tpu.memref_slice %arg7[%dma_wait3A_491, %dma_wait3A_492] : memref<80x128xi32, #tpu.memory_space<vmem>> -> memref<1x128xi32, #tpu.memory_space<vmem>>
      %dma_wait3A_494 = tpu.memref_squeeze %dma_wait3A_493 : memref<1x128xi32, #tpu.memory_space<vmem>> -> memref<128xi32, #tpu.memory_space<vmem>>
      %dma_wait3A_495 = arith.constant 0 : i32
      %dma_wait3A_496 = arith.constant 0 : i32
      %dma_wait3A_497 = tpu.memref_slice %arg16[%dma_wait3A_495, %dma_wait3A_496] : memref<10240x64xf32, #tpu.memory_space<vmem_shared>> -> memref<10240x64xf32, #tpu.memory_space<vmem_shared>>
      tpu.wait_indirect_dma semaphore(%arg32 : memref<!tpu.dma_semaphore, #tpu.memory_space<semaphore_mem>>) src(%arg15 : memref<128x64xf32, #tpu.memory_space<vmem>>) dst(%dma_wait3A_497 : memref<10240x64xf32, #tpu.memory_space<vmem_shared>>)
      %add3A_498 = arith.constant 8 : i32
      %add3A_499 = arith.addi %add3A_243, %add3A_498 : i32
      %add3A_500 = arith.constant 7 : i32
      %add3A_501 = arith.addi %add3A_499, %add3A_500 : i32
      %dma_start3A_502 = arith.constant 0 : i32
      %dma_start3A_503 = tpu.memref_slice %arg6[%add3A_501, %dma_start3A_502] : memref<80x128xi32, #tpu.memory_space<vmem>> -> memref<1x128xi32, #tpu.memory_space<vmem>>
      %dma_start3A_504 = tpu.memref_squeeze %dma_start3A_503 : memref<1x128xi32, #tpu.memory_space<vmem>> -> memref<128xi32, #tpu.memory_space<vmem>>
      %dma_start3A_505 = arith.constant 0 : i32
      %dma_start3A_506 = arith.constant 0 : i32
      %dma_start3A_507 = tpu.memref_slice %arg2[%dma_start3A_505, %dma_start3A_506] : memref<10240x64xf32, #tpu.memory_space<hbm>> -> memref<10240x64xf32, #tpu.memory_space<hbm>>
      tpu.enqueue_indirect_dma source(%dma_start3A_507 : memref<10240x64xf32, #tpu.memory_space<hbm>>) target(%arg15 : memref<128x64xf32, #tpu.memory_space<vmem>>) offsets(%dma_start3A_504 : memref<128xi32, #tpu.memory_space<vmem>>) semaphore(%arg24 : memref<!tpu.dma_semaphore, #tpu.memory_space<semaphore_mem>>)
    }
    %scan3A_66 = arith.constant 9 : i32
    %dma_wait3A = arith.constant 72 : i32
    %dma_wait3A_67 = arith.constant 0 : i32
    %dma_wait3A_68 = tpu.memref_slice %arg6[%dma_wait3A, %dma_wait3A_67] : memref<80x128xi32, #tpu.memory_space<vmem>> -> memref<1x128xi32, #tpu.memory_space<vmem>>
    %dma_wait3A_69 = tpu.memref_squeeze %dma_wait3A_68 : memref<1x128xi32, #tpu.memory_space<vmem>> -> memref<128xi32, #tpu.memory_space<vmem>>
    %dma_wait3A_70 = arith.constant 0 : i32
    %dma_wait3A_71 = arith.constant 0 : i32
    %dma_wait3A_72 = tpu.memref_slice %arg2[%dma_wait3A_70, %dma_wait3A_71] : memref<10240x64xf32, #tpu.memory_space<hbm>> -> memref<10240x64xf32, #tpu.memory_space<hbm>>
    tpu.wait_indirect_dma semaphore(%arg17 : memref<!tpu.dma_semaphore, #tpu.memory_space<semaphore_mem>>) src(%dma_wait3A_72 : memref<10240x64xf32, #tpu.memory_space<hbm>>) dst(%arg8 : memref<128x64xf32, #tpu.memory_space<vmem>>)
    %dma_start3A_73 = arith.constant 72 : i32
    %dma_start3A_74 = arith.constant 0 : i32
    %dma_start3A_75 = tpu.memref_slice %arg7[%dma_start3A_73, %dma_start3A_74] : memref<80x128xi32, #tpu.memory_space<vmem>> -> memref<1x128xi32, #tpu.memory_space<vmem>>
    %dma_start3A_76 = tpu.memref_squeeze %dma_start3A_75 : memref<1x128xi32, #tpu.memory_space<vmem>> -> memref<128xi32, #tpu.memory_space<vmem>>
    %dma_start3A_77 = arith.constant 0 : i32
    %dma_start3A_78 = arith.constant 0 : i32
    %dma_start3A_79 = tpu.memref_slice %arg16[%dma_start3A_77, %dma_start3A_78] : memref<10240x64xf32, #tpu.memory_space<vmem_shared>> -> memref<10240x64xf32, #tpu.memory_space<vmem_shared>>
    tpu.enqueue_indirect_dma source(%arg8 : memref<128x64xf32, #tpu.memory_space<vmem>>) target(%dma_start3A_79 : memref<10240x64xf32, #tpu.memory_space<vmem_shared>>) offsets(%dma_start3A_76 : memref<128xi32, #tpu.memory_space<vmem>>) semaphore(%arg25 : memref<!tpu.dma_semaphore, #tpu.memory_space<semaphore_mem>>) {add = true}
    %dma_wait3A_80 = arith.constant 73 : i32
    %dma_wait3A_81 = arith.constant 0 : i32
    %dma_wait3A_82 = tpu.memref_slice %arg6[%dma_wait3A_80, %dma_wait3A_81] : memref<80x128xi32, #tpu.memory_space<vmem>> -> memref<1x128xi32, #tpu.memory_space<vmem>>
    %dma_wait3A_83 = tpu.memref_squeeze %dma_wait3A_82 : memref<1x128xi32, #tpu.memory_space<vmem>> -> memref<128xi32, #tpu.memory_space<vmem>>
    %dma_wait3A_84 = arith.constant 0 : i32
    %dma_wait3A_85 = arith.constant 0 : i32
    %dma_wait3A_86 = tpu.memref_slice %arg2[%dma_wait3A_84, %dma_wait3A_85] : memref<10240x64xf32, #tpu.memory_space<hbm>> -> memref<10240x64xf32, #tpu.memory_space<hbm>>
    tpu.wait_indirect_dma semaphore(%arg18 : memref<!tpu.dma_semaphore, #tpu.memory_space<semaphore_mem>>) src(%dma_wait3A_86 : memref<10240x64xf32, #tpu.memory_space<hbm>>) dst(%arg9 : memref<128x64xf32, #tpu.memory_space<vmem>>)
    %dma_start3A_87 = arith.constant 73 : i32
    %dma_start3A_88 = arith.constant 0 : i32
    %dma_start3A_89 = tpu.memref_slice %arg7[%dma_start3A_87, %dma_start3A_88] : memref<80x128xi32, #tpu.memory_space<vmem>> -> memref<1x128xi32, #tpu.memory_space<vmem>>
    %dma_start3A_90 = tpu.memref_squeeze %dma_start3A_89 : memref<1x128xi32, #tpu.memory_space<vmem>> -> memref<128xi32, #tpu.memory_space<vmem>>
    %dma_start3A_91 = arith.constant 0 : i32
    %dma_start3A_92 = arith.constant 0 : i32
    %dma_start3A_93 = tpu.memref_slice %arg16[%dma_start3A_91, %dma_start3A_92] : memref<10240x64xf32, #tpu.memory_space<vmem_shared>> -> memref<10240x64xf32, #tpu.memory_space<vmem_shared>>
    tpu.enqueue_indirect_dma source(%arg9 : memref<128x64xf32, #tpu.memory_space<vmem>>) target(%dma_start3A_93 : memref<10240x64xf32, #tpu.memory_space<vmem_shared>>) offsets(%dma_start3A_90 : memref<128xi32, #tpu.memory_space<vmem>>) semaphore(%arg26 : memref<!tpu.dma_semaphore, #tpu.memory_space<semaphore_mem>>) {add = true}
    %dma_wait3A_94 = arith.constant 74 : i32
    %dma_wait3A_95 = arith.constant 0 : i32
    %dma_wait3A_96 = tpu.memref_slice %arg6[%dma_wait3A_94, %dma_wait3A_95] : memref<80x128xi32, #tpu.memory_space<vmem>> -> memref<1x128xi32, #tpu.memory_space<vmem>>
    %dma_wait3A_97 = tpu.memref_squeeze %dma_wait3A_96 : memref<1x128xi32, #tpu.memory_space<vmem>> -> memref<128xi32, #tpu.memory_space<vmem>>
    %dma_wait3A_98 = arith.constant 0 : i32
    %dma_wait3A_99 = arith.constant 0 : i32
    %dma_wait3A_100 = tpu.memref_slice %arg2[%dma_wait3A_98, %dma_wait3A_99] : memref<10240x64xf32, #tpu.memory_space<hbm>> -> memref<10240x64xf32, #tpu.memory_space<hbm>>
    tpu.wait_indirect_dma semaphore(%arg19 : memref<!tpu.dma_semaphore, #tpu.memory_space<semaphore_mem>>) src(%dma_wait3A_100 : memref<10240x64xf32, #tpu.memory_space<hbm>>) dst(%arg10 : memref<128x64xf32, #tpu.memory_space<vmem>>)
    %dma_start3A_101 = arith.constant 74 : i32
    %dma_start3A_102 = arith.constant 0 : i32
    %dma_start3A_103 = tpu.memref_slice %arg7[%dma_start3A_101, %dma_start3A_102] : memref<80x128xi32, #tpu.memory_space<vmem>> -> memref<1x128xi32, #tpu.memory_space<vmem>>
    %dma_start3A_104 = tpu.memref_squeeze %dma_start3A_103 : memref<1x128xi32, #tpu.memory_space<vmem>> -> memref<128xi32, #tpu.memory_space<vmem>>
    %dma_start3A_105 = arith.constant 0 : i32
    %dma_start3A_106 = arith.constant 0 : i32
    %dma_start3A_107 = tpu.memref_slice %arg16[%dma_start3A_105, %dma_start3A_106] : memref<10240x64xf32, #tpu.memory_space<vmem_shared>> -> memref<10240x64xf32, #tpu.memory_space<vmem_shared>>
    tpu.enqueue_indirect_dma source(%arg10 : memref<128x64xf32, #tpu.memory_space<vmem>>) target(%dma_start3A_107 : memref<10240x64xf32, #tpu.memory_space<vmem_shared>>) offsets(%dma_start3A_104 : memref<128xi32, #tpu.memory_space<vmem>>) semaphore(%arg27 : memref<!tpu.dma_semaphore, #tpu.memory_space<semaphore_mem>>) {add = true}
    %dma_wait3A_108 = arith.constant 75 : i32
    %dma_wait3A_109 = arith.constant 0 : i32
    %dma_wait3A_110 = tpu.memref_slice %arg6[%dma_wait3A_108, %dma_wait3A_109] : memref<80x128xi32, #tpu.memory_space<vmem>> -> memref<1x128xi32, #tpu.memory_space<vmem>>
    %dma_wait3A_111 = tpu.memref_squeeze %dma_wait3A_110 : memref<1x128xi32, #tpu.memory_space<vmem>> -> memref<128xi32, #tpu.memory_space<vmem>>
    %dma_wait3A_112 = arith.constant 0 : i32
    %dma_wait3A_113 = arith.constant 0 : i32
    %dma_wait3A_114 = tpu.memref_slice %arg2[%dma_wait3A_112, %dma_wait3A_113] : memref<10240x64xf32, #tpu.memory_space<hbm>> -> memref<10240x64xf32, #tpu.memory_space<hbm>>
    tpu.wait_indirect_dma semaphore(%arg20 : memref<!tpu.dma_semaphore, #tpu.memory_space<semaphore_mem>>) src(%dma_wait3A_114 : memref<10240x64xf32, #tpu.memory_space<hbm>>) dst(%arg11 : memref<128x64xf32, #tpu.memory_space<vmem>>)
    %dma_start3A_115 = arith.constant 75 : i32
    %dma_start3A_116 = arith.constant 0 : i32
    %dma_start3A_117 = tpu.memref_slice %arg7[%dma_start3A_115, %dma_start3A_116] : memref<80x128xi32, #tpu.memory_space<vmem>> -> memref<1x128xi32, #tpu.memory_space<vmem>>
    %dma_start3A_118 = tpu.memref_squeeze %dma_start3A_117 : memref<1x128xi32, #tpu.memory_space<vmem>> -> memref<128xi32, #tpu.memory_space<vmem>>
    %dma_start3A_119 = arith.constant 0 : i32
    %dma_start3A_120 = arith.constant 0 : i32
    %dma_start3A_121 = tpu.memref_slice %arg16[%dma_start3A_119, %dma_start3A_120] : memref<10240x64xf32, #tpu.memory_space<vmem_shared>> -> memref<10240x64xf32, #tpu.memory_space<vmem_shared>>
    tpu.enqueue_indirect_dma source(%arg11 : memref<128x64xf32, #tpu.memory_space<vmem>>) target(%dma_start3A_121 : memref<10240x64xf32, #tpu.memory_space<vmem_shared>>) offsets(%dma_start3A_118 : memref<128xi32, #tpu.memory_space<vmem>>) semaphore(%arg28 : memref<!tpu.dma_semaphore, #tpu.memory_space<semaphore_mem>>) {add = true}
    %dma_wait3A_122 = arith.constant 76 : i32
    %dma_wait3A_123 = arith.constant 0 : i32
    %dma_wait3A_124 = tpu.memref_slice %arg6[%dma_wait3A_122, %dma_wait3A_123] : memref<80x128xi32, #tpu.memory_space<vmem>> -> memref<1x128xi32, #tpu.memory_space<vmem>>
    %dma_wait3A_125 = tpu.memref_squeeze %dma_wait3A_124 : memref<1x128xi32, #tpu.memory_space<vmem>> -> memref<128xi32, #tpu.memory_space<vmem>>
    %dma_wait3A_126 = arith.constant 0 : i32
    %dma_wait3A_127 = arith.constant 0 : i32
    %dma_wait3A_128 = tpu.memref_slice %arg2[%dma_wait3A_126, %dma_wait3A_127] : memref<10240x64xf32, #tpu.memory_space<hbm>> -> memref<10240x64xf32, #tpu.memory_space<hbm>>
    tpu.wait_indirect_dma semaphore(%arg21 : memref<!tpu.dma_semaphore, #tpu.memory_space<semaphore_mem>>) src(%dma_wait3A_128 : memref<10240x64xf32, #tpu.memory_space<hbm>>) dst(%arg12 : memref<128x64xf32, #tpu.memory_space<vmem>>)
    %dma_start3A_129 = arith.constant 76 : i32
    %dma_start3A_130 = arith.constant 0 : i32
    %dma_start3A_131 = tpu.memref_slice %arg7[%dma_start3A_129, %dma_start3A_130] : memref<80x128xi32, #tpu.memory_space<vmem>> -> memref<1x128xi32, #tpu.memory_space<vmem>>
    %dma_start3A_132 = tpu.memref_squeeze %dma_start3A_131 : memref<1x128xi32, #tpu.memory_space<vmem>> -> memref<128xi32, #tpu.memory_space<vmem>>
    %dma_start3A_133 = arith.constant 0 : i32
    %dma_start3A_134 = arith.constant 0 : i32
    %dma_start3A_135 = tpu.memref_slice %arg16[%dma_start3A_133, %dma_start3A_134] : memref<10240x64xf32, #tpu.memory_space<vmem_shared>> -> memref<10240x64xf32, #tpu.memory_space<vmem_shared>>
    tpu.enqueue_indirect_dma source(%arg12 : memref<128x64xf32, #tpu.memory_space<vmem>>) target(%dma_start3A_135 : memref<10240x64xf32, #tpu.memory_space<vmem_shared>>) offsets(%dma_start3A_132 : memref<128xi32, #tpu.memory_space<vmem>>) semaphore(%arg29 : memref<!tpu.dma_semaphore, #tpu.memory_space<semaphore_mem>>) {add = true}
    %dma_wait3A_136 = arith.constant 77 : i32
    %dma_wait3A_137 = arith.constant 0 : i32
    %dma_wait3A_138 = tpu.memref_slice %arg6[%dma_wait3A_136, %dma_wait3A_137] : memref<80x128xi32, #tpu.memory_space<vmem>> -> memref<1x128xi32, #tpu.memory_space<vmem>>
    %dma_wait3A_139 = tpu.memref_squeeze %dma_wait3A_138 : memref<1x128xi32, #tpu.memory_space<vmem>> -> memref<128xi32, #tpu.memory_space<vmem>>
    %dma_wait3A_140 = arith.constant 0 : i32
    %dma_wait3A_141 = arith.constant 0 : i32
    %dma_wait3A_142 = tpu.memref_slice %arg2[%dma_wait3A_140, %dma_wait3A_141] : memref<10240x64xf32, #tpu.memory_space<hbm>> -> memref<10240x64xf32, #tpu.memory_space<hbm>>
    tpu.wait_indirect_dma semaphore(%arg22 : memref<!tpu.dma_semaphore, #tpu.memory_space<semaphore_mem>>) src(%dma_wait3A_142 : memref<10240x64xf32, #tpu.memory_space<hbm>>) dst(%arg13 : memref<128x64xf32, #tpu.memory_space<vmem>>)
    %dma_start3A_143 = arith.constant 77 : i32
    %dma_start3A_144 = arith.constant 0 : i32
    %dma_start3A_145 = tpu.memref_slice %arg7[%dma_start3A_143, %dma_start3A_144] : memref<80x128xi32, #tpu.memory_space<vmem>> -> memref<1x128xi32, #tpu.memory_space<vmem>>
    %dma_start3A_146 = tpu.memref_squeeze %dma_start3A_145 : memref<1x128xi32, #tpu.memory_space<vmem>> -> memref<128xi32, #tpu.memory_space<vmem>>
    %dma_start3A_147 = arith.constant 0 : i32
    %dma_start3A_148 = arith.constant 0 : i32
    %dma_start3A_149 = tpu.memref_slice %arg16[%dma_start3A_147, %dma_start3A_148] : memref<10240x64xf32, #tpu.memory_space<vmem_shared>> -> memref<10240x64xf32, #tpu.memory_space<vmem_shared>>
    tpu.enqueue_indirect_dma source(%arg13 : memref<128x64xf32, #tpu.memory_space<vmem>>) target(%dma_start3A_149 : memref<10240x64xf32, #tpu.memory_space<vmem_shared>>) offsets(%dma_start3A_146 : memref<128xi32, #tpu.memory_space<vmem>>) semaphore(%arg30 : memref<!tpu.dma_semaphore, #tpu.memory_space<semaphore_mem>>) {add = true}
    %dma_wait3A_150 = arith.constant 78 : i32
    %dma_wait3A_151 = arith.constant 0 : i32
    %dma_wait3A_152 = tpu.memref_slice %arg6[%dma_wait3A_150, %dma_wait3A_151] : memref<80x128xi32, #tpu.memory_space<vmem>> -> memref<1x128xi32, #tpu.memory_space<vmem>>
    %dma_wait3A_153 = tpu.memref_squeeze %dma_wait3A_152 : memref<1x128xi32, #tpu.memory_space<vmem>> -> memref<128xi32, #tpu.memory_space<vmem>>
    %dma_wait3A_154 = arith.constant 0 : i32
    %dma_wait3A_155 = arith.constant 0 : i32
    %dma_wait3A_156 = tpu.memref_slice %arg2[%dma_wait3A_154, %dma_wait3A_155] : memref<10240x64xf32, #tpu.memory_space<hbm>> -> memref<10240x64xf32, #tpu.memory_space<hbm>>
    tpu.wait_indirect_dma semaphore(%arg23 : memref<!tpu.dma_semaphore, #tpu.memory_space<semaphore_mem>>) src(%dma_wait3A_156 : memref<10240x64xf32, #tpu.memory_space<hbm>>) dst(%arg14 : memref<128x64xf32, #tpu.memory_space<vmem>>)
    %dma_start3A_157 = arith.constant 78 : i32
    %dma_start3A_158 = arith.constant 0 : i32
    %dma_start3A_159 = tpu.memref_slice %arg7[%dma_start3A_157, %dma_start3A_158] : memref<80x128xi32, #tpu.memory_space<vmem>> -> memref<1x128xi32, #tpu.memory_space<vmem>>
    %dma_start3A_160 = tpu.memref_squeeze %dma_start3A_159 : memref<1x128xi32, #tpu.memory_space<vmem>> -> memref<128xi32, #tpu.memory_space<vmem>>
    %dma_start3A_161 = arith.constant 0 : i32
    %dma_start3A_162 = arith.constant 0 : i32
    %dma_start3A_163 = tpu.memref_slice %arg16[%dma_start3A_161, %dma_start3A_162] : memref<10240x64xf32, #tpu.memory_space<vmem_shared>> -> memref<10240x64xf32, #tpu.memory_space<vmem_shared>>
    tpu.enqueue_indirect_dma source(%arg14 : memref<128x64xf32, #tpu.memory_space<vmem>>) target(%dma_start3A_163 : memref<10240x64xf32, #tpu.memory_space<vmem_shared>>) offsets(%dma_start3A_160 : memref<128xi32, #tpu.memory_space<vmem>>) semaphore(%arg31 : memref<!tpu.dma_semaphore, #tpu.memory_space<semaphore_mem>>) {add = true}
    %dma_wait3A_164 = arith.constant 79 : i32
    %dma_wait3A_165 = arith.constant 0 : i32
    %dma_wait3A_166 = tpu.memref_slice %arg6[%dma_wait3A_164, %dma_wait3A_165] : memref<80x128xi32, #tpu.memory_space<vmem>> -> memref<1x128xi32, #tpu.memory_space<vmem>>
    %dma_wait3A_167 = tpu.memref_squeeze %dma_wait3A_166 : memref<1x128xi32, #tpu.memory_space<vmem>> -> memref<128xi32, #tpu.memory_space<vmem>>
    %dma_wait3A_168 = arith.constant 0 : i32
    %dma_wait3A_169 = arith.constant 0 : i32
    %dma_wait3A_170 = tpu.memref_slice %arg2[%dma_wait3A_168, %dma_wait3A_169] : memref<10240x64xf32, #tpu.memory_space<hbm>> -> memref<10240x64xf32, #tpu.memory_space<hbm>>
    tpu.wait_indirect_dma semaphore(%arg24 : memref<!tpu.dma_semaphore, #tpu.memory_space<semaphore_mem>>) src(%dma_wait3A_170 : memref<10240x64xf32, #tpu.memory_space<hbm>>) dst(%arg15 : memref<128x64xf32, #tpu.memory_space<vmem>>)
    %dma_start3A_171 = arith.constant 79 : i32
    %dma_start3A_172 = arith.constant 0 : i32
    %dma_start3A_173 = tpu.memref_slice %arg7[%dma_start3A_171, %dma_start3A_172] : memref<80x128xi32, #tpu.memory_space<vmem>> -> memref<1x128xi32, #tpu.memory_space<vmem>>
    %dma_start3A_174 = tpu.memref_squeeze %dma_start3A_173 : memref<1x128xi32, #tpu.memory_space<vmem>> -> memref<128xi32, #tpu.memory_space<vmem>>
    %dma_start3A_175 = arith.constant 0 : i32
    %dma_start3A_176 = arith.constant 0 : i32
    %dma_start3A_177 = tpu.memref_slice %arg16[%dma_start3A_175, %dma_start3A_176] : memref<10240x64xf32, #tpu.memory_space<vmem_shared>> -> memref<10240x64xf32, #tpu.memory_space<vmem_shared>>
    tpu.enqueue_indirect_dma source(%arg15 : memref<128x64xf32, #tpu.memory_space<vmem>>) target(%dma_start3A_177 : memref<10240x64xf32, #tpu.memory_space<vmem_shared>>) offsets(%dma_start3A_174 : memref<128xi32, #tpu.memory_space<vmem>>) semaphore(%arg32 : memref<!tpu.dma_semaphore, #tpu.memory_space<semaphore_mem>>) {add = true}
    %dma_wait3A_178 = arith.constant 0 : i32
    %dma_wait3A_179 = arith.constant 0 : i32
    %dma_wait3A_180 = tpu.memref_slice %arg7[%dma_wait3A_178, %dma_wait3A_179] : memref<80x128xi32, #tpu.memory_space<vmem>> -> memref<1x128xi32, #tpu.memory_space<vmem>>
    %dma_wait3A_181 = tpu.memref_squeeze %dma_wait3A_180 : memref<1x128xi32, #tpu.memory_space<vmem>> -> memref<128xi32, #tpu.memory_space<vmem>>
    %dma_wait3A_182 = arith.constant 0 : i32
    %dma_wait3A_183 = arith.constant 0 : i32
    %dma_wait3A_184 = tpu.memref_slice %arg16[%dma_wait3A_182, %dma_wait3A_183] : memref<10240x64xf32, #tpu.memory_space<vmem_shared>> -> memref<10240x64xf32, #tpu.memory_space<vmem_shared>>
    tpu.wait_indirect_dma semaphore(%arg25 : memref<!tpu.dma_semaphore, #tpu.memory_space<semaphore_mem>>) src(%arg8 : memref<128x64xf32, #tpu.memory_space<vmem>>) dst(%dma_wait3A_184 : memref<10240x64xf32, #tpu.memory_space<vmem_shared>>)
    %dma_wait3A_185 = arith.constant 0 : i32
    %dma_wait3A_186 = arith.constant 0 : i32
    %dma_wait3A_187 = tpu.memref_slice %arg7[%dma_wait3A_185, %dma_wait3A_186] : memref<80x128xi32, #tpu.memory_space<vmem>> -> memref<1x128xi32, #tpu.memory_space<vmem>>
    %dma_wait3A_188 = tpu.memref_squeeze %dma_wait3A_187 : memref<1x128xi32, #tpu.memory_space<vmem>> -> memref<128xi32, #tpu.memory_space<vmem>>
    %dma_wait3A_189 = arith.constant 0 : i32
    %dma_wait3A_190 = arith.constant 0 : i32
    %dma_wait3A_191 = tpu.memref_slice %arg16[%dma_wait3A_189, %dma_wait3A_190] : memref<10240x64xf32, #tpu.memory_space<vmem_shared>> -> memref<10240x64xf32, #tpu.memory_space<vmem_shared>>
    tpu.wait_indirect_dma semaphore(%arg26 : memref<!tpu.dma_semaphore, #tpu.memory_space<semaphore_mem>>) src(%arg9 : memref<128x64xf32, #tpu.memory_space<vmem>>) dst(%dma_wait3A_191 : memref<10240x64xf32, #tpu.memory_space<vmem_shared>>)
    %dma_wait3A_192 = arith.constant 0 : i32
    %dma_wait3A_193 = arith.constant 0 : i32
    %dma_wait3A_194 = tpu.memref_slice %arg7[%dma_wait3A_192, %dma_wait3A_193] : memref<80x128xi32, #tpu.memory_space<vmem>> -> memref<1x128xi32, #tpu.memory_space<vmem>>
    %dma_wait3A_195 = tpu.memref_squeeze %dma_wait3A_194 : memref<1x128xi32, #tpu.memory_space<vmem>> -> memref<128xi32, #tpu.memory_space<vmem>>
    %dma_wait3A_196 = arith.constant 0 : i32
    %dma_wait3A_197 = arith.constant 0 : i32
    %dma_wait3A_198 = tpu.memref_slice %arg16[%dma_wait3A_196, %dma_wait3A_197] : memref<10240x64xf32, #tpu.memory_space<vmem_shared>> -> memref<10240x64xf32, #tpu.memory_space<vmem_shared>>
    tpu.wait_indirect_dma semaphore(%arg27 : memref<!tpu.dma_semaphore, #tpu.memory_space<semaphore_mem>>) src(%arg10 : memref<128x64xf32, #tpu.memory_space<vmem>>) dst(%dma_wait3A_198 : memref<10240x64xf32, #tpu.memory_space<vmem_shared>>)
    %dma_wait3A_199 = arith.constant 0 : i32
    %dma_wait3A_200 = arith.constant 0 : i32
    %dma_wait3A_201 = tpu.memref_slice %arg7[%dma_wait3A_199, %dma_wait3A_200] : memref<80x128xi32, #tpu.memory_space<vmem>> -> memref<1x128xi32, #tpu.memory_space<vmem>>
    %dma_wait3A_202 = tpu.memref_squeeze %dma_wait3A_201 : memref<1x128xi32, #tpu.memory_space<vmem>> -> memref<128xi32, #tpu.memory_space<vmem>>
    %dma_wait3A_203 = arith.constant 0 : i32
    %dma_wait3A_204 = arith.constant 0 : i32
    %dma_wait3A_205 = tpu.memref_slice %arg16[%dma_wait3A_203, %dma_wait3A_204] : memref<10240x64xf32, #tpu.memory_space<vmem_shared>> -> memref<10240x64xf32, #tpu.memory_space<vmem_shared>>
    tpu.wait_indirect_dma semaphore(%arg28 : memref<!tpu.dma_semaphore, #tpu.memory_space<semaphore_mem>>) src(%arg11 : memref<128x64xf32, #tpu.memory_space<vmem>>) dst(%dma_wait3A_205 : memref<10240x64xf32, #tpu.memory_space<vmem_shared>>)
    %dma_wait3A_206 = arith.constant 0 : i32
    %dma_wait3A_207 = arith.constant 0 : i32
    %dma_wait3A_208 = tpu.memref_slice %arg7[%dma_wait3A_206, %dma_wait3A_207] : memref<80x128xi32, #tpu.memory_space<vmem>> -> memref<1x128xi32, #tpu.memory_space<vmem>>
    %dma_wait3A_209 = tpu.memref_squeeze %dma_wait3A_208 : memref<1x128xi32, #tpu.memory_space<vmem>> -> memref<128xi32, #tpu.memory_space<vmem>>
    %dma_wait3A_210 = arith.constant 0 : i32
    %dma_wait3A_211 = arith.constant 0 : i32
    %dma_wait3A_212 = tpu.memref_slice %arg16[%dma_wait3A_210, %dma_wait3A_211] : memref<10240x64xf32, #tpu.memory_space<vmem_shared>> -> memref<10240x64xf32, #tpu.memory_space<vmem_shared>>
    tpu.wait_indirect_dma semaphore(%arg29 : memref<!tpu.dma_semaphore, #tpu.memory_space<semaphore_mem>>) src(%arg12 : memref<128x64xf32, #tpu.memory_space<vmem>>) dst(%dma_wait3A_212 : memref<10240x64xf32, #tpu.memory_space<vmem_shared>>)
    %dma_wait3A_213 = arith.constant 0 : i32
    %dma_wait3A_214 = arith.constant 0 : i32
    %dma_wait3A_215 = tpu.memref_slice %arg7[%dma_wait3A_213, %dma_wait3A_214] : memref<80x128xi32, #tpu.memory_space<vmem>> -> memref<1x128xi32, #tpu.memory_space<vmem>>
    %dma_wait3A_216 = tpu.memref_squeeze %dma_wait3A_215 : memref<1x128xi32, #tpu.memory_space<vmem>> -> memref<128xi32, #tpu.memory_space<vmem>>
    %dma_wait3A_217 = arith.constant 0 : i32
    %dma_wait3A_218 = arith.constant 0 : i32
    %dma_wait3A_219 = tpu.memref_slice %arg16[%dma_wait3A_217, %dma_wait3A_218] : memref<10240x64xf32, #tpu.memory_space<vmem_shared>> -> memref<10240x64xf32, #tpu.memory_space<vmem_shared>>
    tpu.wait_indirect_dma semaphore(%arg30 : memref<!tpu.dma_semaphore, #tpu.memory_space<semaphore_mem>>) src(%arg13 : memref<128x64xf32, #tpu.memory_space<vmem>>) dst(%dma_wait3A_219 : memref<10240x64xf32, #tpu.memory_space<vmem_shared>>)
    %dma_wait3A_220 = arith.constant 0 : i32
    %dma_wait3A_221 = arith.constant 0 : i32
    %dma_wait3A_222 = tpu.memref_slice %arg7[%dma_wait3A_220, %dma_wait3A_221] : memref<80x128xi32, #tpu.memory_space<vmem>> -> memref<1x128xi32, #tpu.memory_space<vmem>>
    %dma_wait3A_223 = tpu.memref_squeeze %dma_wait3A_222 : memref<1x128xi32, #tpu.memory_space<vmem>> -> memref<128xi32, #tpu.memory_space<vmem>>
    %dma_wait3A_224 = arith.constant 0 : i32
    %dma_wait3A_225 = arith.constant 0 : i32
    %dma_wait3A_226 = tpu.memref_slice %arg16[%dma_wait3A_224, %dma_wait3A_225] : memref<10240x64xf32, #tpu.memory_space<vmem_shared>> -> memref<10240x64xf32, #tpu.memory_space<vmem_shared>>
    tpu.wait_indirect_dma semaphore(%arg31 : memref<!tpu.dma_semaphore, #tpu.memory_space<semaphore_mem>>) src(%arg14 : memref<128x64xf32, #tpu.memory_space<vmem>>) dst(%dma_wait3A_226 : memref<10240x64xf32, #tpu.memory_space<vmem_shared>>)
    %dma_wait3A_227 = arith.constant 0 : i32
    %dma_wait3A_228 = arith.constant 0 : i32
    %dma_wait3A_229 = tpu.memref_slice %arg7[%dma_wait3A_227, %dma_wait3A_228] : memref<80x128xi32, #tpu.memory_space<vmem>> -> memref<1x128xi32, #tpu.memory_space<vmem>>
    %dma_wait3A_230 = tpu.memref_squeeze %dma_wait3A_229 : memref<1x128xi32, #tpu.memory_space<vmem>> -> memref<128xi32, #tpu.memory_space<vmem>>
    %dma_wait3A_231 = arith.constant 0 : i32
    %dma_wait3A_232 = arith.constant 0 : i32
    %dma_wait3A_233 = tpu.memref_slice %arg16[%dma_wait3A_231, %dma_wait3A_232] : memref<10240x64xf32, #tpu.memory_space<vmem_shared>> -> memref<10240x64xf32, #tpu.memory_space<vmem_shared>>
    tpu.wait_indirect_dma semaphore(%arg32 : memref<!tpu.dma_semaphore, #tpu.memory_space<semaphore_mem>>) src(%arg15 : memref<128x64xf32, #tpu.memory_space<vmem>>) dst(%dma_wait3A_233 : memref<10240x64xf32, #tpu.memory_space<vmem_shared>>)
    %barrier3A_234 = arith.constant 0 : index
    tpu.barrier barrier_id(%barrier3A_234)
    %mul3A_235 = arith.constant 640 : i32
    %mul3A_236 = arith.muli %arg1, %mul3A_235 : i32
    %mul3A_237 = arith.constant 640 : i32
    %mul3A_238 = arith.muli %arg1, %mul3A_237 : i32
    "tpu.region"() ({
      %run_scoped3A = tpu.sem_alloc : memref<!tpu.dma_semaphore, #tpu.memory_space<semaphore_mem>>
      %dma_start3A_239 = arith.constant 0 : i32
      %dma_start3A_240 = tpu.memref_slice %arg5[%arg0, %mul3A_238, %dma_start3A_239] : memref<2x10240x64xf32, #tpu.memory_space<hbm>> -> memref<1x640x64xf32, #tpu.memory_space<hbm>>
      %dma_start3A_241 = tpu.memref_squeeze %dma_start3A_240 : memref<1x640x64xf32, #tpu.memory_space<hbm>> -> memref<640x64xf32, #tpu.memory_space<hbm>>
      %dma_start3A_242 = arith.constant 0 : i32
      %dma_start3A_243 = tpu.memref_slice %arg16[%mul3A_236, %dma_start3A_242] : memref<10240x64xf32, #tpu.memory_space<vmem_shared>> -> memref<640x64xf32, #tpu.memory_space<vmem_shared>>
      tpu.enqueue_dma source(%dma_start3A_243 : memref<640x64xf32, #tpu.memory_space<vmem_shared>>) target(%dma_start3A_241 : memref<640x64xf32, #tpu.memory_space<hbm>>) target_semaphore(%run_scoped3A : memref<!tpu.dma_semaphore, #tpu.memory_space<semaphore_mem>>)
      %dma_wait3A_244 = arith.constant 0 : i32
      %dma_wait3A_245 = tpu.memref_slice %arg5[%arg0, %mul3A_238, %dma_wait3A_244] : memref<2x10240x64xf32, #tpu.memory_space<hbm>> -> memref<1x640x64xf32, #tpu.memory_space<hbm>>
      %dma_wait3A_246 = tpu.memref_squeeze %dma_wait3A_245 : memref<1x640x64xf32, #tpu.memory_space<hbm>> -> memref<640x64xf32, #tpu.memory_space<hbm>>
      %dma_wait3A_247 = arith.constant 0 : i32
      %dma_wait3A_248 = tpu.memref_slice %arg16[%mul3A_236, %dma_wait3A_247] : memref<10240x64xf32, #tpu.memory_space<vmem_shared>> -> memref<640x64xf32, #tpu.memory_space<vmem_shared>>
      tpu.wait_dma2 semaphore(%run_scoped3A : memref<!tpu.dma_semaphore, #tpu.memory_space<semaphore_mem>>) src(%dma_wait3A_248 : memref<640x64xf32, #tpu.memory_space<vmem_shared>>) dst(%dma_wait3A_246 : memref<640x64xf32, #tpu.memory_space<hbm>>)
      tpu.yield
    }) : () -> ()
    return
  }
}

#map = affine_map<(d0, d1) -> (0, 0)>
#map1 = affine_map<(d0, d1) -> (0, 0, 0)>
module attributes {stable_mosaic.version = 14 : i64} {
  func.func @_mp_kernel(%arg0: i32, %arg1: i32, %arg2: memref<10240x64xf32, #tpu.memory_space<hbm>>, %arg3: memref<80x32x128xi32, #tpu.memory_space<hbm>>, %arg4: memref<80x32x128xi32, #tpu.memory_space<hbm>>, %arg5: memref<2x10240x64xf32, #tpu.memory_space<hbm>>, %arg6: memref<80x128xi32, #tpu.memory_space<vmem>>, %arg7: memref<80x128xi32, #tpu.memory_space<vmem>>, %arg8: memref<128x64xf32, #tpu.memory_space<vmem>>, %arg9: memref<128x64xf32, #tpu.memory_space<vmem>>, %arg10: memref<128x64xf32, #tpu.memory_space<vmem>>, %arg11: memref<128x64xf32, #tpu.memory_space<vmem>>, %arg12: memref<128x64xf32, #tpu.memory_space<vmem>>, %arg13: memref<128x64xf32, #tpu.memory_space<vmem>>, %arg14: memref<128x64xf32, #tpu.memory_space<vmem>>, %arg15: memref<128x64xf32, #tpu.memory_space<vmem>>, %arg16: memref<10240x64xf32, #tpu.memory_space<vmem_shared>>, %arg17: memref<!tpu.dma_semaphore, #tpu.memory_space<semaphore_mem>>, %arg18: memref<!tpu.dma_semaphore, #tpu.memory_space<semaphore_mem>>, %arg19: memref<!tpu.dma_semaphore, #tpu.memory_space<semaphore_mem>>, %arg20: memref<!tpu.dma_semaphore, #tpu.memory_space<semaphore_mem>>, %arg21: memref<!tpu.dma_semaphore, #tpu.memory_space<semaphore_mem>>, %arg22: memref<!tpu.dma_semaphore, #tpu.memory_space<semaphore_mem>>, %arg23: memref<!tpu.dma_semaphore, #tpu.memory_space<semaphore_mem>>, %arg24: memref<!tpu.dma_semaphore, #tpu.memory_space<semaphore_mem>>, %arg25: memref<!tpu.dma_semaphore, #tpu.memory_space<semaphore_mem>>, %arg26: memref<!tpu.dma_semaphore, #tpu.memory_space<semaphore_mem>>, %arg27: memref<!tpu.dma_semaphore, #tpu.memory_space<semaphore_mem>>, %arg28: memref<!tpu.dma_semaphore, #tpu.memory_space<semaphore_mem>>, %arg29: memref<!tpu.dma_semaphore, #tpu.memory_space<semaphore_mem>>, %arg30: memref<!tpu.dma_semaphore, #tpu.memory_space<semaphore_mem>>, %arg31: memref<!tpu.dma_semaphore, #tpu.memory_space<semaphore_mem>>, %arg32: memref<!tpu.dma_semaphore, #tpu.memory_space<semaphore_mem>>) attributes {dimension_semantics = [#tpu.dimension_semantics<core_parallel>, #tpu.dimension_semantics<subcore_parallel>], iteration_bounds = array<i64: 2, 16>, scalar_prefetch = 0 : i64, scratch_operands = 27 : i64, tpu.core_type = #tpu.core_type<sc_vector_subcore>, window_params = [{transform_indices = #map}, {transform_indices = #map1}, {transform_indices = #map1}, {transform_indices = #map1}]} {
    %mul3A = arith.constant 16 : i32
    %mul3A_0 = arith.muli %arg0, %mul3A : i32
    %add3A = arith.addi %mul3A_0, %arg1 : i32
    "tpu.region"() ({
      %run_scoped3A = tpu.sem_alloc : memref<!tpu.dma_semaphore, #tpu.memory_space<semaphore_mem>>
      %dma_start3A_239 = arith.constant 0 : i32
      %dma_start3A_240 = arith.constant 0 : i32
      %dma_start3A_241 = tpu.memref_slice %arg3[%dma_start3A_239, %add3A, %dma_start3A_240] : memref<80x32x128xi32, #tpu.memory_space<hbm>> -> memref<80x1x128xi32, #tpu.memory_space<hbm>>
      %dma_start3A_242 = tpu.memref_squeeze %dma_start3A_241 : memref<80x1x128xi32, #tpu.memory_space<hbm>> -> memref<80x128xi32, #tpu.memory_space<hbm>>
      %dma_start3A_243 = arith.constant 0 : i32
      %dma_start3A_244 = arith.constant 0 : i32
      %dma_start3A_245 = tpu.memref_slice %arg3[%dma_start3A_243, %add3A, %dma_start3A_244] : memref<80x32x128xi32, #tpu.memory_space<hbm>> -> memref<80x1x128xi32, #tpu.memory_space<hbm>>
      %dma_start3A_246 = tpu.memref_squeeze %dma_start3A_245 : memref<80x1x128xi32, #tpu.memory_space<hbm>> -> memref<80x128xi32, #tpu.memory_space<hbm>>
      tpu.enqueue_dma source(%dma_start3A_246 : memref<80x128xi32, #tpu.memory_space<hbm>>) target(%arg6 : memref<80x128xi32, #tpu.memory_space<vmem>>) target_semaphore(%run_scoped3A : memref<!tpu.dma_semaphore, #tpu.memory_space<semaphore_mem>>)
      %dma_wait3A_247 = arith.constant 0 : i32
      %dma_wait3A_248 = arith.constant 0 : i32
      %dma_wait3A_249 = tpu.memref_slice %arg3[%dma_wait3A_247, %add3A, %dma_wait3A_248] : memref<80x32x128xi32, #tpu.memory_space<hbm>> -> memref<80x1x128xi32, #tpu.memory_space<hbm>>
      %dma_wait3A_250 = tpu.memref_squeeze %dma_wait3A_249 : memref<80x1x128xi32, #tpu.memory_space<hbm>> -> memref<80x128xi32, #tpu.memory_space<hbm>>
      %dma_wait3A_251 = arith.constant 0 : i32
      %dma_wait3A_252 = arith.constant 0 : i32
      %dma_wait3A_253 = tpu.memref_slice %arg3[%dma_wait3A_251, %add3A, %dma_wait3A_252] : memref<80x32x128xi32, #tpu.memory_space<hbm>> -> memref<80x1x128xi32, #tpu.memory_space<hbm>>
      %dma_wait3A_254 = tpu.memref_squeeze %dma_wait3A_253 : memref<80x1x128xi32, #tpu.memory_space<hbm>> -> memref<80x128xi32, #tpu.memory_space<hbm>>
      tpu.wait_dma2 semaphore(%run_scoped3A : memref<!tpu.dma_semaphore, #tpu.memory_space<semaphore_mem>>) src(%dma_wait3A_254 : memref<80x128xi32, #tpu.memory_space<hbm>>) dst(%arg6 : memref<80x128xi32, #tpu.memory_space<vmem>>)
      tpu.yield
    }) : () -> ()
    "tpu.region"() ({
      %run_scoped3A = tpu.sem_alloc : memref<!tpu.dma_semaphore, #tpu.memory_space<semaphore_mem>>
      %dma_start3A_239 = arith.constant 0 : i32
      %dma_start3A_240 = arith.constant 0 : i32
      %dma_start3A_241 = tpu.memref_slice %arg4[%dma_start3A_239, %add3A, %dma_start3A_240] : memref<80x32x128xi32, #tpu.memory_space<hbm>> -> memref<80x1x128xi32, #tpu.memory_space<hbm>>
      %dma_start3A_242 = tpu.memref_squeeze %dma_start3A_241 : memref<80x1x128xi32, #tpu.memory_space<hbm>> -> memref<80x128xi32, #tpu.memory_space<hbm>>
      %dma_start3A_243 = arith.constant 0 : i32
      %dma_start3A_244 = arith.constant 0 : i32
      %dma_start3A_245 = tpu.memref_slice %arg4[%dma_start3A_243, %add3A, %dma_start3A_244] : memref<80x32x128xi32, #tpu.memory_space<hbm>> -> memref<80x1x128xi32, #tpu.memory_space<hbm>>
      %dma_start3A_246 = tpu.memref_squeeze %dma_start3A_245 : memref<80x1x128xi32, #tpu.memory_space<hbm>> -> memref<80x128xi32, #tpu.memory_space<hbm>>
      tpu.enqueue_dma source(%dma_start3A_246 : memref<80x128xi32, #tpu.memory_space<hbm>>) target(%arg7 : memref<80x128xi32, #tpu.memory_space<vmem>>) target_semaphore(%run_scoped3A : memref<!tpu.dma_semaphore, #tpu.memory_space<semaphore_mem>>)
      %dma_wait3A_247 = arith.constant 0 : i32
      %dma_wait3A_248 = arith.constant 0 : i32
      %dma_wait3A_249 = tpu.memref_slice %arg4[%dma_wait3A_247, %add3A, %dma_wait3A_248] : memref<80x32x128xi32, #tpu.memory_space<hbm>> -> memref<80x1x128xi32, #tpu.memory_space<hbm>>
      %dma_wait3A_250 = tpu.memref_squeeze %dma_wait3A_249 : memref<80x1x128xi32, #tpu.memory_space<hbm>> -> memref<80x128xi32, #tpu.memory_space<hbm>>
      %dma_wait3A_251 = arith.constant 0 : i32
      %dma_wait3A_252 = arith.constant 0 : i32
      %dma_wait3A_253 = tpu.memref_slice %arg4[%dma_wait3A_251, %add3A, %dma_wait3A_252] : memref<80x32x128xi32, #tpu.memory_space<hbm>> -> memref<80x1x128xi32, #tpu.memory_space<hbm>>
      %dma_wait3A_254 = tpu.memref_squeeze %dma_wait3A_253 : memref<80x1x128xi32, #tpu.memory_space<hbm>> -> memref<80x128xi32, #tpu.memory_space<hbm>>
      tpu.wait_dma2 semaphore(%run_scoped3A : memref<!tpu.dma_semaphore, #tpu.memory_space<semaphore_mem>>) src(%dma_wait3A_254 : memref<80x128xi32, #tpu.memory_space<hbm>>) dst(%arg7 : memref<80x128xi32, #tpu.memory_space<vmem>>)
      tpu.yield
    }) : () -> ()
    %eq3A = arith.constant 0 : i32
    %eq3A_1 = arith.cmpi eq, %arg0, %eq3A : i32
    %convert_element_type3A = arith.extui %eq3A_1 : i1 to i32
    %cond3A = arith.constant 0 : i32
    %cond3A_2 = arith.cmpi ne, %convert_element_type3A, %cond3A : i32
    scf.if %cond3A_2 {
      %mul3A_239 = arith.constant 640 : i32
      %mul3A_240 = arith.muli %arg1, %mul3A_239 : i32
      %mul3A_241 = arith.constant 640 : i32
      %mul3A_242 = arith.muli %arg1, %mul3A_241 : i32
      "tpu.region"() ({
        %run_scoped3A = tpu.sem_alloc : memref<!tpu.dma_semaphore, #tpu.memory_space<semaphore_mem>>
        %dma_start3A_243 = arith.constant 0 : i32
        %dma_start3A_244 = tpu.memref_slice %arg16[%mul3A_242, %dma_start3A_243] : memref<10240x64xf32, #tpu.memory_space<vmem_shared>> -> memref<640x64xf32, #tpu.memory_space<vmem_shared>>
        %dma_start3A_245 = arith.constant 0 : i32
        %dma_start3A_246 = tpu.memref_slice %arg2[%mul3A_240, %dma_start3A_245] : memref<10240x64xf32, #tpu.memory_space<hbm>> -> memref<640x64xf32, #tpu.memory_space<hbm>>
        tpu.enqueue_dma source(%dma_start3A_246 : memref<640x64xf32, #tpu.memory_space<hbm>>) target(%dma_start3A_244 : memref<640x64xf32, #tpu.memory_space<vmem_shared>>) target_semaphore(%run_scoped3A : memref<!tpu.dma_semaphore, #tpu.memory_space<semaphore_mem>>)
        %dma_wait3A_247 = arith.constant 0 : i32
        %dma_wait3A_248 = tpu.memref_slice %arg16[%mul3A_242, %dma_wait3A_247] : memref<10240x64xf32, #tpu.memory_space<vmem_shared>> -> memref<640x64xf32, #tpu.memory_space<vmem_shared>>
        %dma_wait3A_249 = arith.constant 0 : i32
        %dma_wait3A_250 = tpu.memref_slice %arg2[%mul3A_240, %dma_wait3A_249] : memref<10240x64xf32, #tpu.memory_space<hbm>> -> memref<640x64xf32, #tpu.memory_space<hbm>>
        tpu.wait_dma2 semaphore(%run_scoped3A : memref<!tpu.dma_semaphore, #tpu.memory_space<semaphore_mem>>) src(%dma_wait3A_250 : memref<640x64xf32, #tpu.memory_space<hbm>>) dst(%dma_wait3A_248 : memref<640x64xf32, #tpu.memory_space<vmem_shared>>)
        tpu.yield
      }) : () -> ()
    } else {
    }
    %eq3A_3 = arith.constant 1 : i32
    %eq3A_4 = arith.cmpi eq, %arg0, %eq3A_3 : i32
    %convert_element_type3A_5 = arith.extui %eq3A_4 : i1 to i32
    %cond3A_6 = arith.constant 0 : i32
    %cond3A_7 = arith.cmpi ne, %convert_element_type3A_5, %cond3A_6 : i32
    scf.if %cond3A_7 {
      %scan3A_239 = arith.constant 0 : i32
      %scan3A_240 = arith.constant 128 : i32
      %scan3A_241 = arith.addi %scan3A_239, %scan3A_240 : i32
      %scan3A_242 = arith.constant 1 : i32
      scf.for %scan3A_249 = %scan3A_239 to %scan3A_241 step %scan3A_242  : i32 {
        %mul3A_250 = arith.constant 1 : i32
        %mul3A_251 = arith.muli %scan3A_249, %mul3A_250 : i32
        %add3A_252 = arith.constant 0 : i32
        %add3A_253 = arith.addi %add3A_252, %mul3A_251 : i32
        %broadcast_in_dim3A = arith.constant 0.000000e+00 : f32
        %broadcast_in_dim3A_254 = vector.broadcast %broadcast_in_dim3A : f32 to vector<16xf32>
        %swap3A = arith.index_cast %add3A_253 : i32 to index
        %swap3A_255 = arith.constant 0 : index
        %swap3A_256 = tpu.vector_load %arg8[%swap3A, %swap3A_255] {strides = array<i32>} : memref<128x64xf32, #tpu.memory_space<vmem>>, vector<1x16xf32>,
        %swap3A_257 = vector.shape_cast %swap3A_256 : vector<1x16xf32> to vector<16xf32>
        %swap3A_258 = vector.shape_cast %broadcast_in_dim3A_254 : vector<16xf32> to vector<1x16xf32>
        tpu.vector_store %arg8[%swap3A, %swap3A_255], %swap3A_258 {strides = array<i32>} : memref<128x64xf32, #tpu.memory_space<vmem>>, vector<1x16xf32>,
        %broadcast_in_dim3A_259 = arith.constant 0.000000e+00 : f32
        %broadcast_in_dim3A_260 = vector.broadcast %broadcast_in_dim3A_259 : f32 to vector<16xf32>
        %swap3A_261 = arith.index_cast %add3A_253 : i32 to index
        %swap3A_262 = arith.constant 16 : index
        %swap3A_263 = tpu.vector_load %arg8[%swap3A_261, %swap3A_262] {strides = array<i32>} : memref<128x64xf32, #tpu.memory_space<vmem>>, vector<1x16xf32>,
        %swap3A_264 = vector.shape_cast %swap3A_263 : vector<1x16xf32> to vector<16xf32>
        %swap3A_265 = vector.shape_cast %broadcast_in_dim3A_260 : vector<16xf32> to vector<1x16xf32>
        tpu.vector_store %arg8[%swap3A_261, %swap3A_262], %swap3A_265 {strides = array<i32>} : memref<128x64xf32, #tpu.memory_space<vmem>>, vector<1x16xf32>,
        %broadcast_in_dim3A_266 = arith.constant 0.000000e+00 : f32
        %broadcast_in_dim3A_267 = vector.broadcast %broadcast_in_dim3A_266 : f32 to vector<16xf32>
        %swap3A_268 = arith.index_cast %add3A_253 : i32 to index
        %swap3A_269 = arith.constant 32 : index
        %swap3A_270 = tpu.vector_load %arg8[%swap3A_268, %swap3A_269] {strides = array<i32>} : memref<128x64xf32, #tpu.memory_space<vmem>>, vector<1x16xf32>,
        %swap3A_271 = vector.shape_cast %swap3A_270 : vector<1x16xf32> to vector<16xf32>
        %swap3A_272 = vector.shape_cast %broadcast_in_dim3A_267 : vector<16xf32> to vector<1x16xf32>
        tpu.vector_store %arg8[%swap3A_268, %swap3A_269], %swap3A_272 {strides = array<i32>} : memref<128x64xf32, #tpu.memory_space<vmem>>, vector<1x16xf32>,
        %broadcast_in_dim3A_273 = arith.constant 0.000000e+00 : f32
        %broadcast_in_dim3A_274 = vector.broadcast %broadcast_in_dim3A_273 : f32 to vector<16xf32>
        %swap3A_275 = arith.index_cast %add3A_253 : i32 to index
        %swap3A_276 = arith.constant 48 : index
        %swap3A_277 = tpu.vector_load %arg8[%swap3A_275, %swap3A_276] {strides = array<i32>} : memref<128x64xf32, #tpu.memory_space<vmem>>, vector<1x16xf32>,
        %swap3A_278 = vector.shape_cast %swap3A_277 : vector<1x16xf32> to vector<16xf32>
        %swap3A_279 = vector.shape_cast %broadcast_in_dim3A_274 : vector<16xf32> to vector<1x16xf32>
        tpu.vector_store %arg8[%swap3A_275, %swap3A_276], %swap3A_279 {strides = array<i32>} : memref<128x64xf32, #tpu.memory_space<vmem>>, vector<1x16xf32>,
      }
      %scan3A_243 = arith.constant 128 : i32
      %scan3A_244 = arith.constant 0 : i32
      %scan3A_245 = arith.constant 5 : i32
      %scan3A_246 = arith.addi %scan3A_244, %scan3A_245 : i32
      %scan3A_247 = arith.constant 1 : i32
      scf.for %scan3A_249 = %scan3A_244 to %scan3A_246 step %scan3A_247  : i32 {
        %mul3A_250 = arith.constant 1 : i32
        %mul3A_251 = arith.muli %scan3A_249, %mul3A_250 : i32
        %add3A_252 = arith.constant 0 : i32
        %add3A_253 = arith.addi %add3A_252, %mul3A_251 : i32
        %mul3A_254 = arith.constant 640 : i32
        %mul3A_255 = arith.muli %arg1, %mul3A_254 : i32
        %mul3A_256 = arith.constant 128 : i32
        %mul3A_257 = arith.muli %add3A_253, %mul3A_256 : i32
        %add3A_258 = arith.addi %mul3A_255, %mul3A_257 : i32
        "tpu.region"() ({
          %run_scoped3A = tpu.sem_alloc : memref<!tpu.dma_semaphore, #tpu.memory_space<semaphore_mem>>
          %dma_start3A_259 = arith.constant 0 : i32
          %dma_start3A_260 = tpu.memref_slice %arg16[%add3A_258, %dma_start3A_259] : memref<10240x64xf32, #tpu.memory_space<vmem_shared>> -> memref<128x64xf32, #tpu.memory_space<vmem_shared>>
          %dma_start3A_261 = arith.constant 0 : i32
          %dma_start3A_262 = tpu.memref_slice %arg16[%add3A_258, %dma_start3A_261] : memref<10240x64xf32, #tpu.memory_space<vmem_shared>> -> memref<128x64xf32, #tpu.memory_space<vmem_shared>>
          tpu.enqueue_dma source(%arg8 : memref<128x64xf32, #tpu.memory_space<vmem>>) target(%dma_start3A_262 : memref<128x64xf32, #tpu.memory_space<vmem_shared>>) target_semaphore(%run_scoped3A : memref<!tpu.dma_semaphore, #tpu.memory_space<semaphore_mem>>)
          %dma_wait3A_263 = arith.constant 0 : i32
          %dma_wait3A_264 = tpu.memref_slice %arg16[%add3A_258, %dma_wait3A_263] : memref<10240x64xf32, #tpu.memory_space<vmem_shared>> -> memref<128x64xf32, #tpu.memory_space<vmem_shared>>
          %dma_wait3A_265 = arith.constant 0 : i32
          %dma_wait3A_266 = tpu.memref_slice %arg16[%add3A_258, %dma_wait3A_265] : memref<10240x64xf32, #tpu.memory_space<vmem_shared>> -> memref<128x64xf32, #tpu.memory_space<vmem_shared>>
          tpu.wait_dma2 semaphore(%run_scoped3A : memref<!tpu.dma_semaphore, #tpu.memory_space<semaphore_mem>>) src(%arg8 : memref<128x64xf32, #tpu.memory_space<vmem>>) dst(%dma_wait3A_266 : memref<128x64xf32, #tpu.memory_space<vmem_shared>>)
          tpu.yield
        }) : () -> ()
      }
      %scan3A_248 = arith.constant 5 : i32
    } else {
    }
    %barrier3A = arith.constant 0 : index
    tpu.barrier barrier_id(%barrier3A)
    %dma_start3A = arith.constant 0 : i32
    %dma_start3A_8 = arith.constant 0 : i32
    %dma_start3A_9 = tpu.memref_slice %arg6[%dma_start3A, %dma_start3A_8] : memref<80x128xi32, #tpu.memory_space<vmem>> -> memref<1x128xi32, #tpu.memory_space<vmem>>
    %dma_start3A_10 = tpu.memref_squeeze %dma_start3A_9 : memref<1x128xi32, #tpu.memory_space<vmem>> -> memref<128xi32, #tpu.memory_space<vmem>>
    %dma_start3A_11 = arith.constant 0 : i32
    %dma_start3A_12 = arith.constant 0 : i32
    %dma_start3A_13 = tpu.memref_slice %arg2[%dma_start3A_11, %dma_start3A_12] : memref<10240x64xf32, #tpu.memory_space<hbm>> -> memref<10240x64xf32, #tpu.memory_space<hbm>>
    tpu.enqueue_indirect_dma source(%dma_start3A_13 : memref<10240x64xf32, #tpu.memory_space<hbm>>) target(%arg8 : memref<128x64xf32, #tpu.memory_space<vmem>>) offsets(%dma_start3A_10 : memref<128xi32, #tpu.memory_space<vmem>>) semaphore(%arg17 : memref<!tpu.dma_semaphore, #tpu.memory_space<semaphore_mem>>)
    %dma_start3A_14 = arith.constant 1 : i32
    %dma_start3A_15 = arith.constant 0 : i32
    %dma_start3A_16 = tpu.memref_slice %arg6[%dma_start3A_14, %dma_start3A_15] : memref<80x128xi32, #tpu.memory_space<vmem>> -> memref<1x128xi32, #tpu.memory_space<vmem>>
    %dma_start3A_17 = tpu.memref_squeeze %dma_start3A_16 : memref<1x128xi32, #tpu.memory_space<vmem>> -> memref<128xi32, #tpu.memory_space<vmem>>
    %dma_start3A_18 = arith.constant 0 : i32
    %dma_start3A_19 = arith.constant 0 : i32
    %dma_start3A_20 = tpu.memref_slice %arg2[%dma_start3A_18, %dma_start3A_19] : memref<10240x64xf32, #tpu.memory_space<hbm>> -> memref<10240x64xf32, #tpu.memory_space<hbm>>
    tpu.enqueue_indirect_dma source(%dma_start3A_20 : memref<10240x64xf32, #tpu.memory_space<hbm>>) target(%arg9 : memref<128x64xf32, #tpu.memory_space<vmem>>) offsets(%dma_start3A_17 : memref<128xi32, #tpu.memory_space<vmem>>) semaphore(%arg18 : memref<!tpu.dma_semaphore, #tpu.memory_space<semaphore_mem>>)
    %dma_start3A_21 = arith.constant 2 : i32
    %dma_start3A_22 = arith.constant 0 : i32
    %dma_start3A_23 = tpu.memref_slice %arg6[%dma_start3A_21, %dma_start3A_22] : memref<80x128xi32, #tpu.memory_space<vmem>> -> memref<1x128xi32, #tpu.memory_space<vmem>>
    %dma_start3A_24 = tpu.memref_squeeze %dma_start3A_23 : memref<1x128xi32, #tpu.memory_space<vmem>> -> memref<128xi32, #tpu.memory_space<vmem>>
    %dma_start3A_25 = arith.constant 0 : i32
    %dma_start3A_26 = arith.constant 0 : i32
    %dma_start3A_27 = tpu.memref_slice %arg2[%dma_start3A_25, %dma_start3A_26] : memref<10240x64xf32, #tpu.memory_space<hbm>> -> memref<10240x64xf32, #tpu.memory_space<hbm>>
    tpu.enqueue_indirect_dma source(%dma_start3A_27 : memref<10240x64xf32, #tpu.memory_space<hbm>>) target(%arg10 : memref<128x64xf32, #tpu.memory_space<vmem>>) offsets(%dma_start3A_24 : memref<128xi32, #tpu.memory_space<vmem>>) semaphore(%arg19 : memref<!tpu.dma_semaphore, #tpu.memory_space<semaphore_mem>>)
    %dma_start3A_28 = arith.constant 3 : i32
    %dma_start3A_29 = arith.constant 0 : i32
    %dma_start3A_30 = tpu.memref_slice %arg6[%dma_start3A_28, %dma_start3A_29] : memref<80x128xi32, #tpu.memory_space<vmem>> -> memref<1x128xi32, #tpu.memory_space<vmem>>
    %dma_start3A_31 = tpu.memref_squeeze %dma_start3A_30 : memref<1x128xi32, #tpu.memory_space<vmem>> -> memref<128xi32, #tpu.memory_space<vmem>>
    %dma_start3A_32 = arith.constant 0 : i32
    %dma_start3A_33 = arith.constant 0 : i32
    %dma_start3A_34 = tpu.memref_slice %arg2[%dma_start3A_32, %dma_start3A_33] : memref<10240x64xf32, #tpu.memory_space<hbm>> -> memref<10240x64xf32, #tpu.memory_space<hbm>>
    tpu.enqueue_indirect_dma source(%dma_start3A_34 : memref<10240x64xf32, #tpu.memory_space<hbm>>) target(%arg11 : memref<128x64xf32, #tpu.memory_space<vmem>>) offsets(%dma_start3A_31 : memref<128xi32, #tpu.memory_space<vmem>>) semaphore(%arg20 : memref<!tpu.dma_semaphore, #tpu.memory_space<semaphore_mem>>)
    %dma_start3A_35 = arith.constant 4 : i32
    %dma_start3A_36 = arith.constant 0 : i32
    %dma_start3A_37 = tpu.memref_slice %arg6[%dma_start3A_35, %dma_start3A_36] : memref<80x128xi32, #tpu.memory_space<vmem>> -> memref<1x128xi32, #tpu.memory_space<vmem>>
    %dma_start3A_38 = tpu.memref_squeeze %dma_start3A_37 : memref<1x128xi32, #tpu.memory_space<vmem>> -> memref<128xi32, #tpu.memory_space<vmem>>
    %dma_start3A_39 = arith.constant 0 : i32
    %dma_start3A_40 = arith.constant 0 : i32
    %dma_start3A_41 = tpu.memref_slice %arg2[%dma_start3A_39, %dma_start3A_40] : memref<10240x64xf32, #tpu.memory_space<hbm>> -> memref<10240x64xf32, #tpu.memory_space<hbm>>
    tpu.enqueue_indirect_dma source(%dma_start3A_41 : memref<10240x64xf32, #tpu.memory_space<hbm>>) target(%arg12 : memref<128x64xf32, #tpu.memory_space<vmem>>) offsets(%dma_start3A_38 : memref<128xi32, #tpu.memory_space<vmem>>) semaphore(%arg21 : memref<!tpu.dma_semaphore, #tpu.memory_space<semaphore_mem>>)
    %dma_start3A_42 = arith.constant 5 : i32
    %dma_start3A_43 = arith.constant 0 : i32
    %dma_start3A_44 = tpu.memref_slice %arg6[%dma_start3A_42, %dma_start3A_43] : memref<80x128xi32, #tpu.memory_space<vmem>> -> memref<1x128xi32, #tpu.memory_space<vmem>>
    %dma_start3A_45 = tpu.memref_squeeze %dma_start3A_44 : memref<1x128xi32, #tpu.memory_space<vmem>> -> memref<128xi32, #tpu.memory_space<vmem>>
    %dma_start3A_46 = arith.constant 0 : i32
    %dma_start3A_47 = arith.constant 0 : i32
    %dma_start3A_48 = tpu.memref_slice %arg2[%dma_start3A_46, %dma_start3A_47] : memref<10240x64xf32, #tpu.memory_space<hbm>> -> memref<10240x64xf32, #tpu.memory_space<hbm>>
    tpu.enqueue_indirect_dma source(%dma_start3A_48 : memref<10240x64xf32, #tpu.memory_space<hbm>>) target(%arg13 : memref<128x64xf32, #tpu.memory_space<vmem>>) offsets(%dma_start3A_45 : memref<128xi32, #tpu.memory_space<vmem>>) semaphore(%arg22 : memref<!tpu.dma_semaphore, #tpu.memory_space<semaphore_mem>>)
    %dma_start3A_49 = arith.constant 6 : i32
    %dma_start3A_50 = arith.constant 0 : i32
    %dma_start3A_51 = tpu.memref_slice %arg6[%dma_start3A_49, %dma_start3A_50] : memref<80x128xi32, #tpu.memory_space<vmem>> -> memref<1x128xi32, #tpu.memory_space<vmem>>
    %dma_start3A_52 = tpu.memref_squeeze %dma_start3A_51 : memref<1x128xi32, #tpu.memory_space<vmem>> -> memref<128xi32, #tpu.memory_space<vmem>>
    %dma_start3A_53 = arith.constant 0 : i32
    %dma_start3A_54 = arith.constant 0 : i32
    %dma_start3A_55 = tpu.memref_slice %arg2[%dma_start3A_53, %dma_start3A_54] : memref<10240x64xf32, #tpu.memory_space<hbm>> -> memref<10240x64xf32, #tpu.memory_space<hbm>>
    tpu.enqueue_indirect_dma source(%dma_start3A_55 : memref<10240x64xf32, #tpu.memory_space<hbm>>) target(%arg14 : memref<128x64xf32, #tpu.memory_space<vmem>>) offsets(%dma_start3A_52 : memref<128xi32, #tpu.memory_space<vmem>>) semaphore(%arg23 : memref<!tpu.dma_semaphore, #tpu.memory_space<semaphore_mem>>)
    %dma_start3A_56 = arith.constant 7 : i32
    %dma_start3A_57 = arith.constant 0 : i32
    %dma_start3A_58 = tpu.memref_slice %arg6[%dma_start3A_56, %dma_start3A_57] : memref<80x128xi32, #tpu.memory_space<vmem>> -> memref<1x128xi32, #tpu.memory_space<vmem>>
    %dma_start3A_59 = tpu.memref_squeeze %dma_start3A_58 : memref<1x128xi32, #tpu.memory_space<vmem>> -> memref<128xi32, #tpu.memory_space<vmem>>
    %dma_start3A_60 = arith.constant 0 : i32
    %dma_start3A_61 = arith.constant 0 : i32
    %dma_start3A_62 = tpu.memref_slice %arg2[%dma_start3A_60, %dma_start3A_61] : memref<10240x64xf32, #tpu.memory_space<hbm>> -> memref<10240x64xf32, #tpu.memory_space<hbm>>
    tpu.enqueue_indirect_dma source(%dma_start3A_62 : memref<10240x64xf32, #tpu.memory_space<hbm>>) target(%arg15 : memref<128x64xf32, #tpu.memory_space<vmem>>) offsets(%dma_start3A_59 : memref<128xi32, #tpu.memory_space<vmem>>) semaphore(%arg24 : memref<!tpu.dma_semaphore, #tpu.memory_space<semaphore_mem>>)
    %scan3A = arith.constant 0 : i32
    %scan3A_63 = arith.constant 9 : i32
    %scan3A_64 = arith.addi %scan3A, %scan3A_63 : i32
    %scan3A_65 = arith.constant 1 : i32
    scf.for %scan3A_239 = %scan3A to %scan3A_64 step %scan3A_65  : i32 {
      %mul3A_240 = arith.constant 8 : i32
      %mul3A_241 = arith.muli %scan3A_239, %mul3A_240 : i32
      %add3A_242 = arith.constant 0 : i32
      %add3A_243 = arith.addi %add3A_242, %mul3A_241 : i32
      %add3A_244 = arith.constant 0 : i32
      %add3A_245 = arith.addi %add3A_243, %add3A_244 : i32
      %dma_wait3A_246 = arith.constant 0 : i32
      %dma_wait3A_247 = tpu.memref_slice %arg6[%add3A_245, %dma_wait3A_246] : memref<80x128xi32, #tpu.memory_space<vmem>> -> memref<1x128xi32, #tpu.memory_space<vmem>>
      %dma_wait3A_248 = tpu.memref_squeeze %dma_wait3A_247 : memref<1x128xi32, #tpu.memory_space<vmem>> -> memref<128xi32, #tpu.memory_space<vmem>>
      %dma_wait3A_249 = arith.constant 0 : i32
      %dma_wait3A_250 = arith.constant 0 : i32
      %dma_wait3A_251 = tpu.memref_slice %arg2[%dma_wait3A_249, %dma_wait3A_250] : memref<10240x64xf32, #tpu.memory_space<hbm>> -> memref<10240x64xf32, #tpu.memory_space<hbm>>
      tpu.wait_indirect_dma semaphore(%arg17 : memref<!tpu.dma_semaphore, #tpu.memory_space<semaphore_mem>>) src(%dma_wait3A_251 : memref<10240x64xf32, #tpu.memory_space<hbm>>) dst(%arg8 : memref<128x64xf32, #tpu.memory_space<vmem>>)
      %add3A_252 = arith.constant 0 : i32
      %add3A_253 = arith.addi %add3A_243, %add3A_252 : i32
      %dma_start3A_254 = arith.constant 0 : i32
      %dma_start3A_255 = tpu.memref_slice %arg7[%add3A_253, %dma_start3A_254] : memref<80x128xi32, #tpu.memory_space<vmem>> -> memref<1x128xi32, #tpu.memory_space<vmem>>
      %dma_start3A_256 = tpu.memref_squeeze %dma_start3A_255 : memref<1x128xi32, #tpu.memory_space<vmem>> -> memref<128xi32, #tpu.memory_space<vmem>>
      %dma_start3A_257 = arith.constant 0 : i32
      %dma_start3A_258 = arith.constant 0 : i32
      %dma_start3A_259 = tpu.memref_slice %arg16[%dma_start3A_257, %dma_start3A_258] : memref<10240x64xf32, #tpu.memory_space<vmem_shared>> -> memref<10240x64xf32, #tpu.memory_space<vmem_shared>>
      tpu.enqueue_indirect_dma source(%arg8 : memref<128x64xf32, #tpu.memory_space<vmem>>) target(%dma_start3A_259 : memref<10240x64xf32, #tpu.memory_space<vmem_shared>>) offsets(%dma_start3A_256 : memref<128xi32, #tpu.memory_space<vmem>>) semaphore(%arg25 : memref<!tpu.dma_semaphore, #tpu.memory_space<semaphore_mem>>) {add = true}
      %add3A_260 = arith.constant 1 : i32
      %add3A_261 = arith.addi %add3A_243, %add3A_260 : i32
      %dma_wait3A_262 = arith.constant 0 : i32
      %dma_wait3A_263 = tpu.memref_slice %arg6[%add3A_261, %dma_wait3A_262] : memref<80x128xi32, #tpu.memory_space<vmem>> -> memref<1x128xi32, #tpu.memory_space<vmem>>
      %dma_wait3A_264 = tpu.memref_squeeze %dma_wait3A_263 : memref<1x128xi32, #tpu.memory_space<vmem>> -> memref<128xi32, #tpu.memory_space<vmem>>
      %dma_wait3A_265 = arith.constant 0 : i32
      %dma_wait3A_266 = arith.constant 0 : i32
      %dma_wait3A_267 = tpu.memref_slice %arg2[%dma_wait3A_265, %dma_wait3A_266] : memref<10240x64xf32, #tpu.memory_space<hbm>> -> memref<10240x64xf32, #tpu.memory_space<hbm>>
      tpu.wait_indirect_dma semaphore(%arg18 : memref<!tpu.dma_semaphore, #tpu.memory_space<semaphore_mem>>) src(%dma_wait3A_267 : memref<10240x64xf32, #tpu.memory_space<hbm>>) dst(%arg9 : memref<128x64xf32, #tpu.memory_space<vmem>>)
      %add3A_268 = arith.constant 1 : i32
      %add3A_269 = arith.addi %add3A_243, %add3A_268 : i32
      %dma_start3A_270 = arith.constant 0 : i32
      %dma_start3A_271 = tpu.memref_slice %arg7[%add3A_269, %dma_start3A_270] : memref<80x128xi32, #tpu.memory_space<vmem>> -> memref<1x128xi32, #tpu.memory_space<vmem>>
      %dma_start3A_272 = tpu.memref_squeeze %dma_start3A_271 : memref<1x128xi32, #tpu.memory_space<vmem>> -> memref<128xi32, #tpu.memory_space<vmem>>
      %dma_start3A_273 = arith.constant 0 : i32
      %dma_start3A_274 = arith.constant 0 : i32
      %dma_start3A_275 = tpu.memref_slice %arg16[%dma_start3A_273, %dma_start3A_274] : memref<10240x64xf32, #tpu.memory_space<vmem_shared>> -> memref<10240x64xf32, #tpu.memory_space<vmem_shared>>
      tpu.enqueue_indirect_dma source(%arg9 : memref<128x64xf32, #tpu.memory_space<vmem>>) target(%dma_start3A_275 : memref<10240x64xf32, #tpu.memory_space<vmem_shared>>) offsets(%dma_start3A_272 : memref<128xi32, #tpu.memory_space<vmem>>) semaphore(%arg26 : memref<!tpu.dma_semaphore, #tpu.memory_space<semaphore_mem>>) {add = true}
      %add3A_276 = arith.constant 2 : i32
      %add3A_277 = arith.addi %add3A_243, %add3A_276 : i32
      %dma_wait3A_278 = arith.constant 0 : i32
      %dma_wait3A_279 = tpu.memref_slice %arg6[%add3A_277, %dma_wait3A_278] : memref<80x128xi32, #tpu.memory_space<vmem>> -> memref<1x128xi32, #tpu.memory_space<vmem>>
      %dma_wait3A_280 = tpu.memref_squeeze %dma_wait3A_279 : memref<1x128xi32, #tpu.memory_space<vmem>> -> memref<128xi32, #tpu.memory_space<vmem>>
      %dma_wait3A_281 = arith.constant 0 : i32
      %dma_wait3A_282 = arith.constant 0 : i32
      %dma_wait3A_283 = tpu.memref_slice %arg2[%dma_wait3A_281, %dma_wait3A_282] : memref<10240x64xf32, #tpu.memory_space<hbm>> -> memref<10240x64xf32, #tpu.memory_space<hbm>>
      tpu.wait_indirect_dma semaphore(%arg19 : memref<!tpu.dma_semaphore, #tpu.memory_space<semaphore_mem>>) src(%dma_wait3A_283 : memref<10240x64xf32, #tpu.memory_space<hbm>>) dst(%arg10 : memref<128x64xf32, #tpu.memory_space<vmem>>)
      %add3A_284 = arith.constant 2 : i32
      %add3A_285 = arith.addi %add3A_243, %add3A_284 : i32
      %dma_start3A_286 = arith.constant 0 : i32
      %dma_start3A_287 = tpu.memref_slice %arg7[%add3A_285, %dma_start3A_286] : memref<80x128xi32, #tpu.memory_space<vmem>> -> memref<1x128xi32, #tpu.memory_space<vmem>>
      %dma_start3A_288 = tpu.memref_squeeze %dma_start3A_287 : memref<1x128xi32, #tpu.memory_space<vmem>> -> memref<128xi32, #tpu.memory_space<vmem>>
      %dma_start3A_289 = arith.constant 0 : i32
      %dma_start3A_290 = arith.constant 0 : i32
      %dma_start3A_291 = tpu.memref_slice %arg16[%dma_start3A_289, %dma_start3A_290] : memref<10240x64xf32, #tpu.memory_space<vmem_shared>> -> memref<10240x64xf32, #tpu.memory_space<vmem_shared>>
      tpu.enqueue_indirect_dma source(%arg10 : memref<128x64xf32, #tpu.memory_space<vmem>>) target(%dma_start3A_291 : memref<10240x64xf32, #tpu.memory_space<vmem_shared>>) offsets(%dma_start3A_288 : memref<128xi32, #tpu.memory_space<vmem>>) semaphore(%arg27 : memref<!tpu.dma_semaphore, #tpu.memory_space<semaphore_mem>>) {add = true}
      %add3A_292 = arith.constant 3 : i32
      %add3A_293 = arith.addi %add3A_243, %add3A_292 : i32
      %dma_wait3A_294 = arith.constant 0 : i32
      %dma_wait3A_295 = tpu.memref_slice %arg6[%add3A_293, %dma_wait3A_294] : memref<80x128xi32, #tpu.memory_space<vmem>> -> memref<1x128xi32, #tpu.memory_space<vmem>>
      %dma_wait3A_296 = tpu.memref_squeeze %dma_wait3A_295 : memref<1x128xi32, #tpu.memory_space<vmem>> -> memref<128xi32, #tpu.memory_space<vmem>>
      %dma_wait3A_297 = arith.constant 0 : i32
      %dma_wait3A_298 = arith.constant 0 : i32
      %dma_wait3A_299 = tpu.memref_slice %arg2[%dma_wait3A_297, %dma_wait3A_298] : memref<10240x64xf32, #tpu.memory_space<hbm>> -> memref<10240x64xf32, #tpu.memory_space<hbm>>
      tpu.wait_indirect_dma semaphore(%arg20 : memref<!tpu.dma_semaphore, #tpu.memory_space<semaphore_mem>>) src(%dma_wait3A_299 : memref<10240x64xf32, #tpu.memory_space<hbm>>) dst(%arg11 : memref<128x64xf32, #tpu.memory_space<vmem>>)
      %add3A_300 = arith.constant 3 : i32
      %add3A_301 = arith.addi %add3A_243, %add3A_300 : i32
      %dma_start3A_302 = arith.constant 0 : i32
      %dma_start3A_303 = tpu.memref_slice %arg7[%add3A_301, %dma_start3A_302] : memref<80x128xi32, #tpu.memory_space<vmem>> -> memref<1x128xi32, #tpu.memory_space<vmem>>
      %dma_start3A_304 = tpu.memref_squeeze %dma_start3A_303 : memref<1x128xi32, #tpu.memory_space<vmem>> -> memref<128xi32, #tpu.memory_space<vmem>>
      %dma_start3A_305 = arith.constant 0 : i32
      %dma_start3A_306 = arith.constant 0 : i32
      %dma_start3A_307 = tpu.memref_slice %arg16[%dma_start3A_305, %dma_start3A_306] : memref<10240x64xf32, #tpu.memory_space<vmem_shared>> -> memref<10240x64xf32, #tpu.memory_space<vmem_shared>>
      tpu.enqueue_indirect_dma source(%arg11 : memref<128x64xf32, #tpu.memory_space<vmem>>) target(%dma_start3A_307 : memref<10240x64xf32, #tpu.memory_space<vmem_shared>>) offsets(%dma_start3A_304 : memref<128xi32, #tpu.memory_space<vmem>>) semaphore(%arg28 : memref<!tpu.dma_semaphore, #tpu.memory_space<semaphore_mem>>) {add = true}
      %add3A_308 = arith.constant 4 : i32
      %add3A_309 = arith.addi %add3A_243, %add3A_308 : i32
      %dma_wait3A_310 = arith.constant 0 : i32
      %dma_wait3A_311 = tpu.memref_slice %arg6[%add3A_309, %dma_wait3A_310] : memref<80x128xi32, #tpu.memory_space<vmem>> -> memref<1x128xi32, #tpu.memory_space<vmem>>
      %dma_wait3A_312 = tpu.memref_squeeze %dma_wait3A_311 : memref<1x128xi32, #tpu.memory_space<vmem>> -> memref<128xi32, #tpu.memory_space<vmem>>
      %dma_wait3A_313 = arith.constant 0 : i32
      %dma_wait3A_314 = arith.constant 0 : i32
      %dma_wait3A_315 = tpu.memref_slice %arg2[%dma_wait3A_313, %dma_wait3A_314] : memref<10240x64xf32, #tpu.memory_space<hbm>> -> memref<10240x64xf32, #tpu.memory_space<hbm>>
      tpu.wait_indirect_dma semaphore(%arg21 : memref<!tpu.dma_semaphore, #tpu.memory_space<semaphore_mem>>) src(%dma_wait3A_315 : memref<10240x64xf32, #tpu.memory_space<hbm>>) dst(%arg12 : memref<128x64xf32, #tpu.memory_space<vmem>>)
      %add3A_316 = arith.constant 4 : i32
      %add3A_317 = arith.addi %add3A_243, %add3A_316 : i32
      %dma_start3A_318 = arith.constant 0 : i32
      %dma_start3A_319 = tpu.memref_slice %arg7[%add3A_317, %dma_start3A_318] : memref<80x128xi32, #tpu.memory_space<vmem>> -> memref<1x128xi32, #tpu.memory_space<vmem>>
      %dma_start3A_320 = tpu.memref_squeeze %dma_start3A_319 : memref<1x128xi32, #tpu.memory_space<vmem>> -> memref<128xi32, #tpu.memory_space<vmem>>
      %dma_start3A_321 = arith.constant 0 : i32
      %dma_start3A_322 = arith.constant 0 : i32
      %dma_start3A_323 = tpu.memref_slice %arg16[%dma_start3A_321, %dma_start3A_322] : memref<10240x64xf32, #tpu.memory_space<vmem_shared>> -> memref<10240x64xf32, #tpu.memory_space<vmem_shared>>
      tpu.enqueue_indirect_dma source(%arg12 : memref<128x64xf32, #tpu.memory_space<vmem>>) target(%dma_start3A_323 : memref<10240x64xf32, #tpu.memory_space<vmem_shared>>) offsets(%dma_start3A_320 : memref<128xi32, #tpu.memory_space<vmem>>) semaphore(%arg29 : memref<!tpu.dma_semaphore, #tpu.memory_space<semaphore_mem>>) {add = true}
      %add3A_324 = arith.constant 5 : i32
      %add3A_325 = arith.addi %add3A_243, %add3A_324 : i32
      %dma_wait3A_326 = arith.constant 0 : i32
      %dma_wait3A_327 = tpu.memref_slice %arg6[%add3A_325, %dma_wait3A_326] : memref<80x128xi32, #tpu.memory_space<vmem>> -> memref<1x128xi32, #tpu.memory_space<vmem>>
      %dma_wait3A_328 = tpu.memref_squeeze %dma_wait3A_327 : memref<1x128xi32, #tpu.memory_space<vmem>> -> memref<128xi32, #tpu.memory_space<vmem>>
      %dma_wait3A_329 = arith.constant 0 : i32
      %dma_wait3A_330 = arith.constant 0 : i32
      %dma_wait3A_331 = tpu.memref_slice %arg2[%dma_wait3A_329, %dma_wait3A_330] : memref<10240x64xf32, #tpu.memory_space<hbm>> -> memref<10240x64xf32, #tpu.memory_space<hbm>>
      tpu.wait_indirect_dma semaphore(%arg22 : memref<!tpu.dma_semaphore, #tpu.memory_space<semaphore_mem>>) src(%dma_wait3A_331 : memref<10240x64xf32, #tpu.memory_space<hbm>>) dst(%arg13 : memref<128x64xf32, #tpu.memory_space<vmem>>)
      %add3A_332 = arith.constant 5 : i32
      %add3A_333 = arith.addi %add3A_243, %add3A_332 : i32
      %dma_start3A_334 = arith.constant 0 : i32
      %dma_start3A_335 = tpu.memref_slice %arg7[%add3A_333, %dma_start3A_334] : memref<80x128xi32, #tpu.memory_space<vmem>> -> memref<1x128xi32, #tpu.memory_space<vmem>>
      %dma_start3A_336 = tpu.memref_squeeze %dma_start3A_335 : memref<1x128xi32, #tpu.memory_space<vmem>> -> memref<128xi32, #tpu.memory_space<vmem>>
      %dma_start3A_337 = arith.constant 0 : i32
      %dma_start3A_338 = arith.constant 0 : i32
      %dma_start3A_339 = tpu.memref_slice %arg16[%dma_start3A_337, %dma_start3A_338] : memref<10240x64xf32, #tpu.memory_space<vmem_shared>> -> memref<10240x64xf32, #tpu.memory_space<vmem_shared>>
      tpu.enqueue_indirect_dma source(%arg13 : memref<128x64xf32, #tpu.memory_space<vmem>>) target(%dma_start3A_339 : memref<10240x64xf32, #tpu.memory_space<vmem_shared>>) offsets(%dma_start3A_336 : memref<128xi32, #tpu.memory_space<vmem>>) semaphore(%arg30 : memref<!tpu.dma_semaphore, #tpu.memory_space<semaphore_mem>>) {add = true}
      %add3A_340 = arith.constant 6 : i32
      %add3A_341 = arith.addi %add3A_243, %add3A_340 : i32
      %dma_wait3A_342 = arith.constant 0 : i32
      %dma_wait3A_343 = tpu.memref_slice %arg6[%add3A_341, %dma_wait3A_342] : memref<80x128xi32, #tpu.memory_space<vmem>> -> memref<1x128xi32, #tpu.memory_space<vmem>>
      %dma_wait3A_344 = tpu.memref_squeeze %dma_wait3A_343 : memref<1x128xi32, #tpu.memory_space<vmem>> -> memref<128xi32, #tpu.memory_space<vmem>>
      %dma_wait3A_345 = arith.constant 0 : i32
      %dma_wait3A_346 = arith.constant 0 : i32
      %dma_wait3A_347 = tpu.memref_slice %arg2[%dma_wait3A_345, %dma_wait3A_346] : memref<10240x64xf32, #tpu.memory_space<hbm>> -> memref<10240x64xf32, #tpu.memory_space<hbm>>
      tpu.wait_indirect_dma semaphore(%arg23 : memref<!tpu.dma_semaphore, #tpu.memory_space<semaphore_mem>>) src(%dma_wait3A_347 : memref<10240x64xf32, #tpu.memory_space<hbm>>) dst(%arg14 : memref<128x64xf32, #tpu.memory_space<vmem>>)
      %add3A_348 = arith.constant 6 : i32
      %add3A_349 = arith.addi %add3A_243, %add3A_348 : i32
      %dma_start3A_350 = arith.constant 0 : i32
      %dma_start3A_351 = tpu.memref_slice %arg7[%add3A_349, %dma_start3A_350] : memref<80x128xi32, #tpu.memory_space<vmem>> -> memref<1x128xi32, #tpu.memory_space<vmem>>
      %dma_start3A_352 = tpu.memref_squeeze %dma_start3A_351 : memref<1x128xi32, #tpu.memory_space<vmem>> -> memref<128xi32, #tpu.memory_space<vmem>>
      %dma_start3A_353 = arith.constant 0 : i32
      %dma_start3A_354 = arith.constant 0 : i32
      %dma_start3A_355 = tpu.memref_slice %arg16[%dma_start3A_353, %dma_start3A_354] : memref<10240x64xf32, #tpu.memory_space<vmem_shared>> -> memref<10240x64xf32, #tpu.memory_space<vmem_shared>>
      tpu.enqueue_indirect_dma source(%arg14 : memref<128x64xf32, #tpu.memory_space<vmem>>) target(%dma_start3A_355 : memref<10240x64xf32, #tpu.memory_space<vmem_shared>>) offsets(%dma_start3A_352 : memref<128xi32, #tpu.memory_space<vmem>>) semaphore(%arg31 : memref<!tpu.dma_semaphore, #tpu.memory_space<semaphore_mem>>) {add = true}
      %add3A_356 = arith.constant 7 : i32
      %add3A_357 = arith.addi %add3A_243, %add3A_356 : i32
      %dma_wait3A_358 = arith.constant 0 : i32
      %dma_wait3A_359 = tpu.memref_slice %arg6[%add3A_357, %dma_wait3A_358] : memref<80x128xi32, #tpu.memory_space<vmem>> -> memref<1x128xi32, #tpu.memory_space<vmem>>
      %dma_wait3A_360 = tpu.memref_squeeze %dma_wait3A_359 : memref<1x128xi32, #tpu.memory_space<vmem>> -> memref<128xi32, #tpu.memory_space<vmem>>
      %dma_wait3A_361 = arith.constant 0 : i32
      %dma_wait3A_362 = arith.constant 0 : i32
      %dma_wait3A_363 = tpu.memref_slice %arg2[%dma_wait3A_361, %dma_wait3A_362] : memref<10240x64xf32, #tpu.memory_space<hbm>> -> memref<10240x64xf32, #tpu.memory_space<hbm>>
      tpu.wait_indirect_dma semaphore(%arg24 : memref<!tpu.dma_semaphore, #tpu.memory_space<semaphore_mem>>) src(%dma_wait3A_363 : memref<10240x64xf32, #tpu.memory_space<hbm>>) dst(%arg15 : memref<128x64xf32, #tpu.memory_space<vmem>>)
      %add3A_364 = arith.constant 7 : i32
      %add3A_365 = arith.addi %add3A_243, %add3A_364 : i32
      %dma_start3A_366 = arith.constant 0 : i32
      %dma_start3A_367 = tpu.memref_slice %arg7[%add3A_365, %dma_start3A_366] : memref<80x128xi32, #tpu.memory_space<vmem>> -> memref<1x128xi32, #tpu.memory_space<vmem>>
      %dma_start3A_368 = tpu.memref_squeeze %dma_start3A_367 : memref<1x128xi32, #tpu.memory_space<vmem>> -> memref<128xi32, #tpu.memory_space<vmem>>
      %dma_start3A_369 = arith.constant 0 : i32
      %dma_start3A_370 = arith.constant 0 : i32
      %dma_start3A_371 = tpu.memref_slice %arg16[%dma_start3A_369, %dma_start3A_370] : memref<10240x64xf32, #tpu.memory_space<vmem_shared>> -> memref<10240x64xf32, #tpu.memory_space<vmem_shared>>
      tpu.enqueue_indirect_dma source(%arg15 : memref<128x64xf32, #tpu.memory_space<vmem>>) target(%dma_start3A_371 : memref<10240x64xf32, #tpu.memory_space<vmem_shared>>) offsets(%dma_start3A_368 : memref<128xi32, #tpu.memory_space<vmem>>) semaphore(%arg32 : memref<!tpu.dma_semaphore, #tpu.memory_space<semaphore_mem>>) {add = true}
      %dma_wait3A_372 = arith.constant 0 : i32
      %dma_wait3A_373 = arith.constant 0 : i32
      %dma_wait3A_374 = tpu.memref_slice %arg7[%dma_wait3A_372, %dma_wait3A_373] : memref<80x128xi32, #tpu.memory_space<vmem>> -> memref<1x128xi32, #tpu.memory_space<vmem>>
      %dma_wait3A_375 = tpu.memref_squeeze %dma_wait3A_374 : memref<1x128xi32, #tpu.memory_space<vmem>> -> memref<128xi32, #tpu.memory_space<vmem>>
      %dma_wait3A_376 = arith.constant 0 : i32
      %dma_wait3A_377 = arith.constant 0 : i32
      %dma_wait3A_378 = tpu.memref_slice %arg16[%dma_wait3A_376, %dma_wait3A_377] : memref<10240x64xf32, #tpu.memory_space<vmem_shared>> -> memref<10240x64xf32, #tpu.memory_space<vmem_shared>>
      tpu.wait_indirect_dma semaphore(%arg25 : memref<!tpu.dma_semaphore, #tpu.memory_space<semaphore_mem>>) src(%arg8 : memref<128x64xf32, #tpu.memory_space<vmem>>) dst(%dma_wait3A_378 : memref<10240x64xf32, #tpu.memory_space<vmem_shared>>)
      %add3A_379 = arith.constant 8 : i32
      %add3A_380 = arith.addi %add3A_243, %add3A_379 : i32
      %add3A_381 = arith.constant 0 : i32
      %add3A_382 = arith.addi %add3A_380, %add3A_381 : i32
      %dma_start3A_383 = arith.constant 0 : i32
      %dma_start3A_384 = tpu.memref_slice %arg6[%add3A_382, %dma_start3A_383] : memref<80x128xi32, #tpu.memory_space<vmem>> -> memref<1x128xi32, #tpu.memory_space<vmem>>
      %dma_start3A_385 = tpu.memref_squeeze %dma_start3A_384 : memref<1x128xi32, #tpu.memory_space<vmem>> -> memref<128xi32, #tpu.memory_space<vmem>>
      %dma_start3A_386 = arith.constant 0 : i32
      %dma_start3A_387 = arith.constant 0 : i32
      %dma_start3A_388 = tpu.memref_slice %arg2[%dma_start3A_386, %dma_start3A_387] : memref<10240x64xf32, #tpu.memory_space<hbm>> -> memref<10240x64xf32, #tpu.memory_space<hbm>>
      tpu.enqueue_indirect_dma source(%dma_start3A_388 : memref<10240x64xf32, #tpu.memory_space<hbm>>) target(%arg8 : memref<128x64xf32, #tpu.memory_space<vmem>>) offsets(%dma_start3A_385 : memref<128xi32, #tpu.memory_space<vmem>>) semaphore(%arg17 : memref<!tpu.dma_semaphore, #tpu.memory_space<semaphore_mem>>)
      %dma_wait3A_389 = arith.constant 0 : i32
      %dma_wait3A_390 = arith.constant 0 : i32
      %dma_wait3A_391 = tpu.memref_slice %arg7[%dma_wait3A_389, %dma_wait3A_390] : memref<80x128xi32, #tpu.memory_space<vmem>> -> memref<1x128xi32, #tpu.memory_space<vmem>>
      %dma_wait3A_392 = tpu.memref_squeeze %dma_wait3A_391 : memref<1x128xi32, #tpu.memory_space<vmem>> -> memref<128xi32, #tpu.memory_space<vmem>>
      %dma_wait3A_393 = arith.constant 0 : i32
      %dma_wait3A_394 = arith.constant 0 : i32
      %dma_wait3A_395 = tpu.memref_slice %arg16[%dma_wait3A_393, %dma_wait3A_394] : memref<10240x64xf32, #tpu.memory_space<vmem_shared>> -> memref<10240x64xf32, #tpu.memory_space<vmem_shared>>
      tpu.wait_indirect_dma semaphore(%arg26 : memref<!tpu.dma_semaphore, #tpu.memory_space<semaphore_mem>>) src(%arg9 : memref<128x64xf32, #tpu.memory_space<vmem>>) dst(%dma_wait3A_395 : memref<10240x64xf32, #tpu.memory_space<vmem_shared>>)
      %add3A_396 = arith.constant 8 : i32
      %add3A_397 = arith.addi %add3A_243, %add3A_396 : i32
      %add3A_398 = arith.constant 1 : i32
      %add3A_399 = arith.addi %add3A_397, %add3A_398 : i32
      %dma_start3A_400 = arith.constant 0 : i32
      %dma_start3A_401 = tpu.memref_slice %arg6[%add3A_399, %dma_start3A_400] : memref<80x128xi32, #tpu.memory_space<vmem>> -> memref<1x128xi32, #tpu.memory_space<vmem>>
      %dma_start3A_402 = tpu.memref_squeeze %dma_start3A_401 : memref<1x128xi32, #tpu.memory_space<vmem>> -> memref<128xi32, #tpu.memory_space<vmem>>
      %dma_start3A_403 = arith.constant 0 : i32
      %dma_start3A_404 = arith.constant 0 : i32
      %dma_start3A_405 = tpu.memref_slice %arg2[%dma_start3A_403, %dma_start3A_404] : memref<10240x64xf32, #tpu.memory_space<hbm>> -> memref<10240x64xf32, #tpu.memory_space<hbm>>
      tpu.enqueue_indirect_dma source(%dma_start3A_405 : memref<10240x64xf32, #tpu.memory_space<hbm>>) target(%arg9 : memref<128x64xf32, #tpu.memory_space<vmem>>) offsets(%dma_start3A_402 : memref<128xi32, #tpu.memory_space<vmem>>) semaphore(%arg18 : memref<!tpu.dma_semaphore, #tpu.memory_space<semaphore_mem>>)
      %dma_wait3A_406 = arith.constant 0 : i32
      %dma_wait3A_407 = arith.constant 0 : i32
      %dma_wait3A_408 = tpu.memref_slice %arg7[%dma_wait3A_406, %dma_wait3A_407] : memref<80x128xi32, #tpu.memory_space<vmem>> -> memref<1x128xi32, #tpu.memory_space<vmem>>
      %dma_wait3A_409 = tpu.memref_squeeze %dma_wait3A_408 : memref<1x128xi32, #tpu.memory_space<vmem>> -> memref<128xi32, #tpu.memory_space<vmem>>
      %dma_wait3A_410 = arith.constant 0 : i32
      %dma_wait3A_411 = arith.constant 0 : i32
      %dma_wait3A_412 = tpu.memref_slice %arg16[%dma_wait3A_410, %dma_wait3A_411] : memref<10240x64xf32, #tpu.memory_space<vmem_shared>> -> memref<10240x64xf32, #tpu.memory_space<vmem_shared>>
      tpu.wait_indirect_dma semaphore(%arg27 : memref<!tpu.dma_semaphore, #tpu.memory_space<semaphore_mem>>) src(%arg10 : memref<128x64xf32, #tpu.memory_space<vmem>>) dst(%dma_wait3A_412 : memref<10240x64xf32, #tpu.memory_space<vmem_shared>>)
      %add3A_413 = arith.constant 8 : i32
      %add3A_414 = arith.addi %add3A_243, %add3A_413 : i32
      %add3A_415 = arith.constant 2 : i32
      %add3A_416 = arith.addi %add3A_414, %add3A_415 : i32
      %dma_start3A_417 = arith.constant 0 : i32
      %dma_start3A_418 = tpu.memref_slice %arg6[%add3A_416, %dma_start3A_417] : memref<80x128xi32, #tpu.memory_space<vmem>> -> memref<1x128xi32, #tpu.memory_space<vmem>>
      %dma_start3A_419 = tpu.memref_squeeze %dma_start3A_418 : memref<1x128xi32, #tpu.memory_space<vmem>> -> memref<128xi32, #tpu.memory_space<vmem>>
      %dma_start3A_420 = arith.constant 0 : i32
      %dma_start3A_421 = arith.constant 0 : i32
      %dma_start3A_422 = tpu.memref_slice %arg2[%dma_start3A_420, %dma_start3A_421] : memref<10240x64xf32, #tpu.memory_space<hbm>> -> memref<10240x64xf32, #tpu.memory_space<hbm>>
      tpu.enqueue_indirect_dma source(%dma_start3A_422 : memref<10240x64xf32, #tpu.memory_space<hbm>>) target(%arg10 : memref<128x64xf32, #tpu.memory_space<vmem>>) offsets(%dma_start3A_419 : memref<128xi32, #tpu.memory_space<vmem>>) semaphore(%arg19 : memref<!tpu.dma_semaphore, #tpu.memory_space<semaphore_mem>>)
      %dma_wait3A_423 = arith.constant 0 : i32
      %dma_wait3A_424 = arith.constant 0 : i32
      %dma_wait3A_425 = tpu.memref_slice %arg7[%dma_wait3A_423, %dma_wait3A_424] : memref<80x128xi32, #tpu.memory_space<vmem>> -> memref<1x128xi32, #tpu.memory_space<vmem>>
      %dma_wait3A_426 = tpu.memref_squeeze %dma_wait3A_425 : memref<1x128xi32, #tpu.memory_space<vmem>> -> memref<128xi32, #tpu.memory_space<vmem>>
      %dma_wait3A_427 = arith.constant 0 : i32
      %dma_wait3A_428 = arith.constant 0 : i32
      %dma_wait3A_429 = tpu.memref_slice %arg16[%dma_wait3A_427, %dma_wait3A_428] : memref<10240x64xf32, #tpu.memory_space<vmem_shared>> -> memref<10240x64xf32, #tpu.memory_space<vmem_shared>>
      tpu.wait_indirect_dma semaphore(%arg28 : memref<!tpu.dma_semaphore, #tpu.memory_space<semaphore_mem>>) src(%arg11 : memref<128x64xf32, #tpu.memory_space<vmem>>) dst(%dma_wait3A_429 : memref<10240x64xf32, #tpu.memory_space<vmem_shared>>)
      %add3A_430 = arith.constant 8 : i32
      %add3A_431 = arith.addi %add3A_243, %add3A_430 : i32
      %add3A_432 = arith.constant 3 : i32
      %add3A_433 = arith.addi %add3A_431, %add3A_432 : i32
      %dma_start3A_434 = arith.constant 0 : i32
      %dma_start3A_435 = tpu.memref_slice %arg6[%add3A_433, %dma_start3A_434] : memref<80x128xi32, #tpu.memory_space<vmem>> -> memref<1x128xi32, #tpu.memory_space<vmem>>
      %dma_start3A_436 = tpu.memref_squeeze %dma_start3A_435 : memref<1x128xi32, #tpu.memory_space<vmem>> -> memref<128xi32, #tpu.memory_space<vmem>>
      %dma_start3A_437 = arith.constant 0 : i32
      %dma_start3A_438 = arith.constant 0 : i32
      %dma_start3A_439 = tpu.memref_slice %arg2[%dma_start3A_437, %dma_start3A_438] : memref<10240x64xf32, #tpu.memory_space<hbm>> -> memref<10240x64xf32, #tpu.memory_space<hbm>>
      tpu.enqueue_indirect_dma source(%dma_start3A_439 : memref<10240x64xf32, #tpu.memory_space<hbm>>) target(%arg11 : memref<128x64xf32, #tpu.memory_space<vmem>>) offsets(%dma_start3A_436 : memref<128xi32, #tpu.memory_space<vmem>>) semaphore(%arg20 : memref<!tpu.dma_semaphore, #tpu.memory_space<semaphore_mem>>)
      %dma_wait3A_440 = arith.constant 0 : i32
      %dma_wait3A_441 = arith.constant 0 : i32
      %dma_wait3A_442 = tpu.memref_slice %arg7[%dma_wait3A_440, %dma_wait3A_441] : memref<80x128xi32, #tpu.memory_space<vmem>> -> memref<1x128xi32, #tpu.memory_space<vmem>>
      %dma_wait3A_443 = tpu.memref_squeeze %dma_wait3A_442 : memref<1x128xi32, #tpu.memory_space<vmem>> -> memref<128xi32, #tpu.memory_space<vmem>>
      %dma_wait3A_444 = arith.constant 0 : i32
      %dma_wait3A_445 = arith.constant 0 : i32
      %dma_wait3A_446 = tpu.memref_slice %arg16[%dma_wait3A_444, %dma_wait3A_445] : memref<10240x64xf32, #tpu.memory_space<vmem_shared>> -> memref<10240x64xf32, #tpu.memory_space<vmem_shared>>
      tpu.wait_indirect_dma semaphore(%arg29 : memref<!tpu.dma_semaphore, #tpu.memory_space<semaphore_mem>>) src(%arg12 : memref<128x64xf32, #tpu.memory_space<vmem>>) dst(%dma_wait3A_446 : memref<10240x64xf32, #tpu.memory_space<vmem_shared>>)
      %add3A_447 = arith.constant 8 : i32
      %add3A_448 = arith.addi %add3A_243, %add3A_447 : i32
      %add3A_449 = arith.constant 4 : i32
      %add3A_450 = arith.addi %add3A_448, %add3A_449 : i32
      %dma_start3A_451 = arith.constant 0 : i32
      %dma_start3A_452 = tpu.memref_slice %arg6[%add3A_450, %dma_start3A_451] : memref<80x128xi32, #tpu.memory_space<vmem>> -> memref<1x128xi32, #tpu.memory_space<vmem>>
      %dma_start3A_453 = tpu.memref_squeeze %dma_start3A_452 : memref<1x128xi32, #tpu.memory_space<vmem>> -> memref<128xi32, #tpu.memory_space<vmem>>
      %dma_start3A_454 = arith.constant 0 : i32
      %dma_start3A_455 = arith.constant 0 : i32
      %dma_start3A_456 = tpu.memref_slice %arg2[%dma_start3A_454, %dma_start3A_455] : memref<10240x64xf32, #tpu.memory_space<hbm>> -> memref<10240x64xf32, #tpu.memory_space<hbm>>
      tpu.enqueue_indirect_dma source(%dma_start3A_456 : memref<10240x64xf32, #tpu.memory_space<hbm>>) target(%arg12 : memref<128x64xf32, #tpu.memory_space<vmem>>) offsets(%dma_start3A_453 : memref<128xi32, #tpu.memory_space<vmem>>) semaphore(%arg21 : memref<!tpu.dma_semaphore, #tpu.memory_space<semaphore_mem>>)
      %dma_wait3A_457 = arith.constant 0 : i32
      %dma_wait3A_458 = arith.constant 0 : i32
      %dma_wait3A_459 = tpu.memref_slice %arg7[%dma_wait3A_457, %dma_wait3A_458] : memref<80x128xi32, #tpu.memory_space<vmem>> -> memref<1x128xi32, #tpu.memory_space<vmem>>
      %dma_wait3A_460 = tpu.memref_squeeze %dma_wait3A_459 : memref<1x128xi32, #tpu.memory_space<vmem>> -> memref<128xi32, #tpu.memory_space<vmem>>
      %dma_wait3A_461 = arith.constant 0 : i32
      %dma_wait3A_462 = arith.constant 0 : i32
      %dma_wait3A_463 = tpu.memref_slice %arg16[%dma_wait3A_461, %dma_wait3A_462] : memref<10240x64xf32, #tpu.memory_space<vmem_shared>> -> memref<10240x64xf32, #tpu.memory_space<vmem_shared>>
      tpu.wait_indirect_dma semaphore(%arg30 : memref<!tpu.dma_semaphore, #tpu.memory_space<semaphore_mem>>) src(%arg13 : memref<128x64xf32, #tpu.memory_space<vmem>>) dst(%dma_wait3A_463 : memref<10240x64xf32, #tpu.memory_space<vmem_shared>>)
      %add3A_464 = arith.constant 8 : i32
      %add3A_465 = arith.addi %add3A_243, %add3A_464 : i32
      %add3A_466 = arith.constant 5 : i32
      %add3A_467 = arith.addi %add3A_465, %add3A_466 : i32
      %dma_start3A_468 = arith.constant 0 : i32
      %dma_start3A_469 = tpu.memref_slice %arg6[%add3A_467, %dma_start3A_468] : memref<80x128xi32, #tpu.memory_space<vmem>> -> memref<1x128xi32, #tpu.memory_space<vmem>>
      %dma_start3A_470 = tpu.memref_squeeze %dma_start3A_469 : memref<1x128xi32, #tpu.memory_space<vmem>> -> memref<128xi32, #tpu.memory_space<vmem>>
      %dma_start3A_471 = arith.constant 0 : i32
      %dma_start3A_472 = arith.constant 0 : i32
      %dma_start3A_473 = tpu.memref_slice %arg2[%dma_start3A_471, %dma_start3A_472] : memref<10240x64xf32, #tpu.memory_space<hbm>> -> memref<10240x64xf32, #tpu.memory_space<hbm>>
      tpu.enqueue_indirect_dma source(%dma_start3A_473 : memref<10240x64xf32, #tpu.memory_space<hbm>>) target(%arg13 : memref<128x64xf32, #tpu.memory_space<vmem>>) offsets(%dma_start3A_470 : memref<128xi32, #tpu.memory_space<vmem>>) semaphore(%arg22 : memref<!tpu.dma_semaphore, #tpu.memory_space<semaphore_mem>>)
      %dma_wait3A_474 = arith.constant 0 : i32
      %dma_wait3A_475 = arith.constant 0 : i32
      %dma_wait3A_476 = tpu.memref_slice %arg7[%dma_wait3A_474, %dma_wait3A_475] : memref<80x128xi32, #tpu.memory_space<vmem>> -> memref<1x128xi32, #tpu.memory_space<vmem>>
      %dma_wait3A_477 = tpu.memref_squeeze %dma_wait3A_476 : memref<1x128xi32, #tpu.memory_space<vmem>> -> memref<128xi32, #tpu.memory_space<vmem>>
      %dma_wait3A_478 = arith.constant 0 : i32
      %dma_wait3A_479 = arith.constant 0 : i32
      %dma_wait3A_480 = tpu.memref_slice %arg16[%dma_wait3A_478, %dma_wait3A_479] : memref<10240x64xf32, #tpu.memory_space<vmem_shared>> -> memref<10240x64xf32, #tpu.memory_space<vmem_shared>>
      tpu.wait_indirect_dma semaphore(%arg31 : memref<!tpu.dma_semaphore, #tpu.memory_space<semaphore_mem>>) src(%arg14 : memref<128x64xf32, #tpu.memory_space<vmem>>) dst(%dma_wait3A_480 : memref<10240x64xf32, #tpu.memory_space<vmem_shared>>)
      %add3A_481 = arith.constant 8 : i32
      %add3A_482 = arith.addi %add3A_243, %add3A_481 : i32
      %add3A_483 = arith.constant 6 : i32
      %add3A_484 = arith.addi %add3A_482, %add3A_483 : i32
      %dma_start3A_485 = arith.constant 0 : i32
      %dma_start3A_486 = tpu.memref_slice %arg6[%add3A_484, %dma_start3A_485] : memref<80x128xi32, #tpu.memory_space<vmem>> -> memref<1x128xi32, #tpu.memory_space<vmem>>
      %dma_start3A_487 = tpu.memref_squeeze %dma_start3A_486 : memref<1x128xi32, #tpu.memory_space<vmem>> -> memref<128xi32, #tpu.memory_space<vmem>>
      %dma_start3A_488 = arith.constant 0 : i32
      %dma_start3A_489 = arith.constant 0 : i32
      %dma_start3A_490 = tpu.memref_slice %arg2[%dma_start3A_488, %dma_start3A_489] : memref<10240x64xf32, #tpu.memory_space<hbm>> -> memref<10240x64xf32, #tpu.memory_space<hbm>>
      tpu.enqueue_indirect_dma source(%dma_start3A_490 : memref<10240x64xf32, #tpu.memory_space<hbm>>) target(%arg14 : memref<128x64xf32, #tpu.memory_space<vmem>>) offsets(%dma_start3A_487 : memref<128xi32, #tpu.memory_space<vmem>>) semaphore(%arg23 : memref<!tpu.dma_semaphore, #tpu.memory_space<semaphore_mem>>)
      %dma_wait3A_491 = arith.constant 0 : i32
      %dma_wait3A_492 = arith.constant 0 : i32
      %dma_wait3A_493 = tpu.memref_slice %arg7[%dma_wait3A_491, %dma_wait3A_492] : memref<80x128xi32, #tpu.memory_space<vmem>> -> memref<1x128xi32, #tpu.memory_space<vmem>>
      %dma_wait3A_494 = tpu.memref_squeeze %dma_wait3A_493 : memref<1x128xi32, #tpu.memory_space<vmem>> -> memref<128xi32, #tpu.memory_space<vmem>>
      %dma_wait3A_495 = arith.constant 0 : i32
      %dma_wait3A_496 = arith.constant 0 : i32
      %dma_wait3A_497 = tpu.memref_slice %arg16[%dma_wait3A_495, %dma_wait3A_496] : memref<10240x64xf32, #tpu.memory_space<vmem_shared>> -> memref<10240x64xf32, #tpu.memory_space<vmem_shared>>
      tpu.wait_indirect_dma semaphore(%arg32 : memref<!tpu.dma_semaphore, #tpu.memory_space<semaphore_mem>>) src(%arg15 : memref<128x64xf32, #tpu.memory_space<vmem>>) dst(%dma_wait3A_497 : memref<10240x64xf32, #tpu.memory_space<vmem_shared>>)
      %add3A_498 = arith.constant 8 : i32
      %add3A_499 = arith.addi %add3A_243, %add3A_498 : i32
      %add3A_500 = arith.constant 7 : i32
      %add3A_501 = arith.addi %add3A_499, %add3A_500 : i32
      %dma_start3A_502 = arith.constant 0 : i32
      %dma_start3A_503 = tpu.memref_slice %arg6[%add3A_501, %dma_start3A_502] : memref<80x128xi32, #tpu.memory_space<vmem>> -> memref<1x128xi32, #tpu.memory_space<vmem>>
      %dma_start3A_504 = tpu.memref_squeeze %dma_start3A_503 : memref<1x128xi32, #tpu.memory_space<vmem>> -> memref<128xi32, #tpu.memory_space<vmem>>
      %dma_start3A_505 = arith.constant 0 : i32
      %dma_start3A_506 = arith.constant 0 : i32
      %dma_start3A_507 = tpu.memref_slice %arg2[%dma_start3A_505, %dma_start3A_506] : memref<10240x64xf32, #tpu.memory_space<hbm>> -> memref<10240x64xf32, #tpu.memory_space<hbm>>
      tpu.enqueue_indirect_dma source(%dma_start3A_507 : memref<10240x64xf32, #tpu.memory_space<hbm>>) target(%arg15 : memref<128x64xf32, #tpu.memory_space<vmem>>) offsets(%dma_start3A_504 : memref<128xi32, #tpu.memory_space<vmem>>) semaphore(%arg24 : memref<!tpu.dma_semaphore, #tpu.memory_space<semaphore_mem>>)
    }
    %scan3A_66 = arith.constant 9 : i32
    %dma_wait3A = arith.constant 72 : i32
    %dma_wait3A_67 = arith.constant 0 : i32
    %dma_wait3A_68 = tpu.memref_slice %arg6[%dma_wait3A, %dma_wait3A_67] : memref<80x128xi32, #tpu.memory_space<vmem>> -> memref<1x128xi32, #tpu.memory_space<vmem>>
    %dma_wait3A_69 = tpu.memref_squeeze %dma_wait3A_68 : memref<1x128xi32, #tpu.memory_space<vmem>> -> memref<128xi32, #tpu.memory_space<vmem>>
    %dma_wait3A_70 = arith.constant 0 : i32
    %dma_wait3A_71 = arith.constant 0 : i32
    %dma_wait3A_72 = tpu.memref_slice %arg2[%dma_wait3A_70, %dma_wait3A_71] : memref<10240x64xf32, #tpu.memory_space<hbm>> -> memref<10240x64xf32, #tpu.memory_space<hbm>>
    tpu.wait_indirect_dma semaphore(%arg17 : memref<!tpu.dma_semaphore, #tpu.memory_space<semaphore_mem>>) src(%dma_wait3A_72 : memref<10240x64xf32, #tpu.memory_space<hbm>>) dst(%arg8 : memref<128x64xf32, #tpu.memory_space<vmem>>)
    %dma_start3A_73 = arith.constant 72 : i32
    %dma_start3A_74 = arith.constant 0 : i32
    %dma_start3A_75 = tpu.memref_slice %arg7[%dma_start3A_73, %dma_start3A_74] : memref<80x128xi32, #tpu.memory_space<vmem>> -> memref<1x128xi32, #tpu.memory_space<vmem>>
    %dma_start3A_76 = tpu.memref_squeeze %dma_start3A_75 : memref<1x128xi32, #tpu.memory_space<vmem>> -> memref<128xi32, #tpu.memory_space<vmem>>
    %dma_start3A_77 = arith.constant 0 : i32
    %dma_start3A_78 = arith.constant 0 : i32
    %dma_start3A_79 = tpu.memref_slice %arg16[%dma_start3A_77, %dma_start3A_78] : memref<10240x64xf32, #tpu.memory_space<vmem_shared>> -> memref<10240x64xf32, #tpu.memory_space<vmem_shared>>
    tpu.enqueue_indirect_dma source(%arg8 : memref<128x64xf32, #tpu.memory_space<vmem>>) target(%dma_start3A_79 : memref<10240x64xf32, #tpu.memory_space<vmem_shared>>) offsets(%dma_start3A_76 : memref<128xi32, #tpu.memory_space<vmem>>) semaphore(%arg25 : memref<!tpu.dma_semaphore, #tpu.memory_space<semaphore_mem>>) {add = true}
    %dma_wait3A_80 = arith.constant 73 : i32
    %dma_wait3A_81 = arith.constant 0 : i32
    %dma_wait3A_82 = tpu.memref_slice %arg6[%dma_wait3A_80, %dma_wait3A_81] : memref<80x128xi32, #tpu.memory_space<vmem>> -> memref<1x128xi32, #tpu.memory_space<vmem>>
    %dma_wait3A_83 = tpu.memref_squeeze %dma_wait3A_82 : memref<1x128xi32, #tpu.memory_space<vmem>> -> memref<128xi32, #tpu.memory_space<vmem>>
    %dma_wait3A_84 = arith.constant 0 : i32
    %dma_wait3A_85 = arith.constant 0 : i32
    %dma_wait3A_86 = tpu.memref_slice %arg2[%dma_wait3A_84, %dma_wait3A_85] : memref<10240x64xf32, #tpu.memory_space<hbm>> -> memref<10240x64xf32, #tpu.memory_space<hbm>>
    tpu.wait_indirect_dma semaphore(%arg18 : memref<!tpu.dma_semaphore, #tpu.memory_space<semaphore_mem>>) src(%dma_wait3A_86 : memref<10240x64xf32, #tpu.memory_space<hbm>>) dst(%arg9 : memref<128x64xf32, #tpu.memory_space<vmem>>)
    %dma_start3A_87 = arith.constant 73 : i32
    %dma_start3A_88 = arith.constant 0 : i32
    %dma_start3A_89 = tpu.memref_slice %arg7[%dma_start3A_87, %dma_start3A_88] : memref<80x128xi32, #tpu.memory_space<vmem>> -> memref<1x128xi32, #tpu.memory_space<vmem>>
    %dma_start3A_90 = tpu.memref_squeeze %dma_start3A_89 : memref<1x128xi32, #tpu.memory_space<vmem>> -> memref<128xi32, #tpu.memory_space<vmem>>
    %dma_start3A_91 = arith.constant 0 : i32
    %dma_start3A_92 = arith.constant 0 : i32
    %dma_start3A_93 = tpu.memref_slice %arg16[%dma_start3A_91, %dma_start3A_92] : memref<10240x64xf32, #tpu.memory_space<vmem_shared>> -> memref<10240x64xf32, #tpu.memory_space<vmem_shared>>
    tpu.enqueue_indirect_dma source(%arg9 : memref<128x64xf32, #tpu.memory_space<vmem>>) target(%dma_start3A_93 : memref<10240x64xf32, #tpu.memory_space<vmem_shared>>) offsets(%dma_start3A_90 : memref<128xi32, #tpu.memory_space<vmem>>) semaphore(%arg26 : memref<!tpu.dma_semaphore, #tpu.memory_space<semaphore_mem>>) {add = true}
    %dma_wait3A_94 = arith.constant 74 : i32
    %dma_wait3A_95 = arith.constant 0 : i32
    %dma_wait3A_96 = tpu.memref_slice %arg6[%dma_wait3A_94, %dma_wait3A_95] : memref<80x128xi32, #tpu.memory_space<vmem>> -> memref<1x128xi32, #tpu.memory_space<vmem>>
    %dma_wait3A_97 = tpu.memref_squeeze %dma_wait3A_96 : memref<1x128xi32, #tpu.memory_space<vmem>> -> memref<128xi32, #tpu.memory_space<vmem>>
    %dma_wait3A_98 = arith.constant 0 : i32
    %dma_wait3A_99 = arith.constant 0 : i32
    %dma_wait3A_100 = tpu.memref_slice %arg2[%dma_wait3A_98, %dma_wait3A_99] : memref<10240x64xf32, #tpu.memory_space<hbm>> -> memref<10240x64xf32, #tpu.memory_space<hbm>>
    tpu.wait_indirect_dma semaphore(%arg19 : memref<!tpu.dma_semaphore, #tpu.memory_space<semaphore_mem>>) src(%dma_wait3A_100 : memref<10240x64xf32, #tpu.memory_space<hbm>>) dst(%arg10 : memref<128x64xf32, #tpu.memory_space<vmem>>)
    %dma_start3A_101 = arith.constant 74 : i32
    %dma_start3A_102 = arith.constant 0 : i32
    %dma_start3A_103 = tpu.memref_slice %arg7[%dma_start3A_101, %dma_start3A_102] : memref<80x128xi32, #tpu.memory_space<vmem>> -> memref<1x128xi32, #tpu.memory_space<vmem>>
    %dma_start3A_104 = tpu.memref_squeeze %dma_start3A_103 : memref<1x128xi32, #tpu.memory_space<vmem>> -> memref<128xi32, #tpu.memory_space<vmem>>
    %dma_start3A_105 = arith.constant 0 : i32
    %dma_start3A_106 = arith.constant 0 : i32
    %dma_start3A_107 = tpu.memref_slice %arg16[%dma_start3A_105, %dma_start3A_106] : memref<10240x64xf32, #tpu.memory_space<vmem_shared>> -> memref<10240x64xf32, #tpu.memory_space<vmem_shared>>
    tpu.enqueue_indirect_dma source(%arg10 : memref<128x64xf32, #tpu.memory_space<vmem>>) target(%dma_start3A_107 : memref<10240x64xf32, #tpu.memory_space<vmem_shared>>) offsets(%dma_start3A_104 : memref<128xi32, #tpu.memory_space<vmem>>) semaphore(%arg27 : memref<!tpu.dma_semaphore, #tpu.memory_space<semaphore_mem>>) {add = true}
    %dma_wait3A_108 = arith.constant 75 : i32
    %dma_wait3A_109 = arith.constant 0 : i32
    %dma_wait3A_110 = tpu.memref_slice %arg6[%dma_wait3A_108, %dma_wait3A_109] : memref<80x128xi32, #tpu.memory_space<vmem>> -> memref<1x128xi32, #tpu.memory_space<vmem>>
    %dma_wait3A_111 = tpu.memref_squeeze %dma_wait3A_110 : memref<1x128xi32, #tpu.memory_space<vmem>> -> memref<128xi32, #tpu.memory_space<vmem>>
    %dma_wait3A_112 = arith.constant 0 : i32
    %dma_wait3A_113 = arith.constant 0 : i32
    %dma_wait3A_114 = tpu.memref_slice %arg2[%dma_wait3A_112, %dma_wait3A_113] : memref<10240x64xf32, #tpu.memory_space<hbm>> -> memref<10240x64xf32, #tpu.memory_space<hbm>>
    tpu.wait_indirect_dma semaphore(%arg20 : memref<!tpu.dma_semaphore, #tpu.memory_space<semaphore_mem>>) src(%dma_wait3A_114 : memref<10240x64xf32, #tpu.memory_space<hbm>>) dst(%arg11 : memref<128x64xf32, #tpu.memory_space<vmem>>)
    %dma_start3A_115 = arith.constant 75 : i32
    %dma_start3A_116 = arith.constant 0 : i32
    %dma_start3A_117 = tpu.memref_slice %arg7[%dma_start3A_115, %dma_start3A_116] : memref<80x128xi32, #tpu.memory_space<vmem>> -> memref<1x128xi32, #tpu.memory_space<vmem>>
    %dma_start3A_118 = tpu.memref_squeeze %dma_start3A_117 : memref<1x128xi32, #tpu.memory_space<vmem>> -> memref<128xi32, #tpu.memory_space<vmem>>
    %dma_start3A_119 = arith.constant 0 : i32
    %dma_start3A_120 = arith.constant 0 : i32
    %dma_start3A_121 = tpu.memref_slice %arg16[%dma_start3A_119, %dma_start3A_120] : memref<10240x64xf32, #tpu.memory_space<vmem_shared>> -> memref<10240x64xf32, #tpu.memory_space<vmem_shared>>
    tpu.enqueue_indirect_dma source(%arg11 : memref<128x64xf32, #tpu.memory_space<vmem>>) target(%dma_start3A_121 : memref<10240x64xf32, #tpu.memory_space<vmem_shared>>) offsets(%dma_start3A_118 : memref<128xi32, #tpu.memory_space<vmem>>) semaphore(%arg28 : memref<!tpu.dma_semaphore, #tpu.memory_space<semaphore_mem>>) {add = true}
    %dma_wait3A_122 = arith.constant 76 : i32
    %dma_wait3A_123 = arith.constant 0 : i32
    %dma_wait3A_124 = tpu.memref_slice %arg6[%dma_wait3A_122, %dma_wait3A_123] : memref<80x128xi32, #tpu.memory_space<vmem>> -> memref<1x128xi32, #tpu.memory_space<vmem>>
    %dma_wait3A_125 = tpu.memref_squeeze %dma_wait3A_124 : memref<1x128xi32, #tpu.memory_space<vmem>> -> memref<128xi32, #tpu.memory_space<vmem>>
    %dma_wait3A_126 = arith.constant 0 : i32
    %dma_wait3A_127 = arith.constant 0 : i32
    %dma_wait3A_128 = tpu.memref_slice %arg2[%dma_wait3A_126, %dma_wait3A_127] : memref<10240x64xf32, #tpu.memory_space<hbm>> -> memref<10240x64xf32, #tpu.memory_space<hbm>>
    tpu.wait_indirect_dma semaphore(%arg21 : memref<!tpu.dma_semaphore, #tpu.memory_space<semaphore_mem>>) src(%dma_wait3A_128 : memref<10240x64xf32, #tpu.memory_space<hbm>>) dst(%arg12 : memref<128x64xf32, #tpu.memory_space<vmem>>)
    %dma_start3A_129 = arith.constant 76 : i32
    %dma_start3A_130 = arith.constant 0 : i32
    %dma_start3A_131 = tpu.memref_slice %arg7[%dma_start3A_129, %dma_start3A_130] : memref<80x128xi32, #tpu.memory_space<vmem>> -> memref<1x128xi32, #tpu.memory_space<vmem>>
    %dma_start3A_132 = tpu.memref_squeeze %dma_start3A_131 : memref<1x128xi32, #tpu.memory_space<vmem>> -> memref<128xi32, #tpu.memory_space<vmem>>
    %dma_start3A_133 = arith.constant 0 : i32
    %dma_start3A_134 = arith.constant 0 : i32
    %dma_start3A_135 = tpu.memref_slice %arg16[%dma_start3A_133, %dma_start3A_134] : memref<10240x64xf32, #tpu.memory_space<vmem_shared>> -> memref<10240x64xf32, #tpu.memory_space<vmem_shared>>
    tpu.enqueue_indirect_dma source(%arg12 : memref<128x64xf32, #tpu.memory_space<vmem>>) target(%dma_start3A_135 : memref<10240x64xf32, #tpu.memory_space<vmem_shared>>) offsets(%dma_start3A_132 : memref<128xi32, #tpu.memory_space<vmem>>) semaphore(%arg29 : memref<!tpu.dma_semaphore, #tpu.memory_space<semaphore_mem>>) {add = true}
    %dma_wait3A_136 = arith.constant 77 : i32
    %dma_wait3A_137 = arith.constant 0 : i32
    %dma_wait3A_138 = tpu.memref_slice %arg6[%dma_wait3A_136, %dma_wait3A_137] : memref<80x128xi32, #tpu.memory_space<vmem>> -> memref<1x128xi32, #tpu.memory_space<vmem>>
    %dma_wait3A_139 = tpu.memref_squeeze %dma_wait3A_138 : memref<1x128xi32, #tpu.memory_space<vmem>> -> memref<128xi32, #tpu.memory_space<vmem>>
    %dma_wait3A_140 = arith.constant 0 : i32
    %dma_wait3A_141 = arith.constant 0 : i32
    %dma_wait3A_142 = tpu.memref_slice %arg2[%dma_wait3A_140, %dma_wait3A_141] : memref<10240x64xf32, #tpu.memory_space<hbm>> -> memref<10240x64xf32, #tpu.memory_space<hbm>>
    tpu.wait_indirect_dma semaphore(%arg22 : memref<!tpu.dma_semaphore, #tpu.memory_space<semaphore_mem>>) src(%dma_wait3A_142 : memref<10240x64xf32, #tpu.memory_space<hbm>>) dst(%arg13 : memref<128x64xf32, #tpu.memory_space<vmem>>)
    %dma_start3A_143 = arith.constant 77 : i32
    %dma_start3A_144 = arith.constant 0 : i32
    %dma_start3A_145 = tpu.memref_slice %arg7[%dma_start3A_143, %dma_start3A_144] : memref<80x128xi32, #tpu.memory_space<vmem>> -> memref<1x128xi32, #tpu.memory_space<vmem>>
    %dma_start3A_146 = tpu.memref_squeeze %dma_start3A_145 : memref<1x128xi32, #tpu.memory_space<vmem>> -> memref<128xi32, #tpu.memory_space<vmem>>
    %dma_start3A_147 = arith.constant 0 : i32
    %dma_start3A_148 = arith.constant 0 : i32
    %dma_start3A_149 = tpu.memref_slice %arg16[%dma_start3A_147, %dma_start3A_148] : memref<10240x64xf32, #tpu.memory_space<vmem_shared>> -> memref<10240x64xf32, #tpu.memory_space<vmem_shared>>
    tpu.enqueue_indirect_dma source(%arg13 : memref<128x64xf32, #tpu.memory_space<vmem>>) target(%dma_start3A_149 : memref<10240x64xf32, #tpu.memory_space<vmem_shared>>) offsets(%dma_start3A_146 : memref<128xi32, #tpu.memory_space<vmem>>) semaphore(%arg30 : memref<!tpu.dma_semaphore, #tpu.memory_space<semaphore_mem>>) {add = true}
    %dma_wait3A_150 = arith.constant 78 : i32
    %dma_wait3A_151 = arith.constant 0 : i32
    %dma_wait3A_152 = tpu.memref_slice %arg6[%dma_wait3A_150, %dma_wait3A_151] : memref<80x128xi32, #tpu.memory_space<vmem>> -> memref<1x128xi32, #tpu.memory_space<vmem>>
    %dma_wait3A_153 = tpu.memref_squeeze %dma_wait3A_152 : memref<1x128xi32, #tpu.memory_space<vmem>> -> memref<128xi32, #tpu.memory_space<vmem>>
    %dma_wait3A_154 = arith.constant 0 : i32
    %dma_wait3A_155 = arith.constant 0 : i32
    %dma_wait3A_156 = tpu.memref_slice %arg2[%dma_wait3A_154, %dma_wait3A_155] : memref<10240x64xf32, #tpu.memory_space<hbm>> -> memref<10240x64xf32, #tpu.memory_space<hbm>>
    tpu.wait_indirect_dma semaphore(%arg23 : memref<!tpu.dma_semaphore, #tpu.memory_space<semaphore_mem>>) src(%dma_wait3A_156 : memref<10240x64xf32, #tpu.memory_space<hbm>>) dst(%arg14 : memref<128x64xf32, #tpu.memory_space<vmem>>)
    %dma_start3A_157 = arith.constant 78 : i32
    %dma_start3A_158 = arith.constant 0 : i32
    %dma_start3A_159 = tpu.memref_slice %arg7[%dma_start3A_157, %dma_start3A_158] : memref<80x128xi32, #tpu.memory_space<vmem>> -> memref<1x128xi32, #tpu.memory_space<vmem>>
    %dma_start3A_160 = tpu.memref_squeeze %dma_start3A_159 : memref<1x128xi32, #tpu.memory_space<vmem>> -> memref<128xi32, #tpu.memory_space<vmem>>
    %dma_start3A_161 = arith.constant 0 : i32
    %dma_start3A_162 = arith.constant 0 : i32
    %dma_start3A_163 = tpu.memref_slice %arg16[%dma_start3A_161, %dma_start3A_162] : memref<10240x64xf32, #tpu.memory_space<vmem_shared>> -> memref<10240x64xf32, #tpu.memory_space<vmem_shared>>
    tpu.enqueue_indirect_dma source(%arg14 : memref<128x64xf32, #tpu.memory_space<vmem>>) target(%dma_start3A_163 : memref<10240x64xf32, #tpu.memory_space<vmem_shared>>) offsets(%dma_start3A_160 : memref<128xi32, #tpu.memory_space<vmem>>) semaphore(%arg31 : memref<!tpu.dma_semaphore, #tpu.memory_space<semaphore_mem>>) {add = true}
    %dma_wait3A_164 = arith.constant 79 : i32
    %dma_wait3A_165 = arith.constant 0 : i32
    %dma_wait3A_166 = tpu.memref_slice %arg6[%dma_wait3A_164, %dma_wait3A_165] : memref<80x128xi32, #tpu.memory_space<vmem>> -> memref<1x128xi32, #tpu.memory_space<vmem>>
    %dma_wait3A_167 = tpu.memref_squeeze %dma_wait3A_166 : memref<1x128xi32, #tpu.memory_space<vmem>> -> memref<128xi32, #tpu.memory_space<vmem>>
    %dma_wait3A_168 = arith.constant 0 : i32
    %dma_wait3A_169 = arith.constant 0 : i32
    %dma_wait3A_170 = tpu.memref_slice %arg2[%dma_wait3A_168, %dma_wait3A_169] : memref<10240x64xf32, #tpu.memory_space<hbm>> -> memref<10240x64xf32, #tpu.memory_space<hbm>>
    tpu.wait_indirect_dma semaphore(%arg24 : memref<!tpu.dma_semaphore, #tpu.memory_space<semaphore_mem>>) src(%dma_wait3A_170 : memref<10240x64xf32, #tpu.memory_space<hbm>>) dst(%arg15 : memref<128x64xf32, #tpu.memory_space<vmem>>)
    %dma_start3A_171 = arith.constant 79 : i32
    %dma_start3A_172 = arith.constant 0 : i32
    %dma_start3A_173 = tpu.memref_slice %arg7[%dma_start3A_171, %dma_start3A_172] : memref<80x128xi32, #tpu.memory_space<vmem>> -> memref<1x128xi32, #tpu.memory_space<vmem>>
    %dma_start3A_174 = tpu.memref_squeeze %dma_start3A_173 : memref<1x128xi32, #tpu.memory_space<vmem>> -> memref<128xi32, #tpu.memory_space<vmem>>
    %dma_start3A_175 = arith.constant 0 : i32
    %dma_start3A_176 = arith.constant 0 : i32
    %dma_start3A_177 = tpu.memref_slice %arg16[%dma_start3A_175, %dma_start3A_176] : memref<10240x64xf32, #tpu.memory_space<vmem_shared>> -> memref<10240x64xf32, #tpu.memory_space<vmem_shared>>
    tpu.enqueue_indirect_dma source(%arg15 : memref<128x64xf32, #tpu.memory_space<vmem>>) target(%dma_start3A_177 : memref<10240x64xf32, #tpu.memory_space<vmem_shared>>) offsets(%dma_start3A_174 : memref<128xi32, #tpu.memory_space<vmem>>) semaphore(%arg32 : memref<!tpu.dma_semaphore, #tpu.memory_space<semaphore_mem>>) {add = true}
    %dma_wait3A_178 = arith.constant 0 : i32
    %dma_wait3A_179 = arith.constant 0 : i32
    %dma_wait3A_180 = tpu.memref_slice %arg7[%dma_wait3A_178, %dma_wait3A_179] : memref<80x128xi32, #tpu.memory_space<vmem>> -> memref<1x128xi32, #tpu.memory_space<vmem>>
    %dma_wait3A_181 = tpu.memref_squeeze %dma_wait3A_180 : memref<1x128xi32, #tpu.memory_space<vmem>> -> memref<128xi32, #tpu.memory_space<vmem>>
    %dma_wait3A_182 = arith.constant 0 : i32
    %dma_wait3A_183 = arith.constant 0 : i32
    %dma_wait3A_184 = tpu.memref_slice %arg16[%dma_wait3A_182, %dma_wait3A_183] : memref<10240x64xf32, #tpu.memory_space<vmem_shared>> -> memref<10240x64xf32, #tpu.memory_space<vmem_shared>>
    tpu.wait_indirect_dma semaphore(%arg25 : memref<!tpu.dma_semaphore, #tpu.memory_space<semaphore_mem>>) src(%arg8 : memref<128x64xf32, #tpu.memory_space<vmem>>) dst(%dma_wait3A_184 : memref<10240x64xf32, #tpu.memory_space<vmem_shared>>)
    %dma_wait3A_185 = arith.constant 0 : i32
    %dma_wait3A_186 = arith.constant 0 : i32
    %dma_wait3A_187 = tpu.memref_slice %arg7[%dma_wait3A_185, %dma_wait3A_186] : memref<80x128xi32, #tpu.memory_space<vmem>> -> memref<1x128xi32, #tpu.memory_space<vmem>>
    %dma_wait3A_188 = tpu.memref_squeeze %dma_wait3A_187 : memref<1x128xi32, #tpu.memory_space<vmem>> -> memref<128xi32, #tpu.memory_space<vmem>>
    %dma_wait3A_189 = arith.constant 0 : i32
    %dma_wait3A_190 = arith.constant 0 : i32
    %dma_wait3A_191 = tpu.memref_slice %arg16[%dma_wait3A_189, %dma_wait3A_190] : memref<10240x64xf32, #tpu.memory_space<vmem_shared>> -> memref<10240x64xf32, #tpu.memory_space<vmem_shared>>
    tpu.wait_indirect_dma semaphore(%arg26 : memref<!tpu.dma_semaphore, #tpu.memory_space<semaphore_mem>>) src(%arg9 : memref<128x64xf32, #tpu.memory_space<vmem>>) dst(%dma_wait3A_191 : memref<10240x64xf32, #tpu.memory_space<vmem_shared>>)
    %dma_wait3A_192 = arith.constant 0 : i32
    %dma_wait3A_193 = arith.constant 0 : i32
    %dma_wait3A_194 = tpu.memref_slice %arg7[%dma_wait3A_192, %dma_wait3A_193] : memref<80x128xi32, #tpu.memory_space<vmem>> -> memref<1x128xi32, #tpu.memory_space<vmem>>
    %dma_wait3A_195 = tpu.memref_squeeze %dma_wait3A_194 : memref<1x128xi32, #tpu.memory_space<vmem>> -> memref<128xi32, #tpu.memory_space<vmem>>
    %dma_wait3A_196 = arith.constant 0 : i32
    %dma_wait3A_197 = arith.constant 0 : i32
    %dma_wait3A_198 = tpu.memref_slice %arg16[%dma_wait3A_196, %dma_wait3A_197] : memref<10240x64xf32, #tpu.memory_space<vmem_shared>> -> memref<10240x64xf32, #tpu.memory_space<vmem_shared>>
    tpu.wait_indirect_dma semaphore(%arg27 : memref<!tpu.dma_semaphore, #tpu.memory_space<semaphore_mem>>) src(%arg10 : memref<128x64xf32, #tpu.memory_space<vmem>>) dst(%dma_wait3A_198 : memref<10240x64xf32, #tpu.memory_space<vmem_shared>>)
    %dma_wait3A_199 = arith.constant 0 : i32
    %dma_wait3A_200 = arith.constant 0 : i32
    %dma_wait3A_201 = tpu.memref_slice %arg7[%dma_wait3A_199, %dma_wait3A_200] : memref<80x128xi32, #tpu.memory_space<vmem>> -> memref<1x128xi32, #tpu.memory_space<vmem>>
    %dma_wait3A_202 = tpu.memref_squeeze %dma_wait3A_201 : memref<1x128xi32, #tpu.memory_space<vmem>> -> memref<128xi32, #tpu.memory_space<vmem>>
    %dma_wait3A_203 = arith.constant 0 : i32
    %dma_wait3A_204 = arith.constant 0 : i32
    %dma_wait3A_205 = tpu.memref_slice %arg16[%dma_wait3A_203, %dma_wait3A_204] : memref<10240x64xf32, #tpu.memory_space<vmem_shared>> -> memref<10240x64xf32, #tpu.memory_space<vmem_shared>>
    tpu.wait_indirect_dma semaphore(%arg28 : memref<!tpu.dma_semaphore, #tpu.memory_space<semaphore_mem>>) src(%arg11 : memref<128x64xf32, #tpu.memory_space<vmem>>) dst(%dma_wait3A_205 : memref<10240x64xf32, #tpu.memory_space<vmem_shared>>)
    %dma_wait3A_206 = arith.constant 0 : i32
    %dma_wait3A_207 = arith.constant 0 : i32
    %dma_wait3A_208 = tpu.memref_slice %arg7[%dma_wait3A_206, %dma_wait3A_207] : memref<80x128xi32, #tpu.memory_space<vmem>> -> memref<1x128xi32, #tpu.memory_space<vmem>>
    %dma_wait3A_209 = tpu.memref_squeeze %dma_wait3A_208 : memref<1x128xi32, #tpu.memory_space<vmem>> -> memref<128xi32, #tpu.memory_space<vmem>>
    %dma_wait3A_210 = arith.constant 0 : i32
    %dma_wait3A_211 = arith.constant 0 : i32
    %dma_wait3A_212 = tpu.memref_slice %arg16[%dma_wait3A_210, %dma_wait3A_211] : memref<10240x64xf32, #tpu.memory_space<vmem_shared>> -> memref<10240x64xf32, #tpu.memory_space<vmem_shared>>
    tpu.wait_indirect_dma semaphore(%arg29 : memref<!tpu.dma_semaphore, #tpu.memory_space<semaphore_mem>>) src(%arg12 : memref<128x64xf32, #tpu.memory_space<vmem>>) dst(%dma_wait3A_212 : memref<10240x64xf32, #tpu.memory_space<vmem_shared>>)
    %dma_wait3A_213 = arith.constant 0 : i32
    %dma_wait3A_214 = arith.constant 0 : i32
    %dma_wait3A_215 = tpu.memref_slice %arg7[%dma_wait3A_213, %dma_wait3A_214] : memref<80x128xi32, #tpu.memory_space<vmem>> -> memref<1x128xi32, #tpu.memory_space<vmem>>
    %dma_wait3A_216 = tpu.memref_squeeze %dma_wait3A_215 : memref<1x128xi32, #tpu.memory_space<vmem>> -> memref<128xi32, #tpu.memory_space<vmem>>
    %dma_wait3A_217 = arith.constant 0 : i32
    %dma_wait3A_218 = arith.constant 0 : i32
    %dma_wait3A_219 = tpu.memref_slice %arg16[%dma_wait3A_217, %dma_wait3A_218] : memref<10240x64xf32, #tpu.memory_space<vmem_shared>> -> memref<10240x64xf32, #tpu.memory_space<vmem_shared>>
    tpu.wait_indirect_dma semaphore(%arg30 : memref<!tpu.dma_semaphore, #tpu.memory_space<semaphore_mem>>) src(%arg13 : memref<128x64xf32, #tpu.memory_space<vmem>>) dst(%dma_wait3A_219 : memref<10240x64xf32, #tpu.memory_space<vmem_shared>>)
    %dma_wait3A_220 = arith.constant 0 : i32
    %dma_wait3A_221 = arith.constant 0 : i32
    %dma_wait3A_222 = tpu.memref_slice %arg7[%dma_wait3A_220, %dma_wait3A_221] : memref<80x128xi32, #tpu.memory_space<vmem>> -> memref<1x128xi32, #tpu.memory_space<vmem>>
    %dma_wait3A_223 = tpu.memref_squeeze %dma_wait3A_222 : memref<1x128xi32, #tpu.memory_space<vmem>> -> memref<128xi32, #tpu.memory_space<vmem>>
    %dma_wait3A_224 = arith.constant 0 : i32
    %dma_wait3A_225 = arith.constant 0 : i32
    %dma_wait3A_226 = tpu.memref_slice %arg16[%dma_wait3A_224, %dma_wait3A_225] : memref<10240x64xf32, #tpu.memory_space<vmem_shared>> -> memref<10240x64xf32, #tpu.memory_space<vmem_shared>>
    tpu.wait_indirect_dma semaphore(%arg31 : memref<!tpu.dma_semaphore, #tpu.memory_space<semaphore_mem>>) src(%arg14 : memref<128x64xf32, #tpu.memory_space<vmem>>) dst(%dma_wait3A_226 : memref<10240x64xf32, #tpu.memory_space<vmem_shared>>)
    %dma_wait3A_227 = arith.constant 0 : i32
    %dma_wait3A_228 = arith.constant 0 : i32
    %dma_wait3A_229 = tpu.memref_slice %arg7[%dma_wait3A_227, %dma_wait3A_228] : memref<80x128xi32, #tpu.memory_space<vmem>> -> memref<1x128xi32, #tpu.memory_space<vmem>>
    %dma_wait3A_230 = tpu.memref_squeeze %dma_wait3A_229 : memref<1x128xi32, #tpu.memory_space<vmem>> -> memref<128xi32, #tpu.memory_space<vmem>>
    %dma_wait3A_231 = arith.constant 0 : i32
    %dma_wait3A_232 = arith.constant 0 : i32
    %dma_wait3A_233 = tpu.memref_slice %arg16[%dma_wait3A_231, %dma_wait3A_232] : memref<10240x64xf32, #tpu.memory_space<vmem_shared>> -> memref<10240x64xf32, #tpu.memory_space<vmem_shared>>
    tpu.wait_indirect_dma semaphore(%arg32 : memref<!tpu.dma_semaphore, #tpu.memory_space<semaphore_mem>>) src(%arg15 : memref<128x64xf32, #tpu.memory_space<vmem>>) dst(%dma_wait3A_233 : memref<10240x64xf32, #tpu.memory_space<vmem_shared>>)
    %barrier3A_234 = arith.constant 0 : index
    tpu.barrier barrier_id(%barrier3A_234)
    %mul3A_235 = arith.constant 640 : i32
    %mul3A_236 = arith.muli %arg1, %mul3A_235 : i32
    %mul3A_237 = arith.constant 640 : i32
    %mul3A_238 = arith.muli %arg1, %mul3A_237 : i32
    "tpu.region"() ({
      %run_scoped3A = tpu.sem_alloc : memref<!tpu.dma_semaphore, #tpu.memory_space<semaphore_mem>>
      %dma_start3A_239 = arith.constant 0 : i32
      %dma_start3A_240 = tpu.memref_slice %arg5[%arg0, %mul3A_238, %dma_start3A_239] : memref<2x10240x64xf32, #tpu.memory_space<hbm>> -> memref<1x640x64xf32, #tpu.memory_space<hbm>>
      %dma_start3A_241 = tpu.memref_squeeze %dma_start3A_240 : memref<1x640x64xf32, #tpu.memory_space<hbm>> -> memref<640x64xf32, #tpu.memory_space<hbm>>
      %dma_start3A_242 = arith.constant 0 : i32
      %dma_start3A_243 = tpu.memref_slice %arg16[%mul3A_236, %dma_start3A_242] : memref<10240x64xf32, #tpu.memory_space<vmem_shared>> -> memref<640x64xf32, #tpu.memory_space<vmem_shared>>
      tpu.enqueue_dma source(%dma_start3A_243 : memref<640x64xf32, #tpu.memory_space<vmem_shared>>) target(%dma_start3A_241 : memref<640x64xf32, #tpu.memory_space<hbm>>) target_semaphore(%run_scoped3A : memref<!tpu.dma_semaphore, #tpu.memory_space<semaphore_mem>>)
      %dma_wait3A_244 = arith.constant 0 : i32
      %dma_wait3A_245 = tpu.memref_slice %arg5[%arg0, %mul3A_238, %dma_wait3A_244] : memref<2x10240x64xf32, #tpu.memory_space<hbm>> -> memref<1x640x64xf32, #tpu.memory_space<hbm>>
      %dma_wait3A_246 = tpu.memref_squeeze %dma_wait3A_245 : memref<1x640x64xf32, #tpu.memory_space<hbm>> -> memref<640x64xf32, #tpu.memory_space<hbm>>
      %dma_wait3A_247 = arith.constant 0 : i32
      %dma_wait3A_248 = tpu.memref_slice %arg16[%mul3A_236, %dma_wait3A_247] : memref<10240x64xf32, #tpu.memory_space<vmem_shared>> -> memref<640x64xf32, #tpu.memory_space<vmem_shared>>
      tpu.wait_dma2 semaphore(%run_scoped3A : memref<!tpu.dma_semaphore, #tpu.memory_space<semaphore_mem>>) src(%dma_wait3A_248 : memref<640x64xf32, #tpu.memory_space<vmem_shared>>) dst(%dma_wait3A_246 : memref<640x64xf32, #tpu.memory_space<hbm>>)
      tpu.yield
    }) : () -> ()
    return
  }
}

#map = affine_map<(d0, d1) -> (0, 0)>
#map1 = affine_map<(d0, d1) -> (0, 0, 0)>
module attributes {stable_mosaic.version = 14 : i64} {
  func.func @_mp_kernel(%arg0: i32, %arg1: i32, %arg2: memref<10240x64xf32, #tpu.memory_space<hbm>>, %arg3: memref<80x32x128xi32, #tpu.memory_space<hbm>>, %arg4: memref<80x32x128xi32, #tpu.memory_space<hbm>>, %arg5: memref<2x10240x64xf32, #tpu.memory_space<hbm>>, %arg6: memref<80x128xi32, #tpu.memory_space<vmem>>, %arg7: memref<80x128xi32, #tpu.memory_space<vmem>>, %arg8: memref<128x64xf32, #tpu.memory_space<vmem>>, %arg9: memref<128x64xf32, #tpu.memory_space<vmem>>, %arg10: memref<128x64xf32, #tpu.memory_space<vmem>>, %arg11: memref<128x64xf32, #tpu.memory_space<vmem>>, %arg12: memref<128x64xf32, #tpu.memory_space<vmem>>, %arg13: memref<128x64xf32, #tpu.memory_space<vmem>>, %arg14: memref<128x64xf32, #tpu.memory_space<vmem>>, %arg15: memref<128x64xf32, #tpu.memory_space<vmem>>, %arg16: memref<10240x64xf32, #tpu.memory_space<vmem_shared>>, %arg17: memref<!tpu.dma_semaphore, #tpu.memory_space<semaphore_mem>>, %arg18: memref<!tpu.dma_semaphore, #tpu.memory_space<semaphore_mem>>, %arg19: memref<!tpu.dma_semaphore, #tpu.memory_space<semaphore_mem>>, %arg20: memref<!tpu.dma_semaphore, #tpu.memory_space<semaphore_mem>>, %arg21: memref<!tpu.dma_semaphore, #tpu.memory_space<semaphore_mem>>, %arg22: memref<!tpu.dma_semaphore, #tpu.memory_space<semaphore_mem>>, %arg23: memref<!tpu.dma_semaphore, #tpu.memory_space<semaphore_mem>>, %arg24: memref<!tpu.dma_semaphore, #tpu.memory_space<semaphore_mem>>, %arg25: memref<!tpu.dma_semaphore, #tpu.memory_space<semaphore_mem>>, %arg26: memref<!tpu.dma_semaphore, #tpu.memory_space<semaphore_mem>>, %arg27: memref<!tpu.dma_semaphore, #tpu.memory_space<semaphore_mem>>, %arg28: memref<!tpu.dma_semaphore, #tpu.memory_space<semaphore_mem>>, %arg29: memref<!tpu.dma_semaphore, #tpu.memory_space<semaphore_mem>>, %arg30: memref<!tpu.dma_semaphore, #tpu.memory_space<semaphore_mem>>, %arg31: memref<!tpu.dma_semaphore, #tpu.memory_space<semaphore_mem>>, %arg32: memref<!tpu.dma_semaphore, #tpu.memory_space<semaphore_mem>>) attributes {dimension_semantics = [#tpu.dimension_semantics<core_parallel>, #tpu.dimension_semantics<subcore_parallel>], iteration_bounds = array<i64: 2, 16>, scalar_prefetch = 0 : i64, scratch_operands = 27 : i64, tpu.core_type = #tpu.core_type<sc_vector_subcore>, window_params = [{transform_indices = #map}, {transform_indices = #map1}, {transform_indices = #map1}, {transform_indices = #map1}]} {
    %mul3A = arith.constant 16 : i32
    %mul3A_0 = arith.muli %arg0, %mul3A : i32
    %add3A = arith.addi %mul3A_0, %arg1 : i32
    "tpu.region"() ({
      %run_scoped3A = tpu.sem_alloc : memref<!tpu.dma_semaphore, #tpu.memory_space<semaphore_mem>>
      %dma_start3A_239 = arith.constant 0 : i32
      %dma_start3A_240 = arith.constant 0 : i32
      %dma_start3A_241 = tpu.memref_slice %arg3[%dma_start3A_239, %add3A, %dma_start3A_240] : memref<80x32x128xi32, #tpu.memory_space<hbm>> -> memref<80x1x128xi32, #tpu.memory_space<hbm>>
      %dma_start3A_242 = tpu.memref_squeeze %dma_start3A_241 : memref<80x1x128xi32, #tpu.memory_space<hbm>> -> memref<80x128xi32, #tpu.memory_space<hbm>>
      %dma_start3A_243 = arith.constant 0 : i32
      %dma_start3A_244 = arith.constant 0 : i32
      %dma_start3A_245 = tpu.memref_slice %arg3[%dma_start3A_243, %add3A, %dma_start3A_244] : memref<80x32x128xi32, #tpu.memory_space<hbm>> -> memref<80x1x128xi32, #tpu.memory_space<hbm>>
      %dma_start3A_246 = tpu.memref_squeeze %dma_start3A_245 : memref<80x1x128xi32, #tpu.memory_space<hbm>> -> memref<80x128xi32, #tpu.memory_space<hbm>>
      tpu.enqueue_dma source(%dma_start3A_246 : memref<80x128xi32, #tpu.memory_space<hbm>>) target(%arg6 : memref<80x128xi32, #tpu.memory_space<vmem>>) target_semaphore(%run_scoped3A : memref<!tpu.dma_semaphore, #tpu.memory_space<semaphore_mem>>)
      %dma_wait3A_247 = arith.constant 0 : i32
      %dma_wait3A_248 = arith.constant 0 : i32
      %dma_wait3A_249 = tpu.memref_slice %arg3[%dma_wait3A_247, %add3A, %dma_wait3A_248] : memref<80x32x128xi32, #tpu.memory_space<hbm>> -> memref<80x1x128xi32, #tpu.memory_space<hbm>>
      %dma_wait3A_250 = tpu.memref_squeeze %dma_wait3A_249 : memref<80x1x128xi32, #tpu.memory_space<hbm>> -> memref<80x128xi32, #tpu.memory_space<hbm>>
      %dma_wait3A_251 = arith.constant 0 : i32
      %dma_wait3A_252 = arith.constant 0 : i32
      %dma_wait3A_253 = tpu.memref_slice %arg3[%dma_wait3A_251, %add3A, %dma_wait3A_252] : memref<80x32x128xi32, #tpu.memory_space<hbm>> -> memref<80x1x128xi32, #tpu.memory_space<hbm>>
      %dma_wait3A_254 = tpu.memref_squeeze %dma_wait3A_253 : memref<80x1x128xi32, #tpu.memory_space<hbm>> -> memref<80x128xi32, #tpu.memory_space<hbm>>
      tpu.wait_dma2 semaphore(%run_scoped3A : memref<!tpu.dma_semaphore, #tpu.memory_space<semaphore_mem>>) src(%dma_wait3A_254 : memref<80x128xi32, #tpu.memory_space<hbm>>) dst(%arg6 : memref<80x128xi32, #tpu.memory_space<vmem>>)
      tpu.yield
    }) : () -> ()
    "tpu.region"() ({
      %run_scoped3A = tpu.sem_alloc : memref<!tpu.dma_semaphore, #tpu.memory_space<semaphore_mem>>
      %dma_start3A_239 = arith.constant 0 : i32
      %dma_start3A_240 = arith.constant 0 : i32
      %dma_start3A_241 = tpu.memref_slice %arg4[%dma_start3A_239, %add3A, %dma_start3A_240] : memref<80x32x128xi32, #tpu.memory_space<hbm>> -> memref<80x1x128xi32, #tpu.memory_space<hbm>>
      %dma_start3A_242 = tpu.memref_squeeze %dma_start3A_241 : memref<80x1x128xi32, #tpu.memory_space<hbm>> -> memref<80x128xi32, #tpu.memory_space<hbm>>
      %dma_start3A_243 = arith.constant 0 : i32
      %dma_start3A_244 = arith.constant 0 : i32
      %dma_start3A_245 = tpu.memref_slice %arg4[%dma_start3A_243, %add3A, %dma_start3A_244] : memref<80x32x128xi32, #tpu.memory_space<hbm>> -> memref<80x1x128xi32, #tpu.memory_space<hbm>>
      %dma_start3A_246 = tpu.memref_squeeze %dma_start3A_245 : memref<80x1x128xi32, #tpu.memory_space<hbm>> -> memref<80x128xi32, #tpu.memory_space<hbm>>
      tpu.enqueue_dma source(%dma_start3A_246 : memref<80x128xi32, #tpu.memory_space<hbm>>) target(%arg7 : memref<80x128xi32, #tpu.memory_space<vmem>>) target_semaphore(%run_scoped3A : memref<!tpu.dma_semaphore, #tpu.memory_space<semaphore_mem>>)
      %dma_wait3A_247 = arith.constant 0 : i32
      %dma_wait3A_248 = arith.constant 0 : i32
      %dma_wait3A_249 = tpu.memref_slice %arg4[%dma_wait3A_247, %add3A, %dma_wait3A_248] : memref<80x32x128xi32, #tpu.memory_space<hbm>> -> memref<80x1x128xi32, #tpu.memory_space<hbm>>
      %dma_wait3A_250 = tpu.memref_squeeze %dma_wait3A_249 : memref<80x1x128xi32, #tpu.memory_space<hbm>> -> memref<80x128xi32, #tpu.memory_space<hbm>>
      %dma_wait3A_251 = arith.constant 0 : i32
      %dma_wait3A_252 = arith.constant 0 : i32
      %dma_wait3A_253 = tpu.memref_slice %arg4[%dma_wait3A_251, %add3A, %dma_wait3A_252] : memref<80x32x128xi32, #tpu.memory_space<hbm>> -> memref<80x1x128xi32, #tpu.memory_space<hbm>>
      %dma_wait3A_254 = tpu.memref_squeeze %dma_wait3A_253 : memref<80x1x128xi32, #tpu.memory_space<hbm>> -> memref<80x128xi32, #tpu.memory_space<hbm>>
      tpu.wait_dma2 semaphore(%run_scoped3A : memref<!tpu.dma_semaphore, #tpu.memory_space<semaphore_mem>>) src(%dma_wait3A_254 : memref<80x128xi32, #tpu.memory_space<hbm>>) dst(%arg7 : memref<80x128xi32, #tpu.memory_space<vmem>>)
      tpu.yield
    }) : () -> ()
    %eq3A = arith.constant 0 : i32
    %eq3A_1 = arith.cmpi eq, %arg0, %eq3A : i32
    %convert_element_type3A = arith.extui %eq3A_1 : i1 to i32
    %cond3A = arith.constant 0 : i32
    %cond3A_2 = arith.cmpi ne, %convert_element_type3A, %cond3A : i32
    scf.if %cond3A_2 {
      %mul3A_239 = arith.constant 640 : i32
      %mul3A_240 = arith.muli %arg1, %mul3A_239 : i32
      %mul3A_241 = arith.constant 640 : i32
      %mul3A_242 = arith.muli %arg1, %mul3A_241 : i32
      "tpu.region"() ({
        %run_scoped3A = tpu.sem_alloc : memref<!tpu.dma_semaphore, #tpu.memory_space<semaphore_mem>>
        %dma_start3A_243 = arith.constant 0 : i32
        %dma_start3A_244 = tpu.memref_slice %arg16[%mul3A_242, %dma_start3A_243] : memref<10240x64xf32, #tpu.memory_space<vmem_shared>> -> memref<640x64xf32, #tpu.memory_space<vmem_shared>>
        %dma_start3A_245 = arith.constant 0 : i32
        %dma_start3A_246 = tpu.memref_slice %arg2[%mul3A_240, %dma_start3A_245] : memref<10240x64xf32, #tpu.memory_space<hbm>> -> memref<640x64xf32, #tpu.memory_space<hbm>>
        tpu.enqueue_dma source(%dma_start3A_246 : memref<640x64xf32, #tpu.memory_space<hbm>>) target(%dma_start3A_244 : memref<640x64xf32, #tpu.memory_space<vmem_shared>>) target_semaphore(%run_scoped3A : memref<!tpu.dma_semaphore, #tpu.memory_space<semaphore_mem>>)
        %dma_wait3A_247 = arith.constant 0 : i32
        %dma_wait3A_248 = tpu.memref_slice %arg16[%mul3A_242, %dma_wait3A_247] : memref<10240x64xf32, #tpu.memory_space<vmem_shared>> -> memref<640x64xf32, #tpu.memory_space<vmem_shared>>
        %dma_wait3A_249 = arith.constant 0 : i32
        %dma_wait3A_250 = tpu.memref_slice %arg2[%mul3A_240, %dma_wait3A_249] : memref<10240x64xf32, #tpu.memory_space<hbm>> -> memref<640x64xf32, #tpu.memory_space<hbm>>
        tpu.wait_dma2 semaphore(%run_scoped3A : memref<!tpu.dma_semaphore, #tpu.memory_space<semaphore_mem>>) src(%dma_wait3A_250 : memref<640x64xf32, #tpu.memory_space<hbm>>) dst(%dma_wait3A_248 : memref<640x64xf32, #tpu.memory_space<vmem_shared>>)
        tpu.yield
      }) : () -> ()
    } else {
    }
    %eq3A_3 = arith.constant 1 : i32
    %eq3A_4 = arith.cmpi eq, %arg0, %eq3A_3 : i32
    %convert_element_type3A_5 = arith.extui %eq3A_4 : i1 to i32
    %cond3A_6 = arith.constant 0 : i32
    %cond3A_7 = arith.cmpi ne, %convert_element_type3A_5, %cond3A_6 : i32
    scf.if %cond3A_7 {
      %scan3A_239 = arith.constant 0 : i32
      %scan3A_240 = arith.constant 128 : i32
      %scan3A_241 = arith.addi %scan3A_239, %scan3A_240 : i32
      %scan3A_242 = arith.constant 1 : i32
      scf.for %scan3A_249 = %scan3A_239 to %scan3A_241 step %scan3A_242  : i32 {
        %mul3A_250 = arith.constant 1 : i32
        %mul3A_251 = arith.muli %scan3A_249, %mul3A_250 : i32
        %add3A_252 = arith.constant 0 : i32
        %add3A_253 = arith.addi %add3A_252, %mul3A_251 : i32
        %broadcast_in_dim3A = arith.constant 0.000000e+00 : f32
        %broadcast_in_dim3A_254 = vector.broadcast %broadcast_in_dim3A : f32 to vector<16xf32>
        %swap3A = arith.index_cast %add3A_253 : i32 to index
        %swap3A_255 = arith.constant 0 : index
        %swap3A_256 = tpu.vector_load %arg8[%swap3A, %swap3A_255] {strides = array<i32>} : memref<128x64xf32, #tpu.memory_space<vmem>>, vector<1x16xf32>,
        %swap3A_257 = vector.shape_cast %swap3A_256 : vector<1x16xf32> to vector<16xf32>
        %swap3A_258 = vector.shape_cast %broadcast_in_dim3A_254 : vector<16xf32> to vector<1x16xf32>
        tpu.vector_store %arg8[%swap3A, %swap3A_255], %swap3A_258 {strides = array<i32>} : memref<128x64xf32, #tpu.memory_space<vmem>>, vector<1x16xf32>,
        %broadcast_in_dim3A_259 = arith.constant 0.000000e+00 : f32
        %broadcast_in_dim3A_260 = vector.broadcast %broadcast_in_dim3A_259 : f32 to vector<16xf32>
        %swap3A_261 = arith.index_cast %add3A_253 : i32 to index
        %swap3A_262 = arith.constant 16 : index
        %swap3A_263 = tpu.vector_load %arg8[%swap3A_261, %swap3A_262] {strides = array<i32>} : memref<128x64xf32, #tpu.memory_space<vmem>>, vector<1x16xf32>,
        %swap3A_264 = vector.shape_cast %swap3A_263 : vector<1x16xf32> to vector<16xf32>
        %swap3A_265 = vector.shape_cast %broadcast_in_dim3A_260 : vector<16xf32> to vector<1x16xf32>
        tpu.vector_store %arg8[%swap3A_261, %swap3A_262], %swap3A_265 {strides = array<i32>} : memref<128x64xf32, #tpu.memory_space<vmem>>, vector<1x16xf32>,
        %broadcast_in_dim3A_266 = arith.constant 0.000000e+00 : f32
        %broadcast_in_dim3A_267 = vector.broadcast %broadcast_in_dim3A_266 : f32 to vector<16xf32>
        %swap3A_268 = arith.index_cast %add3A_253 : i32 to index
        %swap3A_269 = arith.constant 32 : index
        %swap3A_270 = tpu.vector_load %arg8[%swap3A_268, %swap3A_269] {strides = array<i32>} : memref<128x64xf32, #tpu.memory_space<vmem>>, vector<1x16xf32>,
        %swap3A_271 = vector.shape_cast %swap3A_270 : vector<1x16xf32> to vector<16xf32>
        %swap3A_272 = vector.shape_cast %broadcast_in_dim3A_267 : vector<16xf32> to vector<1x16xf32>
        tpu.vector_store %arg8[%swap3A_268, %swap3A_269], %swap3A_272 {strides = array<i32>} : memref<128x64xf32, #tpu.memory_space<vmem>>, vector<1x16xf32>,
        %broadcast_in_dim3A_273 = arith.constant 0.000000e+00 : f32
        %broadcast_in_dim3A_274 = vector.broadcast %broadcast_in_dim3A_273 : f32 to vector<16xf32>
        %swap3A_275 = arith.index_cast %add3A_253 : i32 to index
        %swap3A_276 = arith.constant 48 : index
        %swap3A_277 = tpu.vector_load %arg8[%swap3A_275, %swap3A_276] {strides = array<i32>} : memref<128x64xf32, #tpu.memory_space<vmem>>, vector<1x16xf32>,
        %swap3A_278 = vector.shape_cast %swap3A_277 : vector<1x16xf32> to vector<16xf32>
        %swap3A_279 = vector.shape_cast %broadcast_in_dim3A_274 : vector<16xf32> to vector<1x16xf32>
        tpu.vector_store %arg8[%swap3A_275, %swap3A_276], %swap3A_279 {strides = array<i32>} : memref<128x64xf32, #tpu.memory_space<vmem>>, vector<1x16xf32>,
      }
      %scan3A_243 = arith.constant 128 : i32
      %scan3A_244 = arith.constant 0 : i32
      %scan3A_245 = arith.constant 5 : i32
      %scan3A_246 = arith.addi %scan3A_244, %scan3A_245 : i32
      %scan3A_247 = arith.constant 1 : i32
      scf.for %scan3A_249 = %scan3A_244 to %scan3A_246 step %scan3A_247  : i32 {
        %mul3A_250 = arith.constant 1 : i32
        %mul3A_251 = arith.muli %scan3A_249, %mul3A_250 : i32
        %add3A_252 = arith.constant 0 : i32
        %add3A_253 = arith.addi %add3A_252, %mul3A_251 : i32
        %mul3A_254 = arith.constant 640 : i32
        %mul3A_255 = arith.muli %arg1, %mul3A_254 : i32
        %mul3A_256 = arith.constant 128 : i32
        %mul3A_257 = arith.muli %add3A_253, %mul3A_256 : i32
        %add3A_258 = arith.addi %mul3A_255, %mul3A_257 : i32
        "tpu.region"() ({
          %run_scoped3A = tpu.sem_alloc : memref<!tpu.dma_semaphore, #tpu.memory_space<semaphore_mem>>
          %dma_start3A_259 = arith.constant 0 : i32
          %dma_start3A_260 = tpu.memref_slice %arg16[%add3A_258, %dma_start3A_259] : memref<10240x64xf32, #tpu.memory_space<vmem_shared>> -> memref<128x64xf32, #tpu.memory_space<vmem_shared>>
          %dma_start3A_261 = arith.constant 0 : i32
          %dma_start3A_262 = tpu.memref_slice %arg16[%add3A_258, %dma_start3A_261] : memref<10240x64xf32, #tpu.memory_space<vmem_shared>> -> memref<128x64xf32, #tpu.memory_space<vmem_shared>>
          tpu.enqueue_dma source(%arg8 : memref<128x64xf32, #tpu.memory_space<vmem>>) target(%dma_start3A_262 : memref<128x64xf32, #tpu.memory_space<vmem_shared>>) target_semaphore(%run_scoped3A : memref<!tpu.dma_semaphore, #tpu.memory_space<semaphore_mem>>)
          %dma_wait3A_263 = arith.constant 0 : i32
          %dma_wait3A_264 = tpu.memref_slice %arg16[%add3A_258, %dma_wait3A_263] : memref<10240x64xf32, #tpu.memory_space<vmem_shared>> -> memref<128x64xf32, #tpu.memory_space<vmem_shared>>
          %dma_wait3A_265 = arith.constant 0 : i32
          %dma_wait3A_266 = tpu.memref_slice %arg16[%add3A_258, %dma_wait3A_265] : memref<10240x64xf32, #tpu.memory_space<vmem_shared>> -> memref<128x64xf32, #tpu.memory_space<vmem_shared>>
          tpu.wait_dma2 semaphore(%run_scoped3A : memref<!tpu.dma_semaphore, #tpu.memory_space<semaphore_mem>>) src(%arg8 : memref<128x64xf32, #tpu.memory_space<vmem>>) dst(%dma_wait3A_266 : memref<128x64xf32, #tpu.memory_space<vmem_shared>>)
          tpu.yield
        }) : () -> ()
      }
      %scan3A_248 = arith.constant 5 : i32
    } else {
    }
    %barrier3A = arith.constant 0 : index
    tpu.barrier barrier_id(%barrier3A)
    %dma_start3A = arith.constant 0 : i32
    %dma_start3A_8 = arith.constant 0 : i32
    %dma_start3A_9 = tpu.memref_slice %arg6[%dma_start3A, %dma_start3A_8] : memref<80x128xi32, #tpu.memory_space<vmem>> -> memref<1x128xi32, #tpu.memory_space<vmem>>
    %dma_start3A_10 = tpu.memref_squeeze %dma_start3A_9 : memref<1x128xi32, #tpu.memory_space<vmem>> -> memref<128xi32, #tpu.memory_space<vmem>>
    %dma_start3A_11 = arith.constant 0 : i32
    %dma_start3A_12 = arith.constant 0 : i32
    %dma_start3A_13 = tpu.memref_slice %arg2[%dma_start3A_11, %dma_start3A_12] : memref<10240x64xf32, #tpu.memory_space<hbm>> -> memref<10240x64xf32, #tpu.memory_space<hbm>>
    tpu.enqueue_indirect_dma source(%dma_start3A_13 : memref<10240x64xf32, #tpu.memory_space<hbm>>) target(%arg8 : memref<128x64xf32, #tpu.memory_space<vmem>>) offsets(%dma_start3A_10 : memref<128xi32, #tpu.memory_space<vmem>>) semaphore(%arg17 : memref<!tpu.dma_semaphore, #tpu.memory_space<semaphore_mem>>)
    %dma_start3A_14 = arith.constant 1 : i32
    %dma_start3A_15 = arith.constant 0 : i32
    %dma_start3A_16 = tpu.memref_slice %arg6[%dma_start3A_14, %dma_start3A_15] : memref<80x128xi32, #tpu.memory_space<vmem>> -> memref<1x128xi32, #tpu.memory_space<vmem>>
    %dma_start3A_17 = tpu.memref_squeeze %dma_start3A_16 : memref<1x128xi32, #tpu.memory_space<vmem>> -> memref<128xi32, #tpu.memory_space<vmem>>
    %dma_start3A_18 = arith.constant 0 : i32
    %dma_start3A_19 = arith.constant 0 : i32
    %dma_start3A_20 = tpu.memref_slice %arg2[%dma_start3A_18, %dma_start3A_19] : memref<10240x64xf32, #tpu.memory_space<hbm>> -> memref<10240x64xf32, #tpu.memory_space<hbm>>
    tpu.enqueue_indirect_dma source(%dma_start3A_20 : memref<10240x64xf32, #tpu.memory_space<hbm>>) target(%arg9 : memref<128x64xf32, #tpu.memory_space<vmem>>) offsets(%dma_start3A_17 : memref<128xi32, #tpu.memory_space<vmem>>) semaphore(%arg18 : memref<!tpu.dma_semaphore, #tpu.memory_space<semaphore_mem>>)
    %dma_start3A_21 = arith.constant 2 : i32
    %dma_start3A_22 = arith.constant 0 : i32
    %dma_start3A_23 = tpu.memref_slice %arg6[%dma_start3A_21, %dma_start3A_22] : memref<80x128xi32, #tpu.memory_space<vmem>> -> memref<1x128xi32, #tpu.memory_space<vmem>>
    %dma_start3A_24 = tpu.memref_squeeze %dma_start3A_23 : memref<1x128xi32, #tpu.memory_space<vmem>> -> memref<128xi32, #tpu.memory_space<vmem>>
    %dma_start3A_25 = arith.constant 0 : i32
    %dma_start3A_26 = arith.constant 0 : i32
    %dma_start3A_27 = tpu.memref_slice %arg2[%dma_start3A_25, %dma_start3A_26] : memref<10240x64xf32, #tpu.memory_space<hbm>> -> memref<10240x64xf32, #tpu.memory_space<hbm>>
    tpu.enqueue_indirect_dma source(%dma_start3A_27 : memref<10240x64xf32, #tpu.memory_space<hbm>>) target(%arg10 : memref<128x64xf32, #tpu.memory_space<vmem>>) offsets(%dma_start3A_24 : memref<128xi32, #tpu.memory_space<vmem>>) semaphore(%arg19 : memref<!tpu.dma_semaphore, #tpu.memory_space<semaphore_mem>>)
    %dma_start3A_28 = arith.constant 3 : i32
    %dma_start3A_29 = arith.constant 0 : i32
    %dma_start3A_30 = tpu.memref_slice %arg6[%dma_start3A_28, %dma_start3A_29] : memref<80x128xi32, #tpu.memory_space<vmem>> -> memref<1x128xi32, #tpu.memory_space<vmem>>
    %dma_start3A_31 = tpu.memref_squeeze %dma_start3A_30 : memref<1x128xi32, #tpu.memory_space<vmem>> -> memref<128xi32, #tpu.memory_space<vmem>>
    %dma_start3A_32 = arith.constant 0 : i32
    %dma_start3A_33 = arith.constant 0 : i32
    %dma_start3A_34 = tpu.memref_slice %arg2[%dma_start3A_32, %dma_start3A_33] : memref<10240x64xf32, #tpu.memory_space<hbm>> -> memref<10240x64xf32, #tpu.memory_space<hbm>>
    tpu.enqueue_indirect_dma source(%dma_start3A_34 : memref<10240x64xf32, #tpu.memory_space<hbm>>) target(%arg11 : memref<128x64xf32, #tpu.memory_space<vmem>>) offsets(%dma_start3A_31 : memref<128xi32, #tpu.memory_space<vmem>>) semaphore(%arg20 : memref<!tpu.dma_semaphore, #tpu.memory_space<semaphore_mem>>)
    %dma_start3A_35 = arith.constant 4 : i32
    %dma_start3A_36 = arith.constant 0 : i32
    %dma_start3A_37 = tpu.memref_slice %arg6[%dma_start3A_35, %dma_start3A_36] : memref<80x128xi32, #tpu.memory_space<vmem>> -> memref<1x128xi32, #tpu.memory_space<vmem>>
    %dma_start3A_38 = tpu.memref_squeeze %dma_start3A_37 : memref<1x128xi32, #tpu.memory_space<vmem>> -> memref<128xi32, #tpu.memory_space<vmem>>
    %dma_start3A_39 = arith.constant 0 : i32
    %dma_start3A_40 = arith.constant 0 : i32
    %dma_start3A_41 = tpu.memref_slice %arg2[%dma_start3A_39, %dma_start3A_40] : memref<10240x64xf32, #tpu.memory_space<hbm>> -> memref<10240x64xf32, #tpu.memory_space<hbm>>
    tpu.enqueue_indirect_dma source(%dma_start3A_41 : memref<10240x64xf32, #tpu.memory_space<hbm>>) target(%arg12 : memref<128x64xf32, #tpu.memory_space<vmem>>) offsets(%dma_start3A_38 : memref<128xi32, #tpu.memory_space<vmem>>) semaphore(%arg21 : memref<!tpu.dma_semaphore, #tpu.memory_space<semaphore_mem>>)
    %dma_start3A_42 = arith.constant 5 : i32
    %dma_start3A_43 = arith.constant 0 : i32
    %dma_start3A_44 = tpu.memref_slice %arg6[%dma_start3A_42, %dma_start3A_43] : memref<80x128xi32, #tpu.memory_space<vmem>> -> memref<1x128xi32, #tpu.memory_space<vmem>>
    %dma_start3A_45 = tpu.memref_squeeze %dma_start3A_44 : memref<1x128xi32, #tpu.memory_space<vmem>> -> memref<128xi32, #tpu.memory_space<vmem>>
    %dma_start3A_46 = arith.constant 0 : i32
    %dma_start3A_47 = arith.constant 0 : i32
    %dma_start3A_48 = tpu.memref_slice %arg2[%dma_start3A_46, %dma_start3A_47] : memref<10240x64xf32, #tpu.memory_space<hbm>> -> memref<10240x64xf32, #tpu.memory_space<hbm>>
    tpu.enqueue_indirect_dma source(%dma_start3A_48 : memref<10240x64xf32, #tpu.memory_space<hbm>>) target(%arg13 : memref<128x64xf32, #tpu.memory_space<vmem>>) offsets(%dma_start3A_45 : memref<128xi32, #tpu.memory_space<vmem>>) semaphore(%arg22 : memref<!tpu.dma_semaphore, #tpu.memory_space<semaphore_mem>>)
    %dma_start3A_49 = arith.constant 6 : i32
    %dma_start3A_50 = arith.constant 0 : i32
    %dma_start3A_51 = tpu.memref_slice %arg6[%dma_start3A_49, %dma_start3A_50] : memref<80x128xi32, #tpu.memory_space<vmem>> -> memref<1x128xi32, #tpu.memory_space<vmem>>
    %dma_start3A_52 = tpu.memref_squeeze %dma_start3A_51 : memref<1x128xi32, #tpu.memory_space<vmem>> -> memref<128xi32, #tpu.memory_space<vmem>>
    %dma_start3A_53 = arith.constant 0 : i32
    %dma_start3A_54 = arith.constant 0 : i32
    %dma_start3A_55 = tpu.memref_slice %arg2[%dma_start3A_53, %dma_start3A_54] : memref<10240x64xf32, #tpu.memory_space<hbm>> -> memref<10240x64xf32, #tpu.memory_space<hbm>>
    tpu.enqueue_indirect_dma source(%dma_start3A_55 : memref<10240x64xf32, #tpu.memory_space<hbm>>) target(%arg14 : memref<128x64xf32, #tpu.memory_space<vmem>>) offsets(%dma_start3A_52 : memref<128xi32, #tpu.memory_space<vmem>>) semaphore(%arg23 : memref<!tpu.dma_semaphore, #tpu.memory_space<semaphore_mem>>)
    %dma_start3A_56 = arith.constant 7 : i32
    %dma_start3A_57 = arith.constant 0 : i32
    %dma_start3A_58 = tpu.memref_slice %arg6[%dma_start3A_56, %dma_start3A_57] : memref<80x128xi32, #tpu.memory_space<vmem>> -> memref<1x128xi32, #tpu.memory_space<vmem>>
    %dma_start3A_59 = tpu.memref_squeeze %dma_start3A_58 : memref<1x128xi32, #tpu.memory_space<vmem>> -> memref<128xi32, #tpu.memory_space<vmem>>
    %dma_start3A_60 = arith.constant 0 : i32
    %dma_start3A_61 = arith.constant 0 : i32
    %dma_start3A_62 = tpu.memref_slice %arg2[%dma_start3A_60, %dma_start3A_61] : memref<10240x64xf32, #tpu.memory_space<hbm>> -> memref<10240x64xf32, #tpu.memory_space<hbm>>
    tpu.enqueue_indirect_dma source(%dma_start3A_62 : memref<10240x64xf32, #tpu.memory_space<hbm>>) target(%arg15 : memref<128x64xf32, #tpu.memory_space<vmem>>) offsets(%dma_start3A_59 : memref<128xi32, #tpu.memory_space<vmem>>) semaphore(%arg24 : memref<!tpu.dma_semaphore, #tpu.memory_space<semaphore_mem>>)
    %scan3A = arith.constant 0 : i32
    %scan3A_63 = arith.constant 9 : i32
    %scan3A_64 = arith.addi %scan3A, %scan3A_63 : i32
    %scan3A_65 = arith.constant 1 : i32
    scf.for %scan3A_239 = %scan3A to %scan3A_64 step %scan3A_65  : i32 {
      %mul3A_240 = arith.constant 8 : i32
      %mul3A_241 = arith.muli %scan3A_239, %mul3A_240 : i32
      %add3A_242 = arith.constant 0 : i32
      %add3A_243 = arith.addi %add3A_242, %mul3A_241 : i32
      %add3A_244 = arith.constant 0 : i32
      %add3A_245 = arith.addi %add3A_243, %add3A_244 : i32
      %dma_wait3A_246 = arith.constant 0 : i32
      %dma_wait3A_247 = tpu.memref_slice %arg6[%add3A_245, %dma_wait3A_246] : memref<80x128xi32, #tpu.memory_space<vmem>> -> memref<1x128xi32, #tpu.memory_space<vmem>>
      %dma_wait3A_248 = tpu.memref_squeeze %dma_wait3A_247 : memref<1x128xi32, #tpu.memory_space<vmem>> -> memref<128xi32, #tpu.memory_space<vmem>>
      %dma_wait3A_249 = arith.constant 0 : i32
      %dma_wait3A_250 = arith.constant 0 : i32
      %dma_wait3A_251 = tpu.memref_slice %arg2[%dma_wait3A_249, %dma_wait3A_250] : memref<10240x64xf32, #tpu.memory_space<hbm>> -> memref<10240x64xf32, #tpu.memory_space<hbm>>
      tpu.wait_indirect_dma semaphore(%arg17 : memref<!tpu.dma_semaphore, #tpu.memory_space<semaphore_mem>>) src(%dma_wait3A_251 : memref<10240x64xf32, #tpu.memory_space<hbm>>) dst(%arg8 : memref<128x64xf32, #tpu.memory_space<vmem>>)
      %add3A_252 = arith.constant 0 : i32
      %add3A_253 = arith.addi %add3A_243, %add3A_252 : i32
      %dma_start3A_254 = arith.constant 0 : i32
      %dma_start3A_255 = tpu.memref_slice %arg7[%add3A_253, %dma_start3A_254] : memref<80x128xi32, #tpu.memory_space<vmem>> -> memref<1x128xi32, #tpu.memory_space<vmem>>
      %dma_start3A_256 = tpu.memref_squeeze %dma_start3A_255 : memref<1x128xi32, #tpu.memory_space<vmem>> -> memref<128xi32, #tpu.memory_space<vmem>>
      %dma_start3A_257 = arith.constant 0 : i32
      %dma_start3A_258 = arith.constant 0 : i32
      %dma_start3A_259 = tpu.memref_slice %arg16[%dma_start3A_257, %dma_start3A_258] : memref<10240x64xf32, #tpu.memory_space<vmem_shared>> -> memref<10240x64xf32, #tpu.memory_space<vmem_shared>>
      tpu.enqueue_indirect_dma source(%arg8 : memref<128x64xf32, #tpu.memory_space<vmem>>) target(%dma_start3A_259 : memref<10240x64xf32, #tpu.memory_space<vmem_shared>>) offsets(%dma_start3A_256 : memref<128xi32, #tpu.memory_space<vmem>>) semaphore(%arg25 : memref<!tpu.dma_semaphore, #tpu.memory_space<semaphore_mem>>) {add = true}
      %add3A_260 = arith.constant 1 : i32
      %add3A_261 = arith.addi %add3A_243, %add3A_260 : i32
      %dma_wait3A_262 = arith.constant 0 : i32
      %dma_wait3A_263 = tpu.memref_slice %arg6[%add3A_261, %dma_wait3A_262] : memref<80x128xi32, #tpu.memory_space<vmem>> -> memref<1x128xi32, #tpu.memory_space<vmem>>
      %dma_wait3A_264 = tpu.memref_squeeze %dma_wait3A_263 : memref<1x128xi32, #tpu.memory_space<vmem>> -> memref<128xi32, #tpu.memory_space<vmem>>
      %dma_wait3A_265 = arith.constant 0 : i32
      %dma_wait3A_266 = arith.constant 0 : i32
      %dma_wait3A_267 = tpu.memref_slice %arg2[%dma_wait3A_265, %dma_wait3A_266] : memref<10240x64xf32, #tpu.memory_space<hbm>> -> memref<10240x64xf32, #tpu.memory_space<hbm>>
      tpu.wait_indirect_dma semaphore(%arg18 : memref<!tpu.dma_semaphore, #tpu.memory_space<semaphore_mem>>) src(%dma_wait3A_267 : memref<10240x64xf32, #tpu.memory_space<hbm>>) dst(%arg9 : memref<128x64xf32, #tpu.memory_space<vmem>>)
      %add3A_268 = arith.constant 1 : i32
      %add3A_269 = arith.addi %add3A_243, %add3A_268 : i32
      %dma_start3A_270 = arith.constant 0 : i32
      %dma_start3A_271 = tpu.memref_slice %arg7[%add3A_269, %dma_start3A_270] : memref<80x128xi32, #tpu.memory_space<vmem>> -> memref<1x128xi32, #tpu.memory_space<vmem>>
      %dma_start3A_272 = tpu.memref_squeeze %dma_start3A_271 : memref<1x128xi32, #tpu.memory_space<vmem>> -> memref<128xi32, #tpu.memory_space<vmem>>
      %dma_start3A_273 = arith.constant 0 : i32
      %dma_start3A_274 = arith.constant 0 : i32
      %dma_start3A_275 = tpu.memref_slice %arg16[%dma_start3A_273, %dma_start3A_274] : memref<10240x64xf32, #tpu.memory_space<vmem_shared>> -> memref<10240x64xf32, #tpu.memory_space<vmem_shared>>
      tpu.enqueue_indirect_dma source(%arg9 : memref<128x64xf32, #tpu.memory_space<vmem>>) target(%dma_start3A_275 : memref<10240x64xf32, #tpu.memory_space<vmem_shared>>) offsets(%dma_start3A_272 : memref<128xi32, #tpu.memory_space<vmem>>) semaphore(%arg26 : memref<!tpu.dma_semaphore, #tpu.memory_space<semaphore_mem>>) {add = true}
      %add3A_276 = arith.constant 2 : i32
      %add3A_277 = arith.addi %add3A_243, %add3A_276 : i32
      %dma_wait3A_278 = arith.constant 0 : i32
      %dma_wait3A_279 = tpu.memref_slice %arg6[%add3A_277, %dma_wait3A_278] : memref<80x128xi32, #tpu.memory_space<vmem>> -> memref<1x128xi32, #tpu.memory_space<vmem>>
      %dma_wait3A_280 = tpu.memref_squeeze %dma_wait3A_279 : memref<1x128xi32, #tpu.memory_space<vmem>> -> memref<128xi32, #tpu.memory_space<vmem>>
      %dma_wait3A_281 = arith.constant 0 : i32
      %dma_wait3A_282 = arith.constant 0 : i32
      %dma_wait3A_283 = tpu.memref_slice %arg2[%dma_wait3A_281, %dma_wait3A_282] : memref<10240x64xf32, #tpu.memory_space<hbm>> -> memref<10240x64xf32, #tpu.memory_space<hbm>>
      tpu.wait_indirect_dma semaphore(%arg19 : memref<!tpu.dma_semaphore, #tpu.memory_space<semaphore_mem>>) src(%dma_wait3A_283 : memref<10240x64xf32, #tpu.memory_space<hbm>>) dst(%arg10 : memref<128x64xf32, #tpu.memory_space<vmem>>)
      %add3A_284 = arith.constant 2 : i32
      %add3A_285 = arith.addi %add3A_243, %add3A_284 : i32
      %dma_start3A_286 = arith.constant 0 : i32
      %dma_start3A_287 = tpu.memref_slice %arg7[%add3A_285, %dma_start3A_286] : memref<80x128xi32, #tpu.memory_space<vmem>> -> memref<1x128xi32, #tpu.memory_space<vmem>>
      %dma_start3A_288 = tpu.memref_squeeze %dma_start3A_287 : memref<1x128xi32, #tpu.memory_space<vmem>> -> memref<128xi32, #tpu.memory_space<vmem>>
      %dma_start3A_289 = arith.constant 0 : i32
      %dma_start3A_290 = arith.constant 0 : i32
      %dma_start3A_291 = tpu.memref_slice %arg16[%dma_start3A_289, %dma_start3A_290] : memref<10240x64xf32, #tpu.memory_space<vmem_shared>> -> memref<10240x64xf32, #tpu.memory_space<vmem_shared>>
      tpu.enqueue_indirect_dma source(%arg10 : memref<128x64xf32, #tpu.memory_space<vmem>>) target(%dma_start3A_291 : memref<10240x64xf32, #tpu.memory_space<vmem_shared>>) offsets(%dma_start3A_288 : memref<128xi32, #tpu.memory_space<vmem>>) semaphore(%arg27 : memref<!tpu.dma_semaphore, #tpu.memory_space<semaphore_mem>>) {add = true}
      %add3A_292 = arith.constant 3 : i32
      %add3A_293 = arith.addi %add3A_243, %add3A_292 : i32
      %dma_wait3A_294 = arith.constant 0 : i32
      %dma_wait3A_295 = tpu.memref_slice %arg6[%add3A_293, %dma_wait3A_294] : memref<80x128xi32, #tpu.memory_space<vmem>> -> memref<1x128xi32, #tpu.memory_space<vmem>>
      %dma_wait3A_296 = tpu.memref_squeeze %dma_wait3A_295 : memref<1x128xi32, #tpu.memory_space<vmem>> -> memref<128xi32, #tpu.memory_space<vmem>>
      %dma_wait3A_297 = arith.constant 0 : i32
      %dma_wait3A_298 = arith.constant 0 : i32
      %dma_wait3A_299 = tpu.memref_slice %arg2[%dma_wait3A_297, %dma_wait3A_298] : memref<10240x64xf32, #tpu.memory_space<hbm>> -> memref<10240x64xf32, #tpu.memory_space<hbm>>
      tpu.wait_indirect_dma semaphore(%arg20 : memref<!tpu.dma_semaphore, #tpu.memory_space<semaphore_mem>>) src(%dma_wait3A_299 : memref<10240x64xf32, #tpu.memory_space<hbm>>) dst(%arg11 : memref<128x64xf32, #tpu.memory_space<vmem>>)
      %add3A_300 = arith.constant 3 : i32
      %add3A_301 = arith.addi %add3A_243, %add3A_300 : i32
      %dma_start3A_302 = arith.constant 0 : i32
      %dma_start3A_303 = tpu.memref_slice %arg7[%add3A_301, %dma_start3A_302] : memref<80x128xi32, #tpu.memory_space<vmem>> -> memref<1x128xi32, #tpu.memory_space<vmem>>
      %dma_start3A_304 = tpu.memref_squeeze %dma_start3A_303 : memref<1x128xi32, #tpu.memory_space<vmem>> -> memref<128xi32, #tpu.memory_space<vmem>>
      %dma_start3A_305 = arith.constant 0 : i32
      %dma_start3A_306 = arith.constant 0 : i32
      %dma_start3A_307 = tpu.memref_slice %arg16[%dma_start3A_305, %dma_start3A_306] : memref<10240x64xf32, #tpu.memory_space<vmem_shared>> -> memref<10240x64xf32, #tpu.memory_space<vmem_shared>>
      tpu.enqueue_indirect_dma source(%arg11 : memref<128x64xf32, #tpu.memory_space<vmem>>) target(%dma_start3A_307 : memref<10240x64xf32, #tpu.memory_space<vmem_shared>>) offsets(%dma_start3A_304 : memref<128xi32, #tpu.memory_space<vmem>>) semaphore(%arg28 : memref<!tpu.dma_semaphore, #tpu.memory_space<semaphore_mem>>) {add = true}
      %add3A_308 = arith.constant 4 : i32
      %add3A_309 = arith.addi %add3A_243, %add3A_308 : i32
      %dma_wait3A_310 = arith.constant 0 : i32
      %dma_wait3A_311 = tpu.memref_slice %arg6[%add3A_309, %dma_wait3A_310] : memref<80x128xi32, #tpu.memory_space<vmem>> -> memref<1x128xi32, #tpu.memory_space<vmem>>
      %dma_wait3A_312 = tpu.memref_squeeze %dma_wait3A_311 : memref<1x128xi32, #tpu.memory_space<vmem>> -> memref<128xi32, #tpu.memory_space<vmem>>
      %dma_wait3A_313 = arith.constant 0 : i32
      %dma_wait3A_314 = arith.constant 0 : i32
      %dma_wait3A_315 = tpu.memref_slice %arg2[%dma_wait3A_313, %dma_wait3A_314] : memref<10240x64xf32, #tpu.memory_space<hbm>> -> memref<10240x64xf32, #tpu.memory_space<hbm>>
      tpu.wait_indirect_dma semaphore(%arg21 : memref<!tpu.dma_semaphore, #tpu.memory_space<semaphore_mem>>) src(%dma_wait3A_315 : memref<10240x64xf32, #tpu.memory_space<hbm>>) dst(%arg12 : memref<128x64xf32, #tpu.memory_space<vmem>>)
      %add3A_316 = arith.constant 4 : i32
      %add3A_317 = arith.addi %add3A_243, %add3A_316 : i32
      %dma_start3A_318 = arith.constant 0 : i32
      %dma_start3A_319 = tpu.memref_slice %arg7[%add3A_317, %dma_start3A_318] : memref<80x128xi32, #tpu.memory_space<vmem>> -> memref<1x128xi32, #tpu.memory_space<vmem>>
      %dma_start3A_320 = tpu.memref_squeeze %dma_start3A_319 : memref<1x128xi32, #tpu.memory_space<vmem>> -> memref<128xi32, #tpu.memory_space<vmem>>
      %dma_start3A_321 = arith.constant 0 : i32
      %dma_start3A_322 = arith.constant 0 : i32
      %dma_start3A_323 = tpu.memref_slice %arg16[%dma_start3A_321, %dma_start3A_322] : memref<10240x64xf32, #tpu.memory_space<vmem_shared>> -> memref<10240x64xf32, #tpu.memory_space<vmem_shared>>
      tpu.enqueue_indirect_dma source(%arg12 : memref<128x64xf32, #tpu.memory_space<vmem>>) target(%dma_start3A_323 : memref<10240x64xf32, #tpu.memory_space<vmem_shared>>) offsets(%dma_start3A_320 : memref<128xi32, #tpu.memory_space<vmem>>) semaphore(%arg29 : memref<!tpu.dma_semaphore, #tpu.memory_space<semaphore_mem>>) {add = true}
      %add3A_324 = arith.constant 5 : i32
      %add3A_325 = arith.addi %add3A_243, %add3A_324 : i32
      %dma_wait3A_326 = arith.constant 0 : i32
      %dma_wait3A_327 = tpu.memref_slice %arg6[%add3A_325, %dma_wait3A_326] : memref<80x128xi32, #tpu.memory_space<vmem>> -> memref<1x128xi32, #tpu.memory_space<vmem>>
      %dma_wait3A_328 = tpu.memref_squeeze %dma_wait3A_327 : memref<1x128xi32, #tpu.memory_space<vmem>> -> memref<128xi32, #tpu.memory_space<vmem>>
      %dma_wait3A_329 = arith.constant 0 : i32
      %dma_wait3A_330 = arith.constant 0 : i32
      %dma_wait3A_331 = tpu.memref_slice %arg2[%dma_wait3A_329, %dma_wait3A_330] : memref<10240x64xf32, #tpu.memory_space<hbm>> -> memref<10240x64xf32, #tpu.memory_space<hbm>>
      tpu.wait_indirect_dma semaphore(%arg22 : memref<!tpu.dma_semaphore, #tpu.memory_space<semaphore_mem>>) src(%dma_wait3A_331 : memref<10240x64xf32, #tpu.memory_space<hbm>>) dst(%arg13 : memref<128x64xf32, #tpu.memory_space<vmem>>)
      %add3A_332 = arith.constant 5 : i32
      %add3A_333 = arith.addi %add3A_243, %add3A_332 : i32
      %dma_start3A_334 = arith.constant 0 : i32
      %dma_start3A_335 = tpu.memref_slice %arg7[%add3A_333, %dma_start3A_334] : memref<80x128xi32, #tpu.memory_space<vmem>> -> memref<1x128xi32, #tpu.memory_space<vmem>>
      %dma_start3A_336 = tpu.memref_squeeze %dma_start3A_335 : memref<1x128xi32, #tpu.memory_space<vmem>> -> memref<128xi32, #tpu.memory_space<vmem>>
      %dma_start3A_337 = arith.constant 0 : i32
      %dma_start3A_338 = arith.constant 0 : i32
      %dma_start3A_339 = tpu.memref_slice %arg16[%dma_start3A_337, %dma_start3A_338] : memref<10240x64xf32, #tpu.memory_space<vmem_shared>> -> memref<10240x64xf32, #tpu.memory_space<vmem_shared>>
      tpu.enqueue_indirect_dma source(%arg13 : memref<128x64xf32, #tpu.memory_space<vmem>>) target(%dma_start3A_339 : memref<10240x64xf32, #tpu.memory_space<vmem_shared>>) offsets(%dma_start3A_336 : memref<128xi32, #tpu.memory_space<vmem>>) semaphore(%arg30 : memref<!tpu.dma_semaphore, #tpu.memory_space<semaphore_mem>>) {add = true}
      %add3A_340 = arith.constant 6 : i32
      %add3A_341 = arith.addi %add3A_243, %add3A_340 : i32
      %dma_wait3A_342 = arith.constant 0 : i32
      %dma_wait3A_343 = tpu.memref_slice %arg6[%add3A_341, %dma_wait3A_342] : memref<80x128xi32, #tpu.memory_space<vmem>> -> memref<1x128xi32, #tpu.memory_space<vmem>>
      %dma_wait3A_344 = tpu.memref_squeeze %dma_wait3A_343 : memref<1x128xi32, #tpu.memory_space<vmem>> -> memref<128xi32, #tpu.memory_space<vmem>>
      %dma_wait3A_345 = arith.constant 0 : i32
      %dma_wait3A_346 = arith.constant 0 : i32
      %dma_wait3A_347 = tpu.memref_slice %arg2[%dma_wait3A_345, %dma_wait3A_346] : memref<10240x64xf32, #tpu.memory_space<hbm>> -> memref<10240x64xf32, #tpu.memory_space<hbm>>
      tpu.wait_indirect_dma semaphore(%arg23 : memref<!tpu.dma_semaphore, #tpu.memory_space<semaphore_mem>>) src(%dma_wait3A_347 : memref<10240x64xf32, #tpu.memory_space<hbm>>) dst(%arg14 : memref<128x64xf32, #tpu.memory_space<vmem>>)
      %add3A_348 = arith.constant 6 : i32
      %add3A_349 = arith.addi %add3A_243, %add3A_348 : i32
      %dma_start3A_350 = arith.constant 0 : i32
      %dma_start3A_351 = tpu.memref_slice %arg7[%add3A_349, %dma_start3A_350] : memref<80x128xi32, #tpu.memory_space<vmem>> -> memref<1x128xi32, #tpu.memory_space<vmem>>
      %dma_start3A_352 = tpu.memref_squeeze %dma_start3A_351 : memref<1x128xi32, #tpu.memory_space<vmem>> -> memref<128xi32, #tpu.memory_space<vmem>>
      %dma_start3A_353 = arith.constant 0 : i32
      %dma_start3A_354 = arith.constant 0 : i32
      %dma_start3A_355 = tpu.memref_slice %arg16[%dma_start3A_353, %dma_start3A_354] : memref<10240x64xf32, #tpu.memory_space<vmem_shared>> -> memref<10240x64xf32, #tpu.memory_space<vmem_shared>>
      tpu.enqueue_indirect_dma source(%arg14 : memref<128x64xf32, #tpu.memory_space<vmem>>) target(%dma_start3A_355 : memref<10240x64xf32, #tpu.memory_space<vmem_shared>>) offsets(%dma_start3A_352 : memref<128xi32, #tpu.memory_space<vmem>>) semaphore(%arg31 : memref<!tpu.dma_semaphore, #tpu.memory_space<semaphore_mem>>) {add = true}
      %add3A_356 = arith.constant 7 : i32
      %add3A_357 = arith.addi %add3A_243, %add3A_356 : i32
      %dma_wait3A_358 = arith.constant 0 : i32
      %dma_wait3A_359 = tpu.memref_slice %arg6[%add3A_357, %dma_wait3A_358] : memref<80x128xi32, #tpu.memory_space<vmem>> -> memref<1x128xi32, #tpu.memory_space<vmem>>
      %dma_wait3A_360 = tpu.memref_squeeze %dma_wait3A_359 : memref<1x128xi32, #tpu.memory_space<vmem>> -> memref<128xi32, #tpu.memory_space<vmem>>
      %dma_wait3A_361 = arith.constant 0 : i32
      %dma_wait3A_362 = arith.constant 0 : i32
      %dma_wait3A_363 = tpu.memref_slice %arg2[%dma_wait3A_361, %dma_wait3A_362] : memref<10240x64xf32, #tpu.memory_space<hbm>> -> memref<10240x64xf32, #tpu.memory_space<hbm>>
      tpu.wait_indirect_dma semaphore(%arg24 : memref<!tpu.dma_semaphore, #tpu.memory_space<semaphore_mem>>) src(%dma_wait3A_363 : memref<10240x64xf32, #tpu.memory_space<hbm>>) dst(%arg15 : memref<128x64xf32, #tpu.memory_space<vmem>>)
      %add3A_364 = arith.constant 7 : i32
      %add3A_365 = arith.addi %add3A_243, %add3A_364 : i32
      %dma_start3A_366 = arith.constant 0 : i32
      %dma_start3A_367 = tpu.memref_slice %arg7[%add3A_365, %dma_start3A_366] : memref<80x128xi32, #tpu.memory_space<vmem>> -> memref<1x128xi32, #tpu.memory_space<vmem>>
      %dma_start3A_368 = tpu.memref_squeeze %dma_start3A_367 : memref<1x128xi32, #tpu.memory_space<vmem>> -> memref<128xi32, #tpu.memory_space<vmem>>
      %dma_start3A_369 = arith.constant 0 : i32
      %dma_start3A_370 = arith.constant 0 : i32
      %dma_start3A_371 = tpu.memref_slice %arg16[%dma_start3A_369, %dma_start3A_370] : memref<10240x64xf32, #tpu.memory_space<vmem_shared>> -> memref<10240x64xf32, #tpu.memory_space<vmem_shared>>
      tpu.enqueue_indirect_dma source(%arg15 : memref<128x64xf32, #tpu.memory_space<vmem>>) target(%dma_start3A_371 : memref<10240x64xf32, #tpu.memory_space<vmem_shared>>) offsets(%dma_start3A_368 : memref<128xi32, #tpu.memory_space<vmem>>) semaphore(%arg32 : memref<!tpu.dma_semaphore, #tpu.memory_space<semaphore_mem>>) {add = true}
      %dma_wait3A_372 = arith.constant 0 : i32
      %dma_wait3A_373 = arith.constant 0 : i32
      %dma_wait3A_374 = tpu.memref_slice %arg7[%dma_wait3A_372, %dma_wait3A_373] : memref<80x128xi32, #tpu.memory_space<vmem>> -> memref<1x128xi32, #tpu.memory_space<vmem>>
      %dma_wait3A_375 = tpu.memref_squeeze %dma_wait3A_374 : memref<1x128xi32, #tpu.memory_space<vmem>> -> memref<128xi32, #tpu.memory_space<vmem>>
      %dma_wait3A_376 = arith.constant 0 : i32
      %dma_wait3A_377 = arith.constant 0 : i32
      %dma_wait3A_378 = tpu.memref_slice %arg16[%dma_wait3A_376, %dma_wait3A_377] : memref<10240x64xf32, #tpu.memory_space<vmem_shared>> -> memref<10240x64xf32, #tpu.memory_space<vmem_shared>>
      tpu.wait_indirect_dma semaphore(%arg25 : memref<!tpu.dma_semaphore, #tpu.memory_space<semaphore_mem>>) src(%arg8 : memref<128x64xf32, #tpu.memory_space<vmem>>) dst(%dma_wait3A_378 : memref<10240x64xf32, #tpu.memory_space<vmem_shared>>)
      %add3A_379 = arith.constant 8 : i32
      %add3A_380 = arith.addi %add3A_243, %add3A_379 : i32
      %add3A_381 = arith.constant 0 : i32
      %add3A_382 = arith.addi %add3A_380, %add3A_381 : i32
      %dma_start3A_383 = arith.constant 0 : i32
      %dma_start3A_384 = tpu.memref_slice %arg6[%add3A_382, %dma_start3A_383] : memref<80x128xi32, #tpu.memory_space<vmem>> -> memref<1x128xi32, #tpu.memory_space<vmem>>
      %dma_start3A_385 = tpu.memref_squeeze %dma_start3A_384 : memref<1x128xi32, #tpu.memory_space<vmem>> -> memref<128xi32, #tpu.memory_space<vmem>>
      %dma_start3A_386 = arith.constant 0 : i32
      %dma_start3A_387 = arith.constant 0 : i32
      %dma_start3A_388 = tpu.memref_slice %arg2[%dma_start3A_386, %dma_start3A_387] : memref<10240x64xf32, #tpu.memory_space<hbm>> -> memref<10240x64xf32, #tpu.memory_space<hbm>>
      tpu.enqueue_indirect_dma source(%dma_start3A_388 : memref<10240x64xf32, #tpu.memory_space<hbm>>) target(%arg8 : memref<128x64xf32, #tpu.memory_space<vmem>>) offsets(%dma_start3A_385 : memref<128xi32, #tpu.memory_space<vmem>>) semaphore(%arg17 : memref<!tpu.dma_semaphore, #tpu.memory_space<semaphore_mem>>)
      %dma_wait3A_389 = arith.constant 0 : i32
      %dma_wait3A_390 = arith.constant 0 : i32
      %dma_wait3A_391 = tpu.memref_slice %arg7[%dma_wait3A_389, %dma_wait3A_390] : memref<80x128xi32, #tpu.memory_space<vmem>> -> memref<1x128xi32, #tpu.memory_space<vmem>>
      %dma_wait3A_392 = tpu.memref_squeeze %dma_wait3A_391 : memref<1x128xi32, #tpu.memory_space<vmem>> -> memref<128xi32, #tpu.memory_space<vmem>>
      %dma_wait3A_393 = arith.constant 0 : i32
      %dma_wait3A_394 = arith.constant 0 : i32
      %dma_wait3A_395 = tpu.memref_slice %arg16[%dma_wait3A_393, %dma_wait3A_394] : memref<10240x64xf32, #tpu.memory_space<vmem_shared>> -> memref<10240x64xf32, #tpu.memory_space<vmem_shared>>
      tpu.wait_indirect_dma semaphore(%arg26 : memref<!tpu.dma_semaphore, #tpu.memory_space<semaphore_mem>>) src(%arg9 : memref<128x64xf32, #tpu.memory_space<vmem>>) dst(%dma_wait3A_395 : memref<10240x64xf32, #tpu.memory_space<vmem_shared>>)
      %add3A_396 = arith.constant 8 : i32
      %add3A_397 = arith.addi %add3A_243, %add3A_396 : i32
      %add3A_398 = arith.constant 1 : i32
      %add3A_399 = arith.addi %add3A_397, %add3A_398 : i32
      %dma_start3A_400 = arith.constant 0 : i32
      %dma_start3A_401 = tpu.memref_slice %arg6[%add3A_399, %dma_start3A_400] : memref<80x128xi32, #tpu.memory_space<vmem>> -> memref<1x128xi32, #tpu.memory_space<vmem>>
      %dma_start3A_402 = tpu.memref_squeeze %dma_start3A_401 : memref<1x128xi32, #tpu.memory_space<vmem>> -> memref<128xi32, #tpu.memory_space<vmem>>
      %dma_start3A_403 = arith.constant 0 : i32
      %dma_start3A_404 = arith.constant 0 : i32
      %dma_start3A_405 = tpu.memref_slice %arg2[%dma_start3A_403, %dma_start3A_404] : memref<10240x64xf32, #tpu.memory_space<hbm>> -> memref<10240x64xf32, #tpu.memory_space<hbm>>
      tpu.enqueue_indirect_dma source(%dma_start3A_405 : memref<10240x64xf32, #tpu.memory_space<hbm>>) target(%arg9 : memref<128x64xf32, #tpu.memory_space<vmem>>) offsets(%dma_start3A_402 : memref<128xi32, #tpu.memory_space<vmem>>) semaphore(%arg18 : memref<!tpu.dma_semaphore, #tpu.memory_space<semaphore_mem>>)
      %dma_wait3A_406 = arith.constant 0 : i32
      %dma_wait3A_407 = arith.constant 0 : i32
      %dma_wait3A_408 = tpu.memref_slice %arg7[%dma_wait3A_406, %dma_wait3A_407] : memref<80x128xi32, #tpu.memory_space<vmem>> -> memref<1x128xi32, #tpu.memory_space<vmem>>
      %dma_wait3A_409 = tpu.memref_squeeze %dma_wait3A_408 : memref<1x128xi32, #tpu.memory_space<vmem>> -> memref<128xi32, #tpu.memory_space<vmem>>
      %dma_wait3A_410 = arith.constant 0 : i32
      %dma_wait3A_411 = arith.constant 0 : i32
      %dma_wait3A_412 = tpu.memref_slice %arg16[%dma_wait3A_410, %dma_wait3A_411] : memref<10240x64xf32, #tpu.memory_space<vmem_shared>> -> memref<10240x64xf32, #tpu.memory_space<vmem_shared>>
      tpu.wait_indirect_dma semaphore(%arg27 : memref<!tpu.dma_semaphore, #tpu.memory_space<semaphore_mem>>) src(%arg10 : memref<128x64xf32, #tpu.memory_space<vmem>>) dst(%dma_wait3A_412 : memref<10240x64xf32, #tpu.memory_space<vmem_shared>>)
      %add3A_413 = arith.constant 8 : i32
      %add3A_414 = arith.addi %add3A_243, %add3A_413 : i32
      %add3A_415 = arith.constant 2 : i32
      %add3A_416 = arith.addi %add3A_414, %add3A_415 : i32
      %dma_start3A_417 = arith.constant 0 : i32
      %dma_start3A_418 = tpu.memref_slice %arg6[%add3A_416, %dma_start3A_417] : memref<80x128xi32, #tpu.memory_space<vmem>> -> memref<1x128xi32, #tpu.memory_space<vmem>>
      %dma_start3A_419 = tpu.memref_squeeze %dma_start3A_418 : memref<1x128xi32, #tpu.memory_space<vmem>> -> memref<128xi32, #tpu.memory_space<vmem>>
      %dma_start3A_420 = arith.constant 0 : i32
      %dma_start3A_421 = arith.constant 0 : i32
      %dma_start3A_422 = tpu.memref_slice %arg2[%dma_start3A_420, %dma_start3A_421] : memref<10240x64xf32, #tpu.memory_space<hbm>> -> memref<10240x64xf32, #tpu.memory_space<hbm>>
      tpu.enqueue_indirect_dma source(%dma_start3A_422 : memref<10240x64xf32, #tpu.memory_space<hbm>>) target(%arg10 : memref<128x64xf32, #tpu.memory_space<vmem>>) offsets(%dma_start3A_419 : memref<128xi32, #tpu.memory_space<vmem>>) semaphore(%arg19 : memref<!tpu.dma_semaphore, #tpu.memory_space<semaphore_mem>>)
      %dma_wait3A_423 = arith.constant 0 : i32
      %dma_wait3A_424 = arith.constant 0 : i32
      %dma_wait3A_425 = tpu.memref_slice %arg7[%dma_wait3A_423, %dma_wait3A_424] : memref<80x128xi32, #tpu.memory_space<vmem>> -> memref<1x128xi32, #tpu.memory_space<vmem>>
      %dma_wait3A_426 = tpu.memref_squeeze %dma_wait3A_425 : memref<1x128xi32, #tpu.memory_space<vmem>> -> memref<128xi32, #tpu.memory_space<vmem>>
      %dma_wait3A_427 = arith.constant 0 : i32
      %dma_wait3A_428 = arith.constant 0 : i32
      %dma_wait3A_429 = tpu.memref_slice %arg16[%dma_wait3A_427, %dma_wait3A_428] : memref<10240x64xf32, #tpu.memory_space<vmem_shared>> -> memref<10240x64xf32, #tpu.memory_space<vmem_shared>>
      tpu.wait_indirect_dma semaphore(%arg28 : memref<!tpu.dma_semaphore, #tpu.memory_space<semaphore_mem>>) src(%arg11 : memref<128x64xf32, #tpu.memory_space<vmem>>) dst(%dma_wait3A_429 : memref<10240x64xf32, #tpu.memory_space<vmem_shared>>)
      %add3A_430 = arith.constant 8 : i32
      %add3A_431 = arith.addi %add3A_243, %add3A_430 : i32
      %add3A_432 = arith.constant 3 : i32
      %add3A_433 = arith.addi %add3A_431, %add3A_432 : i32
      %dma_start3A_434 = arith.constant 0 : i32
      %dma_start3A_435 = tpu.memref_slice %arg6[%add3A_433, %dma_start3A_434] : memref<80x128xi32, #tpu.memory_space<vmem>> -> memref<1x128xi32, #tpu.memory_space<vmem>>
      %dma_start3A_436 = tpu.memref_squeeze %dma_start3A_435 : memref<1x128xi32, #tpu.memory_space<vmem>> -> memref<128xi32, #tpu.memory_space<vmem>>
      %dma_start3A_437 = arith.constant 0 : i32
      %dma_start3A_438 = arith.constant 0 : i32
      %dma_start3A_439 = tpu.memref_slice %arg2[%dma_start3A_437, %dma_start3A_438] : memref<10240x64xf32, #tpu.memory_space<hbm>> -> memref<10240x64xf32, #tpu.memory_space<hbm>>
      tpu.enqueue_indirect_dma source(%dma_start3A_439 : memref<10240x64xf32, #tpu.memory_space<hbm>>) target(%arg11 : memref<128x64xf32, #tpu.memory_space<vmem>>) offsets(%dma_start3A_436 : memref<128xi32, #tpu.memory_space<vmem>>) semaphore(%arg20 : memref<!tpu.dma_semaphore, #tpu.memory_space<semaphore_mem>>)
      %dma_wait3A_440 = arith.constant 0 : i32
      %dma_wait3A_441 = arith.constant 0 : i32
      %dma_wait3A_442 = tpu.memref_slice %arg7[%dma_wait3A_440, %dma_wait3A_441] : memref<80x128xi32, #tpu.memory_space<vmem>> -> memref<1x128xi32, #tpu.memory_space<vmem>>
      %dma_wait3A_443 = tpu.memref_squeeze %dma_wait3A_442 : memref<1x128xi32, #tpu.memory_space<vmem>> -> memref<128xi32, #tpu.memory_space<vmem>>
      %dma_wait3A_444 = arith.constant 0 : i32
      %dma_wait3A_445 = arith.constant 0 : i32
      %dma_wait3A_446 = tpu.memref_slice %arg16[%dma_wait3A_444, %dma_wait3A_445] : memref<10240x64xf32, #tpu.memory_space<vmem_shared>> -> memref<10240x64xf32, #tpu.memory_space<vmem_shared>>
      tpu.wait_indirect_dma semaphore(%arg29 : memref<!tpu.dma_semaphore, #tpu.memory_space<semaphore_mem>>) src(%arg12 : memref<128x64xf32, #tpu.memory_space<vmem>>) dst(%dma_wait3A_446 : memref<10240x64xf32, #tpu.memory_space<vmem_shared>>)
      %add3A_447 = arith.constant 8 : i32
      %add3A_448 = arith.addi %add3A_243, %add3A_447 : i32
      %add3A_449 = arith.constant 4 : i32
      %add3A_450 = arith.addi %add3A_448, %add3A_449 : i32
      %dma_start3A_451 = arith.constant 0 : i32
      %dma_start3A_452 = tpu.memref_slice %arg6[%add3A_450, %dma_start3A_451] : memref<80x128xi32, #tpu.memory_space<vmem>> -> memref<1x128xi32, #tpu.memory_space<vmem>>
      %dma_start3A_453 = tpu.memref_squeeze %dma_start3A_452 : memref<1x128xi32, #tpu.memory_space<vmem>> -> memref<128xi32, #tpu.memory_space<vmem>>
      %dma_start3A_454 = arith.constant 0 : i32
      %dma_start3A_455 = arith.constant 0 : i32
      %dma_start3A_456 = tpu.memref_slice %arg2[%dma_start3A_454, %dma_start3A_455] : memref<10240x64xf32, #tpu.memory_space<hbm>> -> memref<10240x64xf32, #tpu.memory_space<hbm>>
      tpu.enqueue_indirect_dma source(%dma_start3A_456 : memref<10240x64xf32, #tpu.memory_space<hbm>>) target(%arg12 : memref<128x64xf32, #tpu.memory_space<vmem>>) offsets(%dma_start3A_453 : memref<128xi32, #tpu.memory_space<vmem>>) semaphore(%arg21 : memref<!tpu.dma_semaphore, #tpu.memory_space<semaphore_mem>>)
      %dma_wait3A_457 = arith.constant 0 : i32
      %dma_wait3A_458 = arith.constant 0 : i32
      %dma_wait3A_459 = tpu.memref_slice %arg7[%dma_wait3A_457, %dma_wait3A_458] : memref<80x128xi32, #tpu.memory_space<vmem>> -> memref<1x128xi32, #tpu.memory_space<vmem>>
      %dma_wait3A_460 = tpu.memref_squeeze %dma_wait3A_459 : memref<1x128xi32, #tpu.memory_space<vmem>> -> memref<128xi32, #tpu.memory_space<vmem>>
      %dma_wait3A_461 = arith.constant 0 : i32
      %dma_wait3A_462 = arith.constant 0 : i32
      %dma_wait3A_463 = tpu.memref_slice %arg16[%dma_wait3A_461, %dma_wait3A_462] : memref<10240x64xf32, #tpu.memory_space<vmem_shared>> -> memref<10240x64xf32, #tpu.memory_space<vmem_shared>>
      tpu.wait_indirect_dma semaphore(%arg30 : memref<!tpu.dma_semaphore, #tpu.memory_space<semaphore_mem>>) src(%arg13 : memref<128x64xf32, #tpu.memory_space<vmem>>) dst(%dma_wait3A_463 : memref<10240x64xf32, #tpu.memory_space<vmem_shared>>)
      %add3A_464 = arith.constant 8 : i32
      %add3A_465 = arith.addi %add3A_243, %add3A_464 : i32
      %add3A_466 = arith.constant 5 : i32
      %add3A_467 = arith.addi %add3A_465, %add3A_466 : i32
      %dma_start3A_468 = arith.constant 0 : i32
      %dma_start3A_469 = tpu.memref_slice %arg6[%add3A_467, %dma_start3A_468] : memref<80x128xi32, #tpu.memory_space<vmem>> -> memref<1x128xi32, #tpu.memory_space<vmem>>
      %dma_start3A_470 = tpu.memref_squeeze %dma_start3A_469 : memref<1x128xi32, #tpu.memory_space<vmem>> -> memref<128xi32, #tpu.memory_space<vmem>>
      %dma_start3A_471 = arith.constant 0 : i32
      %dma_start3A_472 = arith.constant 0 : i32
      %dma_start3A_473 = tpu.memref_slice %arg2[%dma_start3A_471, %dma_start3A_472] : memref<10240x64xf32, #tpu.memory_space<hbm>> -> memref<10240x64xf32, #tpu.memory_space<hbm>>
      tpu.enqueue_indirect_dma source(%dma_start3A_473 : memref<10240x64xf32, #tpu.memory_space<hbm>>) target(%arg13 : memref<128x64xf32, #tpu.memory_space<vmem>>) offsets(%dma_start3A_470 : memref<128xi32, #tpu.memory_space<vmem>>) semaphore(%arg22 : memref<!tpu.dma_semaphore, #tpu.memory_space<semaphore_mem>>)
      %dma_wait3A_474 = arith.constant 0 : i32
      %dma_wait3A_475 = arith.constant 0 : i32
      %dma_wait3A_476 = tpu.memref_slice %arg7[%dma_wait3A_474, %dma_wait3A_475] : memref<80x128xi32, #tpu.memory_space<vmem>> -> memref<1x128xi32, #tpu.memory_space<vmem>>
      %dma_wait3A_477 = tpu.memref_squeeze %dma_wait3A_476 : memref<1x128xi32, #tpu.memory_space<vmem>> -> memref<128xi32, #tpu.memory_space<vmem>>
      %dma_wait3A_478 = arith.constant 0 : i32
      %dma_wait3A_479 = arith.constant 0 : i32
      %dma_wait3A_480 = tpu.memref_slice %arg16[%dma_wait3A_478, %dma_wait3A_479] : memref<10240x64xf32, #tpu.memory_space<vmem_shared>> -> memref<10240x64xf32, #tpu.memory_space<vmem_shared>>
      tpu.wait_indirect_dma semaphore(%arg31 : memref<!tpu.dma_semaphore, #tpu.memory_space<semaphore_mem>>) src(%arg14 : memref<128x64xf32, #tpu.memory_space<vmem>>) dst(%dma_wait3A_480 : memref<10240x64xf32, #tpu.memory_space<vmem_shared>>)
      %add3A_481 = arith.constant 8 : i32
      %add3A_482 = arith.addi %add3A_243, %add3A_481 : i32
      %add3A_483 = arith.constant 6 : i32
      %add3A_484 = arith.addi %add3A_482, %add3A_483 : i32
      %dma_start3A_485 = arith.constant 0 : i32
      %dma_start3A_486 = tpu.memref_slice %arg6[%add3A_484, %dma_start3A_485] : memref<80x128xi32, #tpu.memory_space<vmem>> -> memref<1x128xi32, #tpu.memory_space<vmem>>
      %dma_start3A_487 = tpu.memref_squeeze %dma_start3A_486 : memref<1x128xi32, #tpu.memory_space<vmem>> -> memref<128xi32, #tpu.memory_space<vmem>>
      %dma_start3A_488 = arith.constant 0 : i32
      %dma_start3A_489 = arith.constant 0 : i32
      %dma_start3A_490 = tpu.memref_slice %arg2[%dma_start3A_488, %dma_start3A_489] : memref<10240x64xf32, #tpu.memory_space<hbm>> -> memref<10240x64xf32, #tpu.memory_space<hbm>>
      tpu.enqueue_indirect_dma source(%dma_start3A_490 : memref<10240x64xf32, #tpu.memory_space<hbm>>) target(%arg14 : memref<128x64xf32, #tpu.memory_space<vmem>>) offsets(%dma_start3A_487 : memref<128xi32, #tpu.memory_space<vmem>>) semaphore(%arg23 : memref<!tpu.dma_semaphore, #tpu.memory_space<semaphore_mem>>)
      %dma_wait3A_491 = arith.constant 0 : i32
      %dma_wait3A_492 = arith.constant 0 : i32
      %dma_wait3A_493 = tpu.memref_slice %arg7[%dma_wait3A_491, %dma_wait3A_492] : memref<80x128xi32, #tpu.memory_space<vmem>> -> memref<1x128xi32, #tpu.memory_space<vmem>>
      %dma_wait3A_494 = tpu.memref_squeeze %dma_wait3A_493 : memref<1x128xi32, #tpu.memory_space<vmem>> -> memref<128xi32, #tpu.memory_space<vmem>>
      %dma_wait3A_495 = arith.constant 0 : i32
      %dma_wait3A_496 = arith.constant 0 : i32
      %dma_wait3A_497 = tpu.memref_slice %arg16[%dma_wait3A_495, %dma_wait3A_496] : memref<10240x64xf32, #tpu.memory_space<vmem_shared>> -> memref<10240x64xf32, #tpu.memory_space<vmem_shared>>
      tpu.wait_indirect_dma semaphore(%arg32 : memref<!tpu.dma_semaphore, #tpu.memory_space<semaphore_mem>>) src(%arg15 : memref<128x64xf32, #tpu.memory_space<vmem>>) dst(%dma_wait3A_497 : memref<10240x64xf32, #tpu.memory_space<vmem_shared>>)
      %add3A_498 = arith.constant 8 : i32
      %add3A_499 = arith.addi %add3A_243, %add3A_498 : i32
      %add3A_500 = arith.constant 7 : i32
      %add3A_501 = arith.addi %add3A_499, %add3A_500 : i32
      %dma_start3A_502 = arith.constant 0 : i32
      %dma_start3A_503 = tpu.memref_slice %arg6[%add3A_501, %dma_start3A_502] : memref<80x128xi32, #tpu.memory_space<vmem>> -> memref<1x128xi32, #tpu.memory_space<vmem>>
      %dma_start3A_504 = tpu.memref_squeeze %dma_start3A_503 : memref<1x128xi32, #tpu.memory_space<vmem>> -> memref<128xi32, #tpu.memory_space<vmem>>
      %dma_start3A_505 = arith.constant 0 : i32
      %dma_start3A_506 = arith.constant 0 : i32
      %dma_start3A_507 = tpu.memref_slice %arg2[%dma_start3A_505, %dma_start3A_506] : memref<10240x64xf32, #tpu.memory_space<hbm>> -> memref<10240x64xf32, #tpu.memory_space<hbm>>
      tpu.enqueue_indirect_dma source(%dma_start3A_507 : memref<10240x64xf32, #tpu.memory_space<hbm>>) target(%arg15 : memref<128x64xf32, #tpu.memory_space<vmem>>) offsets(%dma_start3A_504 : memref<128xi32, #tpu.memory_space<vmem>>) semaphore(%arg24 : memref<!tpu.dma_semaphore, #tpu.memory_space<semaphore_mem>>)
    }
    %scan3A_66 = arith.constant 9 : i32
    %dma_wait3A = arith.constant 72 : i32
    %dma_wait3A_67 = arith.constant 0 : i32
    %dma_wait3A_68 = tpu.memref_slice %arg6[%dma_wait3A, %dma_wait3A_67] : memref<80x128xi32, #tpu.memory_space<vmem>> -> memref<1x128xi32, #tpu.memory_space<vmem>>
    %dma_wait3A_69 = tpu.memref_squeeze %dma_wait3A_68 : memref<1x128xi32, #tpu.memory_space<vmem>> -> memref<128xi32, #tpu.memory_space<vmem>>
    %dma_wait3A_70 = arith.constant 0 : i32
    %dma_wait3A_71 = arith.constant 0 : i32
    %dma_wait3A_72 = tpu.memref_slice %arg2[%dma_wait3A_70, %dma_wait3A_71] : memref<10240x64xf32, #tpu.memory_space<hbm>> -> memref<10240x64xf32, #tpu.memory_space<hbm>>
    tpu.wait_indirect_dma semaphore(%arg17 : memref<!tpu.dma_semaphore, #tpu.memory_space<semaphore_mem>>) src(%dma_wait3A_72 : memref<10240x64xf32, #tpu.memory_space<hbm>>) dst(%arg8 : memref<128x64xf32, #tpu.memory_space<vmem>>)
    %dma_start3A_73 = arith.constant 72 : i32
    %dma_start3A_74 = arith.constant 0 : i32
    %dma_start3A_75 = tpu.memref_slice %arg7[%dma_start3A_73, %dma_start3A_74] : memref<80x128xi32, #tpu.memory_space<vmem>> -> memref<1x128xi32, #tpu.memory_space<vmem>>
    %dma_start3A_76 = tpu.memref_squeeze %dma_start3A_75 : memref<1x128xi32, #tpu.memory_space<vmem>> -> memref<128xi32, #tpu.memory_space<vmem>>
    %dma_start3A_77 = arith.constant 0 : i32
    %dma_start3A_78 = arith.constant 0 : i32
    %dma_start3A_79 = tpu.memref_slice %arg16[%dma_start3A_77, %dma_start3A_78] : memref<10240x64xf32, #tpu.memory_space<vmem_shared>> -> memref<10240x64xf32, #tpu.memory_space<vmem_shared>>
    tpu.enqueue_indirect_dma source(%arg8 : memref<128x64xf32, #tpu.memory_space<vmem>>) target(%dma_start3A_79 : memref<10240x64xf32, #tpu.memory_space<vmem_shared>>) offsets(%dma_start3A_76 : memref<128xi32, #tpu.memory_space<vmem>>) semaphore(%arg25 : memref<!tpu.dma_semaphore, #tpu.memory_space<semaphore_mem>>) {add = true}
    %dma_wait3A_80 = arith.constant 73 : i32
    %dma_wait3A_81 = arith.constant 0 : i32
    %dma_wait3A_82 = tpu.memref_slice %arg6[%dma_wait3A_80, %dma_wait3A_81] : memref<80x128xi32, #tpu.memory_space<vmem>> -> memref<1x128xi32, #tpu.memory_space<vmem>>
    %dma_wait3A_83 = tpu.memref_squeeze %dma_wait3A_82 : memref<1x128xi32, #tpu.memory_space<vmem>> -> memref<128xi32, #tpu.memory_space<vmem>>
    %dma_wait3A_84 = arith.constant 0 : i32
    %dma_wait3A_85 = arith.constant 0 : i32
    %dma_wait3A_86 = tpu.memref_slice %arg2[%dma_wait3A_84, %dma_wait3A_85] : memref<10240x64xf32, #tpu.memory_space<hbm>> -> memref<10240x64xf32, #tpu.memory_space<hbm>>
    tpu.wait_indirect_dma semaphore(%arg18 : memref<!tpu.dma_semaphore, #tpu.memory_space<semaphore_mem>>) src(%dma_wait3A_86 : memref<10240x64xf32, #tpu.memory_space<hbm>>) dst(%arg9 : memref<128x64xf32, #tpu.memory_space<vmem>>)
    %dma_start3A_87 = arith.constant 73 : i32
    %dma_start3A_88 = arith.constant 0 : i32
    %dma_start3A_89 = tpu.memref_slice %arg7[%dma_start3A_87, %dma_start3A_88] : memref<80x128xi32, #tpu.memory_space<vmem>> -> memref<1x128xi32, #tpu.memory_space<vmem>>
    %dma_start3A_90 = tpu.memref_squeeze %dma_start3A_89 : memref<1x128xi32, #tpu.memory_space<vmem>> -> memref<128xi32, #tpu.memory_space<vmem>>
    %dma_start3A_91 = arith.constant 0 : i32
    %dma_start3A_92 = arith.constant 0 : i32
    %dma_start3A_93 = tpu.memref_slice %arg16[%dma_start3A_91, %dma_start3A_92] : memref<10240x64xf32, #tpu.memory_space<vmem_shared>> -> memref<10240x64xf32, #tpu.memory_space<vmem_shared>>
    tpu.enqueue_indirect_dma source(%arg9 : memref<128x64xf32, #tpu.memory_space<vmem>>) target(%dma_start3A_93 : memref<10240x64xf32, #tpu.memory_space<vmem_shared>>) offsets(%dma_start3A_90 : memref<128xi32, #tpu.memory_space<vmem>>) semaphore(%arg26 : memref<!tpu.dma_semaphore, #tpu.memory_space<semaphore_mem>>) {add = true}
    %dma_wait3A_94 = arith.constant 74 : i32
    %dma_wait3A_95 = arith.constant 0 : i32
    %dma_wait3A_96 = tpu.memref_slice %arg6[%dma_wait3A_94, %dma_wait3A_95] : memref<80x128xi32, #tpu.memory_space<vmem>> -> memref<1x128xi32, #tpu.memory_space<vmem>>
    %dma_wait3A_97 = tpu.memref_squeeze %dma_wait3A_96 : memref<1x128xi32, #tpu.memory_space<vmem>> -> memref<128xi32, #tpu.memory_space<vmem>>
    %dma_wait3A_98 = arith.constant 0 : i32
    %dma_wait3A_99 = arith.constant 0 : i32
    %dma_wait3A_100 = tpu.memref_slice %arg2[%dma_wait3A_98, %dma_wait3A_99] : memref<10240x64xf32, #tpu.memory_space<hbm>> -> memref<10240x64xf32, #tpu.memory_space<hbm>>
    tpu.wait_indirect_dma semaphore(%arg19 : memref<!tpu.dma_semaphore, #tpu.memory_space<semaphore_mem>>) src(%dma_wait3A_100 : memref<10240x64xf32, #tpu.memory_space<hbm>>) dst(%arg10 : memref<128x64xf32, #tpu.memory_space<vmem>>)
    %dma_start3A_101 = arith.constant 74 : i32
    %dma_start3A_102 = arith.constant 0 : i32
    %dma_start3A_103 = tpu.memref_slice %arg7[%dma_start3A_101, %dma_start3A_102] : memref<80x128xi32, #tpu.memory_space<vmem>> -> memref<1x128xi32, #tpu.memory_space<vmem>>
    %dma_start3A_104 = tpu.memref_squeeze %dma_start3A_103 : memref<1x128xi32, #tpu.memory_space<vmem>> -> memref<128xi32, #tpu.memory_space<vmem>>
    %dma_start3A_105 = arith.constant 0 : i32
    %dma_start3A_106 = arith.constant 0 : i32
    %dma_start3A_107 = tpu.memref_slice %arg16[%dma_start3A_105, %dma_start3A_106] : memref<10240x64xf32, #tpu.memory_space<vmem_shared>> -> memref<10240x64xf32, #tpu.memory_space<vmem_shared>>
    tpu.enqueue_indirect_dma source(%arg10 : memref<128x64xf32, #tpu.memory_space<vmem>>) target(%dma_start3A_107 : memref<10240x64xf32, #tpu.memory_space<vmem_shared>>) offsets(%dma_start3A_104 : memref<128xi32, #tpu.memory_space<vmem>>) semaphore(%arg27 : memref<!tpu.dma_semaphore, #tpu.memory_space<semaphore_mem>>) {add = true}
    %dma_wait3A_108 = arith.constant 75 : i32
    %dma_wait3A_109 = arith.constant 0 : i32
    %dma_wait3A_110 = tpu.memref_slice %arg6[%dma_wait3A_108, %dma_wait3A_109] : memref<80x128xi32, #tpu.memory_space<vmem>> -> memref<1x128xi32, #tpu.memory_space<vmem>>
    %dma_wait3A_111 = tpu.memref_squeeze %dma_wait3A_110 : memref<1x128xi32, #tpu.memory_space<vmem>> -> memref<128xi32, #tpu.memory_space<vmem>>
    %dma_wait3A_112 = arith.constant 0 : i32
    %dma_wait3A_113 = arith.constant 0 : i32
    %dma_wait3A_114 = tpu.memref_slice %arg2[%dma_wait3A_112, %dma_wait3A_113] : memref<10240x64xf32, #tpu.memory_space<hbm>> -> memref<10240x64xf32, #tpu.memory_space<hbm>>
    tpu.wait_indirect_dma semaphore(%arg20 : memref<!tpu.dma_semaphore, #tpu.memory_space<semaphore_mem>>) src(%dma_wait3A_114 : memref<10240x64xf32, #tpu.memory_space<hbm>>) dst(%arg11 : memref<128x64xf32, #tpu.memory_space<vmem>>)
    %dma_start3A_115 = arith.constant 75 : i32
    %dma_start3A_116 = arith.constant 0 : i32
    %dma_start3A_117 = tpu.memref_slice %arg7[%dma_start3A_115, %dma_start3A_116] : memref<80x128xi32, #tpu.memory_space<vmem>> -> memref<1x128xi32, #tpu.memory_space<vmem>>
    %dma_start3A_118 = tpu.memref_squeeze %dma_start3A_117 : memref<1x128xi32, #tpu.memory_space<vmem>> -> memref<128xi32, #tpu.memory_space<vmem>>
    %dma_start3A_119 = arith.constant 0 : i32
    %dma_start3A_120 = arith.constant 0 : i32
    %dma_start3A_121 = tpu.memref_slice %arg16[%dma_start3A_119, %dma_start3A_120] : memref<10240x64xf32, #tpu.memory_space<vmem_shared>> -> memref<10240x64xf32, #tpu.memory_space<vmem_shared>>
    tpu.enqueue_indirect_dma source(%arg11 : memref<128x64xf32, #tpu.memory_space<vmem>>) target(%dma_start3A_121 : memref<10240x64xf32, #tpu.memory_space<vmem_shared>>) offsets(%dma_start3A_118 : memref<128xi32, #tpu.memory_space<vmem>>) semaphore(%arg28 : memref<!tpu.dma_semaphore, #tpu.memory_space<semaphore_mem>>) {add = true}
    %dma_wait3A_122 = arith.constant 76 : i32
    %dma_wait3A_123 = arith.constant 0 : i32
    %dma_wait3A_124 = tpu.memref_slice %arg6[%dma_wait3A_122, %dma_wait3A_123] : memref<80x128xi32, #tpu.memory_space<vmem>> -> memref<1x128xi32, #tpu.memory_space<vmem>>
    %dma_wait3A_125 = tpu.memref_squeeze %dma_wait3A_124 : memref<1x128xi32, #tpu.memory_space<vmem>> -> memref<128xi32, #tpu.memory_space<vmem>>
    %dma_wait3A_126 = arith.constant 0 : i32
    %dma_wait3A_127 = arith.constant 0 : i32
    %dma_wait3A_128 = tpu.memref_slice %arg2[%dma_wait3A_126, %dma_wait3A_127] : memref<10240x64xf32, #tpu.memory_space<hbm>> -> memref<10240x64xf32, #tpu.memory_space<hbm>>
    tpu.wait_indirect_dma semaphore(%arg21 : memref<!tpu.dma_semaphore, #tpu.memory_space<semaphore_mem>>) src(%dma_wait3A_128 : memref<10240x64xf32, #tpu.memory_space<hbm>>) dst(%arg12 : memref<128x64xf32, #tpu.memory_space<vmem>>)
    %dma_start3A_129 = arith.constant 76 : i32
    %dma_start3A_130 = arith.constant 0 : i32
    %dma_start3A_131 = tpu.memref_slice %arg7[%dma_start3A_129, %dma_start3A_130] : memref<80x128xi32, #tpu.memory_space<vmem>> -> memref<1x128xi32, #tpu.memory_space<vmem>>
    %dma_start3A_132 = tpu.memref_squeeze %dma_start3A_131 : memref<1x128xi32, #tpu.memory_space<vmem>> -> memref<128xi32, #tpu.memory_space<vmem>>
    %dma_start3A_133 = arith.constant 0 : i32
    %dma_start3A_134 = arith.constant 0 : i32
    %dma_start3A_135 = tpu.memref_slice %arg16[%dma_start3A_133, %dma_start3A_134] : memref<10240x64xf32, #tpu.memory_space<vmem_shared>> -> memref<10240x64xf32, #tpu.memory_space<vmem_shared>>
    tpu.enqueue_indirect_dma source(%arg12 : memref<128x64xf32, #tpu.memory_space<vmem>>) target(%dma_start3A_135 : memref<10240x64xf32, #tpu.memory_space<vmem_shared>>) offsets(%dma_start3A_132 : memref<128xi32, #tpu.memory_space<vmem>>) semaphore(%arg29 : memref<!tpu.dma_semaphore, #tpu.memory_space<semaphore_mem>>) {add = true}
    %dma_wait3A_136 = arith.constant 77 : i32
    %dma_wait3A_137 = arith.constant 0 : i32
    %dma_wait3A_138 = tpu.memref_slice %arg6[%dma_wait3A_136, %dma_wait3A_137] : memref<80x128xi32, #tpu.memory_space<vmem>> -> memref<1x128xi32, #tpu.memory_space<vmem>>
    %dma_wait3A_139 = tpu.memref_squeeze %dma_wait3A_138 : memref<1x128xi32, #tpu.memory_space<vmem>> -> memref<128xi32, #tpu.memory_space<vmem>>
    %dma_wait3A_140 = arith.constant 0 : i32
    %dma_wait3A_141 = arith.constant 0 : i32
    %dma_wait3A_142 = tpu.memref_slice %arg2[%dma_wait3A_140, %dma_wait3A_141] : memref<10240x64xf32, #tpu.memory_space<hbm>> -> memref<10240x64xf32, #tpu.memory_space<hbm>>
    tpu.wait_indirect_dma semaphore(%arg22 : memref<!tpu.dma_semaphore, #tpu.memory_space<semaphore_mem>>) src(%dma_wait3A_142 : memref<10240x64xf32, #tpu.memory_space<hbm>>) dst(%arg13 : memref<128x64xf32, #tpu.memory_space<vmem>>)
    %dma_start3A_143 = arith.constant 77 : i32
    %dma_start3A_144 = arith.constant 0 : i32
    %dma_start3A_145 = tpu.memref_slice %arg7[%dma_start3A_143, %dma_start3A_144] : memref<80x128xi32, #tpu.memory_space<vmem>> -> memref<1x128xi32, #tpu.memory_space<vmem>>
    %dma_start3A_146 = tpu.memref_squeeze %dma_start3A_145 : memref<1x128xi32, #tpu.memory_space<vmem>> -> memref<128xi32, #tpu.memory_space<vmem>>
    %dma_start3A_147 = arith.constant 0 : i32
    %dma_start3A_148 = arith.constant 0 : i32
    %dma_start3A_149 = tpu.memref_slice %arg16[%dma_start3A_147, %dma_start3A_148] : memref<10240x64xf32, #tpu.memory_space<vmem_shared>> -> memref<10240x64xf32, #tpu.memory_space<vmem_shared>>
    tpu.enqueue_indirect_dma source(%arg13 : memref<128x64xf32, #tpu.memory_space<vmem>>) target(%dma_start3A_149 : memref<10240x64xf32, #tpu.memory_space<vmem_shared>>) offsets(%dma_start3A_146 : memref<128xi32, #tpu.memory_space<vmem>>) semaphore(%arg30 : memref<!tpu.dma_semaphore, #tpu.memory_space<semaphore_mem>>) {add = true}
    %dma_wait3A_150 = arith.constant 78 : i32
    %dma_wait3A_151 = arith.constant 0 : i32
    %dma_wait3A_152 = tpu.memref_slice %arg6[%dma_wait3A_150, %dma_wait3A_151] : memref<80x128xi32, #tpu.memory_space<vmem>> -> memref<1x128xi32, #tpu.memory_space<vmem>>
    %dma_wait3A_153 = tpu.memref_squeeze %dma_wait3A_152 : memref<1x128xi32, #tpu.memory_space<vmem>> -> memref<128xi32, #tpu.memory_space<vmem>>
    %dma_wait3A_154 = arith.constant 0 : i32
    %dma_wait3A_155 = arith.constant 0 : i32
    %dma_wait3A_156 = tpu.memref_slice %arg2[%dma_wait3A_154, %dma_wait3A_155] : memref<10240x64xf32, #tpu.memory_space<hbm>> -> memref<10240x64xf32, #tpu.memory_space<hbm>>
    tpu.wait_indirect_dma semaphore(%arg23 : memref<!tpu.dma_semaphore, #tpu.memory_space<semaphore_mem>>) src(%dma_wait3A_156 : memref<10240x64xf32, #tpu.memory_space<hbm>>) dst(%arg14 : memref<128x64xf32, #tpu.memory_space<vmem>>)
    %dma_start3A_157 = arith.constant 78 : i32
    %dma_start3A_158 = arith.constant 0 : i32
    %dma_start3A_159 = tpu.memref_slice %arg7[%dma_start3A_157, %dma_start3A_158] : memref<80x128xi32, #tpu.memory_space<vmem>> -> memref<1x128xi32, #tpu.memory_space<vmem>>
    %dma_start3A_160 = tpu.memref_squeeze %dma_start3A_159 : memref<1x128xi32, #tpu.memory_space<vmem>> -> memref<128xi32, #tpu.memory_space<vmem>>
    %dma_start3A_161 = arith.constant 0 : i32
    %dma_start3A_162 = arith.constant 0 : i32
    %dma_start3A_163 = tpu.memref_slice %arg16[%dma_start3A_161, %dma_start3A_162] : memref<10240x64xf32, #tpu.memory_space<vmem_shared>> -> memref<10240x64xf32, #tpu.memory_space<vmem_shared>>
    tpu.enqueue_indirect_dma source(%arg14 : memref<128x64xf32, #tpu.memory_space<vmem>>) target(%dma_start3A_163 : memref<10240x64xf32, #tpu.memory_space<vmem_shared>>) offsets(%dma_start3A_160 : memref<128xi32, #tpu.memory_space<vmem>>) semaphore(%arg31 : memref<!tpu.dma_semaphore, #tpu.memory_space<semaphore_mem>>) {add = true}
    %dma_wait3A_164 = arith.constant 79 : i32
    %dma_wait3A_165 = arith.constant 0 : i32
    %dma_wait3A_166 = tpu.memref_slice %arg6[%dma_wait3A_164, %dma_wait3A_165] : memref<80x128xi32, #tpu.memory_space<vmem>> -> memref<1x128xi32, #tpu.memory_space<vmem>>
    %dma_wait3A_167 = tpu.memref_squeeze %dma_wait3A_166 : memref<1x128xi32, #tpu.memory_space<vmem>> -> memref<128xi32, #tpu.memory_space<vmem>>
    %dma_wait3A_168 = arith.constant 0 : i32
    %dma_wait3A_169 = arith.constant 0 : i32
    %dma_wait3A_170 = tpu.memref_slice %arg2[%dma_wait3A_168, %dma_wait3A_169] : memref<10240x64xf32, #tpu.memory_space<hbm>> -> memref<10240x64xf32, #tpu.memory_space<hbm>>
    tpu.wait_indirect_dma semaphore(%arg24 : memref<!tpu.dma_semaphore, #tpu.memory_space<semaphore_mem>>) src(%dma_wait3A_170 : memref<10240x64xf32, #tpu.memory_space<hbm>>) dst(%arg15 : memref<128x64xf32, #tpu.memory_space<vmem>>)
    %dma_start3A_171 = arith.constant 79 : i32
    %dma_start3A_172 = arith.constant 0 : i32
    %dma_start3A_173 = tpu.memref_slice %arg7[%dma_start3A_171, %dma_start3A_172] : memref<80x128xi32, #tpu.memory_space<vmem>> -> memref<1x128xi32, #tpu.memory_space<vmem>>
    %dma_start3A_174 = tpu.memref_squeeze %dma_start3A_173 : memref<1x128xi32, #tpu.memory_space<vmem>> -> memref<128xi32, #tpu.memory_space<vmem>>
    %dma_start3A_175 = arith.constant 0 : i32
    %dma_start3A_176 = arith.constant 0 : i32
    %dma_start3A_177 = tpu.memref_slice %arg16[%dma_start3A_175, %dma_start3A_176] : memref<10240x64xf32, #tpu.memory_space<vmem_shared>> -> memref<10240x64xf32, #tpu.memory_space<vmem_shared>>
    tpu.enqueue_indirect_dma source(%arg15 : memref<128x64xf32, #tpu.memory_space<vmem>>) target(%dma_start3A_177 : memref<10240x64xf32, #tpu.memory_space<vmem_shared>>) offsets(%dma_start3A_174 : memref<128xi32, #tpu.memory_space<vmem>>) semaphore(%arg32 : memref<!tpu.dma_semaphore, #tpu.memory_space<semaphore_mem>>) {add = true}
    %dma_wait3A_178 = arith.constant 0 : i32
    %dma_wait3A_179 = arith.constant 0 : i32
    %dma_wait3A_180 = tpu.memref_slice %arg7[%dma_wait3A_178, %dma_wait3A_179] : memref<80x128xi32, #tpu.memory_space<vmem>> -> memref<1x128xi32, #tpu.memory_space<vmem>>
    %dma_wait3A_181 = tpu.memref_squeeze %dma_wait3A_180 : memref<1x128xi32, #tpu.memory_space<vmem>> -> memref<128xi32, #tpu.memory_space<vmem>>
    %dma_wait3A_182 = arith.constant 0 : i32
    %dma_wait3A_183 = arith.constant 0 : i32
    %dma_wait3A_184 = tpu.memref_slice %arg16[%dma_wait3A_182, %dma_wait3A_183] : memref<10240x64xf32, #tpu.memory_space<vmem_shared>> -> memref<10240x64xf32, #tpu.memory_space<vmem_shared>>
    tpu.wait_indirect_dma semaphore(%arg25 : memref<!tpu.dma_semaphore, #tpu.memory_space<semaphore_mem>>) src(%arg8 : memref<128x64xf32, #tpu.memory_space<vmem>>) dst(%dma_wait3A_184 : memref<10240x64xf32, #tpu.memory_space<vmem_shared>>)
    %dma_wait3A_185 = arith.constant 0 : i32
    %dma_wait3A_186 = arith.constant 0 : i32
    %dma_wait3A_187 = tpu.memref_slice %arg7[%dma_wait3A_185, %dma_wait3A_186] : memref<80x128xi32, #tpu.memory_space<vmem>> -> memref<1x128xi32, #tpu.memory_space<vmem>>
    %dma_wait3A_188 = tpu.memref_squeeze %dma_wait3A_187 : memref<1x128xi32, #tpu.memory_space<vmem>> -> memref<128xi32, #tpu.memory_space<vmem>>
    %dma_wait3A_189 = arith.constant 0 : i32
    %dma_wait3A_190 = arith.constant 0 : i32
    %dma_wait3A_191 = tpu.memref_slice %arg16[%dma_wait3A_189, %dma_wait3A_190] : memref<10240x64xf32, #tpu.memory_space<vmem_shared>> -> memref<10240x64xf32, #tpu.memory_space<vmem_shared>>
    tpu.wait_indirect_dma semaphore(%arg26 : memref<!tpu.dma_semaphore, #tpu.memory_space<semaphore_mem>>) src(%arg9 : memref<128x64xf32, #tpu.memory_space<vmem>>) dst(%dma_wait3A_191 : memref<10240x64xf32, #tpu.memory_space<vmem_shared>>)
    %dma_wait3A_192 = arith.constant 0 : i32
    %dma_wait3A_193 = arith.constant 0 : i32
    %dma_wait3A_194 = tpu.memref_slice %arg7[%dma_wait3A_192, %dma_wait3A_193] : memref<80x128xi32, #tpu.memory_space<vmem>> -> memref<1x128xi32, #tpu.memory_space<vmem>>
    %dma_wait3A_195 = tpu.memref_squeeze %dma_wait3A_194 : memref<1x128xi32, #tpu.memory_space<vmem>> -> memref<128xi32, #tpu.memory_space<vmem>>
    %dma_wait3A_196 = arith.constant 0 : i32
    %dma_wait3A_197 = arith.constant 0 : i32
    %dma_wait3A_198 = tpu.memref_slice %arg16[%dma_wait3A_196, %dma_wait3A_197] : memref<10240x64xf32, #tpu.memory_space<vmem_shared>> -> memref<10240x64xf32, #tpu.memory_space<vmem_shared>>
    tpu.wait_indirect_dma semaphore(%arg27 : memref<!tpu.dma_semaphore, #tpu.memory_space<semaphore_mem>>) src(%arg10 : memref<128x64xf32, #tpu.memory_space<vmem>>) dst(%dma_wait3A_198 : memref<10240x64xf32, #tpu.memory_space<vmem_shared>>)
    %dma_wait3A_199 = arith.constant 0 : i32
    %dma_wait3A_200 = arith.constant 0 : i32
    %dma_wait3A_201 = tpu.memref_slice %arg7[%dma_wait3A_199, %dma_wait3A_200] : memref<80x128xi32, #tpu.memory_space<vmem>> -> memref<1x128xi32, #tpu.memory_space<vmem>>
    %dma_wait3A_202 = tpu.memref_squeeze %dma_wait3A_201 : memref<1x128xi32, #tpu.memory_space<vmem>> -> memref<128xi32, #tpu.memory_space<vmem>>
    %dma_wait3A_203 = arith.constant 0 : i32
    %dma_wait3A_204 = arith.constant 0 : i32
    %dma_wait3A_205 = tpu.memref_slice %arg16[%dma_wait3A_203, %dma_wait3A_204] : memref<10240x64xf32, #tpu.memory_space<vmem_shared>> -> memref<10240x64xf32, #tpu.memory_space<vmem_shared>>
    tpu.wait_indirect_dma semaphore(%arg28 : memref<!tpu.dma_semaphore, #tpu.memory_space<semaphore_mem>>) src(%arg11 : memref<128x64xf32, #tpu.memory_space<vmem>>) dst(%dma_wait3A_205 : memref<10240x64xf32, #tpu.memory_space<vmem_shared>>)
    %dma_wait3A_206 = arith.constant 0 : i32
    %dma_wait3A_207 = arith.constant 0 : i32
    %dma_wait3A_208 = tpu.memref_slice %arg7[%dma_wait3A_206, %dma_wait3A_207] : memref<80x128xi32, #tpu.memory_space<vmem>> -> memref<1x128xi32, #tpu.memory_space<vmem>>
    %dma_wait3A_209 = tpu.memref_squeeze %dma_wait3A_208 : memref<1x128xi32, #tpu.memory_space<vmem>> -> memref<128xi32, #tpu.memory_space<vmem>>
    %dma_wait3A_210 = arith.constant 0 : i32
    %dma_wait3A_211 = arith.constant 0 : i32
    %dma_wait3A_212 = tpu.memref_slice %arg16[%dma_wait3A_210, %dma_wait3A_211] : memref<10240x64xf32, #tpu.memory_space<vmem_shared>> -> memref<10240x64xf32, #tpu.memory_space<vmem_shared>>
    tpu.wait_indirect_dma semaphore(%arg29 : memref<!tpu.dma_semaphore, #tpu.memory_space<semaphore_mem>>) src(%arg12 : memref<128x64xf32, #tpu.memory_space<vmem>>) dst(%dma_wait3A_212 : memref<10240x64xf32, #tpu.memory_space<vmem_shared>>)
    %dma_wait3A_213 = arith.constant 0 : i32
    %dma_wait3A_214 = arith.constant 0 : i32
    %dma_wait3A_215 = tpu.memref_slice %arg7[%dma_wait3A_213, %dma_wait3A_214] : memref<80x128xi32, #tpu.memory_space<vmem>> -> memref<1x128xi32, #tpu.memory_space<vmem>>
    %dma_wait3A_216 = tpu.memref_squeeze %dma_wait3A_215 : memref<1x128xi32, #tpu.memory_space<vmem>> -> memref<128xi32, #tpu.memory_space<vmem>>
    %dma_wait3A_217 = arith.constant 0 : i32
    %dma_wait3A_218 = arith.constant 0 : i32
    %dma_wait3A_219 = tpu.memref_slice %arg16[%dma_wait3A_217, %dma_wait3A_218] : memref<10240x64xf32, #tpu.memory_space<vmem_shared>> -> memref<10240x64xf32, #tpu.memory_space<vmem_shared>>
    tpu.wait_indirect_dma semaphore(%arg30 : memref<!tpu.dma_semaphore, #tpu.memory_space<semaphore_mem>>) src(%arg13 : memref<128x64xf32, #tpu.memory_space<vmem>>) dst(%dma_wait3A_219 : memref<10240x64xf32, #tpu.memory_space<vmem_shared>>)
    %dma_wait3A_220 = arith.constant 0 : i32
    %dma_wait3A_221 = arith.constant 0 : i32
    %dma_wait3A_222 = tpu.memref_slice %arg7[%dma_wait3A_220, %dma_wait3A_221] : memref<80x128xi32, #tpu.memory_space<vmem>> -> memref<1x128xi32, #tpu.memory_space<vmem>>
    %dma_wait3A_223 = tpu.memref_squeeze %dma_wait3A_222 : memref<1x128xi32, #tpu.memory_space<vmem>> -> memref<128xi32, #tpu.memory_space<vmem>>
    %dma_wait3A_224 = arith.constant 0 : i32
    %dma_wait3A_225 = arith.constant 0 : i32
    %dma_wait3A_226 = tpu.memref_slice %arg16[%dma_wait3A_224, %dma_wait3A_225] : memref<10240x64xf32, #tpu.memory_space<vmem_shared>> -> memref<10240x64xf32, #tpu.memory_space<vmem_shared>>
    tpu.wait_indirect_dma semaphore(%arg31 : memref<!tpu.dma_semaphore, #tpu.memory_space<semaphore_mem>>) src(%arg14 : memref<128x64xf32, #tpu.memory_space<vmem>>) dst(%dma_wait3A_226 : memref<10240x64xf32, #tpu.memory_space<vmem_shared>>)
    %dma_wait3A_227 = arith.constant 0 : i32
    %dma_wait3A_228 = arith.constant 0 : i32
    %dma_wait3A_229 = tpu.memref_slice %arg7[%dma_wait3A_227, %dma_wait3A_228] : memref<80x128xi32, #tpu.memory_space<vmem>> -> memref<1x128xi32, #tpu.memory_space<vmem>>
    %dma_wait3A_230 = tpu.memref_squeeze %dma_wait3A_229 : memref<1x128xi32, #tpu.memory_space<vmem>> -> memref<128xi32, #tpu.memory_space<vmem>>
    %dma_wait3A_231 = arith.constant 0 : i32
    %dma_wait3A_232 = arith.constant 0 : i32
    %dma_wait3A_233 = tpu.memref_slice %arg16[%dma_wait3A_231, %dma_wait3A_232] : memref<10240x64xf32, #tpu.memory_space<vmem_shared>> -> memref<10240x64xf32, #tpu.memory_space<vmem_shared>>
    tpu.wait_indirect_dma semaphore(%arg32 : memref<!tpu.dma_semaphore, #tpu.memory_space<semaphore_mem>>) src(%arg15 : memref<128x64xf32, #tpu.memory_space<vmem>>) dst(%dma_wait3A_233 : memref<10240x64xf32, #tpu.memory_space<vmem_shared>>)
    %barrier3A_234 = arith.constant 0 : index
    tpu.barrier barrier_id(%barrier3A_234)
    %mul3A_235 = arith.constant 640 : i32
    %mul3A_236 = arith.muli %arg1, %mul3A_235 : i32
    %mul3A_237 = arith.constant 640 : i32
    %mul3A_238 = arith.muli %arg1, %mul3A_237 : i32
    "tpu.region"() ({
      %run_scoped3A = tpu.sem_alloc : memref<!tpu.dma_semaphore, #tpu.memory_space<semaphore_mem>>
      %dma_start3A_239 = arith.constant 0 : i32
      %dma_start3A_240 = tpu.memref_slice %arg5[%arg0, %mul3A_238, %dma_start3A_239] : memref<2x10240x64xf32, #tpu.memory_space<hbm>> -> memref<1x640x64xf32, #tpu.memory_space<hbm>>
      %dma_start3A_241 = tpu.memref_squeeze %dma_start3A_240 : memref<1x640x64xf32, #tpu.memory_space<hbm>> -> memref<640x64xf32, #tpu.memory_space<hbm>>
      %dma_start3A_242 = arith.constant 0 : i32
      %dma_start3A_243 = tpu.memref_slice %arg16[%mul3A_236, %dma_start3A_242] : memref<10240x64xf32, #tpu.memory_space<vmem_shared>> -> memref<640x64xf32, #tpu.memory_space<vmem_shared>>
      tpu.enqueue_dma source(%dma_start3A_243 : memref<640x64xf32, #tpu.memory_space<vmem_shared>>) target(%dma_start3A_241 : memref<640x64xf32, #tpu.memory_space<hbm>>) target_semaphore(%run_scoped3A : memref<!tpu.dma_semaphore, #tpu.memory_space<semaphore_mem>>)
      %dma_wait3A_244 = arith.constant 0 : i32
      %dma_wait3A_245 = tpu.memref_slice %arg5[%arg0, %mul3A_238, %dma_wait3A_244] : memref<2x10240x64xf32, #tpu.memory_space<hbm>> -> memref<1x640x64xf32, #tpu.memory_space<hbm>>
      %dma_wait3A_246 = tpu.memref_squeeze %dma_wait3A_245 : memref<1x640x64xf32, #tpu.memory_space<hbm>> -> memref<640x64xf32, #tpu.memory_space<hbm>>
      %dma_wait3A_247 = arith.constant 0 : i32
      %dma_wait3A_248 = tpu.memref_slice %arg16[%mul3A_236, %dma_wait3A_247] : memref<10240x64xf32, #tpu.memory_space<vmem_shared>> -> memref<640x64xf32, #tpu.memory_space<vmem_shared>>
      tpu.wait_dma2 semaphore(%run_scoped3A : memref<!tpu.dma_semaphore, #tpu.memory_space<semaphore_mem>>) src(%dma_wait3A_248 : memref<640x64xf32, #tpu.memory_space<vmem_shared>>) dst(%dma_wait3A_246 : memref<640x64xf32, #tpu.memory_space<hbm>>)
      tpu.yield
    }) : () -> ()
    return
  }
}

module attributes {stable_mosaic.version = 14 : i64} {
  func.func @_tc1_body(%arg0: i32, %arg1: memref<1024x1xf32, #tpu.memory_space<vmem>>, %arg2: memref<1024x1xf32, #tpu.memory_space<vmem>>, %arg3: memref<1024x1xf32, #tpu.memory_space<vmem>>, %arg4: memref<1024x1xf32, #tpu.memory_space<vmem>>, %arg5: memref<1024x128xf32, #tpu.memory_space<vmem>>, %arg6: memref<1024x128xf32, #tpu.memory_space<vmem>>, %arg7: memref<128x128xf32, #tpu.memory_space<vmem>>, %arg8: memref<128x128xf32, #tpu.memory_space<vmem>>, %arg9: memref<1024x128xf32, #tpu.memory_space<vmem>>, %arg10: memref<1024x128xf32, #tpu.memory_space<vmem>>) attributes {dimension_semantics = [#tpu.dimension_semantics<arbitrary>], iteration_bounds = array<i64: 5>, scalar_prefetch = 0 : i64, scratch_operands = 0 : i64, tpu.core_type = #tpu.core_type<tc>, window_params = [{transform_indices = @transform_0, window_bounds = array<i64: 1024, 1>}, {transform_indices = @transform_1, window_bounds = array<i64: 1024, 1>}, {transform_indices = @transform_2, window_bounds = array<i64: 1024, 1>}, {transform_indices = @transform_3, window_bounds = array<i64: 1024, 1>}, {transform_indices = @transform_4, window_bounds = array<i64: 1024, 128>}, {transform_indices = @transform_5, window_bounds = array<i64: 1024, 128>}, {pipeline_mode = #tpu.pipeline_mode<synchronous>, transform_indices = @transform_6, window_bounds = array<i64: 128, 128>}, {pipeline_mode = #tpu.pipeline_mode<synchronous>, transform_indices = @transform_7, window_bounds = array<i64: 128, 128>}, {transform_indices = @transform_8, window_bounds = array<i64: 1024, 128>}, {transform_indices = @transform_9, window_bounds = array<i64: 1024, 128>}]} {
    %iota3A = tpu.iota {dimensions = array<i32: 0>} : vector<1024x1xi32>
    %mul3A = arith.constant 1024 : i32
    %mul3A_0 = arith.muli %arg0, %mul3A : i32
    %add3A = vector.broadcast %mul3A_0 : i32 to vector<1024x1xi32>
    %add3A_1 = arith.addi %iota3A, %add3A : vector<1024x1xi32>
    %mul3A_2 = arith.constant 2 : i32
    %mul3A_3 = vector.broadcast %mul3A_2 : i32 to vector<1024x1xi32>
    %mul3A_4 = arith.muli %mul3A_3, %add3A_1 : vector<1024x1xi32>
    %lt3A = arith.constant 10000 : i32
    %lt3A_5 = vector.broadcast %lt3A : i32 to vector<1024x1xi32>
    %lt3A_6 = arith.cmpi slt, %mul3A_4, %lt3A_5 : vector<1024x1xi32>
    %get3A = arith.constant 0 : index
    %get3A_7 = arith.constant 0 : index
    %get3A_8 = vector.load %arg1[%get3A, %get3A_7] : memref<1024x1xf32, #tpu.memory_space<vmem>>, vector<1024x1xf32>
    %get3A_9 = arith.constant 0 : index
    %get3A_10 = arith.constant 0 : index
    %get3A_11 = vector.load %arg2[%get3A_9, %get3A_10] : memref<1024x1xf32, #tpu.memory_space<vmem>>, vector<1024x1xf32>
    %add3A_12 = arith.addf %get3A_8, %get3A_11 : vector<1024x1xf32>
    %add3A_13 = arith.constant 1.000000e+00 : f32
    %add3A_14 = vector.broadcast %add3A_13 : f32 to vector<1024x1xf32>
    %add3A_15 = arith.addf %add3A_12, %add3A_14 : vector<1024x1xf32>
    %rsqrt3A = math.rsqrt %add3A_15 : vector<1024x1xf32>
    %jit3A = arith.constant 0.000000e+00 : f32
    %broadcast_in_dim3A = vector.broadcast %jit3A : f32 to vector<1024x1xf32>
    %select_n3A = arith.select %lt3A_6, %rsqrt3A, %broadcast_in_dim3A : vector<1024x1xi1>, vector<1024x1xf32>
    %mul3A_16 = arith.constant 2 : i32
    %mul3A_17 = vector.broadcast %mul3A_16 : i32 to vector<1024x1xi32>
    %mul3A_18 = arith.muli %mul3A_17, %add3A_1 : vector<1024x1xi32>
    %add3A_19 = arith.constant 1 : i32
    %add3A_20 = vector.broadcast %add3A_19 : i32 to vector<1024x1xi32>
    %add3A_21 = arith.addi %mul3A_18, %add3A_20 : vector<1024x1xi32>
    %lt3A_22 = arith.constant 10000 : i32
    %lt3A_23 = vector.broadcast %lt3A_22 : i32 to vector<1024x1xi32>
    %lt3A_24 = arith.cmpi slt, %add3A_21, %lt3A_23 : vector<1024x1xi32>
    %get3A_25 = arith.constant 0 : index
    %get3A_26 = arith.constant 0 : index
    %get3A_27 = vector.load %arg3[%get3A_25, %get3A_26] : memref<1024x1xf32, #tpu.memory_space<vmem>>, vector<1024x1xf32>
    %get3A_28 = arith.constant 0 : index
    %get3A_29 = arith.constant 0 : index
    %get3A_30 = vector.load %arg4[%get3A_28, %get3A_29] : memref<1024x1xf32, #tpu.memory_space<vmem>>, vector<1024x1xf32>
    %add3A_31 = arith.addf %get3A_27, %get3A_30 : vector<1024x1xf32>
    %add3A_32 = arith.constant 1.000000e+00 : f32
    %add3A_33 = vector.broadcast %add3A_32 : f32 to vector<1024x1xf32>
    %add3A_34 = arith.addf %add3A_31, %add3A_33 : vector<1024x1xf32>
    %rsqrt3A_35 = math.rsqrt %add3A_34 : vector<1024x1xf32>
    %jit3A_36 = arith.constant 0.000000e+00 : f32
    %broadcast_in_dim3A_37 = vector.broadcast %jit3A_36 : f32 to vector<1024x1xf32>
    %select_n3A_38 = arith.select %lt3A_24, %rsqrt3A_35, %broadcast_in_dim3A_37 : vector<1024x1xi1>, vector<1024x1xf32>
    %broadcast_in_dim3A_39 = vector.shape_cast %select_n3A : vector<1024x1xf32> to vector<1024x1xf32>
    %broadcast_in_dim3A_40 = vector.broadcast %broadcast_in_dim3A_39 : vector<1024x1xf32> to vector<1024x64xf32>
    %broadcast_in_dim3A_41 = vector.shape_cast %select_n3A_38 : vector<1024x1xf32> to vector<1024x1xf32>
    %broadcast_in_dim3A_42 = vector.broadcast %broadcast_in_dim3A_41 : vector<1024x1xf32> to vector<1024x64xf32>
    %concatenate3A = tpu.concatenate %broadcast_in_dim3A_40, %broadcast_in_dim3A_42 in 1 : vector<1024x64xf32>, vector<1024x64xf32> -> vector<1024x128xf32>
    %swap3A = arith.constant 0 : index
    %swap3A_43 = arith.constant 0 : index
    %swap3A_44 = vector.load %arg9[%swap3A, %swap3A_43] : memref<1024x128xf32, #tpu.memory_space<vmem>>, vector<1024x128xf32>
    tpu.vector_store %arg9[%swap3A, %swap3A_43], %concatenate3A {strides = array<i32>} : memref<1024x128xf32, #tpu.memory_space<vmem>>, vector<1024x128xf32>,
    %get3A_45 = arith.constant 0 : index
    %get3A_46 = arith.constant 0 : index
    %get3A_47 = vector.load %arg5[%get3A_45, %get3A_46] : memref<1024x128xf32, #tpu.memory_space<vmem>>, vector<1024x128xf32>
    %get3A_48 = arith.constant 0 : index
    %get3A_49 = arith.constant 0 : index
    %get3A_50 = vector.load %arg7[%get3A_48, %get3A_49] : memref<128x128xf32, #tpu.memory_space<vmem>>, vector<128x128xf32>
    %dot_general3A = arith.constant dense<0.000000e+00> : vector<1024x128xf32>
    %dot_general3A_51 = tpu.matmul %get3A_47, %get3A_50, %dot_general3A {dimension_numbers = #tpu.dot_dimension_numbers<[1], [0], [0], [1], [0, 0, 1, 1], [], []>, transpose_lhs_hint = false} : vector<1024x128xf32>, vector<128x128xf32>, vector<1024x128xf32> -> vector<1024x128xf32>
    %get3A_52 = arith.constant 0 : index
    %get3A_53 = arith.constant 0 : index
    %get3A_54 = vector.load %arg6[%get3A_52, %get3A_53] : memref<1024x128xf32, #tpu.memory_space<vmem>>, vector<1024x128xf32>
    %get3A_55 = arith.constant 0 : index
    %get3A_56 = arith.constant 0 : index
    %get3A_57 = vector.load %arg8[%get3A_55, %get3A_56] : memref<128x128xf32, #tpu.memory_space<vmem>>, vector<128x128xf32>
    %dot_general3A_58 = arith.constant dense<0.000000e+00> : vector<1024x128xf32>
    %dot_general3A_59 = tpu.matmul %get3A_54, %get3A_57, %dot_general3A_58 {dimension_numbers = #tpu.dot_dimension_numbers<[1], [0], [0], [1], [0, 0, 1, 1], [], []>, transpose_lhs_hint = false} : vector<1024x128xf32>, vector<128x128xf32>, vector<1024x128xf32> -> vector<1024x128xf32>
    %add3A_60 = arith.addf %dot_general3A_51, %dot_general3A_59 : vector<1024x128xf32>
    %mul3A_61 = arith.mulf %add3A_60, %concatenate3A : vector<1024x128xf32>
    %swap3A_62 = arith.constant 0 : index
    %swap3A_63 = arith.constant 0 : index
    %swap3A_64 = vector.load %arg10[%swap3A_62, %swap3A_63] : memref<1024x128xf32, #tpu.memory_space<vmem>>, vector<1024x128xf32>
    tpu.vector_store %arg10[%swap3A_62, %swap3A_63], %mul3A_61 {strides = array<i32>} : memref<1024x128xf32, #tpu.memory_space<vmem>>, vector<1024x128xf32>,
    return
  }
  func.func @transform_0(%arg0: i32) -> (i32, i32) {
    %c0_i32 = arith.constant 0 : i32
    %c0_i32_0 = arith.constant 0 : i32
    return %arg0, %c0_i32 : i32, i32
  }
  func.func @transform_1(%arg0: i32) -> (i32, i32) {
    %c0_i32 = arith.constant 0 : i32
    %c0_i32_0 = arith.constant 0 : i32
    return %arg0, %c0_i32 : i32, i32
  }
  func.func @transform_2(%arg0: i32) -> (i32, i32) {
    %c0_i32 = arith.constant 0 : i32
    %c0_i32_0 = arith.constant 0 : i32
    return %arg0, %c0_i32 : i32, i32
  }
  func.func @transform_3(%arg0: i32) -> (i32, i32) {
    %c0_i32 = arith.constant 0 : i32
    %c0_i32_0 = arith.constant 0 : i32
    return %arg0, %c0_i32 : i32, i32
  }
  func.func @transform_4(%arg0: i32) -> (i32, i32) {
    %c0_i32 = arith.constant 0 : i32
    %c0_i32_0 = arith.constant 0 : i32
    return %arg0, %c0_i32 : i32, i32
  }
  func.func @transform_5(%arg0: i32) -> (i32, i32) {
    %c0_i32 = arith.constant 0 : i32
    %c0_i32_0 = arith.constant 0 : i32
    return %arg0, %c0_i32 : i32, i32
  }
  func.func @transform_6(%arg0: i32) -> (i32, i32) {
    %c0_i32 = arith.constant 0 : i32
    %c0_i32_0 = arith.constant 0 : i32
    %c0_i32_1 = arith.constant 0 : i32
    return %c0_i32, %c0_i32_0 : i32, i32
  }
  func.func @transform_7(%arg0: i32) -> (i32, i32) {
    %c0_i32 = arith.constant 0 : i32
    %c0_i32_0 = arith.constant 0 : i32
    %c0_i32_1 = arith.constant 0 : i32
    return %c0_i32, %c0_i32_0 : i32, i32
  }
  func.func @transform_8(%arg0: i32) -> (i32, i32) {
    %c0_i32 = arith.constant 0 : i32
    %c0_i32_0 = arith.constant 0 : i32
    return %arg0, %c0_i32 : i32, i32
  }
  func.func @transform_9(%arg0: i32) -> (i32, i32) {
    %c0_i32 = arith.constant 0 : i32
    %c0_i32_0 = arith.constant 0 : i32
    return %arg0, %c0_i32 : i32, i32
  }
}

module attributes {stable_mosaic.version = 14 : i64} {
  func.func @_tc2_body(%arg0: i32, %arg1: memref<1x1024x128xf32, #tpu.memory_space<vmem>>, %arg2: memref<1x1024x128xf32, #tpu.memory_space<vmem>>, %arg3: memref<1024x128xf32, #tpu.memory_space<vmem>>, %arg4: memref<1x128xf32, #tpu.memory_space<vmem>>, %arg5: memref<128x128xf32, #tpu.memory_space<vmem>>, %arg6: memref<1024x128xf32, #tpu.memory_space<vmem>>) attributes {dimension_semantics = [#tpu.dimension_semantics<arbitrary>], iteration_bounds = array<i64: 5>, scalar_prefetch = 0 : i64, scratch_operands = 0 : i64, tpu.core_type = #tpu.core_type<tc>, window_params = [{transform_indices = @transform_0, window_bounds = array<i64: 1, 1024, 128>}, {transform_indices = @transform_1, window_bounds = array<i64: 1, 1024, 128>}, {transform_indices = @transform_2, window_bounds = array<i64: 1024, 128>}, {pipeline_mode = #tpu.pipeline_mode<synchronous>, transform_indices = @transform_3, window_bounds = array<i64: 1, 128>}, {pipeline_mode = #tpu.pipeline_mode<synchronous>, transform_indices = @transform_4, window_bounds = array<i64: 128, 128>}, {transform_indices = @transform_5, window_bounds = array<i64: 1024, 128>}]} {
    %get3A = arith.constant 0 : index
    %get3A_0 = arith.constant 0 : index
    %get3A_1 = vector.load %arg3[%get3A, %get3A_0] : memref<1024x128xf32, #tpu.memory_space<vmem>>, vector<1024x128xf32>
    %get3A_2 = arith.constant 0 : index
    %get3A_3 = arith.constant 0 : index
    %get3A_4 = arith.constant 0 : index
    %get3A_5 = vector.load %arg1[%get3A_2, %get3A_3, %get3A_4] : memref<1x1024x128xf32, #tpu.memory_space<vmem>>, vector<1x1024x128xf32>
    %reshape3A = vector.shape_cast %get3A_5 : vector<1x1024x128xf32> to vector<1024x128xf32>
    %get3A_6 = arith.constant 0 : index
    %get3A_7 = arith.constant 0 : index
    %get3A_8 = arith.constant 0 : index
    %get3A_9 = vector.load %arg2[%get3A_6, %get3A_7, %get3A_8] : memref<1x1024x128xf32, #tpu.memory_space<vmem>>, vector<1x1024x128xf32>
    %reshape3A_10 = vector.shape_cast %get3A_9 : vector<1x1024x128xf32> to vector<1024x128xf32>
    %add3A = arith.addf %reshape3A, %reshape3A_10 : vector<1024x128xf32>
    %mul3A = arith.mulf %get3A_1, %add3A : vector<1024x128xf32>
    %get3A_11 = arith.constant 0 : index
    %get3A_12 = arith.constant 0 : index
    %get3A_13 = vector.load %arg4[%get3A_11, %get3A_12] : memref<1x128xf32, #tpu.memory_space<vmem>>, vector<1x128xf32>
    %add3A_14 = vector.broadcast %get3A_13 : vector<1x128xf32> to vector<1024x128xf32>
    %add3A_15 = arith.addf %mul3A, %add3A_14 : vector<1024x128xf32>
    %max3A = arith.constant 0.000000e+00 : f32
    %max3A_16 = vector.broadcast %max3A : f32 to vector<1024x128xf32>
    %max3A_17 = arith.maximumf %add3A_15, %max3A_16 : vector<1024x128xf32>
    %get3A_18 = arith.constant 0 : index
    %get3A_19 = arith.constant 0 : index
    %get3A_20 = vector.load %arg5[%get3A_18, %get3A_19] : memref<128x128xf32, #tpu.memory_space<vmem>>, vector<128x128xf32>
    %dot_general3A = arith.constant dense<0.000000e+00> : vector<1024x128xf32>
    %dot_general3A_21 = tpu.matmul %max3A_17, %get3A_20, %dot_general3A {dimension_numbers = #tpu.dot_dimension_numbers<[1], [0], [0], [1], [0, 0, 1, 1], [], []>, transpose_lhs_hint = false} : vector<1024x128xf32>, vector<128x128xf32>, vector<1024x128xf32> -> vector<1024x128xf32>
    %mul3A_22 = arith.mulf %dot_general3A_21, %get3A_1 : vector<1024x128xf32>
    %swap3A = arith.constant 0 : index
    %swap3A_23 = arith.constant 0 : index
    %swap3A_24 = vector.load %arg6[%swap3A, %swap3A_23] : memref<1024x128xf32, #tpu.memory_space<vmem>>, vector<1024x128xf32>
    tpu.vector_store %arg6[%swap3A, %swap3A_23], %mul3A_22 {strides = array<i32>} : memref<1024x128xf32, #tpu.memory_space<vmem>>, vector<1024x128xf32>,
    return
  }
  func.func @transform_0(%arg0: i32) -> (i32, i32, i32) {
    %c0_i32 = arith.constant 0 : i32
    %c0_i32_0 = arith.constant 0 : i32
    %c0_i32_1 = arith.constant 0 : i32
    return %c0_i32, %arg0, %c0_i32_0 : i32, i32, i32
  }
  func.func @transform_1(%arg0: i32) -> (i32, i32, i32) {
    %c1_i32 = arith.constant 1 : i32
    %c0_i32 = arith.constant 0 : i32
    %c0_i32_0 = arith.constant 0 : i32
    return %c1_i32, %arg0, %c0_i32 : i32, i32, i32
  }
  func.func @transform_2(%arg0: i32) -> (i32, i32) {
    %c0_i32 = arith.constant 0 : i32
    %c0_i32_0 = arith.constant 0 : i32
    return %arg0, %c0_i32 : i32, i32
  }
  func.func @transform_3(%arg0: i32) -> (i32, i32) {
    %c0_i32 = arith.constant 0 : i32
    %c0_i32_0 = arith.constant 0 : i32
    %c0_i32_1 = arith.constant 0 : i32
    return %c0_i32, %c0_i32_0 : i32, i32
  }
  func.func @transform_4(%arg0: i32) -> (i32, i32) {
    %c0_i32 = arith.constant 0 : i32
    %c0_i32_0 = arith.constant 0 : i32
    %c0_i32_1 = arith.constant 0 : i32
    return %c0_i32, %c0_i32_0 : i32, i32
  }
  func.func @transform_5(%arg0: i32) -> (i32, i32) {
    %c0_i32 = arith.constant 0 : i32
    %c0_i32_0 = arith.constant 0 : i32
    return %arg0, %c0_i32 : i32, i32
  }
}

module attributes {stable_mosaic.version = 14 : i64} {
  func.func @_tcf_body(%arg0: i32, %arg1: memref<1x1024x128xf32, #tpu.memory_space<vmem>>, %arg2: memref<1x1024x128xf32, #tpu.memory_space<vmem>>, %arg3: memref<1024x128xf32, #tpu.memory_space<vmem>>, %arg4: memref<1x128xf32, #tpu.memory_space<vmem>>, %arg5: memref<1x1024xi32, #tpu.memory_space<vmem>>, %arg6: memref<1x1024xi32, #tpu.memory_space<vmem>>, %arg7: memref<64x128xf32, #tpu.memory_space<vmem>>, %arg8: memref<1x128xf32, #tpu.memory_space<vmem>>, %arg9: memref<16x128xf32, #tpu.memory_space<vmem>>, %arg10: memref<16x64xf32, #tpu.memory_space<vmem>>, %arg11: memref<16x1xf32, #tpu.memory_space<vmem>>) attributes {dimension_semantics = [#tpu.dimension_semantics<arbitrary>], iteration_bounds = array<i64: 5>, scalar_prefetch = 0 : i64, scratch_operands = 2 : i64, tpu.core_type = #tpu.core_type<tc>, window_params = [{transform_indices = @transform_0, window_bounds = array<i64: 1, 1024, 128>}, {transform_indices = @transform_1, window_bounds = array<i64: 1, 1024, 128>}, {transform_indices = @transform_2, window_bounds = array<i64: 1024, 128>}, {pipeline_mode = #tpu.pipeline_mode<synchronous>, transform_indices = @transform_3, window_bounds = array<i64: 1, 128>}, {transform_indices = @transform_4, window_bounds = array<i64: 1, 1024>}, {transform_indices = @transform_5, window_bounds = array<i64: 1, 1024>}, {pipeline_mode = #tpu.pipeline_mode<synchronous>, transform_indices = @transform_6, window_bounds = array<i64: 64, 128>}, {pipeline_mode = #tpu.pipeline_mode<synchronous>, transform_indices = @transform_7, window_bounds = array<i64: 1, 128>}, {pipeline_mode = #tpu.pipeline_mode<synchronous>, transform_indices = @transform_8, window_bounds = array<i64: 16, 128>}]} {
    %eq3A = arith.constant 0 : i32
    %eq3A_0 = arith.cmpi eq, %arg0, %eq3A : i32
    %convert_element_type3A = arith.extui %eq3A_0 : i1 to i32
    %cond3A = arith.constant 0 : i32
    %cond3A_1 = arith.cmpi ne, %convert_element_type3A, %cond3A : i32
    scf.if %cond3A_1 {
      %broadcast_in_dim3A_60 = arith.constant 0.000000e+00 : f32
      %broadcast_in_dim3A_61 = vector.broadcast %broadcast_in_dim3A_60 : f32 to vector<16x64xf32>
      %swap3A_62 = arith.constant 0 : index
      %swap3A_63 = arith.constant 0 : index
      %swap3A_64 = vector.load %arg10[%swap3A_62, %swap3A_63] : memref<16x64xf32, #tpu.memory_space<vmem>>, vector<16x64xf32>
      tpu.vector_store %arg10[%swap3A_62, %swap3A_63], %broadcast_in_dim3A_61 {strides = array<i32>} : memref<16x64xf32, #tpu.memory_space<vmem>>, vector<16x64xf32>,
      %broadcast_in_dim3A_65 = arith.constant 0.000000e+00 : f32
      %broadcast_in_dim3A_66 = vector.broadcast %broadcast_in_dim3A_65 : f32 to vector<16x1xf32>
      %swap3A_67 = arith.constant 0 : index
      %swap3A_68 = arith.constant 0 : index
      %swap3A_69 = vector.load %arg11[%swap3A_67, %swap3A_68] : memref<16x1xf32, #tpu.memory_space<vmem>>, vector<16x1xf32>
      tpu.vector_store %arg11[%swap3A_67, %swap3A_68], %broadcast_in_dim3A_66 {strides = array<i32>} : memref<16x1xf32, #tpu.memory_space<vmem>>, vector<16x1xf32>,
    } else {
    }
    %get3A = arith.constant 0 : index
    %get3A_2 = arith.constant 0 : index
    %get3A_3 = arith.constant 0 : index
    %get3A_4 = vector.load %arg1[%get3A, %get3A_2, %get3A_3] : memref<1x1024x128xf32, #tpu.memory_space<vmem>>, vector<1x1024x128xf32>
    %reshape3A = vector.shape_cast %get3A_4 : vector<1x1024x128xf32> to vector<1024x128xf32>
    %get3A_5 = arith.constant 0 : index
    %get3A_6 = arith.constant 0 : index
    %get3A_7 = arith.constant 0 : index
    %get3A_8 = vector.load %arg2[%get3A_5, %get3A_6, %get3A_7] : memref<1x1024x128xf32, #tpu.memory_space<vmem>>, vector<1x1024x128xf32>
    %reshape3A_9 = vector.shape_cast %get3A_8 : vector<1x1024x128xf32> to vector<1024x128xf32>
    %get3A_10 = arith.constant 0 : index
    %get3A_11 = arith.constant 0 : index
    %get3A_12 = vector.load %arg3[%get3A_10, %get3A_11] : memref<1024x128xf32, #tpu.memory_space<vmem>>, vector<1024x128xf32>
    %add3A = arith.addf %reshape3A, %reshape3A_9 : vector<1024x128xf32>
    %mul3A = arith.mulf %get3A_12, %add3A : vector<1024x128xf32>
    %get3A_13 = arith.constant 0 : index
    %get3A_14 = arith.constant 0 : index
    %get3A_15 = vector.load %arg4[%get3A_13, %get3A_14] : memref<1x128xf32, #tpu.memory_space<vmem>>, vector<1x128xf32>
    %add3A_16 = vector.broadcast %get3A_15 : vector<1x128xf32> to vector<1024x128xf32>
    %add3A_17 = arith.addf %mul3A, %add3A_16 : vector<1024x128xf32>
    %iota3A = tpu.iota {dimensions = array<i32: 0>} : vector<16x1024xi32>
    %get3A_18 = arith.constant 0 : index
    %get3A_19 = arith.constant 0 : index
    %get3A_20 = vector.load %arg5[%get3A_18, %get3A_19] : memref<1x1024xi32, #tpu.memory_space<vmem>>, vector<1x1024xi32>
    %eq3A_21 = vector.broadcast %get3A_20 : vector<1x1024xi32> to vector<16x1024xi32>
    %eq3A_22 = arith.cmpi eq, %iota3A, %eq3A_21 : vector<16x1024xi32>
    %convert_element_type3A_23 = arith.extui %eq3A_22 : vector<16x1024xi1> to vector<16x1024xi32>
    %convert_element_type3A_24 = arith.sitofp %convert_element_type3A_23 : vector<16x1024xi32> to vector<16x1024xf32>
    %get3A_25 = arith.constant 0 : index
    %get3A_26 = arith.constant 0 : index
    %get3A_27 = vector.load %arg6[%get3A_25, %get3A_26] : memref<1x1024xi32, #tpu.memory_space<vmem>>, vector<1x1024xi32>
    %eq3A_28 = vector.broadcast %get3A_27 : vector<1x1024xi32> to vector<16x1024xi32>
    %eq3A_29 = arith.cmpi eq, %iota3A, %eq3A_28 : vector<16x1024xi32>
    %convert_element_type3A_30 = arith.extui %eq3A_29 : vector<16x1024xi1> to vector<16x1024xi32>
    %convert_element_type3A_31 = arith.sitofp %convert_element_type3A_30 : vector<16x1024xi32> to vector<16x1024xf32>
    %get3A_32 = arith.constant 0 : index
    %get3A_33 = arith.constant 0 : index
    %get3A_34 = vector.load %arg10[%get3A_32, %get3A_33] : memref<16x64xf32, #tpu.memory_space<vmem>>, vector<16x64xf32>
    %slice3A = vector.extract_strided_slice %add3A_17 {offsets = [0, 0], sizes = [1024, 64], strides = [1, 1]} : vector<1024x128xf32> to vector<1024x64xf32>
    %dot_general3A = arith.constant dense<0.000000e+00> : vector<16x64xf32>
    %dot_general3A_35 = tpu.matmul %convert_element_type3A_24, %slice3A, %dot_general3A {dimension_numbers = #tpu.dot_dimension_numbers<[1], [0], [0], [1], [0, 0, 1, 1], [], []>, transpose_lhs_hint = false} : vector<16x1024xf32>, vector<1024x64xf32>, vector<16x64xf32> -> vector<16x64xf32>
    %slice3A_36 = vector.extract_strided_slice %add3A_17 {offsets = [0, 64], sizes = [1024, 64], strides = [1, 1]} : vector<1024x128xf32> to vector<1024x64xf32>
    %dot_general3A_37 = arith.constant dense<0.000000e+00> : vector<16x64xf32>
    %dot_general3A_38 = tpu.matmul %convert_element_type3A_31, %slice3A_36, %dot_general3A_37 {dimension_numbers = #tpu.dot_dimension_numbers<[1], [0], [0], [1], [0, 0, 1, 1], [], []>, transpose_lhs_hint = false} : vector<16x1024xf32>, vector<1024x64xf32>, vector<16x64xf32> -> vector<16x64xf32>
    %add3A_39 = arith.addf %dot_general3A_35, %dot_general3A_38 : vector<16x64xf32>
    %add3A_40 = arith.addf %get3A_34, %add3A_39 : vector<16x64xf32>
    %swap3A = arith.constant 0 : index
    %swap3A_41 = arith.constant 0 : index
    %swap3A_42 = vector.load %arg10[%swap3A, %swap3A_41] : memref<16x64xf32, #tpu.memory_space<vmem>>, vector<16x64xf32>
    tpu.vector_store %arg10[%swap3A, %swap3A_41], %add3A_40 {strides = array<i32>} : memref<16x64xf32, #tpu.memory_space<vmem>>, vector<16x64xf32>,
    %get3A_43 = arith.constant 0 : index
    %get3A_44 = arith.constant 0 : index
    %get3A_45 = vector.load %arg11[%get3A_43, %get3A_44] : memref<16x1xf32, #tpu.memory_space<vmem>>, vector<16x1xf32>
    %reduce_sum3A = arith.constant dense<0.000000e+00> : vector<16xf32>
    %reduce_sum3A_46 = vector.multi_reduction <add>, %convert_element_type3A_24, %reduce_sum3A [1] : vector<16x1024xf32> to vector<16xf32>
    %broadcast_in_dim3A = vector.shape_cast %reduce_sum3A_46 : vector<16xf32> to vector<16x1xf32>
    %reduce_sum3A_47 = arith.constant dense<0.000000e+00> : vector<16xf32>
    %reduce_sum3A_48 = vector.multi_reduction <add>, %convert_element_type3A_31, %reduce_sum3A_47 [1] : vector<16x1024xf32> to vector<16xf32>
    %broadcast_in_dim3A_49 = vector.shape_cast %reduce_sum3A_48 : vector<16xf32> to vector<16x1xf32>
    %add3A_50 = arith.addf %broadcast_in_dim3A, %broadcast_in_dim3A_49 : vector<16x1xf32>
    %add3A_51 = arith.addf %get3A_45, %add3A_50 : vector<16x1xf32>
    %swap3A_52 = arith.constant 0 : index
    %swap3A_53 = arith.constant 0 : index
    %swap3A_54 = vector.load %arg11[%swap3A_52, %swap3A_53] : memref<16x1xf32, #tpu.memory_space<vmem>>, vector<16x1xf32>
    tpu.vector_store %arg11[%swap3A_52, %swap3A_53], %add3A_51 {strides = array<i32>} : memref<16x1xf32, #tpu.memory_space<vmem>>, vector<16x1xf32>,
    %eq3A_55 = arith.constant 4 : i32
    %eq3A_56 = arith.cmpi eq, %arg0, %eq3A_55 : i32
    %convert_element_type3A_57 = arith.extui %eq3A_56 : i1 to i32
    %cond3A_58 = arith.constant 0 : i32
    %cond3A_59 = arith.cmpi ne, %convert_element_type3A_57, %cond3A_58 : i32
    scf.if %cond3A_59 {
      %get3A_60 = arith.constant 0 : index
      %get3A_61 = arith.constant 0 : index
      %get3A_62 = vector.load %arg10[%get3A_60, %get3A_61] : memref<16x64xf32, #tpu.memory_space<vmem>>, vector<16x64xf32>
      %get3A_63 = arith.constant 0 : index
      %get3A_64 = arith.constant 0 : index
      %get3A_65 = vector.load %arg11[%get3A_63, %get3A_64] : memref<16x1xf32, #tpu.memory_space<vmem>>, vector<16x1xf32>
      %max3A = arith.constant 1.000000e+00 : f32
      %max3A_66 = vector.broadcast %max3A : f32 to vector<16x1xf32>
      %max3A_67 = arith.maximumf %get3A_65, %max3A_66 : vector<16x1xf32>
      %div3A = vector.broadcast %max3A_67 : vector<16x1xf32> to vector<16x64xf32>
      %div3A_68 = arith.divf %get3A_62, %div3A : vector<16x64xf32>
      %get3A_69 = arith.constant 0 : index
      %get3A_70 = arith.constant 0 : index
      %get3A_71 = vector.load %arg7[%get3A_69, %get3A_70] : memref<64x128xf32, #tpu.memory_space<vmem>>, vector<64x128xf32>
      %dot_general3A_72 = arith.constant dense<0.000000e+00> : vector<16x128xf32>
      %dot_general3A_73 = tpu.matmul %div3A_68, %get3A_71, %dot_general3A_72 {dimension_numbers = #tpu.dot_dimension_numbers<[1], [0], [0], [1], [0, 0, 1, 1], [], []>, transpose_lhs_hint = false} : vector<16x64xf32>, vector<64x128xf32>, vector<16x128xf32> -> vector<16x128xf32>
      %get3A_74 = arith.constant 0 : index
      %get3A_75 = arith.constant 0 : index
      %get3A_76 = vector.load %arg8[%get3A_74, %get3A_75] : memref<1x128xf32, #tpu.memory_space<vmem>>, vector<1x128xf32>
      %add3A_77 = vector.broadcast %get3A_76 : vector<1x128xf32> to vector<16x128xf32>
      %add3A_78 = arith.addf %dot_general3A_73, %add3A_77 : vector<16x128xf32>
      %swap3A_79 = arith.constant 0 : index
      %swap3A_80 = arith.constant 0 : index
      %swap3A_81 = vector.load %arg9[%swap3A_79, %swap3A_80] : memref<16x128xf32, #tpu.memory_space<vmem>>, vector<16x128xf32>
      tpu.vector_store %arg9[%swap3A_79, %swap3A_80], %add3A_78 {strides = array<i32>} : memref<16x128xf32, #tpu.memory_space<vmem>>, vector<16x128xf32>,
    } else {
    }
    return
  }
  func.func @transform_0(%arg0: i32) -> (i32, i32, i32) {
    %c0_i32 = arith.constant 0 : i32
    %c0_i32_0 = arith.constant 0 : i32
    %c0_i32_1 = arith.constant 0 : i32
    return %c0_i32, %arg0, %c0_i32_0 : i32, i32, i32
  }
  func.func @transform_1(%arg0: i32) -> (i32, i32, i32) {
    %c1_i32 = arith.constant 1 : i32
    %c0_i32 = arith.constant 0 : i32
    %c0_i32_0 = arith.constant 0 : i32
    return %c1_i32, %arg0, %c0_i32 : i32, i32, i32
  }
  func.func @transform_2(%arg0: i32) -> (i32, i32) {
    %c0_i32 = arith.constant 0 : i32
    %c0_i32_0 = arith.constant 0 : i32
    return %arg0, %c0_i32 : i32, i32
  }
  func.func @transform_3(%arg0: i32) -> (i32, i32) {
    %c0_i32 = arith.constant 0 : i32
    %c0_i32_0 = arith.constant 0 : i32
    %c0_i32_1 = arith.constant 0 : i32
    return %c0_i32, %c0_i32_0 : i32, i32
  }
  func.func @transform_4(%arg0: i32) -> (i32, i32) {
    %c0_i32 = arith.constant 0 : i32
    %c0_i32_0 = arith.constant 0 : i32
    return %c0_i32, %arg0 : i32, i32
  }
  func.func @transform_5(%arg0: i32) -> (i32, i32) {
    %c0_i32 = arith.constant 0 : i32
    %c0_i32_0 = arith.constant 0 : i32
    return %c0_i32, %arg0 : i32, i32
  }
  func.func @transform_6(%arg0: i32) -> (i32, i32) {
    %c0_i32 = arith.constant 0 : i32
    %c0_i32_0 = arith.constant 0 : i32
    %c0_i32_1 = arith.constant 0 : i32
    return %c0_i32, %c0_i32_0 : i32, i32
  }
  func.func @transform_7(%arg0: i32) -> (i32, i32) {
    %c0_i32 = arith.constant 0 : i32
    %c0_i32_0 = arith.constant 0 : i32
    %c0_i32_1 = arith.constant 0 : i32
    return %c0_i32, %c0_i32_0 : i32, i32
  }
  func.func @transform_8(%arg0: i32) -> (i32, i32) {
    %c0_i32 = arith.constant 0 : i32
    %c0_i32_0 = arith.constant 0 : i32
    %c0_i32_1 = arith.constant 0 : i32
    return %c0_i32, %c0_i32_0 : i32, i32
  }
}

</mosaic_0001>

<sc_bundles>
// kernel: kernel.10.cloned.1.call-start
scs
__scs_entry_jumppad:
0x0: {  	(pc) =	sbr.rel $0x88, $3  }
0x1: {  	(tag) =	ssettag $0x0;
	lr =	simm.s32 $0x1  }
0x2: {  	[smem:$0x3F96] =	sst lr;
	_ =	strace $0xD0000000  }
0x3: {  	_ = 	snop  }
0x4: {  	_ = 	snop  }
0x5: {  	_ = 	snop  }
0x6: {  	_ = 	snop  }
0x7: {  	_ = 	snop  }
__scs_overlays_trampoline_lowered:
0x8: {  	[smem:$0x3FA5] =	sst s0  }
0x9: {  	[smem:$0x3FA6] =	sst s1  }
0xa: {  	[smem:$0x3FA7] =	sst s2  }
0xb: {  	[smem:$0x3FA8] =	sst s3  }
0xc: {  	[smem:$0x3FA9] =	sst s4  }
0xd: {  	[smem:$0x3FAA] =	sst s5  }
0xe: {  	[smem:$0x3FAB] =	sst s6  }
0xf: {  	[smem:$0x3FAC] =	sst s7  }
0x10: {  	[smem:$0x3FAD] =	sst s8  }
0x11: {  	[smem:$0x3FAE] =	sst s9;
	s0 =	simm.s32 @!p0 $0x0  }
0x12: {  	s1 =	sld [smem:$0x3F94];
	s0 =	simm.s32 @p0 $0x1  }
0x13: {  	[smem:$0x3FAF] =	sst s0;
	s0 =	simm.s32 @!p1 $0x0  }
0x14: {  	s2 =	sld [smem:$0x3F93];
	s0 =	simm.s32 @p1 $0x1  }
0x15: {  	[smem:$0x3FB0] =	sst s0;
	s0 =	simm.s32 @!p2 $0x0  }
0x16: {  	s3 =	sld [smem:$0x3FDB];
	s0 =	simm.s32 @p2 $0x1  }
0x17: {  	s4 =	simm.s32 $0x1BF5;
	[smem:$0x3FB2] =	sst s0  }
0x18: {  	s0 =	sld [smem:$0x3F95];
	_ =	swait.ge [sflag:s4], $0x0  }
0x19: {  	s7 =	sld [smem:$0x3F96]  }
0x1a: {  	s8 =	sadd.s32 $0xFFFFE003, lr  }
0x1b: {  	s9 =	sadd.s32 $0xFFFFFEF7, lr;
	s5 =	simm.s32 $0xFFFFFFFF;
	p2 =	slt.u32 s8, $0xFFFFF086  }
0x1c: {  	p1 =	slt.u32 s9, $0xF7A;
	s5 =	simm.s32 @!p2 $0x0  }
0x1d: {  	s5 =	simm.s32 @p1 $0x1;
	p0 =	seq.s32 s7, s2  }
0x1e: {  	s7 =	smul.u32 @!p0 $0xF7A, s2;
	p2 =	seq.s32 @!p0 s5, $0x0  }
0x1f: {  	s9 =	smul.u32 $0xF7A, s1;
	s8 =	simm.s32 @!p0 $0x1BF5;
	p2 =	por !p2, p0  }
0x20: {  	[sflag:s8] =	ssyncset.s32 @!p0 $0xFFFFF086;
	s6 =	sadd.s32 @!p0 s3, s7;
	s7 =	simm.s32 @!p0 $0x108  }
0x21: {  	s3 =	sadd.s32 s3, s9;
	s6 =	sadd.s32 @!p0 $0x88, s6;
	s7 =	simm.s32 @p2 $0x1082  }
0x22: {  	[simem:s7], [sflag:s8] =	dma.local @!p0 [hbm:s6], $0xF7A  }
0x23: {  	s9 =	sor.u32 $0xD0000000, s2;
	s6 =	simm.s32 $0x108;
	_ =	swait.ge @!p0 [sflag:s8], $0x0  }
0x24: {  	s3 =	sadd.s32 $0x88, s3;
	s6 =	simm.s32 @!p1 $0x1082;
	[sflag:s4] =	ssyncset.s32 $0xFFFFF086  }
0x25: {  	[simem:s6], [sflag:s4] =	dma.local [hbm:s3], $0xF7A  }
0x26: {  	[smem:$0x3F96] =	sst s1;
	(tag) =	ssettag s2;
	_ =	strace s9  }
0x27: {  	s1 =	sld [smem:$0x3FA6]  }
0x28: {  	s2 =	sld [smem:$0x3FA7]  }
0x29: {  	s4 =	sld [smem:$0x3FA9]  }
0x2a: {  	p0 =	seq.s32 s5, $0x0;
	s5 =	sld [smem:$0x3FAA]  }
0x2b: {  	s6 =	sld [smem:$0x3FAB]  }
0x2c: {  	s7 =	sld [smem:$0x3FAC]  }
0x2d: {  	s3 =	simm.s32 $0x108;
	s8 =	sld [smem:$0x3FAD]  }
0x2e: {  	s3 =	simm.s32 @!p0 $0x1082;
	s9 =	sld [smem:$0x3FAE]  }
0x2f: {  	lr =	sadd.s32 s0, s3;
	s0 =	sld [smem:$0x3FA5]  }
0x30: {  	s3 =	sld [smem:$0x3FA8]  }
0x31: {  	[smem:$0x3FB1] =	sst s10  }
0x32: {  	s10 =	sld [smem:$0x3FAF];
	_ =	sdelay $0x3  }
0x33: {  	p0 =	seq.s32 s10, $0x1;
	s10 =	sld [smem:$0x3FB1];
	_ =	sdelay $0x3  }
0x34: {  	[smem:$0x3FB1] =	sst s10  }
0x35: {  	s10 =	sld [smem:$0x3FB0];
	_ =	sdelay $0x3  }
0x36: {  	p1 =	seq.s32 s10, $0x1;
	s10 =	sld [smem:$0x3FB1];
	_ =	sdelay $0x3  }
0x37: {  	[smem:$0x3FB1] =	sst s10  }
0x38: {  	s10 =	sld [smem:$0x3FB2]  }
0x39: {  	_ = 	snop;
	(pc) =	sbr.ind lr, $3  }
0x3a: {  	_ = 	snop  }
0x3b: {  	_ = 	snop  }
0x3c: {  	p2 =	seq.s32 s10, $0x1;
	s10 =	sld [smem:$0x3FB1]  }
0x3d: {  	_ =	shalt  }
0x3e: {  	_ =	shalt  }
0x3f: {  	_ =	shalt  }
0x40: {  	_ =	shalt  }
0x41: {  	_ =	shalt  }
0x42: {  	_ =	shalt  }
0x43: {  	_ =	shalt  }
0x44: {  	_ =	shalt  }
0x45: {  	_ =	shalt  }
0x46: {  	_ =	shalt  }
0x47: {  	_ =	shalt  }
0x48: {  	_ =	shalt  }
0x49: {  	_ =	shalt  }
0x4a: {  	_ =	shalt  }
0x4b: {  	_ =	shalt  }
0x4c: {  	_ =	shalt  }
0x4d: {  	_ =	shalt  }
0x4e: {  	_ =	shalt  }
0x4f: {  	_ =	shalt  }
0x50: {  	_ =	shalt  }
0x51: {  	_ =	shalt  }
0x52: {  	_ =	shalt  }
0x53: {  	_ =	shalt  }
0x54: {  	_ =	shalt  }
0x55: {  	_ =	shalt  }
0x56: {  	_ =	shalt  }
0x57: {  	_ =	shalt  }
0x58: {  	_ =	shalt  }
0x59: {  	_ =	shalt  }
0x5a: {  	_ =	shalt  }
0x5b: {  	_ =	shalt  }
0x5c: {  	_ =	shalt  }
0x5d: {  	_ =	shalt  }
0x5e: {  	_ =	shalt  }
0x5f: {  	_ =	shalt  }
0x60: {  	_ =	shalt  }
0x61: {  	_ =	shalt  }
0x62: {  	_ =	shalt  }
0x63: {  	_ =	shalt  }
0x64: {  	_ =	shalt  }
0x65: {  	_ =	shalt  }
0x66: {  	_ =	shalt  }
0x67: {  	_ =	shalt  }
0x68: {  	_ =	shalt  }
0x69: {  	_ =	shalt  }
0x6a: {  	_ =	shalt  }
0x6b: {  	_ =	shalt  }
0x6c: {  	_ =	shalt  }
0x6d: {  	_ =	shalt  }
0x6e: {  	_ =	shalt  }
0x6f: {  	_ =	shalt  }
0x70: {  	_ =	shalt  }
0x71: {  	_ =	shalt  }
0x72: {  	_ =	shalt  }
0x73: {  	_ =	shalt  }
0x74: {  	_ =	shalt  }
0x75: {  	_ =	shalt  }
0x76: {  	_ =	shalt  }
0x77: {  	_ =	shalt  }
0x78: {  	_ =	shalt  }
0x79: {  	_ =	shalt  }
0x7a: {  	_ =	shalt  }
0x7b: {  	_ =	shalt  }
0x7c: {  	_ =	shalt  }
0x7d: {  	_ =	shalt  }
0x7e: {  	_ =	shalt  }
0x7f: {  	_ =	shalt  }
0x80: {  	_ =	shalt  }
0x81: {  	_ =	shalt  }
0x82: {  	_ =	shalt  }
0x83: {  	_ =	shalt  }
0x84: {  	_ =	shalt  }
0x85: {  	_ =	shalt  }
0x86: {  	_ =	shalt  }
0x87: {  	_ =	shalt  }
.Lfunc_end0:
.L_simem_size_0:
called_computation_lowered:
.L_overlay_start_0:
0x88: {  	s2 =	sld [smem:$0x3FD9]  }
0x89: {  	s3 =	sld [smem:$0x3FFE];
	_ =	sdelay $0x1  }
0x8a: {  	s1 =	srdreg.scid  }
0x8b: {  	s0 =	sand.u32 $0x1, s1  }
0x8c: {  	s16 =	sshll.u32 s0, $0xA;
	s2 =	sadd.s32 s3, s2  }
0x8d: {  	s2 =	sadd.s32 s2, s16  }
0x8e: {  	[smem:$0x3FBD] =	sst s2  }
0x8f: {  	_ = 	snop  }
0x90: {  	(tm) =	ssettm $0x1  }
0x91: {  	s17 =	sld [smem:$0x3FFB];
	_ =	sdelay $0x3  }
0x92: {  	_ =	strace s17  }
0x93: {  	s2 =	sld [smem:$0x3FFC];
	_ =	sdelay $0x3  }
0x94: {  	_ =	strace s2  }
0x95: {  	s2 =	sld [smem:$0x3FFD];
	_ =	sdelay $0x3  }
0x96: {  	_ =	strace s2  }
0x97: {  	_ =	strace $0x8FFFFFFF  }
0x98: {  	s18 =	sld [smem:$0x3FDB];
	_ =	sdelay $0x1  }
0x99: {  	s19 =	simm.s32 $_scs_section_size  }
0x9a: {  	s4 =	simm.s32 $_size__tile_overlayer_lowered;
	s5 =	simm.s32 $_tile_overlayer_lowered  }
0x9b: {  	s22 =	simm.s32 $0x1BFF;
	s21 =	sshll.u32 s5, $0x1;
	s2 =	sadd.s32 s19, s18  }
0x9c: {  	s6 =	simm.s32 $0x0;
	s20 =	sshll.u32 s4, $0x1;
	s4 =	sadd.s32 s21, s2  }
0x9d: {  	[timem:s6], [sflag:s22] =	dma.local [hbm:s4], s20  }
0x9e: {  	_ =	swait.ge [sflag:s22], s20  }
0x9f: {  	s3 =	ssub.s32 $0x0, s20;
	[sflag:s22] =	ssyncset.done $0x0  }
0xa0: {  	[sflag:s22] =	ssyncadd.s32 s3;
	_ =	sdelay $0x1  }
0xa1: {  	s23 =	simm.s32 $0x1B8B  }
0xa2: {  	_ =	swait.ge [sflag:s23], $0x1  }
0xa3: {  	[sflag:s23] =	ssyncset.done $0x0  }
0xa4: {  	s25 =	simm.s32 $0x1B8E;
	s24 =	sld [smem:$0x3FFE];
	[sflag:s23] =	ssyncadd.s32 $0xFFFFFFFF  }
0xa5: {  	s26 =	simm.s32 $execute0_lowered;
	[smem:$0x3FD2] =	sst s25  }
0xa6: {  	s4 =	sshll.u32 s26, $0x1;
	_ =	strace $0x80000046;
	[dreg:$0x1] =	wrdreg $0xFFFFFFFF  }
0xa7: {  	s28 =	simm.s32 $_size_execute0_lowered;
	s2 =	sadd.s32 s2, s4;
	[dreg:$0x0] =	wrdreg $0x0  }
0xa8: {  	s4 =	sshll.u32 s28, $0x1;
	[dreg:$0x2] =	wrdreg s2  }
0xa9: {  	[dreg:$0x3] =	wrdreg s4  }
0xaa: {  	[dreg:$0x4] =	wrdreg $0xC0  }
0xab: {  	_ =	task [dreg:s6], $0x5FFFF  }
0xac: {  	[dreg:$0x1] =	wrdreg $0xFFFFFFFF  }
0xad: {  	[dreg:$0x0] =	wrdreg $0x60  }
0xae: {  	[dreg:$0x2] =	wrdreg s24  }
0xaf: {  	[dreg:$0x3] =	wrdreg $0x2B000  }
0xb0: {  	[dreg:$0x4] =	wrdreg $0x9  }
0xb1: {  	_ =	task.clear_ibuf [dreg:s6], $0x5FFFF;
	_ =	strace $0x90000046  }
0xb2: {  	s29 =	simm.s32 $0x9;
	_ =	strace $0x80000048  }
0xb3: {  	_ =	swait.ge [sflag:s29], $0x1  }
0xb4: {  	[sflag:s29] =	ssyncadd.s32 $0xFFFFFFFF  }
0xb5: {  	_ =	strace $0x90000048  }
0xb6: {  	_ =	sfence  }
0xb7: {  	s30 =	sld [smem:$0x0];
	_ =	sdelay $0x2  }
0xb8: {  	s31 =	sshll.u32 s1, $0xD;
	s1 =	sshrl.u32 s1, $0x2  }
0xb9: {  	s3 =	sand.u32 $0x4000, s31;
	s1 =	sadd.s32 s1, s30  }
0xba: {  	s0 =	sor.u32 s3, s0;
	s1 =	sshll.u32 s1, $0x11  }
0xbb: {  	s0 =	sor.u32 s1, s0  }
0xbc: {  	s0 =	sadd.s32 $0x8F2B, s0  }
0xbd: {  	[sflag:s0] =	ssyncadd.remote.s32 $0x1  }
0xbe: {  	_ =	sfence.sel $0xFFFF  }
0xbf: {  	[dreg:$0x0] =	wrdreg $0xFFFFFFFF;
	(pc) =	sbr.abs _section_cstart, $3  }
0xc0: {  	[dreg:$0x1] =	wrdreg $0xFFFFFFFF  }
0xc1: {  	_ =	task.clear_ibuf [dreg:s6], $0x2FFFF;
	_ =	strace $0x9FFFFFFF  }
0xc2: {  	(tm) =	ssettm $0x7FFFFFFF  }
0xc3: {  	_ =	shalt  }
tec
execute0_lowered:
.L_overlay_start_1:
0x0: {  	(tag) =	ssettag $0x1  }
0x1: {  	s4 =	rddreg [dreg:$0x0]  }
0x2: {  	s2 =	rddreg [dreg:$0x1]  }
0x3: {  	s0 =	rddreg [dreg:$0x2];
	s1 =	stileid.u32  }
0x4: {  	s5 =	srdreg.scid;
	s3 =	simm.s32 $0x0;
	s11 =	simm.s32 $0x2880  }
0x5: {  	s12 =	simm.s32 $0x2800;
	s15 =	simm.s32 $0x0;
	s5 =	sand.u32 $0x1, s5  }
0x6: {  	s6 =	smul.u32 $0x280, s1;
	[smem:$0x7FF] =	sst s3;
	s7 =	sshll.u32 s1, $0x4  }
0x7: {  	s13 =	sshll.u32 s1, $0x6;
	s8 =	smul.u32 $0x2800, s5;
	_ =	strace $0x80000047  }
0x8: {  	s7 =	sadd.s32 s7, s4;
	s9 =	ssub.s32 $0x2, s5;
	s5 =	sshll.u32 s5, $0x8  }
0x9: {  	s13 =	sor.u32 $0x1C01, s13;
	s10 =	sshrl.u32 s9, $0x1;
	s5 =	sadd.s32 s5, s7  }
0xa: {  	s8 =	sadd.s32 s6, s8;
	s31 =	ssub.s32 s9, s10;
	s9 =	simm.s32 $0x1000  }
0xb: {  	s10 =	simm.s32 $0x1;
	s8 =	sshrl.u32 s8, $0x3;
	s7 =	smax.u32 s31, $0x1  }
0xc: {  	s30 =	sadd.s32 s8, s4;
	s4 =	sadd.s32 $0x3400, s5;
	s5 =	sadd.s32 s6, s2  }
0xd: {  	v0 =	vimm.f32 $1.000000000e+00;
	v1 =	vimm.f32 $0.0e+00;
	s8 =	simm.s32 $0x80;
	s6 =	sadd.s32 $0x17400, s30;
	s14 =	sshrl.u32 s5, $0x3  }
.LBB2_1:
0xe: {  	[tilespmem:s3], [sflag:$0x1] =	stream.strided.gather [hbm4b:s4+s8], $0x2800, s9, s8, $0x38;
	[tilespmem:$0x2D80] =	vst v63  }
0xf: {  	_ =	swait.ge [sflag:s10], $0x2800  }
0x10: {  	[sflag:s10] =	ssyncset.done $0x0  }
0x11: {  	[sflag:s10] =	ssyncadd.s32 $0xFFFFD800  }
0x12: {  	[tilespmem:$0x2800] =	vst v0  }
0x13: {  	[tilespmem:$0x2810] =	vst v0  }
0x14: {  	[tilespmem:$0x2820] =	vst v0  }
0x15: {  	[tilespmem:$0x2830] =	vst v0  }
0x16: {  	[tilespmem:$0x2840] =	vst v0  }
0x17: {  	[tilespmem:$0x2850] =	vst v0  }
0x18: {  	[tilespmem:$0x2860] =	vst v0  }
0x19: {  	[tilespmem:$0x2870] =	vst v0  }
0x1a: {  	[tilespmem:$0x2880] =	vst v1  }
0x1b: {  	[tilespmem:$0x2890] =	vst v1  }
0x1c: {  	[tilespmem:$0x28A0] =	vst v1  }
0x1d: {  	[tilespmem:$0x28B0] =	vst v1  }
0x1e: {  	[tilespmem:$0x28C0] =	vst v1  }
0x1f: {  	[tilespmem:$0x28D0] =	vst v1  }
0x20: {  	[tilespmem:$0x28E0] =	vst v1  }
0x21: {  	[tilespmem:$0x28F0] =	vst v1  }
0x22: {  	[tilespmem:$0x2900] =	vst v1  }
0x23: {  	[tilespmem:$0x2910] =	vst v1  }
0x24: {  	[tilespmem:$0x2920] =	vst v1  }
0x25: {  	[tilespmem:$0x2930] =	vst v1  }
0x26: {  	[tilespmem:$0x2940] =	vst v1  }
0x27: {  	[tilespmem:$0x2950] =	vst v1  }
0x28: {  	[tilespmem:$0x2960] =	vst v1  }
0x29: {  	[tilespmem:$0x2970] =	vst v1  }
0x2a: {  	[tilespmem:$0x2980] =	vst v1  }
0x2b: {  	[tilespmem:$0x2990] =	vst v1  }
0x2c: {  	[tilespmem:$0x29A0] =	vst v1  }
0x2d: {  	[tilespmem:$0x29B0] =	vst v1  }
0x2e: {  	[tilespmem:$0x29C0] =	vst v1  }
0x2f: {  	[tilespmem:$0x29D0] =	vst v1  }
0x30: {  	[tilespmem:$0x29E0] =	vst v1  }
0x31: {  	[tilespmem:$0x29F0] =	vst v1  }
0x32: {  	[tilespmem:$0x2A00] =	vst v1  }
0x33: {  	[tilespmem:$0x2A10] =	vst v1  }
0x34: {  	[tilespmem:$0x2A20] =	vst v1  }
0x35: {  	[tilespmem:$0x2A30] =	vst v1  }
0x36: {  	[tilespmem:$0x2A40] =	vst v1  }
0x37: {  	[tilespmem:$0x2A50] =	vst v1  }
0x38: {  	[tilespmem:$0x2A60] =	vst v1  }
0x39: {  	[tilespmem:$0x2A70] =	vst v1  }
0x3a: {  	[tilespmem:$0x2A80] =	vst v1  }
0x3b: {  	[tilespmem:$0x2A90] =	vst v1  }
0x3c: {  	[tilespmem:$0x2AA0] =	vst v1  }
0x3d: {  	[tilespmem:$0x2AB0] =	vst v1  }
0x3e: {  	[tilespmem:$0x2AC0] =	vst v1  }
0x3f: {  	[tilespmem:$0x2AD0] =	vst v1  }
0x40: {  	[tilespmem:$0x2AE0] =	vst v1  }
0x41: {  	[tilespmem:$0x2AF0] =	vst v1  }
0x42: {  	[spmem:s5] =	stream.linear.scatter [tilespmem:s11], [sflag:$0x1], $0x280, $0x38;
	[tilespmem:$0x2D80] =	vst v63  }
0x43: {  	_ =	swait.ge [sflag:s10], $0x280  }
0x44: {  	[sflag:s10] =	ssyncset.done $0x0  }
0x45: {  	[sflag:s10] =	ssyncadd.s32 $0xFFFFFD80  }
0x46: {  	s16 =	simm.s32 $0x0;
	[bflag:$0x0] =	sbarrier.arrive $0xFFFF  }
0x47: {  	[spmem:s2] =	stream.indirect.scatter.add.f32 [tilespmem:s12], [sflag:$0x1], $0x1, s16, s8, $0xb8;
	[tilespmem:$0x2D80] =	vst v63  }
0x48: {  	_ =	swait.ge [sflag:s10], $0x80  }
0x49: {  	s16 =	simm.s32 $0x200;
	[sflag:s10] =	ssyncset.done $0x0  }
.LBB2_2:
0x4a: {  	s17 =	sshra.s32 s16, $0x2;
	[sflag:s10] =	ssyncadd.s32 $0xFFFFFF80;
	p0 =	sne.s32 s16, $0x9E00  }
0x4b: {  	[spmem:s2] =	stream.indirect.scatter.add.f32 [tilespmem:s12], [sflag:$0x1], $0x1, s17, s8, $0xb8;
	[tilespmem:$0x2D80] =	vst v63  }
.Ltmp0:
0x4c: {  	_ = 	snop;
	(pc) =	sbr.rel @p0 .LBB2_2-.Ltmp0, $4  }
0x4d: {  	_ = 	snop  }
0x4e: {  	s16 =	sadd.s32 $0x200, s16  }
0x4f: {  	_ =	swait.ge [sflag:s10], $0x80  }
0x50: {  	[sflag:s10] =	ssyncset.done $0x0  }
0x51: {  	s15 =	sadd.s32 $0x1, s15  }
0x52: {  	[sflag:s10] =	ssyncadd.s32 $0xFFFFFF80;
	p0 =	sne.s32 s15, s7  }
.Ltmp1:
0x53: {  	[bflag:$0x0] =	sbarrier.arrive $0xFFFF;
	(pc) =	sbr.rel @p0 .LBB2_1-.Ltmp1, $4  }
0x54: {  	[hbm:s6], [sflag:s13] =	dma.local [spmem:s14], $0x50  }
0x55: {  	_ =	swait.ge [sflag:s10], $0x50  }
0x56: {  	[sflag:s10] =	ssyncset.done $0x0  }
0x57: {  	[sflag:s10] =	ssyncadd.s32 $0xFFFFFFB0  }
0x58: {  	_ =	sfence.sel $0x180000  }
0x59: {  	[bflag:$0x0] =	sbarrier.arrive $0xFFFF  }
0x5a: {  	p0 =	sne.s32 s1, $0x0;
	_ =	strace $0x90000047  }
0x5b: {  	s0 =	sadd.s32 @!p0 $0x100000, s0;
	[bflag:$0x2] =	sbarrier.arrive $0xFFFF  }
0x5c: {  	[sflag:s0] =	ssyncadd.tile.s32 @!p0 $0x1;
	_ =	shalt  }
.Lfunc_end2:
_tile_overlayer_lowered:
.L_overlay_start_2:
0x5d: {  	(tag) =	ssettag $0x2  }
0x5e: {  	s0 =	rddreg [dreg:$0x0];
	s2 =	stileid.u32  }
0x5f: {  	s1 =	rddreg [dreg:$0x1];
	p0 =	sne.s32 s2, $0x0  }
0x60: {  	s3 =	rddreg [dreg:$0x2];
	[bflag:$0x3] =	sbarrier.arrive $0xFFFF;
	s2 =	simm.s32 @!p0 $0x1C01  }
0x61: {  	[timem:s3], [sflag:s2] =	dma.local @!p0 [hbm:s0], s1  }
0x62: {  	s0 =	simm.s32 @!p0 $0x1  }
0x63: {  	_ =	swait.ge @!p0 [sflag:s0], s1  }
0x64: {  	s1 =	ssub.s32 @!p0 $0x0, s1;
	[sflag:s0] =	ssyncset.done @!p0 $0x0  }
0x65: {  	[sflag:s0] =	ssyncadd.s32 @!p0 s1  }
0x66: {  	[bflag:$0x3] =	sbarrier.arrive $0xFFFF  }
0x67: {  	_ =	shalt  }

// kernel: kernel.13.cloned.1.call-start
scs
__scs_entry_jumppad:
0x0: {  	(pc) =	sbr.rel $0x88, $3  }
0x1: {  	(tag) =	ssettag $0x0;
	lr =	simm.s32 $0x1  }
0x2: {  	[smem:$0x3F96] =	sst lr;
	_ =	strace $0xD0000000  }
0x3: {  	_ = 	snop  }
0x4: {  	_ = 	snop  }
0x5: {  	_ = 	snop  }
0x6: {  	_ = 	snop  }
0x7: {  	_ = 	snop  }
__scs_overlays_trampoline_lowered:
0x8: {  	[smem:$0x3FA5] =	sst s0  }
0x9: {  	[smem:$0x3FA6] =	sst s1  }
0xa: {  	[smem:$0x3FA7] =	sst s2  }
0xb: {  	[smem:$0x3FA8] =	sst s3  }
0xc: {  	[smem:$0x3FA9] =	sst s4  }
0xd: {  	[smem:$0x3FAA] =	sst s5  }
0xe: {  	[smem:$0x3FAB] =	sst s6  }
0xf: {  	[smem:$0x3FAC] =	sst s7  }
0x10: {  	[smem:$0x3FAD] =	sst s8  }
0x11: {  	[smem:$0x3FAE] =	sst s9;
	s0 =	simm.s32 @!p0 $0x0  }
0x12: {  	s1 =	sld [smem:$0x3F94];
	s0 =	simm.s32 @p0 $0x1  }
0x13: {  	[smem:$0x3FAF] =	sst s0;
	s0 =	simm.s32 @!p1 $0x0  }
0x14: {  	s2 =	sld [smem:$0x3F93];
	s0 =	simm.s32 @p1 $0x1  }
0x15: {  	[smem:$0x3FB0] =	sst s0;
	s0 =	simm.s32 @!p2 $0x0  }
0x16: {  	s3 =	sld [smem:$0x3FDB];
	s0 =	simm.s32 @p2 $0x1  }
0x17: {  	s4 =	simm.s32 $0x1BF5;
	[smem:$0x3FB2] =	sst s0  }
0x18: {  	s0 =	sld [smem:$0x3F95];
	_ =	swait.ge [sflag:s4], $0x0  }
0x19: {  	s7 =	sld [smem:$0x3F96]  }
0x1a: {  	s8 =	sadd.s32 $0xFFFFE003, lr  }
0x1b: {  	s9 =	sadd.s32 $0xFFFFFEF7, lr;
	s5 =	simm.s32 $0xFFFFFFFF;
	p2 =	slt.u32 s8, $0xFFFFF086  }
0x1c: {  	p1 =	slt.u32 s9, $0xF7A;
	s5 =	simm.s32 @!p2 $0x0  }
0x1d: {  	s5 =	simm.s32 @p1 $0x1;
	p0 =	seq.s32 s7, s2  }
0x1e: {  	s7 =	smul.u32 @!p0 $0xF7A, s2;
	p2 =	seq.s32 @!p0 s5, $0x0  }
0x1f: {  	s9 =	smul.u32 $0xF7A, s1;
	s8 =	simm.s32 @!p0 $0x1BF5;
	p2 =	por !p2, p0  }
0x20: {  	[sflag:s8] =	ssyncset.s32 @!p0 $0xFFFFF086;
	s6 =	sadd.s32 @!p0 s3, s7;
	s7 =	simm.s32 @!p0 $0x108  }
0x21: {  	s3 =	sadd.s32 s3, s9;
	s6 =	sadd.s32 @!p0 $0x88, s6;
	s7 =	simm.s32 @p2 $0x1082  }
0x22: {  	[simem:s7], [sflag:s8] =	dma.local @!p0 [hbm:s6], $0xF7A  }
0x23: {  	s9 =	sor.u32 $0xD0000000, s2;
	s6 =	simm.s32 $0x108;
	_ =	swait.ge @!p0 [sflag:s8], $0x0  }
0x24: {  	s3 =	sadd.s32 $0x88, s3;
	s6 =	simm.s32 @!p1 $0x1082;
	[sflag:s4] =	ssyncset.s32 $0xFFFFF086  }
0x25: {  	[simem:s6], [sflag:s4] =	dma.local [hbm:s3], $0xF7A  }
0x26: {  	[smem:$0x3F96] =	sst s1;
	(tag) =	ssettag s2;
	_ =	strace s9  }
0x27: {  	s1 =	sld [smem:$0x3FA6]  }
0x28: {  	s2 =	sld [smem:$0x3FA7]  }
0x29: {  	s4 =	sld [smem:$0x3FA9]  }
0x2a: {  	p0 =	seq.s32 s5, $0x0;
	s5 =	sld [smem:$0x3FAA]  }
0x2b: {  	s6 =	sld [smem:$0x3FAB]  }
0x2c: {  	s7 =	sld [smem:$0x3FAC]  }
0x2d: {  	s3 =	simm.s32 $0x108;
	s8 =	sld [smem:$0x3FAD]  }
0x2e: {  	s3 =	simm.s32 @!p0 $0x1082;
	s9 =	sld [smem:$0x3FAE]  }
0x2f: {  	lr =	sadd.s32 s0, s3;
	s0 =	sld [smem:$0x3FA5]  }
0x30: {  	s3 =	sld [smem:$0x3FA8]  }
0x31: {  	[smem:$0x3FB1] =	sst s10  }
0x32: {  	s10 =	sld [smem:$0x3FAF];
	_ =	sdelay $0x3  }
0x33: {  	p0 =	seq.s32 s10, $0x1;
	s10 =	sld [smem:$0x3FB1];
	_ =	sdelay $0x3  }
0x34: {  	[smem:$0x3FB1] =	sst s10  }
0x35: {  	s10 =	sld [smem:$0x3FB0];
	_ =	sdelay $0x3  }
0x36: {  	p1 =	seq.s32 s10, $0x1;
	s10 =	sld [smem:$0x3FB1];
	_ =	sdelay $0x3  }
0x37: {  	[smem:$0x3FB1] =	sst s10  }
0x38: {  	s10 =	sld [smem:$0x3FB2]  }
0x39: {  	_ = 	snop;
	(pc) =	sbr.ind lr, $3  }
0x3a: {  	_ = 	snop  }
0x3b: {  	_ = 	snop  }
0x3c: {  	p2 =	seq.s32 s10, $0x1;
	s10 =	sld [smem:$0x3FB1]  }
0x3d: {  	_ =	shalt  }
0x3e: {  	_ =	shalt  }
0x3f: {  	_ =	shalt  }
0x40: {  	_ =	shalt  }
0x41: {  	_ =	shalt  }
0x42: {  	_ =	shalt  }
0x43: {  	_ =	shalt  }
0x44: {  	_ =	shalt  }
0x45: {  	_ =	shalt  }
0x46: {  	_ =	shalt  }
0x47: {  	_ =	shalt  }
0x48: {  	_ =	shalt  }
0x49: {  	_ =	shalt  }
0x4a: {  	_ =	shalt  }
0x4b: {  	_ =	shalt  }
0x4c: {  	_ =	shalt  }
0x4d: {  	_ =	shalt  }
0x4e: {  	_ =	shalt  }
0x4f: {  	_ =	shalt  }
0x50: {  	_ =	shalt  }
0x51: {  	_ =	shalt  }
0x52: {  	_ =	shalt  }
0x53: {  	_ =	shalt  }
0x54: {  	_ =	shalt  }
0x55: {  	_ =	shalt  }
0x56: {  	_ =	shalt  }
0x57: {  	_ =	shalt  }
0x58: {  	_ =	shalt  }
0x59: {  	_ =	shalt  }
0x5a: {  	_ =	shalt  }
0x5b: {  	_ =	shalt  }
0x5c: {  	_ =	shalt  }
0x5d: {  	_ =	shalt  }
0x5e: {  	_ =	shalt  }
0x5f: {  	_ =	shalt  }
0x60: {  	_ =	shalt  }
0x61: {  	_ =	shalt  }
0x62: {  	_ =	shalt  }
0x63: {  	_ =	shalt  }
0x64: {  	_ =	shalt  }
0x65: {  	_ =	shalt  }
0x66: {  	_ =	shalt  }
0x67: {  	_ =	shalt  }
0x68: {  	_ =	shalt  }
0x69: {  	_ =	shalt  }
0x6a: {  	_ =	shalt  }
0x6b: {  	_ =	shalt  }
0x6c: {  	_ =	shalt  }
0x6d: {  	_ =	shalt  }
0x6e: {  	_ =	shalt  }
0x6f: {  	_ =	shalt  }
0x70: {  	_ =	shalt  }
0x71: {  	_ =	shalt  }
0x72: {  	_ =	shalt  }
0x73: {  	_ =	shalt  }
0x74: {  	_ =	shalt  }
0x75: {  	_ =	shalt  }
0x76: {  	_ =	shalt  }
0x77: {  	_ =	shalt  }
0x78: {  	_ =	shalt  }
0x79: {  	_ =	shalt  }
0x7a: {  	_ =	shalt  }
0x7b: {  	_ =	shalt  }
0x7c: {  	_ =	shalt  }
0x7d: {  	_ =	shalt  }
0x7e: {  	_ =	shalt  }
0x7f: {  	_ =	shalt  }
0x80: {  	_ =	shalt  }
0x81: {  	_ =	shalt  }
0x82: {  	_ =	shalt  }
0x83: {  	_ =	shalt  }
0x84: {  	_ =	shalt  }
0x85: {  	_ =	shalt  }
0x86: {  	_ =	shalt  }
0x87: {  	_ =	shalt  }
.Lfunc_end0:
.L_simem_size_0:
called_computation.1_lowered:
.L_overlay_start_0:
0x88: {  	s2 =	sld [smem:$0x3FD9]  }
0x89: {  	s3 =	sld [smem:$0x3FFE];
	_ =	sdelay $0x1  }
0x8a: {  	s1 =	srdreg.scid  }
0x8b: {  	s0 =	sand.u32 $0x1, s1  }
0x8c: {  	s16 =	sshll.u32 s0, $0xA;
	s2 =	sadd.s32 s3, s2  }
0x8d: {  	s2 =	sadd.s32 s2, s16  }
0x8e: {  	[smem:$0x3FBD] =	sst s2  }
0x8f: {  	_ = 	snop  }
0x90: {  	(tm) =	ssettm $0x1  }
0x91: {  	s17 =	sld [smem:$0x3FFB];
	_ =	sdelay $0x3  }
0x92: {  	_ =	strace s17  }
0x93: {  	s2 =	sld [smem:$0x3FFC];
	_ =	sdelay $0x3  }
0x94: {  	_ =	strace s2  }
0x95: {  	s2 =	sld [smem:$0x3FFD];
	_ =	sdelay $0x3  }
0x96: {  	_ =	strace s2  }
0x97: {  	_ =	strace $0x8FFFFFFF  }
0x98: {  	s18 =	sld [smem:$0x3FDB];
	_ =	sdelay $0x1  }
0x99: {  	s19 =	simm.s32 $_scs_section_size  }
0x9a: {  	s4 =	simm.s32 $_size__tile_overlayer_lowered;
	s5 =	simm.s32 $_tile_overlayer_lowered  }
0x9b: {  	s22 =	simm.s32 $0x1BFF;
	s21 =	sshll.u32 s5, $0x1;
	s2 =	sadd.s32 s19, s18  }
0x9c: {  	s6 =	simm.s32 $0x0;
	s20 =	sshll.u32 s4, $0x1;
	s4 =	sadd.s32 s21, s2  }
0x9d: {  	[timem:s6], [sflag:s22] =	dma.local [hbm:s4], s20  }
0x9e: {  	_ =	swait.ge [sflag:s22], s20  }
0x9f: {  	s3 =	ssub.s32 $0x0, s20;
	[sflag:s22] =	ssyncset.done $0x0  }
0xa0: {  	[sflag:s22] =	ssyncadd.s32 s3;
	_ =	sdelay $0x1  }
0xa1: {  	s23 =	simm.s32 $0x1B8B  }
0xa2: {  	_ =	swait.ge [sflag:s23], $0x1  }
0xa3: {  	[sflag:s23] =	ssyncset.done $0x0  }
0xa4: {  	s25 =	simm.s32 $0x1B8E;
	s24 =	sld [smem:$0x3FFE];
	[sflag:s23] =	ssyncadd.s32 $0xFFFFFFFF  }
0xa5: {  	s26 =	simm.s32 $execute0_lowered;
	[smem:$0x3FD2] =	sst s25  }
0xa6: {  	s4 =	sshll.u32 s26, $0x1;
	_ =	strace $0x80000049;
	[dreg:$0x1] =	wrdreg $0xFFFFFFFF  }
0xa7: {  	s28 =	simm.s32 $_size_execute0_lowered;
	s2 =	sadd.s32 s2, s4;
	[dreg:$0x0] =	wrdreg $0x0  }
0xa8: {  	s4 =	sshll.u32 s28, $0x1;
	[dreg:$0x2] =	wrdreg s2  }
0xa9: {  	[dreg:$0x3] =	wrdreg s4  }
0xaa: {  	[dreg:$0x4] =	wrdreg $0xC0  }
0xab: {  	_ =	task [dreg:s6], $0x5FFFF  }
0xac: {  	[dreg:$0x1] =	wrdreg $0xFFFFFFFF  }
0xad: {  	[dreg:$0x0] =	wrdreg $0x60  }
0xae: {  	[dreg:$0x2] =	wrdreg s24  }
0xaf: {  	[dreg:$0x3] =	wrdreg $0x150000  }
0xb0: {  	[dreg:$0x4] =	wrdreg $0x9  }
0xb1: {  	_ =	task.clear_ibuf [dreg:s6], $0x5FFFF;
	_ =	strace $0x90000049  }
0xb2: {  	s29 =	simm.s32 $0x9;
	_ =	strace $0x8000004B  }
0xb3: {  	_ =	swait.ge [sflag:s29], $0x1  }
0xb4: {  	[sflag:s29] =	ssyncadd.s32 $0xFFFFFFFF  }
0xb5: {  	_ =	strace $0x9000004B  }
0xb6: {  	_ =	sfence  }
0xb7: {  	s30 =	sld [smem:$0x0];
	_ =	sdelay $0x2  }
0xb8: {  	s31 =	sshll.u32 s1, $0xD;
	s1 =	sshrl.u32 s1, $0x2  }
0xb9: {  	s3 =	sand.u32 $0x4000, s31;
	s1 =	sadd.s32 s1, s30  }
0xba: {  	s0 =	sor.u32 s3, s0;
	s1 =	sshll.u32 s1, $0x11  }
0xbb: {  	s0 =	sor.u32 s1, s0  }
0xbc: {  	s0 =	sadd.s32 $0x8F2B, s0  }
0xbd: {  	[sflag:s0] =	ssyncadd.remote.s32 $0x1  }
0xbe: {  	_ =	sfence.sel $0xFFFF  }
0xbf: {  	[dreg:$0x0] =	wrdreg $0xFFFFFFFF;
	(pc) =	sbr.abs _section_cstart, $3  }
0xc0: {  	[dreg:$0x1] =	wrdreg $0xFFFFFFFF  }
0xc1: {  	_ =	task.clear_ibuf [dreg:s6], $0x2FFFF;
	_ =	strace $0x9FFFFFFF  }
0xc2: {  	(tm) =	ssettm $0x7FFFFFFF  }
0xc3: {  	_ =	shalt  }
tec
execute0_lowered:
.L_overlay_start_1:
0x0: {  	(tag) =	ssettag $0x1  }
0x1: {  	s0 =	rddreg [dreg:$0x0]  }
0x2: {  	s2 =	rddreg [dreg:$0x1]  }
0x3: {  	s3 =	simm.s32 $0x0;
	s1 =	srdreg.scid;
	s9 =	stileid.u32  }
0x4: {  	s28 =	simm.s32 $0xD000;
	s30 =	simm.s32 $0xF000;
	s12 =	simm.s32 $0x4  }
0x5: {  	s29 =	simm.s32 $0x8;
	s31 =	simm.s32 $0xA;
	s10 =	simm.s32 $0x10  }
0x6: {  	s11 =	simm.s32 $0x0;
	[smem:$0x7FF] =	sst s3;
	s1 =	sand.u32 $0x1, s1  }
0x7: {  	s13 =	smul.u32 $0xA000, s9;
	s4 =	sadd.s32 $0x17400, s0;
	s7 =	sshll.u32 s9, $0x4  }
0x8: {  	s16 =	smul.u32 $0x28000, s9;
	s3 =	simm.s32 $0xB;
	s9 =	simm.s32 $0xC  }
0x9: {  	_ =	strace $0x8000004A;
	s5 =	smul.u32 $0xA0000, s1;
	s6 =	sshll.u32 s1, $0x8  }
0xa: {  	s14 =	ssub.s32 $0x2, s1;
	p0 =	seq.s32 s1, $0x1;
	s6 =	sor.u32 s7, s6  }
0xb: {  	s8 =	sshrl.u32 s14, $0x1;
	s18 =	sadd.s32 s13, s2;
	s19 =	sshrl.u32 s13, $0x3  }
0xc: {  	s20 =	sshrl.u32 s16, $0x2;
	s16 =	simm.s32 $0x80;
	s5 =	sadd.s32 s13, s5  }
0xd: {  	s6 =	sadd.s32 s6, s0;
	s15 =	ssub.s32 s14, s8;
	[dreg:$0x5] =	wrdreg s18  }
0xe: {  	s1 =	sadd.s32 s4, s19;
	s21 =	sadd.s32 s20, s2;
	s18 =	simm.s32 $0x11  }
0xf: {  	s20 =	simm.s32 $0x5000;
	s19 =	simm.s32 $0x13000;
	[dreg:$0x6] =	wrdreg s1  }
0x10: {  	s8 =	simm.s32 $0x1;
	s17 =	sadd.s32 $0xD400, s6;
	[dreg:$0x7] =	wrdreg s21  }
0x11: {  	s13 =	simm.s32 $0x6;
	s6 =	sadd.s32 $0x3400, s6;
	[dreg:$0x3] =	wrdreg s17  }
0x12: {  	s14 =	simm.s32 $0x7;
	s22 =	smax.u32 s15, $0x1;
	[dreg:$0x4] =	wrdreg s6  }
0x13: {  	s5 =	sshrl.u32 s5, $0x3;
	s23 =	sadd.s32 $0x2000, s21;
	[dreg:$0x9] =	wrdreg s22  }
0x14: {  	s24 =	sadd.s32 $0x4000, s21;
	s25 =	sadd.s32 $0x6000, s21;
	[dreg:$0xa] =	wrdreg s23  }
0x15: {  	s26 =	sadd.s32 $0x8000, s21;
	s21 =	simm.s32 $0x7000;
	[dreg:$0xb] =	wrdreg s24  }
0x16: {  	s15 =	simm.s32 $0x9;
	s1 =	simm.s32 $0xD;
	[dreg:$0xc] =	wrdreg s25  }
0x17: {  	s0 =	sadd.s32 s5, s0;
	[dreg:$0xd] =	wrdreg s26;
	s23 =	simm.s32 $0x9000  }
0x18: {  	s25 =	simm.s32 $0xB000;
	s22 =	simm.s32 $0x2;
	s24 =	simm.s32 $0x3  }
0x19: {  	s26 =	simm.s32 $0x5;
	s5 =	simm.s32 $0xE;
	s0 =	sadd.s32 $0x2B400, s0  }
0x1a: {  	v0 =	vimm.f32 $0.0e+00;
	s6 =	simm.s32 $0xF;
	[dreg:$0x8] =	wrdreg s0;
	s0 =	simm.s32 $0x11000  }
.LBB2_1:
0x1b: {  	[dreg:$0xe] =	wrdreg s11  }
0x1c: {  	s7 =	simm.s32 $0x0;
	s11 =	rddreg [dreg:$0x3];
	s17 =	simm.s32 $0x1000  }
0x1d: {  	[tilespmem:s7], [sflag:$0x11] =	stream.strided.gather [hbm4b:s11+s16], $0x2800, s17, s16, $0x38;
	[tilespmem:$0x1F000] =	vst v63  }
0x1e: {  	_ =	swait.ge [sflag:s18], $0x2800  }
0x1f: {  	s11 =	simm.s32 $0x2800;
	[sflag:s18] =	ssyncset.done $0x0  }
.Ltmp0:
0x20: {  	s7 =	rddreg [dreg:$0x4];
	[sflag:s18] =	ssyncadd.s32 $0xFFFFD800;
	(pc) =	sbr.rel @!p0 .LBB2_2-.Ltmp0, $4  }
0x21: {  	[tilespmem:s11], [sflag:$0x11] =	stream.strided.gather [hbm4b:s7+s16], $0x2800, s17, s16, $0x38;
	[tilespmem:$0x1F000] =	vst v63  }
0x22: {  	_ =	swait.ge [sflag:s18], $0x2800  }
0x23: {  	[sflag:s18] =	ssyncset.done $0x0  }
0x24: {  	[sflag:s18] =	ssyncadd.s32 $0xFFFFD800  }
0x25: {  	s11 =	simm.s32 $0x100;
	s7 =	simm.s32 $0x0  }
.LBB2_4:
0x26: {  	p1 =	sne.s32 s11, $0x7F00;
	[tilespmem:s7+$0x5030] =	vst v0;
	s17 =	smov.u32 s11;
	s11 =	sadd.s32 $0x100, s11  }
.Ltmp1:
0x27: {  	[tilespmem:s7+$0x5020] =	vst v0;
	(pc) =	sbr.rel @p1 .LBB2_4-.Ltmp1, $3  }
0x28: {  	[tilespmem:s7+$0x5000] =	vst v0  }
0x29: {  	[tilespmem:s7+$0x5010] =	vst v0;
	_ =	sdelay $0x1  }
0x2a: {  	s7 =	sshra.s32 s17, $0x2  }
0x2b: {  	[tilespmem:s7+$0x5030] =	vst v0  }
0x2c: {  	[tilespmem:s7+$0x5020] =	vst v0  }
0x2d: {  	[tilespmem:s7+$0x5000] =	vst v0  }
0x2e: {  	[tilespmem:s7+$0x5010] =	vst v0;
	s17 =	rddreg [dreg:$0x7]  }
0x2f: {  	[spmem:s17] =	stream.linear.scatter [tilespmem:s20], [sflag:$0x11], $0x2000, $0x38;
	[tilespmem:$0x1F000] =	vst v63  }
0x30: {  	_ =	swait.ge [sflag:s18], $0x2000  }
0x31: {  	[sflag:s18] =	ssyncset.done $0x0  }
0x32: {  	s11 =	rddreg [dreg:$0xa];
	[sflag:s18] =	ssyncadd.s32 $0xFFFFE000  }
0x33: {  	[spmem:s11] =	stream.linear.scatter [tilespmem:s20], [sflag:$0x11], $0x2000, $0x38;
	[tilespmem:$0x1F000] =	vst v63  }
0x34: {  	_ =	swait.ge [sflag:s18], $0x2000  }
0x35: {  	[sflag:s18] =	ssyncset.done $0x0  }
0x36: {  	s17 =	rddreg [dreg:$0xb];
	[sflag:s18] =	ssyncadd.s32 $0xFFFFE000  }
0x37: {  	[spmem:s17] =	stream.linear.scatter [tilespmem:s20], [sflag:$0x11], $0x2000, $0x38;
	[tilespmem:$0x1F000] =	vst v63  }
0x38: {  	_ =	swait.ge [sflag:s18], $0x2000  }
0x39: {  	[sflag:s18] =	ssyncset.done $0x0  }
0x3a: {  	s11 =	rddreg [dreg:$0xc];
	[sflag:s18] =	ssyncadd.s32 $0xFFFFE000  }
0x3b: {  	[spmem:s11] =	stream.linear.scatter [tilespmem:s20], [sflag:$0x11], $0x2000, $0x38;
	[tilespmem:$0x1F000] =	vst v63  }
0x3c: {  	_ =	swait.ge [sflag:s18], $0x2000  }
0x3d: {  	[sflag:s18] =	ssyncset.done $0x0  }
.Ltmp2:
0x3e: {  	s17 =	rddreg [dreg:$0xd];
	[sflag:s18] =	ssyncadd.s32 $0xFFFFE000;
	(pc) =	sbr.rel .LBB2_6-.Ltmp2, $4  }
0x3f: {  	[spmem:s17] =	stream.linear.scatter [tilespmem:s20], [sflag:$0x11], $0x2000, $0x38;
	[tilespmem:$0x1F000] =	vst v63  }
0x40: {  	_ =	swait.ge [sflag:s18], $0x2000  }
0x41: {  	[sflag:s18] =	ssyncset.done $0x0  }
0x42: {  	[sflag:s18] =	ssyncadd.s32 $0xFFFFE000  }
.LBB2_2:
0x43: {  	s7 =	stileid.u32  }
0x44: {  	s11 =	rddreg [dreg:$0x5];
	s7 =	sshll.u32 s7, $0x6  }
0x45: {  	s17 =	rddreg [dreg:$0x6];
	s11 =	sshrl.u32 s11, $0x3;
	s7 =	sor.u32 $0x1C11, s7  }
0x46: {  	[spmem:s11], [sflag:s7] =	dma.local [hbm:s17], $0x1400  }
0x47: {  	_ =	swait.ge [sflag:s18], $0x1400  }
0x48: {  	[sflag:s18] =	ssyncset.done $0x0  }
0x49: {  	[sflag:s18] =	ssyncadd.s32 $0xFFFFEC00  }
.LBB2_6:
0x4a: {  	[bflag:$0x0] =	sbarrier.arrive $0xFFFF;
	s7 =	simm.s32 $0x0  }
0x4b: {  	[tilespmem:s20], [sflag:$0x1] =	stream.indirect.gather [hbm4b:s4+s16], $0x40, s7, s16, $0xb8;
	[tilespmem:$0x1F000] =	vst v63  }
0x4c: {  	_ = 	snop  }
0x4d: {  	[tilespmem:s21], [sflag:$0x2] =	stream.indirect.gather [hbm4b:s4+s16], $0x40, s16, s16, $0xb8;
	[tilespmem:$0x1F000] =	vst v63  }
0x4e: {  	s17 =	simm.s32 $0x100  }
0x4f: {  	[tilespmem:s23], [sflag:$0x3] =	stream.indirect.gather [hbm4b:s4+s16], $0x40, s17, s16, $0xb8;
	[tilespmem:$0x1F000] =	vst v63  }
0x50: {  	s11 =	simm.s32 $0x180  }
0x51: {  	[tilespmem:s25], [sflag:$0x4] =	stream.indirect.gather [hbm4b:s4+s16], $0x40, s11, s16, $0xb8;
	[tilespmem:$0x1F000] =	vst v63  }
0x52: {  	s17 =	simm.s32 $0x200  }
0x53: {  	[tilespmem:s28], [sflag:$0x5] =	stream.indirect.gather [hbm4b:s4+s16], $0x40, s17, s16, $0xb8;
	[tilespmem:$0x1F000] =	vst v63  }
0x54: {  	s11 =	simm.s32 $0x280  }
0x55: {  	[tilespmem:s30], [sflag:$0x6] =	stream.indirect.gather [hbm4b:s4+s16], $0x40, s11, s16, $0xb8;
	[tilespmem:$0x1F000] =	vst v63  }
0x56: {  	s17 =	simm.s32 $0x300  }
0x57: {  	[tilespmem:s0], [sflag:$0x7] =	stream.indirect.gather [hbm4b:s4+s16], $0x40, s17, s16, $0xb8;
	[tilespmem:$0x1F000] =	vst v63  }
0x58: {  	s11 =	simm.s32 $0x380  }
0x59: {  	[tilespmem:s19], [sflag:$0x8] =	stream.indirect.gather [hbm4b:s4+s16], $0x40, s11, s16, $0xb8;
	[tilespmem:$0x1F000] =	vst v63  }
0x5a: {  	_ =	swait.ge [sflag:s8], $0x2000  }
0x5b: {  	[sflag:s8] =	ssyncset.done $0x0  }
0x5c: {  	s17 =	simm.s32 $0x2800;
	[sflag:s8] =	ssyncadd.s32 $0xFFFFE000  }
0x5d: {  	[spmem:s2] =	stream.indirect.scatter.add.f32 [tilespmem:s20], [sflag:$0x9], $0x40, s17, s16, $0xb8;
	[tilespmem:$0x1F000] =	vst v63  }
0x5e: {  	_ =	swait.ge [sflag:s22], $0x2000  }
0x5f: {  	[sflag:s22] =	ssyncset.done $0x0  }
0x60: {  	s11 =	simm.s32 $0x2880;
	[sflag:s22] =	ssyncadd.s32 $0xFFFFE000  }
0x61: {  	[spmem:s2] =	stream.indirect.scatter.add.f32 [tilespmem:s21], [sflag:$0xA], $0x40, s11, s16, $0xb8;
	[tilespmem:$0x1F000] =	vst v63  }
0x62: {  	_ =	swait.ge [sflag:s24], $0x2000  }
0x63: {  	[sflag:s24] =	ssyncset.done $0x0  }
0x64: {  	s17 =	simm.s32 $0x2900;
	[sflag:s24] =	ssyncadd.s32 $0xFFFFE000  }
0x65: {  	[spmem:s2] =	stream.indirect.scatter.add.f32 [tilespmem:s23], [sflag:$0xB], $0x40, s17, s16, $0xb8;
	[tilespmem:$0x1F000] =	vst v63  }
0x66: {  	_ =	swait.ge [sflag:s12], $0x2000  }
0x67: {  	[sflag:s12] =	ssyncset.done $0x0  }
0x68: {  	s11 =	simm.s32 $0x2980;
	[sflag:s12] =	ssyncadd.s32 $0xFFFFE000  }
0x69: {  	[spmem:s2] =	stream.indirect.scatter.add.f32 [tilespmem:s25], [sflag:$0xC], $0x40, s11, s16, $0xb8;
	[tilespmem:$0x1F000] =	vst v63  }
0x6a: {  	_ =	swait.ge [sflag:s26], $0x2000  }
0x6b: {  	[sflag:s26] =	ssyncset.done $0x0  }
0x6c: {  	s17 =	simm.s32 $0x2A00;
	[sflag:s26] =	ssyncadd.s32 $0xFFFFE000  }
0x6d: {  	[spmem:s2] =	stream.indirect.scatter.add.f32 [tilespmem:s28], [sflag:$0xD], $0x40, s17, s16, $0xb8;
	[tilespmem:$0x1F000] =	vst v63  }
0x6e: {  	_ =	swait.ge [sflag:s13], $0x2000  }
0x6f: {  	[sflag:s13] =	ssyncset.done $0x0  }
0x70: {  	s11 =	simm.s32 $0x2A80;
	[sflag:s13] =	ssyncadd.s32 $0xFFFFE000  }
0x71: {  	[spmem:s2] =	stream.indirect.scatter.add.f32 [tilespmem:s30], [sflag:$0xE], $0x40, s11, s16, $0xb8;
	[tilespmem:$0x1F000] =	vst v63  }
0x72: {  	_ =	swait.ge [sflag:s14], $0x2000  }
0x73: {  	[sflag:s14] =	ssyncset.done $0x0  }
0x74: {  	s17 =	simm.s32 $0x2B00;
	[sflag:s14] =	ssyncadd.s32 $0xFFFFE000  }
0x75: {  	[spmem:s2] =	stream.indirect.scatter.add.f32 [tilespmem:s0], [sflag:$0xF], $0x40, s17, s16, $0xb8;
	[tilespmem:$0x1F000] =	vst v63  }
0x76: {  	_ =	swait.ge [sflag:s29], $0x2000  }
0x77: {  	[sflag:s29] =	ssyncset.done $0x0  }
0x78: {  	s11 =	simm.s32 $0x2B80;
	[sflag:s29] =	ssyncadd.s32 $0xFFFFE000  }
0x79: {  	[spmem:s2] =	stream.indirect.scatter.add.f32 [tilespmem:s19], [sflag:$0x10], $0x40, s11, s16, $0xb8;
	[tilespmem:$0x1F000] =	vst v63  }
0x7a: {  	_ =	swait.ge [sflag:s15], $0x2000  }
0x7b: {  	[sflag:s15] =	ssyncset.done $0x0  }
0x7c: {  	s17 =	simm.s32 $0x400;
	[sflag:s15] =	ssyncadd.s32 $0xFFFFE000  }
0x7d: {  	[tilespmem:s20], [sflag:$0x1] =	stream.indirect.gather [hbm4b:s4+s16], $0x40, s17, s16, $0xb8;
	[tilespmem:$0x1F000] =	vst v63  }
0x7e: {  	_ =	swait.ge [sflag:s31], $0x2000  }
0x7f: {  	[sflag:s31] =	ssyncset.done $0x0  }
0x80: {  	s11 =	simm.s32 $0x480;
	[sflag:s31] =	ssyncadd.s32 $0xFFFFE000  }
0x81: {  	[tilespmem:s21], [sflag:$0x2] =	stream.indirect.gather [hbm4b:s4+s16], $0x40, s11, s16, $0xb8;
	[tilespmem:$0x1F000] =	vst v63  }
0x82: {  	_ =	swait.ge [sflag:s3], $0x2000  }
0x83: {  	[sflag:s3] =	ssyncset.done $0x0  }
0x84: {  	s17 =	simm.s32 $0x500;
	[sflag:s3] =	ssyncadd.s32 $0xFFFFE000  }
0x85: {  	[tilespmem:s23], [sflag:$0x3] =	stream.indirect.gather [hbm4b:s4+s16], $0x40, s17, s16, $0xb8;
	[tilespmem:$0x1F000] =	vst v63  }
0x86: {  	_ =	swait.ge [sflag:s9], $0x2000  }
0x87: {  	[sflag:s9] =	ssyncset.done $0x0  }
0x88: {  	s11 =	simm.s32 $0x580;
	[sflag:s9] =	ssyncadd.s32 $0xFFFFE000  }
0x89: {  	[tilespmem:s25], [sflag:$0x4] =	stream.indirect.gather [hbm4b:s4+s16], $0x40, s11, s16, $0xb8;
	[tilespmem:$0x1F000] =	vst v63  }
0x8a: {  	_ =	swait.ge [sflag:s1], $0x2000  }
0x8b: {  	[sflag:s1] =	ssyncset.done $0x0  }
0x8c: {  	s17 =	simm.s32 $0x600;
	[sflag:s1] =	ssyncadd.s32 $0xFFFFE000  }
0x8d: {  	[tilespmem:s28], [sflag:$0x5] =	stream.indirect.gather [hbm4b:s4+s16], $0x40, s17, s16, $0xb8;
	[tilespmem:$0x1F000] =	vst v63  }
0x8e: {  	_ =	swait.ge [sflag:s5], $0x2000  }
0x8f: {  	[sflag:s5] =	ssyncset.done $0x0  }
0x90: {  	s11 =	simm.s32 $0x680;
	[sflag:s5] =	ssyncadd.s32 $0xFFFFE000  }
0x91: {  	[tilespmem:s30], [sflag:$0x6] =	stream.indirect.gather [hbm4b:s4+s16], $0x40, s11, s16, $0xb8;
	[tilespmem:$0x1F000] =	vst v63  }
0x92: {  	_ =	swait.ge [sflag:s6], $0x2000  }
0x93: {  	[sflag:s6] =	ssyncset.done $0x0  }
0x94: {  	s17 =	simm.s32 $0x700;
	[sflag:s6] =	ssyncadd.s32 $0xFFFFE000  }
0x95: {  	[tilespmem:s0], [sflag:$0x7] =	stream.indirect.gather [hbm4b:s4+s16], $0x40, s17, s16, $0xb8;
	[tilespmem:$0x1F000] =	vst v63  }
0x96: {  	_ =	swait.ge [sflag:s10], $0x2000  }
0x97: {  	[sflag:s10] =	ssyncset.done $0x0  }
0x98: {  	s7 =	simm.s32 $0x780;
	s11 =	simm.s32 $0x1000;
	[sflag:s10] =	ssyncadd.s32 $0xFFFFE000  }
.LBB2_7:
0x99: {  	[tilespmem:s19], [sflag:$0x8] =	stream.indirect.gather [hbm4b:s4+s16], $0x40, s7, s16, $0xb8;
	[tilespmem:$0x1F000] =	vst v63  }
0x9a: {  	s7 =	smov.u32 s11  }
0x9b: {  	p1 =	sne.s32 s11, $0x8000;
	s11 =	sadd.s32 $0x1000, s11;
	_ =	swait.ge [sflag:s8], $0x2000  }
0x9c: {  	s7 =	sshra.s32 s7, $0x2;
	[sflag:s8] =	ssyncset.done $0x0  }
0x9d: {  	s17 =	sadd.s32 $0x2800, s7;
	[sflag:s8] =	ssyncadd.s32 $0xFFFFE000  }
0x9e: {  	[spmem:s2] =	stream.indirect.scatter.add.f32 [tilespmem:s20], [sflag:$0x9], $0x40, s17, s16, $0xb8;
	[tilespmem:$0x1F000] =	vst v63  }
0x9f: {  	_ =	swait.ge [sflag:s22], $0x2000  }
0xa0: {  	[sflag:s22] =	ssyncset.done $0x0  }
0xa1: {  	s17 =	sadd.s32 $0x2880, s7;
	[sflag:s22] =	ssyncadd.s32 $0xFFFFE000  }
0xa2: {  	[spmem:s2] =	stream.indirect.scatter.add.f32 [tilespmem:s21], [sflag:$0xA], $0x40, s17, s16, $0xb8;
	[tilespmem:$0x1F000] =	vst v63  }
0xa3: {  	_ =	swait.ge [sflag:s24], $0x2000  }
0xa4: {  	[sflag:s24] =	ssyncset.done $0x0  }
0xa5: {  	s17 =	sadd.s32 $0x2900, s7;
	[sflag:s24] =	ssyncadd.s32 $0xFFFFE000  }
0xa6: {  	[spmem:s2] =	stream.indirect.scatter.add.f32 [tilespmem:s23], [sflag:$0xB], $0x40, s17, s16, $0xb8;
	[tilespmem:$0x1F000] =	vst v63  }
0xa7: {  	_ =	swait.ge [sflag:s12], $0x2000  }
0xa8: {  	[sflag:s12] =	ssyncset.done $0x0  }
0xa9: {  	s17 =	sadd.s32 $0x2980, s7;
	[sflag:s12] =	ssyncadd.s32 $0xFFFFE000  }
0xaa: {  	[spmem:s2] =	stream.indirect.scatter.add.f32 [tilespmem:s25], [sflag:$0xC], $0x40, s17, s16, $0xb8;
	[tilespmem:$0x1F000] =	vst v63  }
0xab: {  	_ =	swait.ge [sflag:s26], $0x2000  }
0xac: {  	[sflag:s26] =	ssyncset.done $0x0  }
0xad: {  	s17 =	sadd.s32 $0x2A00, s7;
	[sflag:s26] =	ssyncadd.s32 $0xFFFFE000  }
0xae: {  	[spmem:s2] =	stream.indirect.scatter.add.f32 [tilespmem:s28], [sflag:$0xD], $0x40, s17, s16, $0xb8;
	[tilespmem:$0x1F000] =	vst v63  }
0xaf: {  	_ =	swait.ge [sflag:s13], $0x2000  }
0xb0: {  	[sflag:s13] =	ssyncset.done $0x0  }
0xb1: {  	s17 =	sadd.s32 $0x2A80, s7;
	[sflag:s13] =	ssyncadd.s32 $0xFFFFE000  }
0xb2: {  	[spmem:s2] =	stream.indirect.scatter.add.f32 [tilespmem:s30], [sflag:$0xE], $0x40, s17, s16, $0xb8;
	[tilespmem:$0x1F000] =	vst v63  }
0xb3: {  	_ =	swait.ge [sflag:s14], $0x2000  }
0xb4: {  	[sflag:s14] =	ssyncset.done $0x0  }
0xb5: {  	s17 =	sadd.s32 $0x2B00, s7;
	[sflag:s14] =	ssyncadd.s32 $0xFFFFE000  }
0xb6: {  	[spmem:s2] =	stream.indirect.scatter.add.f32 [tilespmem:s0], [sflag:$0xF], $0x40, s17, s16, $0xb8;
	[tilespmem:$0x1F000] =	vst v63  }
0xb7: {  	_ =	swait.ge [sflag:s29], $0x2000  }
0xb8: {  	[sflag:s29] =	ssyncset.done $0x0  }
0xb9: {  	s17 =	sadd.s32 $0x2B80, s7;
	[sflag:s29] =	ssyncadd.s32 $0xFFFFE000  }
0xba: {  	[spmem:s2] =	stream.indirect.scatter.add.f32 [tilespmem:s19], [sflag:$0x10], $0x40, s17, s16, $0xb8;
	[tilespmem:$0x1F000] =	vst v63  }
0xbb: {  	_ =	swait.ge [sflag:s15], $0x2000  }
0xbc: {  	[sflag:s15] =	ssyncset.done $0x0  }
0xbd: {  	s17 =	sadd.s32 $0x400, s7;
	[sflag:s15] =	ssyncadd.s32 $0xFFFFE000  }
0xbe: {  	[tilespmem:s20], [sflag:$0x1] =	stream.indirect.gather [hbm4b:s4+s16], $0x40, s17, s16, $0xb8;
	[tilespmem:$0x1F000] =	vst v63  }
0xbf: {  	_ =	swait.ge [sflag:s31], $0x2000  }
0xc0: {  	[sflag:s31] =	ssyncset.done $0x0  }
0xc1: {  	s17 =	sadd.s32 $0x480, s7;
	[sflag:s31] =	ssyncadd.s32 $0xFFFFE000  }
0xc2: {  	[tilespmem:s21], [sflag:$0x2] =	stream.indirect.gather [hbm4b:s4+s16], $0x40, s17, s16, $0xb8;
	[tilespmem:$0x1F000] =	vst v63  }
0xc3: {  	_ =	swait.ge [sflag:s3], $0x2000  }
0xc4: {  	[sflag:s3] =	ssyncset.done $0x0  }
0xc5: {  	s17 =	sadd.s32 $0x500, s7;
	[sflag:s3] =	ssyncadd.s32 $0xFFFFE000  }
0xc6: {  	[tilespmem:s23], [sflag:$0x3] =	stream.indirect.gather [hbm4b:s4+s16], $0x40, s17, s16, $0xb8;
	[tilespmem:$0x1F000] =	vst v63  }
0xc7: {  	_ =	swait.ge [sflag:s9], $0x2000  }
0xc8: {  	[sflag:s9] =	ssyncset.done $0x0  }
0xc9: {  	s17 =	sadd.s32 $0x580, s7;
	[sflag:s9] =	ssyncadd.s32 $0xFFFFE000  }
0xca: {  	[tilespmem:s25], [sflag:$0x4] =	stream.indirect.gather [hbm4b:s4+s16], $0x40, s17, s16, $0xb8;
	[tilespmem:$0x1F000] =	vst v63  }
0xcb: {  	_ =	swait.ge [sflag:s1], $0x2000  }
0xcc: {  	[sflag:s1] =	ssyncset.done $0x0  }
0xcd: {  	s17 =	sadd.s32 $0x600, s7;
	[sflag:s1] =	ssyncadd.s32 $0xFFFFE000  }
0xce: {  	[tilespmem:s28], [sflag:$0x5] =	stream.indirect.gather [hbm4b:s4+s16], $0x40, s17, s16, $0xb8;
	[tilespmem:$0x1F000] =	vst v63  }
0xcf: {  	_ =	swait.ge [sflag:s5], $0x2000  }
0xd0: {  	[sflag:s5] =	ssyncset.done $0x0  }
0xd1: {  	s17 =	sadd.s32 $0x680, s7;
	[sflag:s5] =	ssyncadd.s32 $0xFFFFE000  }
0xd2: {  	[tilespmem:s30], [sflag:$0x6] =	stream.indirect.gather [hbm4b:s4+s16], $0x40, s17, s16, $0xb8;
	[tilespmem:$0x1F000] =	vst v63  }
0xd3: {  	_ =	swait.ge [sflag:s6], $0x2000  }
0xd4: {  	[sflag:s6] =	ssyncset.done $0x0  }
.Ltmp3:
0xd5: {  	s17 =	sadd.s32 $0x700, s7;
	[sflag:s6] =	ssyncadd.s32 $0xFFFFE000;
	(pc) =	sbr.rel @p1 .LBB2_7-.Ltmp3, $4  }
0xd6: {  	[tilespmem:s0], [sflag:$0x7] =	stream.indirect.gather [hbm4b:s4+s16], $0x40, s17, s16, $0xb8;
	[tilespmem:$0x1F000] =	vst v63  }
0xd7: {  	_ =	swait.ge [sflag:s10], $0x2000  }
0xd8: {  	[sflag:s10] =	ssyncset.done $0x0  }
0xd9: {  	s7 =	sadd.s32 $0x780, s7;
	[sflag:s10] =	ssyncadd.s32 $0xFFFFE000  }
0xda: {  	[tilespmem:s19], [sflag:$0x8] =	stream.indirect.gather [hbm4b:s4+s16], $0x40, s7, s16, $0xb8;
	[tilespmem:$0x1F000] =	vst v63  }
0xdb: {  	_ =	swait.ge [sflag:s8], $0x2000  }
0xdc: {  	[sflag:s8] =	ssyncset.done $0x0  }
0xdd: {  	s17 =	simm.s32 $0x4C00;
	[sflag:s8] =	ssyncadd.s32 $0xFFFFE000  }
0xde: {  	[spmem:s2] =	stream.indirect.scatter.add.f32 [tilespmem:s20], [sflag:$0x9], $0x40, s17, s16, $0xb8;
	[tilespmem:$0x1F000] =	vst v63  }
0xdf: {  	_ =	swait.ge [sflag:s22], $0x2000  }
0xe0: {  	[sflag:s22] =	ssyncset.done $0x0  }
0xe1: {  	s11 =	simm.s32 $0x4C80;
	[sflag:s22] =	ssyncadd.s32 $0xFFFFE000  }
0xe2: {  	[spmem:s2] =	stream.indirect.scatter.add.f32 [tilespmem:s21], [sflag:$0xA], $0x40, s11, s16, $0xb8;
	[tilespmem:$0x1F000] =	vst v63  }
0xe3: {  	_ =	swait.ge [sflag:s24], $0x2000  }
0xe4: {  	[sflag:s24] =	ssyncset.done $0x0  }
0xe5: {  	s17 =	simm.s32 $0x4D00;
	[sflag:s24] =	ssyncadd.s32 $0xFFFFE000  }
0xe6: {  	[spmem:s2] =	stream.indirect.scatter.add.f32 [tilespmem:s23], [sflag:$0xB], $0x40, s17, s16, $0xb8;
	[tilespmem:$0x1F000] =	vst v63  }
0xe7: {  	_ =	swait.ge [sflag:s12], $0x2000  }
0xe8: {  	[sflag:s12] =	ssyncset.done $0x0  }
0xe9: {  	s11 =	simm.s32 $0x4D80;
	[sflag:s12] =	ssyncadd.s32 $0xFFFFE000  }
0xea: {  	[spmem:s2] =	stream.indirect.scatter.add.f32 [tilespmem:s25], [sflag:$0xC], $0x40, s11, s16, $0xb8;
	[tilespmem:$0x1F000] =	vst v63  }
0xeb: {  	_ =	swait.ge [sflag:s26], $0x2000  }
0xec: {  	[sflag:s26] =	ssyncset.done $0x0  }
0xed: {  	s17 =	simm.s32 $0x4E00;
	[sflag:s26] =	ssyncadd.s32 $0xFFFFE000  }
0xee: {  	[spmem:s2] =	stream.indirect.scatter.add.f32 [tilespmem:s28], [sflag:$0xD], $0x40, s17, s16, $0xb8;
	[tilespmem:$0x1F000] =	vst v63  }
0xef: {  	_ =	swait.ge [sflag:s13], $0x2000  }
0xf0: {  	[sflag:s13] =	ssyncset.done $0x0  }
0xf1: {  	s11 =	simm.s32 $0x4E80;
	[sflag:s13] =	ssyncadd.s32 $0xFFFFE000  }
0xf2: {  	[spmem:s2] =	stream.indirect.scatter.add.f32 [tilespmem:s30], [sflag:$0xE], $0x40, s11, s16, $0xb8;
	[tilespmem:$0x1F000] =	vst v63  }
0xf3: {  	_ =	swait.ge [sflag:s14], $0x2000  }
0xf4: {  	[sflag:s14] =	ssyncset.done $0x0  }
0xf5: {  	s17 =	simm.s32 $0x4F00;
	[sflag:s14] =	ssyncadd.s32 $0xFFFFE000  }
0xf6: {  	[spmem:s2] =	stream.indirect.scatter.add.f32 [tilespmem:s0], [sflag:$0xF], $0x40, s17, s16, $0xb8;
	[tilespmem:$0x1F000] =	vst v63  }
0xf7: {  	_ =	swait.ge [sflag:s29], $0x2000  }
0xf8: {  	[sflag:s29] =	ssyncset.done $0x0  }
0xf9: {  	s11 =	simm.s32 $0x4F80;
	[sflag:s29] =	ssyncadd.s32 $0xFFFFE000  }
0xfa: {  	[spmem:s2] =	stream.indirect.scatter.add.f32 [tilespmem:s19], [sflag:$0x10], $0x40, s11, s16, $0xb8;
	[tilespmem:$0x1F000] =	vst v63  }
0xfb: {  	_ =	swait.ge [sflag:s15], $0x2000  }
0xfc: {  	[sflag:s15] =	ssyncset.done $0x0  }
0xfd: {  	[sflag:s15] =	ssyncadd.s32 $0xFFFFE000  }
0xfe: {  	_ =	swait.ge [sflag:s31], $0x2000  }
0xff: {  	[sflag:s31] =	ssyncset.done $0x0  }
0x100: {  	[sflag:s31] =	ssyncadd.s32 $0xFFFFE000  }
0x101: {  	_ =	swait.ge [sflag:s3], $0x2000  }
0x102: {  	[sflag:s3] =	ssyncset.done $0x0  }
0x103: {  	[sflag:s3] =	ssyncadd.s32 $0xFFFFE000  }
0x104: {  	_ =	swait.ge [sflag:s9], $0x2000  }
0x105: {  	[sflag:s9] =	ssyncset.done $0x0  }
0x106: {  	[sflag:s9] =	ssyncadd.s32 $0xFFFFE000  }
0x107: {  	_ =	swait.ge [sflag:s1], $0x2000  }
0x108: {  	[sflag:s1] =	ssyncset.done $0x0  }
0x109: {  	[sflag:s1] =	ssyncadd.s32 $0xFFFFE000  }
0x10a: {  	_ =	swait.ge [sflag:s5], $0x2000  }
0x10b: {  	[sflag:s5] =	ssyncset.done $0x0  }
0x10c: {  	[sflag:s5] =	ssyncadd.s32 $0xFFFFE000  }
0x10d: {  	_ =	swait.ge [sflag:s6], $0x2000  }
0x10e: {  	[sflag:s6] =	ssyncset.done $0x0  }
0x10f: {  	[sflag:s6] =	ssyncadd.s32 $0xFFFFE000  }
0x110: {  	_ =	swait.ge [sflag:s10], $0x2000  }
0x111: {  	[sflag:s10] =	ssyncset.done $0x0  }
0x112: {  	[sflag:s10] =	ssyncadd.s32 $0xFFFFE000  }
0x113: {  	s17 =	stileid.u32;
	[bflag:$0x0] =	sbarrier.arrive $0xFFFF  }
0x114: {  	s7 =	sshll.u32 s17, $0x6;
	s11 =	rddreg [dreg:$0x5]  }
0x115: {  	s7 =	sor.u32 $0x1C11, s7;
	s17 =	rddreg [dreg:$0x8];
	s11 =	sshrl.u32 s11, $0x3  }
0x116: {  	[hbm:s17], [sflag:s7] =	dma.local [spmem:s11], $0x1400  }
0x117: {  	_ =	swait.ge [sflag:s18], $0x1400  }
0x118: {  	s7 =	rddreg [dreg:$0xe]  }
0x119: {  	s17 =	rddreg [dreg:$0x9];
	s11 =	sadd.s32 $0x1, s7  }
0x11a: {  	p1 =	sne.s32 s11, s17  }
.Ltmp4:
0x11b: {  	_ = 	snop;
	(pc) =	sbr.rel @p1 .LBB2_1-.Ltmp4, $3  }
0x11c: {  	_ =	sdelay $0x1  }
0x11d: {  	[sflag:s18] =	ssyncset.done $0x0  }
0x11e: {  	[sflag:s18] =	ssyncadd.s32 $0xFFFFEC00  }
0x11f: {  	_ =	sfence.sel $0x180000  }
0x120: {  	[bflag:$0x0] =	sbarrier.arrive $0xFFFF  }
0x121: {  	_ =	strace $0x9000004A  }
0x122: {  	s0 =	stileid.u32;
	[bflag:$0x2] =	sbarrier.arrive $0xFFFF  }
0x123: {  	p0 =	sne.s32 s0, $0x0;
	s0 =	rddreg [dreg:$0x2]  }
0x124: {  	s0 =	sadd.s32 @!p0 $0x100000, s0  }
0x125: {  	[sflag:s0] =	ssyncadd.tile.s32 @!p0 $0x1;
	_ =	shalt  }
.Lfunc_end2:
_tile_overlayer_lowered:
.L_overlay_start_2:
0x126: {  	(tag) =	ssettag $0x2  }
0x127: {  	s0 =	rddreg [dreg:$0x0];
	s2 =	stileid.u32  }
0x128: {  	s1 =	rddreg [dreg:$0x1];
	p0 =	sne.s32 s2, $0x0  }
0x129: {  	s3 =	rddreg [dreg:$0x2];
	[bflag:$0x3] =	sbarrier.arrive $0xFFFF;
	s2 =	simm.s32 @!p0 $0x1C11  }
0x12a: {  	[timem:s3], [sflag:s2] =	dma.local @!p0 [hbm:s0], s1  }
0x12b: {  	s0 =	simm.s32 @!p0 $0x11  }
0x12c: {  	_ =	swait.ge @!p0 [sflag:s0], s1  }
0x12d: {  	s1 =	ssub.s32 @!p0 $0x0, s1;
	[sflag:s0] =	ssyncset.done @!p0 $0x0  }
0x12e: {  	[sflag:s0] =	ssyncadd.s32 @!p0 s1  }
0x12f: {  	[bflag:$0x3] =	sbarrier.arrive $0xFFFF  }
0x130: {  	_ =	shalt  }

// kernel: kernel.16.cloned.1.call-start
scs
__scs_entry_jumppad:
0x0: {  	(pc) =	sbr.rel $0x88, $3  }
0x1: {  	(tag) =	ssettag $0x0;
	lr =	simm.s32 $0x1  }
0x2: {  	[smem:$0x3F96] =	sst lr;
	_ =	strace $0xD0000000  }
0x3: {  	_ = 	snop  }
0x4: {  	_ = 	snop  }
0x5: {  	_ = 	snop  }
0x6: {  	_ = 	snop  }
0x7: {  	_ = 	snop  }
__scs_overlays_trampoline_lowered:
0x8: {  	[smem:$0x3FA5] =	sst s0  }
0x9: {  	[smem:$0x3FA6] =	sst s1  }
0xa: {  	[smem:$0x3FA7] =	sst s2  }
0xb: {  	[smem:$0x3FA8] =	sst s3  }
0xc: {  	[smem:$0x3FA9] =	sst s4  }
0xd: {  	[smem:$0x3FAA] =	sst s5  }
0xe: {  	[smem:$0x3FAB] =	sst s6  }
0xf: {  	[smem:$0x3FAC] =	sst s7  }
0x10: {  	[smem:$0x3FAD] =	sst s8  }
0x11: {  	[smem:$0x3FAE] =	sst s9;
	s0 =	simm.s32 @!p0 $0x0  }
0x12: {  	s1 =	sld [smem:$0x3F94];
	s0 =	simm.s32 @p0 $0x1  }
0x13: {  	[smem:$0x3FAF] =	sst s0;
	s0 =	simm.s32 @!p1 $0x0  }
0x14: {  	s2 =	sld [smem:$0x3F93];
	s0 =	simm.s32 @p1 $0x1  }
0x15: {  	[smem:$0x3FB0] =	sst s0;
	s0 =	simm.s32 @!p2 $0x0  }
0x16: {  	s3 =	sld [smem:$0x3FDB];
	s0 =	simm.s32 @p2 $0x1  }
0x17: {  	s4 =	simm.s32 $0x1BF5;
	[smem:$0x3FB2] =	sst s0  }
0x18: {  	s0 =	sld [smem:$0x3F95];
	_ =	swait.ge [sflag:s4], $0x0  }
0x19: {  	s7 =	sld [smem:$0x3F96]  }
0x1a: {  	s8 =	sadd.s32 $0xFFFFE003, lr  }
0x1b: {  	s9 =	sadd.s32 $0xFFFFFEF7, lr;
	s5 =	simm.s32 $0xFFFFFFFF;
	p2 =	slt.u32 s8, $0xFFFFF086  }
0x1c: {  	p1 =	slt.u32 s9, $0xF7A;
	s5 =	simm.s32 @!p2 $0x0  }
0x1d: {  	s5 =	simm.s32 @p1 $0x1;
	p0 =	seq.s32 s7, s2  }
0x1e: {  	s7 =	smul.u32 @!p0 $0xF7A, s2;
	p2 =	seq.s32 @!p0 s5, $0x0  }
0x1f: {  	s9 =	smul.u32 $0xF7A, s1;
	s8 =	simm.s32 @!p0 $0x1BF5;
	p2 =	por !p2, p0  }
0x20: {  	[sflag:s8] =	ssyncset.s32 @!p0 $0xFFFFF086;
	s6 =	sadd.s32 @!p0 s3, s7;
	s7 =	simm.s32 @!p0 $0x108  }
0x21: {  	s3 =	sadd.s32 s3, s9;
	s6 =	sadd.s32 @!p0 $0x88, s6;
	s7 =	simm.s32 @p2 $0x1082  }
0x22: {  	[simem:s7], [sflag:s8] =	dma.local @!p0 [hbm:s6], $0xF7A  }
0x23: {  	s9 =	sor.u32 $0xD0000000, s2;
	s6 =	simm.s32 $0x108;
	_ =	swait.ge @!p0 [sflag:s8], $0x0  }
0x24: {  	s3 =	sadd.s32 $0x88, s3;
	s6 =	simm.s32 @!p1 $0x1082;
	[sflag:s4] =	ssyncset.s32 $0xFFFFF086  }
0x25: {  	[simem:s6], [sflag:s4] =	dma.local [hbm:s3], $0xF7A  }
0x26: {  	[smem:$0x3F96] =	sst s1;
	(tag) =	ssettag s2;
	_ =	strace s9  }
0x27: {  	s1 =	sld [smem:$0x3FA6]  }
0x28: {  	s2 =	sld [smem:$0x3FA7]  }
0x29: {  	s4 =	sld [smem:$0x3FA9]  }
0x2a: {  	p0 =	seq.s32 s5, $0x0;
	s5 =	sld [smem:$0x3FAA]  }
0x2b: {  	s6 =	sld [smem:$0x3FAB]  }
0x2c: {  	s7 =	sld [smem:$0x3FAC]  }
0x2d: {  	s3 =	simm.s32 $0x108;
	s8 =	sld [smem:$0x3FAD]  }
0x2e: {  	s3 =	simm.s32 @!p0 $0x1082;
	s9 =	sld [smem:$0x3FAE]  }
0x2f: {  	lr =	sadd.s32 s0, s3;
	s0 =	sld [smem:$0x3FA5]  }
0x30: {  	s3 =	sld [smem:$0x3FA8]  }
0x31: {  	[smem:$0x3FB1] =	sst s10  }
0x32: {  	s10 =	sld [smem:$0x3FAF];
	_ =	sdelay $0x3  }
0x33: {  	p0 =	seq.s32 s10, $0x1;
	s10 =	sld [smem:$0x3FB1];
	_ =	sdelay $0x3  }
0x34: {  	[smem:$0x3FB1] =	sst s10  }
0x35: {  	s10 =	sld [smem:$0x3FB0];
	_ =	sdelay $0x3  }
0x36: {  	p1 =	seq.s32 s10, $0x1;
	s10 =	sld [smem:$0x3FB1];
	_ =	sdelay $0x3  }
0x37: {  	[smem:$0x3FB1] =	sst s10  }
0x38: {  	s10 =	sld [smem:$0x3FB2]  }
0x39: {  	_ = 	snop;
	(pc) =	sbr.ind lr, $3  }
0x3a: {  	_ = 	snop  }
0x3b: {  	_ = 	snop  }
0x3c: {  	p2 =	seq.s32 s10, $0x1;
	s10 =	sld [smem:$0x3FB1]  }
0x3d: {  	_ =	shalt  }
0x3e: {  	_ =	shalt  }
0x3f: {  	_ =	shalt  }
0x40: {  	_ =	shalt  }
0x41: {  	_ =	shalt  }
0x42: {  	_ =	shalt  }
0x43: {  	_ =	shalt  }
0x44: {  	_ =	shalt  }
0x45: {  	_ =	shalt  }
0x46: {  	_ =	shalt  }
0x47: {  	_ =	shalt  }
0x48: {  	_ =	shalt  }
0x49: {  	_ =	shalt  }
0x4a: {  	_ =	shalt  }
0x4b: {  	_ =	shalt  }
0x4c: {  	_ =	shalt  }
0x4d: {  	_ =	shalt  }
0x4e: {  	_ =	shalt  }
0x4f: {  	_ =	shalt  }
0x50: {  	_ =	shalt  }
0x51: {  	_ =	shalt  }
0x52: {  	_ =	shalt  }
0x53: {  	_ =	shalt  }
0x54: {  	_ =	shalt  }
0x55: {  	_ =	shalt  }
0x56: {  	_ =	shalt  }
0x57: {  	_ =	shalt  }
0x58: {  	_ =	shalt  }
0x59: {  	_ =	shalt  }
0x5a: {  	_ =	shalt  }
0x5b: {  	_ =	shalt  }
0x5c: {  	_ =	shalt  }
0x5d: {  	_ =	shalt  }
0x5e: {  	_ =	shalt  }
0x5f: {  	_ =	shalt  }
0x60: {  	_ =	shalt  }
0x61: {  	_ =	shalt  }
0x62: {  	_ =	shalt  }
0x63: {  	_ =	shalt  }
0x64: {  	_ =	shalt  }
0x65: {  	_ =	shalt  }
0x66: {  	_ =	shalt  }
0x67: {  	_ =	shalt  }
0x68: {  	_ =	shalt  }
0x69: {  	_ =	shalt  }
0x6a: {  	_ =	shalt  }
0x6b: {  	_ =	shalt  }
0x6c: {  	_ =	shalt  }
0x6d: {  	_ =	shalt  }
0x6e: {  	_ =	shalt  }
0x6f: {  	_ =	shalt  }
0x70: {  	_ =	shalt  }
0x71: {  	_ =	shalt  }
0x72: {  	_ =	shalt  }
0x73: {  	_ =	shalt  }
0x74: {  	_ =	shalt  }
0x75: {  	_ =	shalt  }
0x76: {  	_ =	shalt  }
0x77: {  	_ =	shalt  }
0x78: {  	_ =	shalt  }
0x79: {  	_ =	shalt  }
0x7a: {  	_ =	shalt  }
0x7b: {  	_ =	shalt  }
0x7c: {  	_ =	shalt  }
0x7d: {  	_ =	shalt  }
0x7e: {  	_ =	shalt  }
0x7f: {  	_ =	shalt  }
0x80: {  	_ =	shalt  }
0x81: {  	_ =	shalt  }
0x82: {  	_ =	shalt  }
0x83: {  	_ =	shalt  }
0x84: {  	_ =	shalt  }
0x85: {  	_ =	shalt  }
0x86: {  	_ =	shalt  }
0x87: {  	_ =	shalt  }
.Lfunc_end0:
.L_simem_size_0:
called_computation.2_lowered:
.L_overlay_start_0:
0x88: {  	s2 =	sld [smem:$0x3FD9]  }
0x89: {  	s3 =	sld [smem:$0x3FFE];
	_ =	sdelay $0x1  }
0x8a: {  	s1 =	srdreg.scid  }
0x8b: {  	s0 =	sand.u32 $0x1, s1  }
0x8c: {  	s16 =	sshll.u32 s0, $0xA;
	s2 =	sadd.s32 s3, s2  }
0x8d: {  	s2 =	sadd.s32 s2, s16  }
0x8e: {  	[smem:$0x3FBD] =	sst s2  }
0x8f: {  	_ = 	snop  }
0x90: {  	(tm) =	ssettm $0x1  }
0x91: {  	s17 =	sld [smem:$0x3FFB];
	_ =	sdelay $0x3  }
0x92: {  	_ =	strace s17  }
0x93: {  	s2 =	sld [smem:$0x3FFC];
	_ =	sdelay $0x3  }
0x94: {  	_ =	strace s2  }
0x95: {  	s2 =	sld [smem:$0x3FFD];
	_ =	sdelay $0x3  }
0x96: {  	_ =	strace s2  }
0x97: {  	_ =	strace $0x8FFFFFFF  }
0x98: {  	s18 =	sld [smem:$0x3FDB];
	_ =	sdelay $0x1  }
0x99: {  	s19 =	simm.s32 $_scs_section_size  }
0x9a: {  	s4 =	simm.s32 $_size__tile_overlayer_lowered;
	s5 =	simm.s32 $_tile_overlayer_lowered  }
0x9b: {  	s22 =	simm.s32 $0x1BFF;
	s21 =	sshll.u32 s5, $0x1;
	s2 =	sadd.s32 s19, s18  }
0x9c: {  	s6 =	simm.s32 $0x0;
	s20 =	sshll.u32 s4, $0x1;
	s4 =	sadd.s32 s21, s2  }
0x9d: {  	[timem:s6], [sflag:s22] =	dma.local [hbm:s4], s20  }
0x9e: {  	_ =	swait.ge [sflag:s22], s20  }
0x9f: {  	s3 =	ssub.s32 $0x0, s20;
	[sflag:s22] =	ssyncset.done $0x0  }
0xa0: {  	[sflag:s22] =	ssyncadd.s32 s3;
	_ =	sdelay $0x1  }
0xa1: {  	s23 =	simm.s32 $0x1B8B  }
0xa2: {  	_ =	swait.ge [sflag:s23], $0x1  }
0xa3: {  	[sflag:s23] =	ssyncset.done $0x0  }
0xa4: {  	s25 =	simm.s32 $0x1B8E;
	s24 =	sld [smem:$0x3FFE];
	[sflag:s23] =	ssyncadd.s32 $0xFFFFFFFF  }
0xa5: {  	s26 =	simm.s32 $execute0_lowered;
	[smem:$0x3FD2] =	sst s25  }
0xa6: {  	s4 =	sshll.u32 s26, $0x1;
	_ =	strace $0x8000004C;
	[dreg:$0x1] =	wrdreg $0xFFFFFFFF  }
0xa7: {  	s28 =	simm.s32 $_size_execute0_lowered;
	s2 =	sadd.s32 s2, s4;
	[dreg:$0x0] =	wrdreg $0x0  }
0xa8: {  	s4 =	sshll.u32 s28, $0x1;
	[dreg:$0x2] =	wrdreg s2  }
0xa9: {  	[dreg:$0x3] =	wrdreg s4  }
0xaa: {  	[dreg:$0x4] =	wrdreg $0xC0  }
0xab: {  	_ =	task [dreg:s6], $0x5FFFF  }
0xac: {  	[dreg:$0x1] =	wrdreg $0xFFFFFFFF  }
0xad: {  	[dreg:$0x0] =	wrdreg $0x60  }
0xae: {  	[dreg:$0x2] =	wrdreg s24  }
0xaf: {  	[dreg:$0x3] =	wrdreg $0x150000  }
0xb0: {  	[dreg:$0x4] =	wrdreg $0x9  }
0xb1: {  	_ =	task.clear_ibuf [dreg:s6], $0x5FFFF;
	_ =	strace $0x9000004C  }
0xb2: {  	s29 =	simm.s32 $0x9;
	_ =	strace $0x8000004E  }
0xb3: {  	_ =	swait.ge [sflag:s29], $0x1  }
0xb4: {  	[sflag:s29] =	ssyncadd.s32 $0xFFFFFFFF  }
0xb5: {  	_ =	strace $0x9000004E  }
0xb6: {  	_ =	sfence  }
0xb7: {  	s30 =	sld [smem:$0x0];
	_ =	sdelay $0x2  }
0xb8: {  	s31 =	sshll.u32 s1, $0xD;
	s1 =	sshrl.u32 s1, $0x2  }
0xb9: {  	s3 =	sand.u32 $0x4000, s31;
	s1 =	sadd.s32 s1, s30  }
0xba: {  	s0 =	sor.u32 s3, s0;
	s1 =	sshll.u32 s1, $0x11  }
0xbb: {  	s0 =	sor.u32 s1, s0  }
0xbc: {  	s0 =	sadd.s32 $0x8F2B, s0  }
0xbd: {  	[sflag:s0] =	ssyncadd.remote.s32 $0x1  }
0xbe: {  	_ =	sfence.sel $0xFFFF  }
0xbf: {  	[dreg:$0x0] =	wrdreg $0xFFFFFFFF;
	(pc) =	sbr.abs _section_cstart, $3  }
0xc0: {  	[dreg:$0x1] =	wrdreg $0xFFFFFFFF  }
0xc1: {  	_ =	task.clear_ibuf [dreg:s6], $0x2FFFF;
	_ =	strace $0x9FFFFFFF  }
0xc2: {  	(tm) =	ssettm $0x7FFFFFFF  }
0xc3: {  	_ =	shalt  }
tec
execute0_lowered:
.L_overlay_start_1:
0x0: {  	(tag) =	ssettag $0x1  }
0x1: {  	s0 =	rddreg [dreg:$0x0]  }
0x2: {  	s2 =	rddreg [dreg:$0x1]  }
0x3: {  	s3 =	simm.s32 $0x0;
	s1 =	srdreg.scid;
	s9 =	stileid.u32  }
0x4: {  	s28 =	simm.s32 $0xD000;
	s30 =	simm.s32 $0xF000;
	s12 =	simm.s32 $0x4  }
0x5: {  	s29 =	simm.s32 $0x8;
	s31 =	simm.s32 $0xA;
	s10 =	simm.s32 $0x10  }
0x6: {  	s11 =	simm.s32 $0x0;
	[smem:$0x7FF] =	sst s3;
	s1 =	sand.u32 $0x1, s1  }
0x7: {  	s13 =	smul.u32 $0xA000, s9;
	s4 =	sadd.s32 $0x17400, s0;
	s7 =	sshll.u32 s9, $0x4  }
0x8: {  	s16 =	smul.u32 $0x28000, s9;
	s3 =	simm.s32 $0xB;
	s9 =	simm.s32 $0xC  }
0x9: {  	_ =	strace $0x8000004D;
	s5 =	smul.u32 $0xA0000, s1;
	s6 =	sshll.u32 s1, $0x8  }
0xa: {  	s14 =	ssub.s32 $0x2, s1;
	p0 =	seq.s32 s1, $0x1;
	s6 =	sor.u32 s7, s6  }
0xb: {  	s8 =	sshrl.u32 s14, $0x1;
	s18 =	sadd.s32 s13, s2;
	s19 =	sshrl.u32 s13, $0x3  }
0xc: {  	s20 =	sshrl.u32 s16, $0x2;
	s16 =	simm.s32 $0x80;
	s5 =	sadd.s32 s13, s5  }
0xd: {  	s6 =	sadd.s32 s6, s0;
	s15 =	ssub.s32 s14, s8;
	[dreg:$0x5] =	wrdreg s18  }
0xe: {  	s1 =	sadd.s32 s4, s19;
	s21 =	sadd.s32 s20, s2;
	s18 =	simm.s32 $0x11  }
0xf: {  	s20 =	simm.s32 $0x5000;
	s19 =	simm.s32 $0x13000;
	[dreg:$0x6] =	wrdreg s1  }
0x10: {  	s8 =	simm.s32 $0x1;
	s17 =	sadd.s32 $0xD400, s6;
	[dreg:$0x7] =	wrdreg s21  }
0x11: {  	s13 =	simm.s32 $0x6;
	s6 =	sadd.s32 $0x3400, s6;
	[dreg:$0x3] =	wrdreg s17  }
0x12: {  	s14 =	simm.s32 $0x7;
	s22 =	smax.u32 s15, $0x1;
	[dreg:$0x4] =	wrdreg s6  }
0x13: {  	s5 =	sshrl.u32 s5, $0x3;
	s23 =	sadd.s32 $0x2000, s21;
	[dreg:$0x9] =	wrdreg s22  }
0x14: {  	s24 =	sadd.s32 $0x4000, s21;
	s25 =	sadd.s32 $0x6000, s21;
	[dreg:$0xa] =	wrdreg s23  }
0x15: {  	s26 =	sadd.s32 $0x8000, s21;
	s21 =	simm.s32 $0x7000;
	[dreg:$0xb] =	wrdreg s24  }
0x16: {  	s15 =	simm.s32 $0x9;
	s1 =	simm.s32 $0xD;
	[dreg:$0xc] =	wrdreg s25  }
0x17: {  	s0 =	sadd.s32 s5, s0;
	[dreg:$0xd] =	wrdreg s26;
	s23 =	simm.s32 $0x9000  }
0x18: {  	s25 =	simm.s32 $0xB000;
	s22 =	simm.s32 $0x2;
	s24 =	simm.s32 $0x3  }
0x19: {  	s26 =	simm.s32 $0x5;
	s5 =	simm.s32 $0xE;
	s0 =	sadd.s32 $0x2B400, s0  }
0x1a: {  	v0 =	vimm.f32 $0.0e+00;
	s6 =	simm.s32 $0xF;
	[dreg:$0x8] =	wrdreg s0;
	s0 =	simm.s32 $0x11000  }
.LBB2_1:
0x1b: {  	[dreg:$0xe] =	wrdreg s11  }
0x1c: {  	s7 =	simm.s32 $0x0;
	s11 =	rddreg [dreg:$0x3];
	s17 =	simm.s32 $0x1000  }
0x1d: {  	[tilespmem:s7], [sflag:$0x11] =	stream.strided.gather [hbm4b:s11+s16], $0x2800, s17, s16, $0x38;
	[tilespmem:$0x1F000] =	vst v63  }
0x1e: {  	_ =	swait.ge [sflag:s18], $0x2800  }
0x1f: {  	s11 =	simm.s32 $0x2800;
	[sflag:s18] =	ssyncset.done $0x0  }
.Ltmp0:
0x20: {  	s7 =	rddreg [dreg:$0x4];
	[sflag:s18] =	ssyncadd.s32 $0xFFFFD800;
	(pc) =	sbr.rel @!p0 .LBB2_2-.Ltmp0, $4  }
0x21: {  	[tilespmem:s11], [sflag:$0x11] =	stream.strided.gather [hbm4b:s7+s16], $0x2800, s17, s16, $0x38;
	[tilespmem:$0x1F000] =	vst v63  }
0x22: {  	_ =	swait.ge [sflag:s18], $0x2800  }
0x23: {  	[sflag:s18] =	ssyncset.done $0x0  }
0x24: {  	[sflag:s18] =	ssyncadd.s32 $0xFFFFD800  }
0x25: {  	s11 =	simm.s32 $0x100;
	s7 =	simm.s32 $0x0  }
.LBB2_4:
0x26: {  	p1 =	sne.s32 s11, $0x7F00;
	[tilespmem:s7+$0x5030] =	vst v0;
	s17 =	smov.u32 s11;
	s11 =	sadd.s32 $0x100, s11  }
.Ltmp1:
0x27: {  	[tilespmem:s7+$0x5020] =	vst v0;
	(pc) =	sbr.rel @p1 .LBB2_4-.Ltmp1, $3  }
0x28: {  	[tilespmem:s7+$0x5000] =	vst v0  }
0x29: {  	[tilespmem:s7+$0x5010] =	vst v0;
	_ =	sdelay $0x1  }
0x2a: {  	s7 =	sshra.s32 s17, $0x2  }
0x2b: {  	[tilespmem:s7+$0x5030] =	vst v0  }
0x2c: {  	[tilespmem:s7+$0x5020] =	vst v0  }
0x2d: {  	[tilespmem:s7+$0x5000] =	vst v0  }
0x2e: {  	[tilespmem:s7+$0x5010] =	vst v0;
	s17 =	rddreg [dreg:$0x7]  }
0x2f: {  	[spmem:s17] =	stream.linear.scatter [tilespmem:s20], [sflag:$0x11], $0x2000, $0x38;
	[tilespmem:$0x1F000] =	vst v63  }
0x30: {  	_ =	swait.ge [sflag:s18], $0x2000  }
0x31: {  	[sflag:s18] =	ssyncset.done $0x0  }
0x32: {  	s11 =	rddreg [dreg:$0xa];
	[sflag:s18] =	ssyncadd.s32 $0xFFFFE000  }
0x33: {  	[spmem:s11] =	stream.linear.scatter [tilespmem:s20], [sflag:$0x11], $0x2000, $0x38;
	[tilespmem:$0x1F000] =	vst v63  }
0x34: {  	_ =	swait.ge [sflag:s18], $0x2000  }
0x35: {  	[sflag:s18] =	ssyncset.done $0x0  }
0x36: {  	s17 =	rddreg [dreg:$0xb];
	[sflag:s18] =	ssyncadd.s32 $0xFFFFE000  }
0x37: {  	[spmem:s17] =	stream.linear.scatter [tilespmem:s20], [sflag:$0x11], $0x2000, $0x38;
	[tilespmem:$0x1F000] =	vst v63  }
0x38: {  	_ =	swait.ge [sflag:s18], $0x2000  }
0x39: {  	[sflag:s18] =	ssyncset.done $0x0  }
0x3a: {  	s11 =	rddreg [dreg:$0xc];
	[sflag:s18] =	ssyncadd.s32 $0xFFFFE000  }
0x3b: {  	[spmem:s11] =	stream.linear.scatter [tilespmem:s20], [sflag:$0x11], $0x2000, $0x38;
	[tilespmem:$0x1F000] =	vst v63  }
0x3c: {  	_ =	swait.ge [sflag:s18], $0x2000  }
0x3d: {  	[sflag:s18] =	ssyncset.done $0x0  }
.Ltmp2:
0x3e: {  	s17 =	rddreg [dreg:$0xd];
	[sflag:s18] =	ssyncadd.s32 $0xFFFFE000;
	(pc) =	sbr.rel .LBB2_6-.Ltmp2, $4  }
0x3f: {  	[spmem:s17] =	stream.linear.scatter [tilespmem:s20], [sflag:$0x11], $0x2000, $0x38;
	[tilespmem:$0x1F000] =	vst v63  }
0x40: {  	_ =	swait.ge [sflag:s18], $0x2000  }
0x41: {  	[sflag:s18] =	ssyncset.done $0x0  }
0x42: {  	[sflag:s18] =	ssyncadd.s32 $0xFFFFE000  }
.LBB2_2:
0x43: {  	s7 =	stileid.u32  }
0x44: {  	s11 =	rddreg [dreg:$0x5];
	s7 =	sshll.u32 s7, $0x6  }
0x45: {  	s17 =	rddreg [dreg:$0x6];
	s11 =	sshrl.u32 s11, $0x3;
	s7 =	sor.u32 $0x1C11, s7  }
0x46: {  	[spmem:s11], [sflag:s7] =	dma.local [hbm:s17], $0x1400  }
0x47: {  	_ =	swait.ge [sflag:s18], $0x1400  }
0x48: {  	[sflag:s18] =	ssyncset.done $0x0  }
0x49: {  	[sflag:s18] =	ssyncadd.s32 $0xFFFFEC00  }
.LBB2_6:
0x4a: {  	[bflag:$0x0] =	sbarrier.arrive $0xFFFF;
	s7 =	simm.s32 $0x0  }
0x4b: {  	[tilespmem:s20], [sflag:$0x1] =	stream.indirect.gather [hbm4b:s4+s16], $0x40, s7, s16, $0xb8;
	[tilespmem:$0x1F000] =	vst v63  }
0x4c: {  	_ = 	snop  }
0x4d: {  	[tilespmem:s21], [sflag:$0x2] =	stream.indirect.gather [hbm4b:s4+s16], $0x40, s16, s16, $0xb8;
	[tilespmem:$0x1F000] =	vst v63  }
0x4e: {  	s17 =	simm.s32 $0x100  }
0x4f: {  	[tilespmem:s23], [sflag:$0x3] =	stream.indirect.gather [hbm4b:s4+s16], $0x40, s17, s16, $0xb8;
	[tilespmem:$0x1F000] =	vst v63  }
0x50: {  	s11 =	simm.s32 $0x180  }
0x51: {  	[tilespmem:s25], [sflag:$0x4] =	stream.indirect.gather [hbm4b:s4+s16], $0x40, s11, s16, $0xb8;
	[tilespmem:$0x1F000] =	vst v63  }
0x52: {  	s17 =	simm.s32 $0x200  }
0x53: {  	[tilespmem:s28], [sflag:$0x5] =	stream.indirect.gather [hbm4b:s4+s16], $0x40, s17, s16, $0xb8;
	[tilespmem:$0x1F000] =	vst v63  }
0x54: {  	s11 =	simm.s32 $0x280  }
0x55: {  	[tilespmem:s30], [sflag:$0x6] =	stream.indirect.gather [hbm4b:s4+s16], $0x40, s11, s16, $0xb8;
	[tilespmem:$0x1F000] =	vst v63  }
0x56: {  	s17 =	simm.s32 $0x300  }
0x57: {  	[tilespmem:s0], [sflag:$0x7] =	stream.indirect.gather [hbm4b:s4+s16], $0x40, s17, s16, $0xb8;
	[tilespmem:$0x1F000] =	vst v63  }
0x58: {  	s11 =	simm.s32 $0x380  }
0x59: {  	[tilespmem:s19], [sflag:$0x8] =	stream.indirect.gather [hbm4b:s4+s16], $0x40, s11, s16, $0xb8;
	[tilespmem:$0x1F000] =	vst v63  }
0x5a: {  	_ =	swait.ge [sflag:s8], $0x2000  }
0x5b: {  	[sflag:s8] =	ssyncset.done $0x0  }
0x5c: {  	s17 =	simm.s32 $0x2800;
	[sflag:s8] =	ssyncadd.s32 $0xFFFFE000  }
0x5d: {  	[spmem:s2] =	stream.indirect.scatter.add.f32 [tilespmem:s20], [sflag:$0x9], $0x40, s17, s16, $0xb8;
	[tilespmem:$0x1F000] =	vst v63  }
0x5e: {  	_ =	swait.ge [sflag:s22], $0x2000  }
0x5f: {  	[sflag:s22] =	ssyncset.done $0x0  }
0x60: {  	s11 =	simm.s32 $0x2880;
	[sflag:s22] =	ssyncadd.s32 $0xFFFFE000  }
0x61: {  	[spmem:s2] =	stream.indirect.scatter.add.f32 [tilespmem:s21], [sflag:$0xA], $0x40, s11, s16, $0xb8;
	[tilespmem:$0x1F000] =	vst v63  }
0x62: {  	_ =	swait.ge [sflag:s24], $0x2000  }
0x63: {  	[sflag:s24] =	ssyncset.done $0x0  }
0x64: {  	s17 =	simm.s32 $0x2900;
	[sflag:s24] =	ssyncadd.s32 $0xFFFFE000  }
0x65: {  	[spmem:s2] =	stream.indirect.scatter.add.f32 [tilespmem:s23], [sflag:$0xB], $0x40, s17, s16, $0xb8;
	[tilespmem:$0x1F000] =	vst v63  }
0x66: {  	_ =	swait.ge [sflag:s12], $0x2000  }
0x67: {  	[sflag:s12] =	ssyncset.done $0x0  }
0x68: {  	s11 =	simm.s32 $0x2980;
	[sflag:s12] =	ssyncadd.s32 $0xFFFFE000  }
0x69: {  	[spmem:s2] =	stream.indirect.scatter.add.f32 [tilespmem:s25], [sflag:$0xC], $0x40, s11, s16, $0xb8;
	[tilespmem:$0x1F000] =	vst v63  }
0x6a: {  	_ =	swait.ge [sflag:s26], $0x2000  }
0x6b: {  	[sflag:s26] =	ssyncset.done $0x0  }
0x6c: {  	s17 =	simm.s32 $0x2A00;
	[sflag:s26] =	ssyncadd.s32 $0xFFFFE000  }
0x6d: {  	[spmem:s2] =	stream.indirect.scatter.add.f32 [tilespmem:s28], [sflag:$0xD], $0x40, s17, s16, $0xb8;
	[tilespmem:$0x1F000] =	vst v63  }
0x6e: {  	_ =	swait.ge [sflag:s13], $0x2000  }
0x6f: {  	[sflag:s13] =	ssyncset.done $0x0  }
0x70: {  	s11 =	simm.s32 $0x2A80;
	[sflag:s13] =	ssyncadd.s32 $0xFFFFE000  }
0x71: {  	[spmem:s2] =	stream.indirect.scatter.add.f32 [tilespmem:s30], [sflag:$0xE], $0x40, s11, s16, $0xb8;
	[tilespmem:$0x1F000] =	vst v63  }
0x72: {  	_ =	swait.ge [sflag:s14], $0x2000  }
0x73: {  	[sflag:s14] =	ssyncset.done $0x0  }
0x74: {  	s17 =	simm.s32 $0x2B00;
	[sflag:s14] =	ssyncadd.s32 $0xFFFFE000  }
0x75: {  	[spmem:s2] =	stream.indirect.scatter.add.f32 [tilespmem:s0], [sflag:$0xF], $0x40, s17, s16, $0xb8;
	[tilespmem:$0x1F000] =	vst v63  }
0x76: {  	_ =	swait.ge [sflag:s29], $0x2000  }
0x77: {  	[sflag:s29] =	ssyncset.done $0x0  }
0x78: {  	s11 =	simm.s32 $0x2B80;
	[sflag:s29] =	ssyncadd.s32 $0xFFFFE000  }
0x79: {  	[spmem:s2] =	stream.indirect.scatter.add.f32 [tilespmem:s19], [sflag:$0x10], $0x40, s11, s16, $0xb8;
	[tilespmem:$0x1F000] =	vst v63  }
0x7a: {  	_ =	swait.ge [sflag:s15], $0x2000  }
0x7b: {  	[sflag:s15] =	ssyncset.done $0x0  }
0x7c: {  	s17 =	simm.s32 $0x400;
	[sflag:s15] =	ssyncadd.s32 $0xFFFFE000  }
0x7d: {  	[tilespmem:s20], [sflag:$0x1] =	stream.indirect.gather [hbm4b:s4+s16], $0x40, s17, s16, $0xb8;
	[tilespmem:$0x1F000] =	vst v63  }
0x7e: {  	_ =	swait.ge [sflag:s31], $0x2000  }
0x7f: {  	[sflag:s31] =	ssyncset.done $0x0  }
0x80: {  	s11 =	simm.s32 $0x480;
	[sflag:s31] =	ssyncadd.s32 $0xFFFFE000  }
0x81: {  	[tilespmem:s21], [sflag:$0x2] =	stream.indirect.gather [hbm4b:s4+s16], $0x40, s11, s16, $0xb8;
	[tilespmem:$0x1F000] =	vst v63  }
0x82: {  	_ =	swait.ge [sflag:s3], $0x2000  }
0x83: {  	[sflag:s3] =	ssyncset.done $0x0  }
0x84: {  	s17 =	simm.s32 $0x500;
	[sflag:s3] =	ssyncadd.s32 $0xFFFFE000  }
0x85: {  	[tilespmem:s23], [sflag:$0x3] =	stream.indirect.gather [hbm4b:s4+s16], $0x40, s17, s16, $0xb8;
	[tilespmem:$0x1F000] =	vst v63  }
0x86: {  	_ =	swait.ge [sflag:s9], $0x2000  }
0x87: {  	[sflag:s9] =	ssyncset.done $0x0  }
0x88: {  	s11 =	simm.s32 $0x580;
	[sflag:s9] =	ssyncadd.s32 $0xFFFFE000  }
0x89: {  	[tilespmem:s25], [sflag:$0x4] =	stream.indirect.gather [hbm4b:s4+s16], $0x40, s11, s16, $0xb8;
	[tilespmem:$0x1F000] =	vst v63  }
0x8a: {  	_ =	swait.ge [sflag:s1], $0x2000  }
0x8b: {  	[sflag:s1] =	ssyncset.done $0x0  }
0x8c: {  	s17 =	simm.s32 $0x600;
	[sflag:s1] =	ssyncadd.s32 $0xFFFFE000  }
0x8d: {  	[tilespmem:s28], [sflag:$0x5] =	stream.indirect.gather [hbm4b:s4+s16], $0x40, s17, s16, $0xb8;
	[tilespmem:$0x1F000] =	vst v63  }
0x8e: {  	_ =	swait.ge [sflag:s5], $0x2000  }
0x8f: {  	[sflag:s5] =	ssyncset.done $0x0  }
0x90: {  	s11 =	simm.s32 $0x680;
	[sflag:s5] =	ssyncadd.s32 $0xFFFFE000  }
0x91: {  	[tilespmem:s30], [sflag:$0x6] =	stream.indirect.gather [hbm4b:s4+s16], $0x40, s11, s16, $0xb8;
	[tilespmem:$0x1F000] =	vst v63  }
0x92: {  	_ =	swait.ge [sflag:s6], $0x2000  }
0x93: {  	[sflag:s6] =	ssyncset.done $0x0  }
0x94: {  	s17 =	simm.s32 $0x700;
	[sflag:s6] =	ssyncadd.s32 $0xFFFFE000  }
0x95: {  	[tilespmem:s0], [sflag:$0x7] =	stream.indirect.gather [hbm4b:s4+s16], $0x40, s17, s16, $0xb8;
	[tilespmem:$0x1F000] =	vst v63  }
0x96: {  	_ =	swait.ge [sflag:s10], $0x2000  }
0x97: {  	[sflag:s10] =	ssyncset.done $0x0  }
0x98: {  	s7 =	simm.s32 $0x780;
	s11 =	simm.s32 $0x1000;
	[sflag:s10] =	ssyncadd.s32 $0xFFFFE000  }
.LBB2_7:
0x99: {  	[tilespmem:s19], [sflag:$0x8] =	stream.indirect.gather [hbm4b:s4+s16], $0x40, s7, s16, $0xb8;
	[tilespmem:$0x1F000] =	vst v63  }
0x9a: {  	s7 =	smov.u32 s11  }
0x9b: {  	p1 =	sne.s32 s11, $0x8000;
	s11 =	sadd.s32 $0x1000, s11;
	_ =	swait.ge [sflag:s8], $0x2000  }
0x9c: {  	s7 =	sshra.s32 s7, $0x2;
	[sflag:s8] =	ssyncset.done $0x0  }
0x9d: {  	s17 =	sadd.s32 $0x2800, s7;
	[sflag:s8] =	ssyncadd.s32 $0xFFFFE000  }
0x9e: {  	[spmem:s2] =	stream.indirect.scatter.add.f32 [tilespmem:s20], [sflag:$0x9], $0x40, s17, s16, $0xb8;
	[tilespmem:$0x1F000] =	vst v63  }
0x9f: {  	_ =	swait.ge [sflag:s22], $0x2000  }
0xa0: {  	[sflag:s22] =	ssyncset.done $0x0  }
0xa1: {  	s17 =	sadd.s32 $0x2880, s7;
	[sflag:s22] =	ssyncadd.s32 $0xFFFFE000  }
0xa2: {  	[spmem:s2] =	stream.indirect.scatter.add.f32 [tilespmem:s21], [sflag:$0xA], $0x40, s17, s16, $0xb8;
	[tilespmem:$0x1F000] =	vst v63  }
0xa3: {  	_ =	swait.ge [sflag:s24], $0x2000  }
0xa4: {  	[sflag:s24] =	ssyncset.done $0x0  }
0xa5: {  	s17 =	sadd.s32 $0x2900, s7;
	[sflag:s24] =	ssyncadd.s32 $0xFFFFE000  }
0xa6: {  	[spmem:s2] =	stream.indirect.scatter.add.f32 [tilespmem:s23], [sflag:$0xB], $0x40, s17, s16, $0xb8;
	[tilespmem:$0x1F000] =	vst v63  }
0xa7: {  	_ =	swait.ge [sflag:s12], $0x2000  }
0xa8: {  	[sflag:s12] =	ssyncset.done $0x0  }
0xa9: {  	s17 =	sadd.s32 $0x2980, s7;
	[sflag:s12] =	ssyncadd.s32 $0xFFFFE000  }
0xaa: {  	[spmem:s2] =	stream.indirect.scatter.add.f32 [tilespmem:s25], [sflag:$0xC], $0x40, s17, s16, $0xb8;
	[tilespmem:$0x1F000] =	vst v63  }
0xab: {  	_ =	swait.ge [sflag:s26], $0x2000  }
0xac: {  	[sflag:s26] =	ssyncset.done $0x0  }
0xad: {  	s17 =	sadd.s32 $0x2A00, s7;
	[sflag:s26] =	ssyncadd.s32 $0xFFFFE000  }
0xae: {  	[spmem:s2] =	stream.indirect.scatter.add.f32 [tilespmem:s28], [sflag:$0xD], $0x40, s17, s16, $0xb8;
	[tilespmem:$0x1F000] =	vst v63  }
0xaf: {  	_ =	swait.ge [sflag:s13], $0x2000  }
0xb0: {  	[sflag:s13] =	ssyncset.done $0x0  }
0xb1: {  	s17 =	sadd.s32 $0x2A80, s7;
	[sflag:s13] =	ssyncadd.s32 $0xFFFFE000  }
0xb2: {  	[spmem:s2] =	stream.indirect.scatter.add.f32 [tilespmem:s30], [sflag:$0xE], $0x40, s17, s16, $0xb8;
	[tilespmem:$0x1F000] =	vst v63  }
0xb3: {  	_ =	swait.ge [sflag:s14], $0x2000  }
0xb4: {  	[sflag:s14] =	ssyncset.done $0x0  }
0xb5: {  	s17 =	sadd.s32 $0x2B00, s7;
	[sflag:s14] =	ssyncadd.s32 $0xFFFFE000  }
0xb6: {  	[spmem:s2] =	stream.indirect.scatter.add.f32 [tilespmem:s0], [sflag:$0xF], $0x40, s17, s16, $0xb8;
	[tilespmem:$0x1F000] =	vst v63  }
0xb7: {  	_ =	swait.ge [sflag:s29], $0x2000  }
0xb8: {  	[sflag:s29] =	ssyncset.done $0x0  }
0xb9: {  	s17 =	sadd.s32 $0x2B80, s7;
	[sflag:s29] =	ssyncadd.s32 $0xFFFFE000  }
0xba: {  	[spmem:s2] =	stream.indirect.scatter.add.f32 [tilespmem:s19], [sflag:$0x10], $0x40, s17, s16, $0xb8;
	[tilespmem:$0x1F000] =	vst v63  }
0xbb: {  	_ =	swait.ge [sflag:s15], $0x2000  }
0xbc: {  	[sflag:s15] =	ssyncset.done $0x0  }
0xbd: {  	s17 =	sadd.s32 $0x400, s7;
	[sflag:s15] =	ssyncadd.s32 $0xFFFFE000  }
0xbe: {  	[tilespmem:s20], [sflag:$0x1] =	stream.indirect.gather [hbm4b:s4+s16], $0x40, s17, s16, $0xb8;
	[tilespmem:$0x1F000] =	vst v63  }
0xbf: {  	_ =	swait.ge [sflag:s31], $0x2000  }
0xc0: {  	[sflag:s31] =	ssyncset.done $0x0  }
0xc1: {  	s17 =	sadd.s32 $0x480, s7;
	[sflag:s31] =	ssyncadd.s32 $0xFFFFE000  }
0xc2: {  	[tilespmem:s21], [sflag:$0x2] =	stream.indirect.gather [hbm4b:s4+s16], $0x40, s17, s16, $0xb8;
	[tilespmem:$0x1F000] =	vst v63  }
0xc3: {  	_ =	swait.ge [sflag:s3], $0x2000  }
0xc4: {  	[sflag:s3] =	ssyncset.done $0x0  }
0xc5: {  	s17 =	sadd.s32 $0x500, s7;
	[sflag:s3] =	ssyncadd.s32 $0xFFFFE000  }
0xc6: {  	[tilespmem:s23], [sflag:$0x3] =	stream.indirect.gather [hbm4b:s4+s16], $0x40, s17, s16, $0xb8;
	[tilespmem:$0x1F000] =	vst v63  }
0xc7: {  	_ =	swait.ge [sflag:s9], $0x2000  }
0xc8: {  	[sflag:s9] =	ssyncset.done $0x0  }
0xc9: {  	s17 =	sadd.s32 $0x580, s7;
	[sflag:s9] =	ssyncadd.s32 $0xFFFFE000  }
0xca: {  	[tilespmem:s25], [sflag:$0x4] =	stream.indirect.gather [hbm4b:s4+s16], $0x40, s17, s16, $0xb8;
	[tilespmem:$0x1F000] =	vst v63  }
0xcb: {  	_ =	swait.ge [sflag:s1], $0x2000  }
0xcc: {  	[sflag:s1] =	ssyncset.done $0x0  }
0xcd: {  	s17 =	sadd.s32 $0x600, s7;
	[sflag:s1] =	ssyncadd.s32 $0xFFFFE000  }
0xce: {  	[tilespmem:s28], [sflag:$0x5] =	stream.indirect.gather [hbm4b:s4+s16], $0x40, s17, s16, $0xb8;
	[tilespmem:$0x1F000] =	vst v63  }
0xcf: {  	_ =	swait.ge [sflag:s5], $0x2000  }
0xd0: {  	[sflag:s5] =	ssyncset.done $0x0  }
0xd1: {  	s17 =	sadd.s32 $0x680, s7;
	[sflag:s5] =	ssyncadd.s32 $0xFFFFE000  }
0xd2: {  	[tilespmem:s30], [sflag:$0x6] =	stream.indirect.gather [hbm4b:s4+s16], $0x40, s17, s16, $0xb8;
	[tilespmem:$0x1F000] =	vst v63  }
0xd3: {  	_ =	swait.ge [sflag:s6], $0x2000  }
0xd4: {  	[sflag:s6] =	ssyncset.done $0x0  }
.Ltmp3:
0xd5: {  	s17 =	sadd.s32 $0x700, s7;
	[sflag:s6] =	ssyncadd.s32 $0xFFFFE000;
	(pc) =	sbr.rel @p1 .LBB2_7-.Ltmp3, $4  }
0xd6: {  	[tilespmem:s0], [sflag:$0x7] =	stream.indirect.gather [hbm4b:s4+s16], $0x40, s17, s16, $0xb8;
	[tilespmem:$0x1F000] =	vst v63  }
0xd7: {  	_ =	swait.ge [sflag:s10], $0x2000  }
0xd8: {  	[sflag:s10] =	ssyncset.done $0x0  }
0xd9: {  	s7 =	sadd.s32 $0x780, s7;
	[sflag:s10] =	ssyncadd.s32 $0xFFFFE000  }
0xda: {  	[tilespmem:s19], [sflag:$0x8] =	stream.indirect.gather [hbm4b:s4+s16], $0x40, s7, s16, $0xb8;
	[tilespmem:$0x1F000] =	vst v63  }
0xdb: {  	_ =	swait.ge [sflag:s8], $0x2000  }
0xdc: {  	[sflag:s8] =	ssyncset.done $0x0  }
0xdd: {  	s17 =	simm.s32 $0x4C00;
	[sflag:s8] =	ssyncadd.s32 $0xFFFFE000  }
0xde: {  	[spmem:s2] =	stream.indirect.scatter.add.f32 [tilespmem:s20], [sflag:$0x9], $0x40, s17, s16, $0xb8;
	[tilespmem:$0x1F000] =	vst v63  }
0xdf: {  	_ =	swait.ge [sflag:s22], $0x2000  }
0xe0: {  	[sflag:s22] =	ssyncset.done $0x0  }
0xe1: {  	s11 =	simm.s32 $0x4C80;
	[sflag:s22] =	ssyncadd.s32 $0xFFFFE000  }
0xe2: {  	[spmem:s2] =	stream.indirect.scatter.add.f32 [tilespmem:s21], [sflag:$0xA], $0x40, s11, s16, $0xb8;
	[tilespmem:$0x1F000] =	vst v63  }
0xe3: {  	_ =	swait.ge [sflag:s24], $0x2000  }
0xe4: {  	[sflag:s24] =	ssyncset.done $0x0  }
0xe5: {  	s17 =	simm.s32 $0x4D00;
	[sflag:s24] =	ssyncadd.s32 $0xFFFFE000  }
0xe6: {  	[spmem:s2] =	stream.indirect.scatter.add.f32 [tilespmem:s23], [sflag:$0xB], $0x40, s17, s16, $0xb8;
	[tilespmem:$0x1F000] =	vst v63  }
0xe7: {  	_ =	swait.ge [sflag:s12], $0x2000  }
0xe8: {  	[sflag:s12] =	ssyncset.done $0x0  }
0xe9: {  	s11 =	simm.s32 $0x4D80;
	[sflag:s12] =	ssyncadd.s32 $0xFFFFE000  }
0xea: {  	[spmem:s2] =	stream.indirect.scatter.add.f32 [tilespmem:s25], [sflag:$0xC], $0x40, s11, s16, $0xb8;
	[tilespmem:$0x1F000] =	vst v63  }
0xeb: {  	_ =	swait.ge [sflag:s26], $0x2000  }
0xec: {  	[sflag:s26] =	ssyncset.done $0x0  }
0xed: {  	s17 =	simm.s32 $0x4E00;
	[sflag:s26] =	ssyncadd.s32 $0xFFFFE000  }
0xee: {  	[spmem:s2] =	stream.indirect.scatter.add.f32 [tilespmem:s28], [sflag:$0xD], $0x40, s17, s16, $0xb8;
	[tilespmem:$0x1F000] =	vst v63  }
0xef: {  	_ =	swait.ge [sflag:s13], $0x2000  }
0xf0: {  	[sflag:s13] =	ssyncset.done $0x0  }
0xf1: {  	s11 =	simm.s32 $0x4E80;
	[sflag:s13] =	ssyncadd.s32 $0xFFFFE000  }
0xf2: {  	[spmem:s2] =	stream.indirect.scatter.add.f32 [tilespmem:s30], [sflag:$0xE], $0x40, s11, s16, $0xb8;
	[tilespmem:$0x1F000] =	vst v63  }
0xf3: {  	_ =	swait.ge [sflag:s14], $0x2000  }
0xf4: {  	[sflag:s14] =	ssyncset.done $0x0  }
0xf5: {  	s17 =	simm.s32 $0x4F00;
	[sflag:s14] =	ssyncadd.s32 $0xFFFFE000  }
0xf6: {  	[spmem:s2] =	stream.indirect.scatter.add.f32 [tilespmem:s0], [sflag:$0xF], $0x40, s17, s16, $0xb8;
	[tilespmem:$0x1F000] =	vst v63  }
0xf7: {  	_ =	swait.ge [sflag:s29], $0x2000  }
0xf8: {  	[sflag:s29] =	ssyncset.done $0x0  }
0xf9: {  	s11 =	simm.s32 $0x4F80;
	[sflag:s29] =	ssyncadd.s32 $0xFFFFE000  }
0xfa: {  	[spmem:s2] =	stream.indirect.scatter.add.f32 [tilespmem:s19], [sflag:$0x10], $0x40, s11, s16, $0xb8;
	[tilespmem:$0x1F000] =	vst v63  }
0xfb: {  	_ =	swait.ge [sflag:s15], $0x2000  }
0xfc: {  	[sflag:s15] =	ssyncset.done $0x0  }
0xfd: {  	[sflag:s15] =	ssyncadd.s32 $0xFFFFE000  }
0xfe: {  	_ =	swait.ge [sflag:s31], $0x2000  }
0xff: {  	[sflag:s31] =	ssyncset.done $0x0  }
0x100: {  	[sflag:s31] =	ssyncadd.s32 $0xFFFFE000  }
0x101: {  	_ =	swait.ge [sflag:s3], $0x2000  }
0x102: {  	[sflag:s3] =	ssyncset.done $0x0  }
0x103: {  	[sflag:s3] =	ssyncadd.s32 $0xFFFFE000  }
0x104: {  	_ =	swait.ge [sflag:s9], $0x2000  }
0x105: {  	[sflag:s9] =	ssyncset.done $0x0  }
0x106: {  	[sflag:s9] =	ssyncadd.s32 $0xFFFFE000  }
0x107: {  	_ =	swait.ge [sflag:s1], $0x2000  }
0x108: {  	[sflag:s1] =	ssyncset.done $0x0  }
0x109: {  	[sflag:s1] =	ssyncadd.s32 $0xFFFFE000  }
0x10a: {  	_ =	swait.ge [sflag:s5], $0x2000  }
0x10b: {  	[sflag:s5] =	ssyncset.done $0x0  }
0x10c: {  	[sflag:s5] =	ssyncadd.s32 $0xFFFFE000  }
0x10d: {  	_ =	swait.ge [sflag:s6], $0x2000  }
0x10e: {  	[sflag:s6] =	ssyncset.done $0x0  }
0x10f: {  	[sflag:s6] =	ssyncadd.s32 $0xFFFFE000  }
0x110: {  	_ =	swait.ge [sflag:s10], $0x2000  }
0x111: {  	[sflag:s10] =	ssyncset.done $0x0  }
0x112: {  	[sflag:s10] =	ssyncadd.s32 $0xFFFFE000  }
0x113: {  	s17 =	stileid.u32;
	[bflag:$0x0] =	sbarrier.arrive $0xFFFF  }
0x114: {  	s7 =	sshll.u32 s17, $0x6;
	s11 =	rddreg [dreg:$0x5]  }
0x115: {  	s7 =	sor.u32 $0x1C11, s7;
	s17 =	rddreg [dreg:$0x8];
	s11 =	sshrl.u32 s11, $0x3  }
0x116: {  	[hbm:s17], [sflag:s7] =	dma.local [spmem:s11], $0x1400  }
0x117: {  	_ =	swait.ge [sflag:s18], $0x1400  }
0x118: {  	s7 =	rddreg [dreg:$0xe]  }
0x119: {  	s17 =	rddreg [dreg:$0x9];
	s11 =	sadd.s32 $0x1, s7  }
0x11a: {  	p1 =	sne.s32 s11, s17  }
.Ltmp4:
0x11b: {  	_ = 	snop;
	(pc) =	sbr.rel @p1 .LBB2_1-.Ltmp4, $3  }
0x11c: {  	_ =	sdelay $0x1  }
0x11d: {  	[sflag:s18] =	ssyncset.done $0x0  }
0x11e: {  	[sflag:s18] =	ssyncadd.s32 $0xFFFFEC00  }
0x11f: {  	_ =	sfence.sel $0x180000  }
0x120: {  	[bflag:$0x0] =	sbarrier.arrive $0xFFFF  }
0x121: {  	_ =	strace $0x9000004D  }
0x122: {  	s0 =	stileid.u32;
	[bflag:$0x2] =	sbarrier.arrive $0xFFFF  }
0x123: {  	p0 =	sne.s32 s0, $0x0;
	s0 =	rddreg [dreg:$0x2]  }
0x124: {  	s0 =	sadd.s32 @!p0 $0x100000, s0  }
0x125: {  	[sflag:s0] =	ssyncadd.tile.s32 @!p0 $0x1;
	_ =	shalt  }
.Lfunc_end2:
_tile_overlayer_lowered:
.L_overlay_start_2:
0x126: {  	(tag) =	ssettag $0x2  }
0x127: {  	s0 =	rddreg [dreg:$0x0];
	s2 =	stileid.u32  }
0x128: {  	s1 =	rddreg [dreg:$0x1];
	p0 =	sne.s32 s2, $0x0  }
0x129: {  	s3 =	rddreg [dreg:$0x2];
	[bflag:$0x3] =	sbarrier.arrive $0xFFFF;
	s2 =	simm.s32 @!p0 $0x1C11  }
0x12a: {  	[timem:s3], [sflag:s2] =	dma.local @!p0 [hbm:s0], s1  }
0x12b: {  	s0 =	simm.s32 @!p0 $0x11  }
0x12c: {  	_ =	swait.ge @!p0 [sflag:s0], s1  }
0x12d: {  	s1 =	ssub.s32 @!p0 $0x0, s1;
	[sflag:s0] =	ssyncset.done @!p0 $0x0  }
0x12e: {  	[sflag:s0] =	ssyncadd.s32 @!p0 s1  }
0x12f: {  	[bflag:$0x3] =	sbarrier.arrive $0xFFFF  }
0x130: {  	_ =	shalt  }

// kernel: kernel.19.cloned.1.call-start
scs
__scs_entry_jumppad:
0x0: {  	(pc) =	sbr.rel $0x88, $3  }
0x1: {  	(tag) =	ssettag $0x0;
	lr =	simm.s32 $0x1  }
0x2: {  	[smem:$0x3F96] =	sst lr;
	_ =	strace $0xD0000000  }
0x3: {  	_ = 	snop  }
0x4: {  	_ = 	snop  }
0x5: {  	_ = 	snop  }
0x6: {  	_ = 	snop  }
0x7: {  	_ = 	snop  }
__scs_overlays_trampoline_lowered:
0x8: {  	[smem:$0x3FA5] =	sst s0  }
0x9: {  	[smem:$0x3FA6] =	sst s1  }
0xa: {  	[smem:$0x3FA7] =	sst s2  }
0xb: {  	[smem:$0x3FA8] =	sst s3  }
0xc: {  	[smem:$0x3FA9] =	sst s4  }
0xd: {  	[smem:$0x3FAA] =	sst s5  }
0xe: {  	[smem:$0x3FAB] =	sst s6  }
0xf: {  	[smem:$0x3FAC] =	sst s7  }
0x10: {  	[smem:$0x3FAD] =	sst s8  }
0x11: {  	[smem:$0x3FAE] =	sst s9;
	s0 =	simm.s32 @!p0 $0x0  }
0x12: {  	s1 =	sld [smem:$0x3F94];
	s0 =	simm.s32 @p0 $0x1  }
0x13: {  	[smem:$0x3FAF] =	sst s0;
	s0 =	simm.s32 @!p1 $0x0  }
0x14: {  	s2 =	sld [smem:$0x3F93];
	s0 =	simm.s32 @p1 $0x1  }
0x15: {  	[smem:$0x3FB0] =	sst s0;
	s0 =	simm.s32 @!p2 $0x0  }
0x16: {  	s3 =	sld [smem:$0x3FDB];
	s0 =	simm.s32 @p2 $0x1  }
0x17: {  	s4 =	simm.s32 $0x1BF5;
	[smem:$0x3FB2] =	sst s0  }
0x18: {  	s0 =	sld [smem:$0x3F95];
	_ =	swait.ge [sflag:s4], $0x0  }
0x19: {  	s7 =	sld [smem:$0x3F96]  }
0x1a: {  	s8 =	sadd.s32 $0xFFFFE003, lr  }
0x1b: {  	s9 =	sadd.s32 $0xFFFFFEF7, lr;
	s5 =	simm.s32 $0xFFFFFFFF;
	p2 =	slt.u32 s8, $0xFFFFF086  }
0x1c: {  	p1 =	slt.u32 s9, $0xF7A;
	s5 =	simm.s32 @!p2 $0x0  }
0x1d: {  	s5 =	simm.s32 @p1 $0x1;
	p0 =	seq.s32 s7, s2  }
0x1e: {  	s7 =	smul.u32 @!p0 $0xF7A, s2;
	p2 =	seq.s32 @!p0 s5, $0x0  }
0x1f: {  	s9 =	smul.u32 $0xF7A, s1;
	s8 =	simm.s32 @!p0 $0x1BF5;
	p2 =	por !p2, p0  }
0x20: {  	[sflag:s8] =	ssyncset.s32 @!p0 $0xFFFFF086;
	s6 =	sadd.s32 @!p0 s3, s7;
	s7 =	simm.s32 @!p0 $0x108  }
0x21: {  	s3 =	sadd.s32 s3, s9;
	s6 =	sadd.s32 @!p0 $0x88, s6;
	s7 =	simm.s32 @p2 $0x1082  }
0x22: {  	[simem:s7], [sflag:s8] =	dma.local @!p0 [hbm:s6], $0xF7A  }
0x23: {  	s9 =	sor.u32 $0xD0000000, s2;
	s6 =	simm.s32 $0x108;
	_ =	swait.ge @!p0 [sflag:s8], $0x0  }
0x24: {  	s3 =	sadd.s32 $0x88, s3;
	s6 =	simm.s32 @!p1 $0x1082;
	[sflag:s4] =	ssyncset.s32 $0xFFFFF086  }
0x25: {  	[simem:s6], [sflag:s4] =	dma.local [hbm:s3], $0xF7A  }
0x26: {  	[smem:$0x3F96] =	sst s1;
	(tag) =	ssettag s2;
	_ =	strace s9  }
0x27: {  	s1 =	sld [smem:$0x3FA6]  }
0x28: {  	s2 =	sld [smem:$0x3FA7]  }
0x29: {  	s4 =	sld [smem:$0x3FA9]  }
0x2a: {  	p0 =	seq.s32 s5, $0x0;
	s5 =	sld [smem:$0x3FAA]  }
0x2b: {  	s6 =	sld [smem:$0x3FAB]  }
0x2c: {  	s7 =	sld [smem:$0x3FAC]  }
0x2d: {  	s3 =	simm.s32 $0x108;
	s8 =	sld [smem:$0x3FAD]  }
0x2e: {  	s3 =	simm.s32 @!p0 $0x1082;
	s9 =	sld [smem:$0x3FAE]  }
0x2f: {  	lr =	sadd.s32 s0, s3;
	s0 =	sld [smem:$0x3FA5]  }
0x30: {  	s3 =	sld [smem:$0x3FA8]  }
0x31: {  	[smem:$0x3FB1] =	sst s10  }
0x32: {  	s10 =	sld [smem:$0x3FAF];
	_ =	sdelay $0x3  }
0x33: {  	p0 =	seq.s32 s10, $0x1;
	s10 =	sld [smem:$0x3FB1];
	_ =	sdelay $0x3  }
0x34: {  	[smem:$0x3FB1] =	sst s10  }
0x35: {  	s10 =	sld [smem:$0x3FB0];
	_ =	sdelay $0x3  }
0x36: {  	p1 =	seq.s32 s10, $0x1;
	s10 =	sld [smem:$0x3FB1];
	_ =	sdelay $0x3  }
0x37: {  	[smem:$0x3FB1] =	sst s10  }
0x38: {  	s10 =	sld [smem:$0x3FB2]  }
0x39: {  	_ = 	snop;
	(pc) =	sbr.ind lr, $3  }
0x3a: {  	_ = 	snop  }
0x3b: {  	_ = 	snop  }
0x3c: {  	p2 =	seq.s32 s10, $0x1;
	s10 =	sld [smem:$0x3FB1]  }
0x3d: {  	_ =	shalt  }
0x3e: {  	_ =	shalt  }
0x3f: {  	_ =	shalt  }
0x40: {  	_ =	shalt  }
0x41: {  	_ =	shalt  }
0x42: {  	_ =	shalt  }
0x43: {  	_ =	shalt  }
0x44: {  	_ =	shalt  }
0x45: {  	_ =	shalt  }
0x46: {  	_ =	shalt  }
0x47: {  	_ =	shalt  }
0x48: {  	_ =	shalt  }
0x49: {  	_ =	shalt  }
0x4a: {  	_ =	shalt  }
0x4b: {  	_ =	shalt  }
0x4c: {  	_ =	shalt  }
0x4d: {  	_ =	shalt  }
0x4e: {  	_ =	shalt  }
0x4f: {  	_ =	shalt  }
0x50: {  	_ =	shalt  }
0x51: {  	_ =	shalt  }
0x52: {  	_ =	shalt  }
0x53: {  	_ =	shalt  }
0x54: {  	_ =	shalt  }
0x55: {  	_ =	shalt  }
0x56: {  	_ =	shalt  }
0x57: {  	_ =	shalt  }
0x58: {  	_ =	shalt  }
0x59: {  	_ =	shalt  }
0x5a: {  	_ =	shalt  }
0x5b: {  	_ =	shalt  }
0x5c: {  	_ =	shalt  }
0x5d: {  	_ =	shalt  }
0x5e: {  	_ =	shalt  }
0x5f: {  	_ =	shalt  }
0x60: {  	_ =	shalt  }
0x61: {  	_ =	shalt  }
0x62: {  	_ =	shalt  }
0x63: {  	_ =	shalt  }
0x64: {  	_ =	shalt  }
0x65: {  	_ =	shalt  }
0x66: {  	_ =	shalt  }
0x67: {  	_ =	shalt  }
0x68: {  	_ =	shalt  }
0x69: {  	_ =	shalt  }
0x6a: {  	_ =	shalt  }
0x6b: {  	_ =	shalt  }
0x6c: {  	_ =	shalt  }
0x6d: {  	_ =	shalt  }
0x6e: {  	_ =	shalt  }
0x6f: {  	_ =	shalt  }
0x70: {  	_ =	shalt  }
0x71: {  	_ =	shalt  }
0x72: {  	_ =	shalt  }
0x73: {  	_ =	shalt  }
0x74: {  	_ =	shalt  }
0x75: {  	_ =	shalt  }
0x76: {  	_ =	shalt  }
0x77: {  	_ =	shalt  }
0x78: {  	_ =	shalt  }
0x79: {  	_ =	shalt  }
0x7a: {  	_ =	shalt  }
0x7b: {  	_ =	shalt  }
0x7c: {  	_ =	shalt  }
0x7d: {  	_ =	shalt  }
0x7e: {  	_ =	shalt  }
0x7f: {  	_ =	shalt  }
0x80: {  	_ =	shalt  }
0x81: {  	_ =	shalt  }
0x82: {  	_ =	shalt  }
0x83: {  	_ =	shalt  }
0x84: {  	_ =	shalt  }
0x85: {  	_ =	shalt  }
0x86: {  	_ =	shalt  }
0x87: {  	_ =	shalt  }
.Lfunc_end0:
.L_simem_size_0:
called_computation.3_lowered:
.L_overlay_start_0:
0x88: {  	s2 =	sld [smem:$0x3FD9]  }
0x89: {  	s3 =	sld [smem:$0x3FFE];
	_ =	sdelay $0x1  }
0x8a: {  	s1 =	srdreg.scid  }
0x8b: {  	s0 =	sand.u32 $0x1, s1  }
0x8c: {  	s16 =	sshll.u32 s0, $0xA;
	s2 =	sadd.s32 s3, s2  }
0x8d: {  	s2 =	sadd.s32 s2, s16  }
0x8e: {  	[smem:$0x3FBD] =	sst s2  }
0x8f: {  	_ = 	snop  }
0x90: {  	(tm) =	ssettm $0x1  }
0x91: {  	s17 =	sld [smem:$0x3FFB];
	_ =	sdelay $0x3  }
0x92: {  	_ =	strace s17  }
0x93: {  	s2 =	sld [smem:$0x3FFC];
	_ =	sdelay $0x3  }
0x94: {  	_ =	strace s2  }
0x95: {  	s2 =	sld [smem:$0x3FFD];
	_ =	sdelay $0x3  }
0x96: {  	_ =	strace s2  }
0x97: {  	_ =	strace $0x8FFFFFFF  }
0x98: {  	s18 =	sld [smem:$0x3FDB];
	_ =	sdelay $0x1  }
0x99: {  	s19 =	simm.s32 $_scs_section_size  }
0x9a: {  	s4 =	simm.s32 $_size__tile_overlayer_lowered;
	s5 =	simm.s32 $_tile_overlayer_lowered  }
0x9b: {  	s22 =	simm.s32 $0x1BFF;
	s21 =	sshll.u32 s5, $0x1;
	s2 =	sadd.s32 s19, s18  }
0x9c: {  	s6 =	simm.s32 $0x0;
	s20 =	sshll.u32 s4, $0x1;
	s4 =	sadd.s32 s21, s2  }
0x9d: {  	[timem:s6], [sflag:s22] =	dma.local [hbm:s4], s20  }
0x9e: {  	_ =	swait.ge [sflag:s22], s20  }
0x9f: {  	s3 =	ssub.s32 $0x0, s20;
	[sflag:s22] =	ssyncset.done $0x0  }
0xa0: {  	[sflag:s22] =	ssyncadd.s32 s3;
	_ =	sdelay $0x1  }
0xa1: {  	s23 =	simm.s32 $0x1B8B  }
0xa2: {  	_ =	swait.ge [sflag:s23], $0x1  }
0xa3: {  	[sflag:s23] =	ssyncset.done $0x0  }
0xa4: {  	s25 =	simm.s32 $0x1B8E;
	s24 =	sld [smem:$0x3FFE];
	[sflag:s23] =	ssyncadd.s32 $0xFFFFFFFF  }
0xa5: {  	s26 =	simm.s32 $execute0_lowered;
	[smem:$0x3FD2] =	sst s25  }
0xa6: {  	s4 =	sshll.u32 s26, $0x1;
	_ =	strace $0x8000004F;
	[dreg:$0x1] =	wrdreg $0xFFFFFFFF  }
0xa7: {  	s28 =	simm.s32 $_size_execute0_lowered;
	s2 =	sadd.s32 s2, s4;
	[dreg:$0x0] =	wrdreg $0x0  }
0xa8: {  	s4 =	sshll.u32 s28, $0x1;
	[dreg:$0x2] =	wrdreg s2  }
0xa9: {  	[dreg:$0x3] =	wrdreg s4  }
0xaa: {  	[dreg:$0x4] =	wrdreg $0xC0  }
0xab: {  	_ =	task [dreg:s6], $0x5FFFF  }
0xac: {  	[dreg:$0x1] =	wrdreg $0xFFFFFFFF  }
0xad: {  	[dreg:$0x0] =	wrdreg $0x60  }
0xae: {  	[dreg:$0x2] =	wrdreg s24  }
0xaf: {  	[dreg:$0x3] =	wrdreg $0x150000  }
0xb0: {  	[dreg:$0x4] =	wrdreg $0x9  }
0xb1: {  	_ =	task.clear_ibuf [dreg:s6], $0x5FFFF;
	_ =	strace $0x9000004F  }
0xb2: {  	s29 =	simm.s32 $0x9;
	_ =	strace $0x80000051  }
0xb3: {  	_ =	swait.ge [sflag:s29], $0x1  }
0xb4: {  	[sflag:s29] =	ssyncadd.s32 $0xFFFFFFFF  }
0xb5: {  	_ =	strace $0x90000051  }
0xb6: {  	_ =	sfence  }
0xb7: {  	s30 =	sld [smem:$0x0];
	_ =	sdelay $0x2  }
0xb8: {  	s31 =	sshll.u32 s1, $0xD;
	s1 =	sshrl.u32 s1, $0x2  }
0xb9: {  	s3 =	sand.u32 $0x4000, s31;
	s1 =	sadd.s32 s1, s30  }
0xba: {  	s0 =	sor.u32 s3, s0;
	s1 =	sshll.u32 s1, $0x11  }
0xbb: {  	s0 =	sor.u32 s1, s0  }
0xbc: {  	s0 =	sadd.s32 $0x8F2B, s0  }
0xbd: {  	[sflag:s0] =	ssyncadd.remote.s32 $0x1  }
0xbe: {  	_ =	sfence.sel $0xFFFF  }
0xbf: {  	[dreg:$0x0] =	wrdreg $0xFFFFFFFF;
	(pc) =	sbr.abs _section_cstart, $3  }
0xc0: {  	[dreg:$0x1] =	wrdreg $0xFFFFFFFF  }
0xc1: {  	_ =	task.clear_ibuf [dreg:s6], $0x2FFFF;
	_ =	strace $0x9FFFFFFF  }
0xc2: {  	(tm) =	ssettm $0x7FFFFFFF  }
0xc3: {  	_ =	shalt  }
tec
execute0_lowered:
.L_overlay_start_1:
0x0: {  	(tag) =	ssettag $0x1  }
0x1: {  	s0 =	rddreg [dreg:$0x0]  }
0x2: {  	s2 =	rddreg [dreg:$0x1]  }
0x3: {  	s3 =	simm.s32 $0x0;
	s1 =	srdreg.scid;
	s9 =	stileid.u32  }
0x4: {  	s28 =	simm.s32 $0xD000;
	s30 =	simm.s32 $0xF000;
	s12 =	simm.s32 $0x4  }
0x5: {  	s29 =	simm.s32 $0x8;
	s31 =	simm.s32 $0xA;
	s10 =	simm.s32 $0x10  }
0x6: {  	s11 =	simm.s32 $0x0;
	[smem:$0x7FF] =	sst s3;
	s1 =	sand.u32 $0x1, s1  }
0x7: {  	s13 =	smul.u32 $0xA000, s9;
	s4 =	sadd.s32 $0x17400, s0;
	s7 =	sshll.u32 s9, $0x4  }
0x8: {  	s16 =	smul.u32 $0x28000, s9;
	s3 =	simm.s32 $0xB;
	s9 =	simm.s32 $0xC  }
0x9: {  	_ =	strace $0x80000050;
	s5 =	smul.u32 $0xA0000, s1;
	s6 =	sshll.u32 s1, $0x8  }
0xa: {  	s14 =	ssub.s32 $0x2, s1;
	p0 =	seq.s32 s1, $0x1;
	s6 =	sor.u32 s7, s6  }
0xb: {  	s8 =	sshrl.u32 s14, $0x1;
	s18 =	sadd.s32 s13, s2;
	s19 =	sshrl.u32 s13, $0x3  }
0xc: {  	s20 =	sshrl.u32 s16, $0x2;
	s16 =	simm.s32 $0x80;
	s5 =	sadd.s32 s13, s5  }
0xd: {  	s6 =	sadd.s32 s6, s0;
	s15 =	ssub.s32 s14, s8;
	[dreg:$0x5] =	wrdreg s18  }
0xe: {  	s1 =	sadd.s32 s4, s19;
	s21 =	sadd.s32 s20, s2;
	s18 =	simm.s32 $0x11  }
0xf: {  	s20 =	simm.s32 $0x5000;
	s19 =	simm.s32 $0x13000;
	[dreg:$0x6] =	wrdreg s1  }
0x10: {  	s8 =	simm.s32 $0x1;
	s17 =	sadd.s32 $0xD400, s6;
	[dreg:$0x7] =	wrdreg s21  }
0x11: {  	s13 =	simm.s32 $0x6;
	s6 =	sadd.s32 $0x3400, s6;
	[dreg:$0x3] =	wrdreg s17  }
0x12: {  	s14 =	simm.s32 $0x7;
	s22 =	smax.u32 s15, $0x1;
	[dreg:$0x4] =	wrdreg s6  }
0x13: {  	s5 =	sshrl.u32 s5, $0x3;
	s23 =	sadd.s32 $0x2000, s21;
	[dreg:$0x9] =	wrdreg s22  }
0x14: {  	s24 =	sadd.s32 $0x4000, s21;
	s25 =	sadd.s32 $0x6000, s21;
	[dreg:$0xa] =	wrdreg s23  }
0x15: {  	s26 =	sadd.s32 $0x8000, s21;
	s21 =	simm.s32 $0x7000;
	[dreg:$0xb] =	wrdreg s24  }
0x16: {  	s15 =	simm.s32 $0x9;
	s1 =	simm.s32 $0xD;
	[dreg:$0xc] =	wrdreg s25  }
0x17: {  	s0 =	sadd.s32 s5, s0;
	[dreg:$0xd] =	wrdreg s26;
	s23 =	simm.s32 $0x9000  }
0x18: {  	s25 =	simm.s32 $0xB000;
	s22 =	simm.s32 $0x2;
	s24 =	simm.s32 $0x3  }
0x19: {  	s26 =	simm.s32 $0x5;
	s5 =	simm.s32 $0xE;
	s0 =	sadd.s32 $0x2B400, s0  }
0x1a: {  	v0 =	vimm.f32 $0.0e+00;
	s6 =	simm.s32 $0xF;
	[dreg:$0x8] =	wrdreg s0;
	s0 =	simm.s32 $0x11000  }
.LBB2_1:
0x1b: {  	[dreg:$0xe] =	wrdreg s11  }
0x1c: {  	s7 =	simm.s32 $0x0;
	s11 =	rddreg [dreg:$0x3];
	s17 =	simm.s32 $0x1000  }
0x1d: {  	[tilespmem:s7], [sflag:$0x11] =	stream.strided.gather [hbm4b:s11+s16], $0x2800, s17, s16, $0x38;
	[tilespmem:$0x1F000] =	vst v63  }
0x1e: {  	_ =	swait.ge [sflag:s18], $0x2800  }
0x1f: {  	s11 =	simm.s32 $0x2800;
	[sflag:s18] =	ssyncset.done $0x0  }
.Ltmp0:
0x20: {  	s7 =	rddreg [dreg:$0x4];
	[sflag:s18] =	ssyncadd.s32 $0xFFFFD800;
	(pc) =	sbr.rel @!p0 .LBB2_2-.Ltmp0, $4  }
0x21: {  	[tilespmem:s11], [sflag:$0x11] =	stream.strided.gather [hbm4b:s7+s16], $0x2800, s17, s16, $0x38;
	[tilespmem:$0x1F000] =	vst v63  }
0x22: {  	_ =	swait.ge [sflag:s18], $0x2800  }
0x23: {  	[sflag:s18] =	ssyncset.done $0x0  }
0x24: {  	[sflag:s18] =	ssyncadd.s32 $0xFFFFD800  }
0x25: {  	s11 =	simm.s32 $0x100;
	s7 =	simm.s32 $0x0  }
.LBB2_4:
0x26: {  	p1 =	sne.s32 s11, $0x7F00;
	[tilespmem:s7+$0x5030] =	vst v0;
	s17 =	smov.u32 s11;
	s11 =	sadd.s32 $0x100, s11  }
.Ltmp1:
0x27: {  	[tilespmem:s7+$0x5020] =	vst v0;
	(pc) =	sbr.rel @p1 .LBB2_4-.Ltmp1, $3  }
0x28: {  	[tilespmem:s7+$0x5000] =	vst v0  }
0x29: {  	[tilespmem:s7+$0x5010] =	vst v0;
	_ =	sdelay $0x1  }
0x2a: {  	s7 =	sshra.s32 s17, $0x2  }
0x2b: {  	[tilespmem:s7+$0x5030] =	vst v0  }
0x2c: {  	[tilespmem:s7+$0x5020] =	vst v0  }
0x2d: {  	[tilespmem:s7+$0x5000] =	vst v0  }
0x2e: {  	[tilespmem:s7+$0x5010] =	vst v0;
	s17 =	rddreg [dreg:$0x7]  }
0x2f: {  	[spmem:s17] =	stream.linear.scatter [tilespmem:s20], [sflag:$0x11], $0x2000, $0x38;
	[tilespmem:$0x1F000] =	vst v63  }
0x30: {  	_ =	swait.ge [sflag:s18], $0x2000  }
0x31: {  	[sflag:s18] =	ssyncset.done $0x0  }
0x32: {  	s11 =	rddreg [dreg:$0xa];
	[sflag:s18] =	ssyncadd.s32 $0xFFFFE000  }
0x33: {  	[spmem:s11] =	stream.linear.scatter [tilespmem:s20], [sflag:$0x11], $0x2000, $0x38;
	[tilespmem:$0x1F000] =	vst v63  }
0x34: {  	_ =	swait.ge [sflag:s18], $0x2000  }
0x35: {  	[sflag:s18] =	ssyncset.done $0x0  }
0x36: {  	s17 =	rddreg [dreg:$0xb];
	[sflag:s18] =	ssyncadd.s32 $0xFFFFE000  }
0x37: {  	[spmem:s17] =	stream.linear.scatter [tilespmem:s20], [sflag:$0x11], $0x2000, $0x38;
	[tilespmem:$0x1F000] =	vst v63  }
0x38: {  	_ =	swait.ge [sflag:s18], $0x2000  }
0x39: {  	[sflag:s18] =	ssyncset.done $0x0  }
0x3a: {  	s11 =	rddreg [dreg:$0xc];
	[sflag:s18] =	ssyncadd.s32 $0xFFFFE000  }
0x3b: {  	[spmem:s11] =	stream.linear.scatter [tilespmem:s20], [sflag:$0x11], $0x2000, $0x38;
	[tilespmem:$0x1F000] =	vst v63  }
0x3c: {  	_ =	swait.ge [sflag:s18], $0x2000  }
0x3d: {  	[sflag:s18] =	ssyncset.done $0x0  }
.Ltmp2:
0x3e: {  	s17 =	rddreg [dreg:$0xd];
	[sflag:s18] =	ssyncadd.s32 $0xFFFFE000;
	(pc) =	sbr.rel .LBB2_6-.Ltmp2, $4  }
0x3f: {  	[spmem:s17] =	stream.linear.scatter [tilespmem:s20], [sflag:$0x11], $0x2000, $0x38;
	[tilespmem:$0x1F000] =	vst v63  }
0x40: {  	_ =	swait.ge [sflag:s18], $0x2000  }
0x41: {  	[sflag:s18] =	ssyncset.done $0x0  }
0x42: {  	[sflag:s18] =	ssyncadd.s32 $0xFFFFE000  }
.LBB2_2:
0x43: {  	s7 =	stileid.u32  }
0x44: {  	s11 =	rddreg [dreg:$0x5];
	s7 =	sshll.u32 s7, $0x6  }
0x45: {  	s17 =	rddreg [dreg:$0x6];
	s11 =	sshrl.u32 s11, $0x3;
	s7 =	sor.u32 $0x1C11, s7  }
0x46: {  	[spmem:s11], [sflag:s7] =	dma.local [hbm:s17], $0x1400  }
0x47: {  	_ =	swait.ge [sflag:s18], $0x1400  }
0x48: {  	[sflag:s18] =	ssyncset.done $0x0  }
0x49: {  	[sflag:s18] =	ssyncadd.s32 $0xFFFFEC00  }
.LBB2_6:
0x4a: {  	[bflag:$0x0] =	sbarrier.arrive $0xFFFF;
	s7 =	simm.s32 $0x0  }
0x4b: {  	[tilespmem:s20], [sflag:$0x1] =	stream.indirect.gather [hbm4b:s4+s16], $0x40, s7, s16, $0xb8;
	[tilespmem:$0x1F000] =	vst v63  }
0x4c: {  	_ = 	snop  }
0x4d: {  	[tilespmem:s21], [sflag:$0x2] =	stream.indirect.gather [hbm4b:s4+s16], $0x40, s16, s16, $0xb8;
	[tilespmem:$0x1F000] =	vst v63  }
0x4e: {  	s17 =	simm.s32 $0x100  }
0x4f: {  	[tilespmem:s23], [sflag:$0x3] =	stream.indirect.gather [hbm4b:s4+s16], $0x40, s17, s16, $0xb8;
	[tilespmem:$0x1F000] =	vst v63  }
0x50: {  	s11 =	simm.s32 $0x180  }
0x51: {  	[tilespmem:s25], [sflag:$0x4] =	stream.indirect.gather [hbm4b:s4+s16], $0x40, s11, s16, $0xb8;
	[tilespmem:$0x1F000] =	vst v63  }
0x52: {  	s17 =	simm.s32 $0x200  }
0x53: {  	[tilespmem:s28], [sflag:$0x5] =	stream.indirect.gather [hbm4b:s4+s16], $0x40, s17, s16, $0xb8;
	[tilespmem:$0x1F000] =	vst v63  }
0x54: {  	s11 =	simm.s32 $0x280  }
0x55: {  	[tilespmem:s30], [sflag:$0x6] =	stream.indirect.gather [hbm4b:s4+s16], $0x40, s11, s16, $0xb8;
	[tilespmem:$0x1F000] =	vst v63  }
0x56: {  	s17 =	simm.s32 $0x300  }
0x57: {  	[tilespmem:s0], [sflag:$0x7] =	stream.indirect.gather [hbm4b:s4+s16], $0x40, s17, s16, $0xb8;
	[tilespmem:$0x1F000] =	vst v63  }
0x58: {  	s11 =	simm.s32 $0x380  }
0x59: {  	[tilespmem:s19], [sflag:$0x8] =	stream.indirect.gather [hbm4b:s4+s16], $0x40, s11, s16, $0xb8;
	[tilespmem:$0x1F000] =	vst v63  }
0x5a: {  	_ =	swait.ge [sflag:s8], $0x2000  }
0x5b: {  	[sflag:s8] =	ssyncset.done $0x0  }
0x5c: {  	s17 =	simm.s32 $0x2800;
	[sflag:s8] =	ssyncadd.s32 $0xFFFFE000  }
0x5d: {  	[spmem:s2] =	stream.indirect.scatter.add.f32 [tilespmem:s20], [sflag:$0x9], $0x40, s17, s16, $0xb8;
	[tilespmem:$0x1F000] =	vst v63  }
0x5e: {  	_ =	swait.ge [sflag:s22], $0x2000  }
0x5f: {  	[sflag:s22] =	ssyncset.done $0x0  }
0x60: {  	s11 =	simm.s32 $0x2880;
	[sflag:s22] =	ssyncadd.s32 $0xFFFFE000  }
0x61: {  	[spmem:s2] =	stream.indirect.scatter.add.f32 [tilespmem:s21], [sflag:$0xA], $0x40, s11, s16, $0xb8;
	[tilespmem:$0x1F000] =	vst v63  }
0x62: {  	_ =	swait.ge [sflag:s24], $0x2000  }
0x63: {  	[sflag:s24] =	ssyncset.done $0x0  }
0x64: {  	s17 =	simm.s32 $0x2900;
	[sflag:s24] =	ssyncadd.s32 $0xFFFFE000  }
0x65: {  	[spmem:s2] =	stream.indirect.scatter.add.f32 [tilespmem:s23], [sflag:$0xB], $0x40, s17, s16, $0xb8;
	[tilespmem:$0x1F000] =	vst v63  }
0x66: {  	_ =	swait.ge [sflag:s12], $0x2000  }
0x67: {  	[sflag:s12] =	ssyncset.done $0x0  }
0x68: {  	s11 =	simm.s32 $0x2980;
	[sflag:s12] =	ssyncadd.s32 $0xFFFFE000  }
0x69: {  	[spmem:s2] =	stream.indirect.scatter.add.f32 [tilespmem:s25], [sflag:$0xC], $0x40, s11, s16, $0xb8;
	[tilespmem:$0x1F000] =	vst v63  }
0x6a: {  	_ =	swait.ge [sflag:s26], $0x2000  }
0x6b: {  	[sflag:s26] =	ssyncset.done $0x0  }
0x6c: {  	s17 =	simm.s32 $0x2A00;
	[sflag:s26] =	ssyncadd.s32 $0xFFFFE000  }
0x6d: {  	[spmem:s2] =	stream.indirect.scatter.add.f32 [tilespmem:s28], [sflag:$0xD], $0x40, s17, s16, $0xb8;
	[tilespmem:$0x1F000] =	vst v63  }
0x6e: {  	_ =	swait.ge [sflag:s13], $0x2000  }
0x6f: {  	[sflag:s13] =	ssyncset.done $0x0  }
0x70: {  	s11 =	simm.s32 $0x2A80;
	[sflag:s13] =	ssyncadd.s32 $0xFFFFE000  }
0x71: {  	[spmem:s2] =	stream.indirect.scatter.add.f32 [tilespmem:s30], [sflag:$0xE], $0x40, s11, s16, $0xb8;
	[tilespmem:$0x1F000] =	vst v63  }
0x72: {  	_ =	swait.ge [sflag:s14], $0x2000  }
0x73: {  	[sflag:s14] =	ssyncset.done $0x0  }
0x74: {  	s17 =	simm.s32 $0x2B00;
	[sflag:s14] =	ssyncadd.s32 $0xFFFFE000  }
0x75: {  	[spmem:s2] =	stream.indirect.scatter.add.f32 [tilespmem:s0], [sflag:$0xF], $0x40, s17, s16, $0xb8;
	[tilespmem:$0x1F000] =	vst v63  }
0x76: {  	_ =	swait.ge [sflag:s29], $0x2000  }
0x77: {  	[sflag:s29] =	ssyncset.done $0x0  }
0x78: {  	s11 =	simm.s32 $0x2B80;
	[sflag:s29] =	ssyncadd.s32 $0xFFFFE000  }
0x79: {  	[spmem:s2] =	stream.indirect.scatter.add.f32 [tilespmem:s19], [sflag:$0x10], $0x40, s11, s16, $0xb8;
	[tilespmem:$0x1F000] =	vst v63  }
0x7a: {  	_ =	swait.ge [sflag:s15], $0x2000  }
0x7b: {  	[sflag:s15] =	ssyncset.done $0x0  }
0x7c: {  	s17 =	simm.s32 $0x400;
	[sflag:s15] =	ssyncadd.s32 $0xFFFFE000  }
0x7d: {  	[tilespmem:s20], [sflag:$0x1] =	stream.indirect.gather [hbm4b:s4+s16], $0x40, s17, s16, $0xb8;
	[tilespmem:$0x1F000] =	vst v63  }
0x7e: {  	_ =	swait.ge [sflag:s31], $0x2000  }
0x7f: {  	[sflag:s31] =	ssyncset.done $0x0  }
0x80: {  	s11 =	simm.s32 $0x480;
	[sflag:s31] =	ssyncadd.s32 $0xFFFFE000  }
0x81: {  	[tilespmem:s21], [sflag:$0x2] =	stream.indirect.gather [hbm4b:s4+s16], $0x40, s11, s16, $0xb8;
	[tilespmem:$0x1F000] =	vst v63  }
0x82: {  	_ =	swait.ge [sflag:s3], $0x2000  }
0x83: {  	[sflag:s3] =	ssyncset.done $0x0  }
0x84: {  	s17 =	simm.s32 $0x500;
	[sflag:s3] =	ssyncadd.s32 $0xFFFFE000  }
0x85: {  	[tilespmem:s23], [sflag:$0x3] =	stream.indirect.gather [hbm4b:s4+s16], $0x40, s17, s16, $0xb8;
	[tilespmem:$0x1F000] =	vst v63  }
0x86: {  	_ =	swait.ge [sflag:s9], $0x2000  }
0x87: {  	[sflag:s9] =	ssyncset.done $0x0  }
0x88: {  	s11 =	simm.s32 $0x580;
	[sflag:s9] =	ssyncadd.s32 $0xFFFFE000  }
0x89: {  	[tilespmem:s25], [sflag:$0x4] =	stream.indirect.gather [hbm4b:s4+s16], $0x40, s11, s16, $0xb8;
	[tilespmem:$0x1F000] =	vst v63  }
0x8a: {  	_ =	swait.ge [sflag:s1], $0x2000  }
0x8b: {  	[sflag:s1] =	ssyncset.done $0x0  }
0x8c: {  	s17 =	simm.s32 $0x600;
	[sflag:s1] =	ssyncadd.s32 $0xFFFFE000  }
0x8d: {  	[tilespmem:s28], [sflag:$0x5] =	stream.indirect.gather [hbm4b:s4+s16], $0x40, s17, s16, $0xb8;
	[tilespmem:$0x1F000] =	vst v63  }
0x8e: {  	_ =	swait.ge [sflag:s5], $0x2000  }
0x8f: {  	[sflag:s5] =	ssyncset.done $0x0  }
0x90: {  	s11 =	simm.s32 $0x680;
	[sflag:s5] =	ssyncadd.s32 $0xFFFFE000  }
0x91: {  	[tilespmem:s30], [sflag:$0x6] =	stream.indirect.gather [hbm4b:s4+s16], $0x40, s11, s16, $0xb8;
	[tilespmem:$0x1F000] =	vst v63  }
0x92: {  	_ =	swait.ge [sflag:s6], $0x2000  }
0x93: {  	[sflag:s6] =	ssyncset.done $0x0  }
0x94: {  	s17 =	simm.s32 $0x700;
	[sflag:s6] =	ssyncadd.s32 $0xFFFFE000  }
0x95: {  	[tilespmem:s0], [sflag:$0x7] =	stream.indirect.gather [hbm4b:s4+s16], $0x40, s17, s16, $0xb8;
	[tilespmem:$0x1F000] =	vst v63  }
0x96: {  	_ =	swait.ge [sflag:s10], $0x2000  }
0x97: {  	[sflag:s10] =	ssyncset.done $0x0  }
0x98: {  	s7 =	simm.s32 $0x780;
	s11 =	simm.s32 $0x1000;
	[sflag:s10] =	ssyncadd.s32 $0xFFFFE000  }
.LBB2_7:
0x99: {  	[tilespmem:s19], [sflag:$0x8] =	stream.indirect.gather [hbm4b:s4+s16], $0x40, s7, s16, $0xb8;
	[tilespmem:$0x1F000] =	vst v63  }
0x9a: {  	s7 =	smov.u32 s11  }
0x9b: {  	p1 =	sne.s32 s11, $0x8000;
	s11 =	sadd.s32 $0x1000, s11;
	_ =	swait.ge [sflag:s8], $0x2000  }
0x9c: {  	s7 =	sshra.s32 s7, $0x2;
	[sflag:s8] =	ssyncset.done $0x0  }
0x9d: {  	s17 =	sadd.s32 $0x2800, s7;
	[sflag:s8] =	ssyncadd.s32 $0xFFFFE000  }
0x9e: {  	[spmem:s2] =	stream.indirect.scatter.add.f32 [tilespmem:s20], [sflag:$0x9], $0x40, s17, s16, $0xb8;
	[tilespmem:$0x1F000] =	vst v63  }
0x9f: {  	_ =	swait.ge [sflag:s22], $0x2000  }
0xa0: {  	[sflag:s22] =	ssyncset.done $0x0  }
0xa1: {  	s17 =	sadd.s32 $0x2880, s7;
	[sflag:s22] =	ssyncadd.s32 $0xFFFFE000  }
0xa2: {  	[spmem:s2] =	stream.indirect.scatter.add.f32 [tilespmem:s21], [sflag:$0xA], $0x40, s17, s16, $0xb8;
	[tilespmem:$0x1F000] =	vst v63  }
0xa3: {  	_ =	swait.ge [sflag:s24], $0x2000  }
0xa4: {  	[sflag:s24] =	ssyncset.done $0x0  }
0xa5: {  	s17 =	sadd.s32 $0x2900, s7;
	[sflag:s24] =	ssyncadd.s32 $0xFFFFE000  }
0xa6: {  	[spmem:s2] =	stream.indirect.scatter.add.f32 [tilespmem:s23], [sflag:$0xB], $0x40, s17, s16, $0xb8;
	[tilespmem:$0x1F000] =	vst v63  }
0xa7: {  	_ =	swait.ge [sflag:s12], $0x2000  }
0xa8: {  	[sflag:s12] =	ssyncset.done $0x0  }
0xa9: {  	s17 =	sadd.s32 $0x2980, s7;
	[sflag:s12] =	ssyncadd.s32 $0xFFFFE000  }
0xaa: {  	[spmem:s2] =	stream.indirect.scatter.add.f32 [tilespmem:s25], [sflag:$0xC], $0x40, s17, s16, $0xb8;
	[tilespmem:$0x1F000] =	vst v63  }
0xab: {  	_ =	swait.ge [sflag:s26], $0x2000  }
0xac: {  	[sflag:s26] =	ssyncset.done $0x0  }
0xad: {  	s17 =	sadd.s32 $0x2A00, s7;
	[sflag:s26] =	ssyncadd.s32 $0xFFFFE000  }
0xae: {  	[spmem:s2] =	stream.indirect.scatter.add.f32 [tilespmem:s28], [sflag:$0xD], $0x40, s17, s16, $0xb8;
	[tilespmem:$0x1F000] =	vst v63  }
0xaf: {  	_ =	swait.ge [sflag:s13], $0x2000  }
0xb0: {  	[sflag:s13] =	ssyncset.done $0x0  }
0xb1: {  	s17 =	sadd.s32 $0x2A80, s7;
	[sflag:s13] =	ssyncadd.s32 $0xFFFFE000  }
0xb2: {  	[spmem:s2] =	stream.indirect.scatter.add.f32 [tilespmem:s30], [sflag:$0xE], $0x40, s17, s16, $0xb8;
	[tilespmem:$0x1F000] =	vst v63  }
0xb3: {  	_ =	swait.ge [sflag:s14], $0x2000  }
0xb4: {  	[sflag:s14] =	ssyncset.done $0x0  }
0xb5: {  	s17 =	sadd.s32 $0x2B00, s7;
	[sflag:s14] =	ssyncadd.s32 $0xFFFFE000  }
0xb6: {  	[spmem:s2] =	stream.indirect.scatter.add.f32 [tilespmem:s0], [sflag:$0xF], $0x40, s17, s16, $0xb8;
	[tilespmem:$0x1F000] =	vst v63  }
0xb7: {  	_ =	swait.ge [sflag:s29], $0x2000  }
0xb8: {  	[sflag:s29] =	ssyncset.done $0x0  }
0xb9: {  	s17 =	sadd.s32 $0x2B80, s7;
	[sflag:s29] =	ssyncadd.s32 $0xFFFFE000  }
0xba: {  	[spmem:s2] =	stream.indirect.scatter.add.f32 [tilespmem:s19], [sflag:$0x10], $0x40, s17, s16, $0xb8;
	[tilespmem:$0x1F000] =	vst v63  }
0xbb: {  	_ =	swait.ge [sflag:s15], $0x2000  }
0xbc: {  	[sflag:s15] =	ssyncset.done $0x0  }
0xbd: {  	s17 =	sadd.s32 $0x400, s7;
	[sflag:s15] =	ssyncadd.s32 $0xFFFFE000  }
0xbe: {  	[tilespmem:s20], [sflag:$0x1] =	stream.indirect.gather [hbm4b:s4+s16], $0x40, s17, s16, $0xb8;
	[tilespmem:$0x1F000] =	vst v63  }
0xbf: {  	_ =	swait.ge [sflag:s31], $0x2000  }
0xc0: {  	[sflag:s31] =	ssyncset.done $0x0  }
0xc1: {  	s17 =	sadd.s32 $0x480, s7;
	[sflag:s31] =	ssyncadd.s32 $0xFFFFE000  }
0xc2: {  	[tilespmem:s21], [sflag:$0x2] =	stream.indirect.gather [hbm4b:s4+s16], $0x40, s17, s16, $0xb8;
	[tilespmem:$0x1F000] =	vst v63  }
0xc3: {  	_ =	swait.ge [sflag:s3], $0x2000  }
0xc4: {  	[sflag:s3] =	ssyncset.done $0x0  }
0xc5: {  	s17 =	sadd.s32 $0x500, s7;
	[sflag:s3] =	ssyncadd.s32 $0xFFFFE000  }
0xc6: {  	[tilespmem:s23], [sflag:$0x3] =	stream.indirect.gather [hbm4b:s4+s16], $0x40, s17, s16, $0xb8;
	[tilespmem:$0x1F000] =	vst v63  }
0xc7: {  	_ =	swait.ge [sflag:s9], $0x2000  }
0xc8: {  	[sflag:s9] =	ssyncset.done $0x0  }
0xc9: {  	s17 =	sadd.s32 $0x580, s7;
	[sflag:s9] =	ssyncadd.s32 $0xFFFFE000  }
0xca: {  	[tilespmem:s25], [sflag:$0x4] =	stream.indirect.gather [hbm4b:s4+s16], $0x40, s17, s16, $0xb8;
	[tilespmem:$0x1F000] =	vst v63  }
0xcb: {  	_ =	swait.ge [sflag:s1], $0x2000  }
0xcc: {  	[sflag:s1] =	ssyncset.done $0x0  }
0xcd: {  	s17 =	sadd.s32 $0x600, s7;
	[sflag:s1] =	ssyncadd.s32 $0xFFFFE000  }
0xce: {  	[tilespmem:s28], [sflag:$0x5] =	stream.indirect.gather [hbm4b:s4+s16], $0x40, s17, s16, $0xb8;
	[tilespmem:$0x1F000] =	vst v63  }
0xcf: {  	_ =	swait.ge [sflag:s5], $0x2000  }
0xd0: {  	[sflag:s5] =	ssyncset.done $0x0  }
0xd1: {  	s17 =	sadd.s32 $0x680, s7;
	[sflag:s5] =	ssyncadd.s32 $0xFFFFE000  }
0xd2: {  	[tilespmem:s30], [sflag:$0x6] =	stream.indirect.gather [hbm4b:s4+s16], $0x40, s17, s16, $0xb8;
	[tilespmem:$0x1F000] =	vst v63  }
0xd3: {  	_ =	swait.ge [sflag:s6], $0x2000  }
0xd4: {  	[sflag:s6] =	ssyncset.done $0x0  }
.Ltmp3:
0xd5: {  	s17 =	sadd.s32 $0x700, s7;
	[sflag:s6] =	ssyncadd.s32 $0xFFFFE000;
	(pc) =	sbr.rel @p1 .LBB2_7-.Ltmp3, $4  }
0xd6: {  	[tilespmem:s0], [sflag:$0x7] =	stream.indirect.gather [hbm4b:s4+s16], $0x40, s17, s16, $0xb8;
	[tilespmem:$0x1F000] =	vst v63  }
0xd7: {  	_ =	swait.ge [sflag:s10], $0x2000  }
0xd8: {  	[sflag:s10] =	ssyncset.done $0x0  }
0xd9: {  	s7 =	sadd.s32 $0x780, s7;
	[sflag:s10] =	ssyncadd.s32 $0xFFFFE000  }
0xda: {  	[tilespmem:s19], [sflag:$0x8] =	stream.indirect.gather [hbm4b:s4+s16], $0x40, s7, s16, $0xb8;
	[tilespmem:$0x1F000] =	vst v63  }
0xdb: {  	_ =	swait.ge [sflag:s8], $0x2000  }
0xdc: {  	[sflag:s8] =	ssyncset.done $0x0  }
0xdd: {  	s17 =	simm.s32 $0x4C00;
	[sflag:s8] =	ssyncadd.s32 $0xFFFFE000  }
0xde: {  	[spmem:s2] =	stream.indirect.scatter.add.f32 [tilespmem:s20], [sflag:$0x9], $0x40, s17, s16, $0xb8;
	[tilespmem:$0x1F000] =	vst v63  }
0xdf: {  	_ =	swait.ge [sflag:s22], $0x2000  }
0xe0: {  	[sflag:s22] =	ssyncset.done $0x0  }
0xe1: {  	s11 =	simm.s32 $0x4C80;
	[sflag:s22] =	ssyncadd.s32 $0xFFFFE000  }
0xe2: {  	[spmem:s2] =	stream.indirect.scatter.add.f32 [tilespmem:s21], [sflag:$0xA], $0x40, s11, s16, $0xb8;
	[tilespmem:$0x1F000] =	vst v63  }
0xe3: {  	_ =	swait.ge [sflag:s24], $0x2000  }
0xe4: {  	[sflag:s24] =	ssyncset.done $0x0  }
0xe5: {  	s17 =	simm.s32 $0x4D00;
	[sflag:s24] =	ssyncadd.s32 $0xFFFFE000  }
0xe6: {  	[spmem:s2] =	stream.indirect.scatter.add.f32 [tilespmem:s23], [sflag:$0xB], $0x40, s17, s16, $0xb8;
	[tilespmem:$0x1F000] =	vst v63  }
0xe7: {  	_ =	swait.ge [sflag:s12], $0x2000  }
0xe8: {  	[sflag:s12] =	ssyncset.done $0x0  }
0xe9: {  	s11 =	simm.s32 $0x4D80;
	[sflag:s12] =	ssyncadd.s32 $0xFFFFE000  }
0xea: {  	[spmem:s2] =	stream.indirect.scatter.add.f32 [tilespmem:s25], [sflag:$0xC], $0x40, s11, s16, $0xb8;
	[tilespmem:$0x1F000] =	vst v63  }
0xeb: {  	_ =	swait.ge [sflag:s26], $0x2000  }
0xec: {  	[sflag:s26] =	ssyncset.done $0x0  }
0xed: {  	s17 =	simm.s32 $0x4E00;
	[sflag:s26] =	ssyncadd.s32 $0xFFFFE000  }
0xee: {  	[spmem:s2] =	stream.indirect.scatter.add.f32 [tilespmem:s28], [sflag:$0xD], $0x40, s17, s16, $0xb8;
	[tilespmem:$0x1F000] =	vst v63  }
0xef: {  	_ =	swait.ge [sflag:s13], $0x2000  }
0xf0: {  	[sflag:s13] =	ssyncset.done $0x0  }
0xf1: {  	s11 =	simm.s32 $0x4E80;
	[sflag:s13] =	ssyncadd.s32 $0xFFFFE000  }
0xf2: {  	[spmem:s2] =	stream.indirect.scatter.add.f32 [tilespmem:s30], [sflag:$0xE], $0x40, s11, s16, $0xb8;
	[tilespmem:$0x1F000] =	vst v63  }
0xf3: {  	_ =	swait.ge [sflag:s14], $0x2000  }
0xf4: {  	[sflag:s14] =	ssyncset.done $0x0  }
0xf5: {  	s17 =	simm.s32 $0x4F00;
	[sflag:s14] =	ssyncadd.s32 $0xFFFFE000  }
0xf6: {  	[spmem:s2] =	stream.indirect.scatter.add.f32 [tilespmem:s0], [sflag:$0xF], $0x40, s17, s16, $0xb8;
	[tilespmem:$0x1F000] =	vst v63  }
0xf7: {  	_ =	swait.ge [sflag:s29], $0x2000  }
0xf8: {  	[sflag:s29] =	ssyncset.done $0x0  }
0xf9: {  	s11 =	simm.s32 $0x4F80;
	[sflag:s29] =	ssyncadd.s32 $0xFFFFE000  }
0xfa: {  	[spmem:s2] =	stream.indirect.scatter.add.f32 [tilespmem:s19], [sflag:$0x10], $0x40, s11, s16, $0xb8;
	[tilespmem:$0x1F000] =	vst v63  }
0xfb: {  	_ =	swait.ge [sflag:s15], $0x2000  }
0xfc: {  	[sflag:s15] =	ssyncset.done $0x0  }
0xfd: {  	[sflag:s15] =	ssyncadd.s32 $0xFFFFE000  }
0xfe: {  	_ =	swait.ge [sflag:s31], $0x2000  }
0xff: {  	[sflag:s31] =	ssyncset.done $0x0  }
0x100: {  	[sflag:s31] =	ssyncadd.s32 $0xFFFFE000  }
0x101: {  	_ =	swait.ge [sflag:s3], $0x2000  }
0x102: {  	[sflag:s3] =	ssyncset.done $0x0  }
0x103: {  	[sflag:s3] =	ssyncadd.s32 $0xFFFFE000  }
0x104: {  	_ =	swait.ge [sflag:s9], $0x2000  }
0x105: {  	[sflag:s9] =	ssyncset.done $0x0  }
0x106: {  	[sflag:s9] =	ssyncadd.s32 $0xFFFFE000  }
0x107: {  	_ =	swait.ge [sflag:s1], $0x2000  }
0x108: {  	[sflag:s1] =	ssyncset.done $0x0  }
0x109: {  	[sflag:s1] =	ssyncadd.s32 $0xFFFFE000  }
0x10a: {  	_ =	swait.ge [sflag:s5], $0x2000  }
0x10b: {  	[sflag:s5] =	ssyncset.done $0x0  }
0x10c: {  	[sflag:s5] =	ssyncadd.s32 $0xFFFFE000  }
0x10d: {  	_ =	swait.ge [sflag:s6], $0x2000  }
0x10e: {  	[sflag:s6] =	ssyncset.done $0x0  }
0x10f: {  	[sflag:s6] =	ssyncadd.s32 $0xFFFFE000  }
0x110: {  	_ =	swait.ge [sflag:s10], $0x2000  }
0x111: {  	[sflag:s10] =	ssyncset.done $0x0  }
0x112: {  	[sflag:s10] =	ssyncadd.s32 $0xFFFFE000  }
0x113: {  	s17 =	stileid.u32;
	[bflag:$0x0] =	sbarrier.arrive $0xFFFF  }
0x114: {  	s7 =	sshll.u32 s17, $0x6;
	s11 =	rddreg [dreg:$0x5]  }
0x115: {  	s7 =	sor.u32 $0x1C11, s7;
	s17 =	rddreg [dreg:$0x8];
	s11 =	sshrl.u32 s11, $0x3  }
0x116: {  	[hbm:s17], [sflag:s7] =	dma.local [spmem:s11], $0x1400  }
0x117: {  	_ =	swait.ge [sflag:s18], $0x1400  }
0x118: {  	s7 =	rddreg [dreg:$0xe]  }
0x119: {  	s17 =	rddreg [dreg:$0x9];
	s11 =	sadd.s32 $0x1, s7  }
0x11a: {  	p1 =	sne.s32 s11, s17  }
.Ltmp4:
0x11b: {  	_ = 	snop;
	(pc) =	sbr.rel @p1 .LBB2_1-.Ltmp4, $3  }
0x11c: {  	_ =	sdelay $0x1  }
0x11d: {  	[sflag:s18] =	ssyncset.done $0x0  }
0x11e: {  	[sflag:s18] =	ssyncadd.s32 $0xFFFFEC00  }
0x11f: {  	_ =	sfence.sel $0x180000  }
0x120: {  	[bflag:$0x0] =	sbarrier.arrive $0xFFFF  }
0x121: {  	_ =	strace $0x90000050  }
0x122: {  	s0 =	stileid.u32;
	[bflag:$0x2] =	sbarrier.arrive $0xFFFF  }
0x123: {  	p0 =	sne.s32 s0, $0x0;
	s0 =	rddreg [dreg:$0x2]  }
0x124: {  	s0 =	sadd.s32 @!p0 $0x100000, s0  }
0x125: {  	[sflag:s0] =	ssyncadd.tile.s32 @!p0 $0x1;
	_ =	shalt  }
.Lfunc_end2:
_tile_overlayer_lowered:
.L_overlay_start_2:
0x126: {  	(tag) =	ssettag $0x2  }
0x127: {  	s0 =	rddreg [dreg:$0x0];
	s2 =	stileid.u32  }
0x128: {  	s1 =	rddreg [dreg:$0x1];
	p0 =	sne.s32 s2, $0x0  }
0x129: {  	s3 =	rddreg [dreg:$0x2];
	[bflag:$0x3] =	sbarrier.arrive $0xFFFF;
	s2 =	simm.s32 @!p0 $0x1C11  }
0x12a: {  	[timem:s3], [sflag:s2] =	dma.local @!p0 [hbm:s0], s1  }
0x12b: {  	s0 =	simm.s32 @!p0 $0x11  }
0x12c: {  	_ =	swait.ge @!p0 [sflag:s0], s1  }
0x12d: {  	s1 =	ssub.s32 @!p0 $0x0, s1;
	[sflag:s0] =	ssyncset.done @!p0 $0x0  }
0x12e: {  	[sflag:s0] =	ssyncadd.s32 @!p0 s1  }
0x12f: {  	[bflag:$0x3] =	sbarrier.arrive $0xFFFF  }
0x130: {  	_ =	shalt  }

</sc_bundles>
